<compile_context>
chip_gen: v7x
topology: tpu7x:2x2x1
jax: 0.10.2.dev20260603
libtpu: 0.0.44.dev20260713+nightly
codegen_flags: <defaults>
</compile_context>

<pallas_src>
import functools

import jax
import jax.numpy as jnp
from jax import lax
from jax.experimental import pallas as pl
from jax.experimental.pallas import tpu as pltpu
from jax.experimental.pallas import tpu_sc as plsc

N = 2048
SD = 64
HM = 128
N_STEPS = 10
CAP = 40960
NC = 2
NS = 16
NT = NC * NS
EPT = CAP // NT
CHUNK = 128
NCH = EPT // CHUNK
DEG = 64
NSLOT = N * DEG
SPT = NSLOT // NT
NCH2 = SPT // CHUNK

_f32 = jnp.float32


def _sc_gather_body(a_hbm, b_hbm, ridx_hbm, cidx_hbm, ar_out, bc_out,
                    ridx_v, cidx_v, bufr0, bufr1, bufc0, bufc1, sem0, sem1):
    wid = lax.axis_index("s") * NC + lax.axis_index("c")
    base = wid * EPT
    pltpu.sync_copy(ridx_hbm.at[wid], ridx_v)
    pltpu.sync_copy(cidx_hbm.at[wid], cidx_v)
    bufr = (bufr0, bufr1)
    bufc = (bufc0, bufc1)
    sem = (sem0, sem1)
    pend = [None, None]

    def drain(j):
        cr, cc = pend[j & 1]
        cr.wait()
        cc.wait()
        off = base + j * CHUNK
        pltpu.sync_copy(bufr[j & 1], ar_out.at[pl.ds(off, CHUNK)])
        pltpu.sync_copy(bufc[j & 1], bc_out.at[pl.ds(off, CHUNK)])

    for j in range(NCH):
        p = j & 1
        cr = pltpu.async_copy(a_hbm.at[ridx_v.at[j]], bufr[p], sem[p])
        cc = pltpu.async_copy(b_hbm.at[cidx_v.at[j]], bufc[p], sem[p])
        pend[p] = (cr, cc)
        if j > 0:
            drain(j - 1)
    drain(NCH - 1)


def _sc_pgather_body(msgs_hbm, ptr_hbm, out_hbm, ptr_v,
                     buf0, buf1, buf2, buf3, sem0, sem1, sem2, sem3):
    wid = lax.axis_index("s") * NC + lax.axis_index("c")
    base = wid * SPT
    pltpu.sync_copy(ptr_hbm.at[wid], ptr_v)
    bufs = (buf0, buf1, buf2, buf3)
    sems = (sem0, sem1, sem2, sem3)

    def group(k, carry):
        j0 = 4 * k
        pend = [pltpu.async_copy(msgs_hbm.at[ptr_v.at[j0 + i]], bufs[i], sems[i])
                for i in range(4)]
        for i in range(4):
            pend[i].wait()
            pltpu.sync_copy(bufs[i], out_hbm.at[pl.ds(base + (j0 + i) * CHUNK, CHUNK)])
        return carry

    lax.fori_loop(0, NCH2 // 4, group, 0)


def _make_sc_calls():
    mesh = plsc.VectorSubcoreMesh(core_axis_name="c", subcore_axis_name="s",
                                  num_cores=NC, num_subcores=NS)
    gather = pl.kernel(
        _sc_gather_body,
        out_type=(jax.ShapeDtypeStruct((CAP, HM), _f32),
                  jax.ShapeDtypeStruct((CAP, HM), _f32)),
        mesh=mesh,
        scratch_types=[
            pltpu.VMEM((NCH, CHUNK), jnp.int32),
            pltpu.VMEM((NCH, CHUNK), jnp.int32),
            pltpu.VMEM((CHUNK, HM), _f32),
            pltpu.VMEM((CHUNK, HM), _f32),
            pltpu.VMEM((CHUNK, HM), _f32),
            pltpu.VMEM((CHUNK, HM), _f32),
            pltpu.SemaphoreType.DMA,
            pltpu.SemaphoreType.DMA,
        ],
    )
    pgather = pl.kernel(
        _sc_pgather_body,
        out_type=jax.ShapeDtypeStruct((NSLOT, HM), _f32),
        mesh=mesh,
        scratch_types=[
            pltpu.VMEM((NCH2, CHUNK), jnp.int32),
            pltpu.VMEM((CHUNK, HM), _f32),
            pltpu.VMEM((CHUNK, HM), _f32),
            pltpu.VMEM((CHUNK, HM), _f32),
            pltpu.VMEM((CHUNK, HM), _f32),
            pltpu.SemaphoreType.DMA,
            pltpu.SemaphoreType.DMA,
            pltpu.SemaphoreType.DMA,
            pltpu.SemaphoreType.DMA,
        ],
    )
    return gather, pgather


EB = 2560


def _mlp_body(hr2, hc2, ef, w1, b1, w2, b2, w3, b3, out):
    lane = lax.broadcasted_iota(jnp.int32, (EB, HM), 1)
    xpre = jnp.where(lane < SD, hr2[...], hc2[...])
    xcat = jnp.concatenate([xpre, ef[...]], axis=1)
    x = jnp.maximum(jnp.dot(xcat, w1[...], preferred_element_type=_f32) + b1[...], 0.0)
    x = jnp.maximum(jnp.dot(x, w2[...], preferred_element_type=_f32) + b2[...], 0.0)
    out[...] = (jnp.dot(x, w3[...], preferred_element_type=_f32) + b3[...]) * ef[:, 4:5]


NB = 256


def _reduce_body(p, out):
    acc = p[:, 0, :]
    for j in range(1, DEG):
        acc = acc + p[:, j, :]
    out[...] = acc


def _gru_body(nm, h2, wih, bih, whh, bhh, out):
    x = nm[:, :SD]
    hh = h2[:, :SD]
    gi = jnp.dot(x, wih[...], preferred_element_type=_f32) + bih[...]
    gh = jnp.dot(hh, whh[...], preferred_element_type=_f32) + bhh[...]
    r = jax.nn.sigmoid(gi[:, 0:SD] + gh[:, 0:SD])
    z = jax.nn.sigmoid(gi[:, SD:2 * SD] + gh[:, SD:2 * SD])
    n = jnp.tanh(gi[:, 2 * SD:] + r * gh[:, 2 * SD:])
    hnew = (1.0 - z) * n + z * hh
    out[...] = jnp.concatenate([hnew, hnew], axis=1)


def _readout_body(h, w1, b1, w2, b2, wd, bd, out):
    x = jnp.maximum(jnp.dot(h[...], w1[...], preferred_element_type=_f32) + b1[...], 0.0)
    x = jnp.maximum(jnp.dot(x, w2[...], preferred_element_type=_f32) + b2[...], 0.0)
    d = jnp.sum(x * wd[...], axis=1, keepdims=True) + bd[...]
    sgn = 1.0 - 2.0 * lax.broadcasted_iota(jnp.int32, (N, 2), 1).astype(_f32)
    out[...] = jax.nn.sigmoid(sgn * d)


def _make_tc_calls():
    full = pl.BlockSpec(index_map=lambda i: (0, 0))
    mlp = pl.pallas_call(
        _mlp_body,
        grid=(CAP // EB,),
        in_specs=[
            pl.BlockSpec((EB, HM), lambda i: (i, 0)),
            pl.BlockSpec((EB, HM), lambda i: (i, 0)),
            pl.BlockSpec((EB, 8), lambda i: (i, 0)),
            full, full, full, full, full, full,
        ],
        out_specs=pl.BlockSpec((EB, HM), lambda i: (i, 0)),
        out_shape=jax.ShapeDtypeStruct((CAP, HM), _f32),
    )
    reduce = pl.pallas_call(
        _reduce_body,
        grid=(N // NB,),
        in_specs=[pl.BlockSpec((NB, DEG, HM), lambda i: (i, 0, 0))],
        out_specs=pl.BlockSpec((NB, HM), lambda i: (i, 0)),
        out_shape=jax.ShapeDtypeStruct((N, HM), _f32),
    )
    gru = pl.pallas_call(
        _gru_body,
        out_shape=jax.ShapeDtypeStruct((N, HM), _f32),
    )
    readout = pl.pallas_call(
        _readout_body,
        out_shape=jax.ShapeDtypeStruct((N, 2), _f32),
    )
    return mlp, reduce, gru, readout


def kernel(J, b, W_m1, b_m1, W_m2, b_m2, W_m3, b_m3, W_ih, b_ih, W_hh, b_hh,
           W_r1, b_r1, W_r2, b_r2, W_r3, b_r3):
    flat = J.reshape(-1)
    (eidx,) = jnp.nonzero(flat, size=CAP, fill_value=0)
    cnt = jnp.count_nonzero(flat)
    ar = jnp.arange(CAP)
    valid = ar < cnt
    row0 = (eidx // N).astype(jnp.int32)
    col0 = (eidx - row0 * N).astype(jnp.int32)
    key = jnp.where(valid, col0 * N + row0, N * N + ar)
    perm = jnp.argsort(key)
    row = row0[perm]
    col = col0[perm]
    ei = eidx[perm]
    vf = valid.astype(_f32)[:, None]
    ef = jnp.stack([b[row], b[col], flat[ei], J[col, row],
                    valid.astype(_f32),
                    jnp.zeros(CAP, _f32), jnp.zeros(CAP, _f32),
                    jnp.zeros(CAP, _f32)], axis=-1) * vf
    spread = (ar % 128).astype(jnp.int32)
    row_g = jnp.where(valid, row, spread * 16)
    col_g = jnp.where(valid, col, spread * 16)
    ridx3 = row_g.reshape(NT, NCH, CHUNK)
    cidx3 = col_g.reshape(NT, NCH, CHUNK)

    segcnt = jnp.bincount(jnp.where(valid, col, N), length=N + 1)[:N]
    offs = jnp.concatenate([jnp.zeros((1,), segcnt.dtype), jnp.cumsum(segcnt)[:-1]])
    rank = ar - offs[col]
    slotpos = jnp.where(valid & (rank < DEG), col * DEG + rank, NSLOT)
    n_inval = jnp.maximum(CAP - cnt, 1)
    pad_ptr = (cnt + (jnp.arange(NSLOT) % n_inval)).astype(jnp.int32)
    ptr_flat = pad_ptr.at[slotpos].set(ar.astype(jnp.int32), mode="drop")
    ptr3 = ptr_flat.reshape(NT, NCH2, CHUNK)

    w1 = jnp.pad(W_m1.T, ((0, 4), (0, 0)))
    b1 = b_m1.reshape(1, HM)
    w2 = W_m2.T
    b2 = b_m2.reshape(1, HM)
    w3 = jnp.pad(W_m3.T, ((0, 0), (0, HM - SD)))
    b3 = jnp.pad(b_m3.reshape(1, SD), ((0, 0), (0, HM - SD)))
    wih = W_ih.T
    bih = b_ih.reshape(1, -1)
    whh = W_hh.T
    bhh = b_hh.reshape(1, -1)
    wr1 = W_r1.T
    br1 = b_r1.reshape(1, -1)
    wr2 = W_r2.T
    br2 = b_r2.reshape(1, -1)
    wd = (W_r3[0] - W_r3[1]).reshape(1, -1)
    bd = (b_r3[0] - b_r3[1]).reshape(1, 1)

    sc_gather, sc_pgather = _make_sc_calls()
    mlp, reduce, gru, readout = _make_tc_calls()

    def step(h2, _):
        hr2, hc2 = sc_gather(h2, h2, ridx3, cidx3)
        msgs = mlp(hr2, hc2, ef, w1, b1, w2, b2, w3, b3)
        slots = sc_pgather(msgs, ptr3)
        nm = reduce(slots.reshape(N, DEG, HM))
        h2 = gru(nm, h2, wih, bih, whh, bhh)
        return h2, None

    h2 = jnp.zeros((N, HM), _f32)
    h2, _ = lax.scan(step, h2, None, length=N_STEPS)
    return readout(h2[:, :SD], wr1, br1, wr2, br2, wd, bd)

# --- scband reference (transcript-rebuilt; emitter-appended) ---
"""Pipeline reference for scband-ggnn-3418793967874 (READ-ONLY COPY).

The authoritative reference and input builder live on the scoring server;
editing this copy changes nothing except your own understanding.
"""

import jax, jax.numpy as jnp
import numpy as np

N = 2048
STATE_DIM = 64
MSG_DIM = 64
HID_MSG = 128
HID_RO = 128
N_STEPS = 10
DENSITY = 0.008


def setup_inputs(seed: int = 0) -> dict:
    key = jax.random.key(seed)
    ks = jax.random.split(key, 16)
    Jv = jax.random.normal(ks[0], (N, N), dtype=jnp.float32)
    mask = (jax.random.uniform(ks[1], (N, N)) < DENSITY).astype(jnp.float32)
    J = Jv * mask
    b = jax.random.normal(ks[2], (N,), dtype=jnp.float32)

    def lin_w(k, out_d, in_d):
        return 0.1 * jax.random.normal(k, (out_d, in_d), dtype=jnp.float32)

    inp = {
        "J": J,
        "b": b,
        "W_m1": lin_w(ks[3], HID_MSG, 2 * STATE_DIM + 4),
        "b_m1": jnp.zeros((HID_MSG,), jnp.float32),
        "W_m2": lin_w(ks[4], HID_MSG, HID_MSG),
        "b_m2": jnp.zeros((HID_MSG,), jnp.float32),
        "W_m3": lin_w(ks[5], MSG_DIM, HID_MSG),
        "b_m3": jnp.zeros((MSG_DIM,), jnp.float32),
        "W_ih": 0.1 * jax.random.normal(ks[6], (3 * STATE_DIM, MSG_DIM), dtype=jnp.float32),
        "b_ih": jnp.zeros((3 * STATE_DIM,), jnp.float32),
        "W_hh": 0.1 * jax.random.normal(ks[7], (3 * STATE_DIM, STATE_DIM), dtype=jnp.float32),
        "b_hh": jnp.zeros((3 * STATE_DIM,), jnp.float32),
        "W_r1": lin_w(ks[8], HID_RO, STATE_DIM),
        "b_r1": jnp.zeros((HID_RO,), jnp.float32),
        "W_r2": lin_w(ks[9], HID_RO, HID_RO),
        "b_r2": jnp.zeros((HID_RO,), jnp.float32),
        "W_r3": lin_w(ks[10], 2, HID_RO),
        "b_r3": jnp.zeros((2,), jnp.float32),
    }
    return inp


def _gru_cell(x, h, W_ih, b_ih, W_hh, b_hh):
    gi = x @ W_ih.T + b_ih
    gh = h @ W_hh.T + b_hh
    i_r, i_z, i_n = jnp.split(gi, 3, axis=1)
    h_r, h_z, h_n = jnp.split(gh, 3, axis=1)
    r = jax.nn.sigmoid(i_r + h_r)
    z = jax.nn.sigmoid(i_z + h_z)
    n = jnp.tanh(i_n + r * h_n)
    return (1.0 - z) * n + z * h


def reference(J, b, W_m1, b_m1, W_m2, b_m2, W_m3, b_m3, W_ih, b_ih, W_hh, b_hh, W_r1, b_r1, W_r2, b_r2, W_r3, b_r3):
    n_nodes = J.shape[0]
    row = jnp.repeat(jnp.arange(n_nodes), n_nodes)
    col = jnp.tile(jnp.arange(n_nodes), n_nodes)
    emask = (J != 0).astype(jnp.float32).reshape(-1)[:, None]
    hidden = jnp.zeros((n_nodes, STATE_DIM), jnp.float32)
    # dense [n*n, 4] edge feature tensor, zero at non-edge positions (faithful to loop)
    ef_vals = jnp.stack([b[row], b[col], J.reshape(-1), J.T.reshape(-1)], axis=-1)
    edge_feat = ef_vals * emask
    for _ in range(N_STEPS):
        em = jnp.concatenate([hidden[row, :], hidden[col, :], edge_feat], axis=-1)
        em = jax.nn.relu(em @ W_m1.T + b_m1)
        em = jax.nn.relu(em @ W_m2.T + b_m2)
        em = em @ W_m3.T + b_m3
        em = em * emask
        node_messages = jax.ops.segment_sum(em, col, num_segments=n_nodes)
        hidden = _gru_cell(node_messages, hidden, W_ih, b_ih, W_hh, b_hh)
    ro = jax.nn.relu(hidden @ W_r1.T + b_r1)
    ro = jax.nn.relu(ro @ W_r2.T + b_r2)
    ro = ro @ W_r3.T + b_r3
    return jax.nn.softmax(ro, axis=1)

if __name__ == "__main__":
    import jax
    _d = setup_inputs()
    print(jax.jit(kernel)(*tuple(_d.values())))

</pallas_src>

<mosaic_0001>
#map = affine_map<(d0, d1) -> (0, 0)>
#map1 = affine_map<(d0, d1) -> (0, 0, 0)>
module attributes {stable_mosaic.version = 14 : i64} {
  func.func @_sc_gather_body(%arg0: i32, %arg1: i32, %arg2: memref<2048x128xf32, #tpu.memory_space<hbm>>, %arg3: memref<2048x128xf32, #tpu.memory_space<hbm>>, %arg4: memref<32x10x128xi32, #tpu.memory_space<hbm>>, %arg5: memref<32x10x128xi32, #tpu.memory_space<hbm>>, %arg6: memref<40960x128xf32, #tpu.memory_space<hbm>>, %arg7: memref<40960x128xf32, #tpu.memory_space<hbm>>, %arg8: memref<10x128xi32, #tpu.memory_space<vmem>>, %arg9: memref<10x128xi32, #tpu.memory_space<vmem>>, %arg10: memref<128x128xf32, #tpu.memory_space<vmem>>, %arg11: memref<128x128xf32, #tpu.memory_space<vmem>>, %arg12: memref<128x128xf32, #tpu.memory_space<vmem>>, %arg13: memref<128x128xf32, #tpu.memory_space<vmem>>, %arg14: memref<!tpu.dma_semaphore, #tpu.memory_space<semaphore_mem>>, %arg15: memref<!tpu.dma_semaphore, #tpu.memory_space<semaphore_mem>>) attributes {dimension_semantics = [#tpu.dimension_semantics<core_parallel>, #tpu.dimension_semantics<subcore_parallel>], iteration_bounds = array<i64: 2, 16>, scalar_prefetch = 0 : i64, scratch_operands = 8 : i64, tpu.core_type = #tpu.core_type<sc_vector_subcore>, window_params = [{transform_indices = #map}, {transform_indices = #map}, {transform_indices = #map1}, {transform_indices = #map1}, {transform_indices = #map}, {transform_indices = #map}]} {
    %mul3A = arith.constant 2 : i32
    %mul3A_0 = arith.muli %arg1, %mul3A : i32
    %add3A = arith.addi %mul3A_0, %arg0 : i32
    %mul3A_1 = arith.constant 1280 : i32
    %mul3A_2 = arith.muli %add3A, %mul3A_1 : i32
    "tpu.region"() ({
      %run_scoped3A = tpu.sem_alloc : memref<!tpu.dma_semaphore, #tpu.memory_space<semaphore_mem>>
      %dma_start3A_301 = arith.constant 0 : i32
      %dma_start3A_302 = arith.constant 0 : i32
      %dma_start3A_303 = tpu.memref_slice %arg4[%add3A, %dma_start3A_301, %dma_start3A_302] : memref<32x10x128xi32, #tpu.memory_space<hbm>> -> memref<1x10x128xi32, #tpu.memory_space<hbm>>
      %dma_start3A_304 = tpu.memref_squeeze %dma_start3A_303 : memref<1x10x128xi32, #tpu.memory_space<hbm>> -> memref<10x128xi32, #tpu.memory_space<hbm>>
      %dma_start3A_305 = arith.constant 0 : i32
      %dma_start3A_306 = arith.constant 0 : i32
      %dma_start3A_307 = tpu.memref_slice %arg4[%add3A, %dma_start3A_305, %dma_start3A_306] : memref<32x10x128xi32, #tpu.memory_space<hbm>> -> memref<1x10x128xi32, #tpu.memory_space<hbm>>
      %dma_start3A_308 = tpu.memref_squeeze %dma_start3A_307 : memref<1x10x128xi32, #tpu.memory_space<hbm>> -> memref<10x128xi32, #tpu.memory_space<hbm>>
      tpu.enqueue_dma source(%dma_start3A_308 : memref<10x128xi32, #tpu.memory_space<hbm>>) target(%arg8 : memref<10x128xi32, #tpu.memory_space<vmem>>) target_semaphore(%run_scoped3A : memref<!tpu.dma_semaphore, #tpu.memory_space<semaphore_mem>>)
      %dma_wait3A_309 = arith.constant 0 : i32
      %dma_wait3A_310 = arith.constant 0 : i32
      %dma_wait3A_311 = tpu.memref_slice %arg4[%add3A, %dma_wait3A_309, %dma_wait3A_310] : memref<32x10x128xi32, #tpu.memory_space<hbm>> -> memref<1x10x128xi32, #tpu.memory_space<hbm>>
      %dma_wait3A_312 = tpu.memref_squeeze %dma_wait3A_311 : memref<1x10x128xi32, #tpu.memory_space<hbm>> -> memref<10x128xi32, #tpu.memory_space<hbm>>
      %dma_wait3A_313 = arith.constant 0 : i32
      %dma_wait3A_314 = arith.constant 0 : i32
      %dma_wait3A_315 = tpu.memref_slice %arg4[%add3A, %dma_wait3A_313, %dma_wait3A_314] : memref<32x10x128xi32, #tpu.memory_space<hbm>> -> memref<1x10x128xi32, #tpu.memory_space<hbm>>
      %dma_wait3A_316 = tpu.memref_squeeze %dma_wait3A_315 : memref<1x10x128xi32, #tpu.memory_space<hbm>> -> memref<10x128xi32, #tpu.memory_space<hbm>>
      tpu.wait_dma2 semaphore(%run_scoped3A : memref<!tpu.dma_semaphore, #tpu.memory_space<semaphore_mem>>) src(%dma_wait3A_316 : memref<10x128xi32, #tpu.memory_space<hbm>>) dst(%arg8 : memref<10x128xi32, #tpu.memory_space<vmem>>)
      tpu.yield
    }) : () -> ()
    "tpu.region"() ({
      %run_scoped3A = tpu.sem_alloc : memref<!tpu.dma_semaphore, #tpu.memory_space<semaphore_mem>>
      %dma_start3A_301 = arith.constant 0 : i32
      %dma_start3A_302 = arith.constant 0 : i32
      %dma_start3A_303 = tpu.memref_slice %arg5[%add3A, %dma_start3A_301, %dma_start3A_302] : memref<32x10x128xi32, #tpu.memory_space<hbm>> -> memref<1x10x128xi32, #tpu.memory_space<hbm>>
      %dma_start3A_304 = tpu.memref_squeeze %dma_start3A_303 : memref<1x10x128xi32, #tpu.memory_space<hbm>> -> memref<10x128xi32, #tpu.memory_space<hbm>>
      %dma_start3A_305 = arith.constant 0 : i32
      %dma_start3A_306 = arith.constant 0 : i32
      %dma_start3A_307 = tpu.memref_slice %arg5[%add3A, %dma_start3A_305, %dma_start3A_306] : memref<32x10x128xi32, #tpu.memory_space<hbm>> -> memref<1x10x128xi32, #tpu.memory_space<hbm>>
      %dma_start3A_308 = tpu.memref_squeeze %dma_start3A_307 : memref<1x10x128xi32, #tpu.memory_space<hbm>> -> memref<10x128xi32, #tpu.memory_space<hbm>>
      tpu.enqueue_dma source(%dma_start3A_308 : memref<10x128xi32, #tpu.memory_space<hbm>>) target(%arg9 : memref<10x128xi32, #tpu.memory_space<vmem>>) target_semaphore(%run_scoped3A : memref<!tpu.dma_semaphore, #tpu.memory_space<semaphore_mem>>)
      %dma_wait3A_309 = arith.constant 0 : i32
      %dma_wait3A_310 = arith.constant 0 : i32
      %dma_wait3A_311 = tpu.memref_slice %arg5[%add3A, %dma_wait3A_309, %dma_wait3A_310] : memref<32x10x128xi32, #tpu.memory_space<hbm>> -> memref<1x10x128xi32, #tpu.memory_space<hbm>>
      %dma_wait3A_312 = tpu.memref_squeeze %dma_wait3A_311 : memref<1x10x128xi32, #tpu.memory_space<hbm>> -> memref<10x128xi32, #tpu.memory_space<hbm>>
      %dma_wait3A_313 = arith.constant 0 : i32
      %dma_wait3A_314 = arith.constant 0 : i32
      %dma_wait3A_315 = tpu.memref_slice %arg5[%add3A, %dma_wait3A_313, %dma_wait3A_314] : memref<32x10x128xi32, #tpu.memory_space<hbm>> -> memref<1x10x128xi32, #tpu.memory_space<hbm>>
      %dma_wait3A_316 = tpu.memref_squeeze %dma_wait3A_315 : memref<1x10x128xi32, #tpu.memory_space<hbm>> -> memref<10x128xi32, #tpu.memory_space<hbm>>
      tpu.wait_dma2 semaphore(%run_scoped3A : memref<!tpu.dma_semaphore, #tpu.memory_space<semaphore_mem>>) src(%dma_wait3A_316 : memref<10x128xi32, #tpu.memory_space<hbm>>) dst(%arg9 : memref<10x128xi32, #tpu.memory_space<vmem>>)
      tpu.yield
    }) : () -> ()
    %dma_start3A = arith.constant 0 : i32
    %dma_start3A_3 = arith.constant 0 : i32
    %dma_start3A_4 = tpu.memref_slice %arg8[%dma_start3A, %dma_start3A_3] : memref<10x128xi32, #tpu.memory_space<vmem>> -> memref<1x128xi32, #tpu.memory_space<vmem>>
    %dma_start3A_5 = tpu.memref_squeeze %dma_start3A_4 : memref<1x128xi32, #tpu.memory_space<vmem>> -> memref<128xi32, #tpu.memory_space<vmem>>
    %dma_start3A_6 = arith.constant 0 : i32
    %dma_start3A_7 = arith.constant 0 : i32
    %dma_start3A_8 = tpu.memref_slice %arg2[%dma_start3A_6, %dma_start3A_7] : memref<2048x128xf32, #tpu.memory_space<hbm>> -> memref<2048x128xf32, #tpu.memory_space<hbm>>
    tpu.enqueue_indirect_dma source(%dma_start3A_8 : memref<2048x128xf32, #tpu.memory_space<hbm>>) target(%arg10 : memref<128x128xf32, #tpu.memory_space<vmem>>) offsets(%dma_start3A_5 : memref<128xi32, #tpu.memory_space<vmem>>) semaphore(%arg14 : memref<!tpu.dma_semaphore, #tpu.memory_space<semaphore_mem>>)
    %dma_start3A_9 = arith.constant 0 : i32
    %dma_start3A_10 = arith.constant 0 : i32
    %dma_start3A_11 = tpu.memref_slice %arg9[%dma_start3A_9, %dma_start3A_10] : memref<10x128xi32, #tpu.memory_space<vmem>> -> memref<1x128xi32, #tpu.memory_space<vmem>>
    %dma_start3A_12 = tpu.memref_squeeze %dma_start3A_11 : memref<1x128xi32, #tpu.memory_space<vmem>> -> memref<128xi32, #tpu.memory_space<vmem>>
    %dma_start3A_13 = arith.constant 0 : i32
    %dma_start3A_14 = arith.constant 0 : i32
    %dma_start3A_15 = tpu.memref_slice %arg3[%dma_start3A_13, %dma_start3A_14] : memref<2048x128xf32, #tpu.memory_space<hbm>> -> memref<2048x128xf32, #tpu.memory_space<hbm>>
    tpu.enqueue_indirect_dma source(%dma_start3A_15 : memref<2048x128xf32, #tpu.memory_space<hbm>>) target(%arg12 : memref<128x128xf32, #tpu.memory_space<vmem>>) offsets(%dma_start3A_12 : memref<128xi32, #tpu.memory_space<vmem>>) semaphore(%arg14 : memref<!tpu.dma_semaphore, #tpu.memory_space<semaphore_mem>>)
    %dma_start3A_16 = arith.constant 1 : i32
    %dma_start3A_17 = arith.constant 0 : i32
    %dma_start3A_18 = tpu.memref_slice %arg8[%dma_start3A_16, %dma_start3A_17] : memref<10x128xi32, #tpu.memory_space<vmem>> -> memref<1x128xi32, #tpu.memory_space<vmem>>
    %dma_start3A_19 = tpu.memref_squeeze %dma_start3A_18 : memref<1x128xi32, #tpu.memory_space<vmem>> -> memref<128xi32, #tpu.memory_space<vmem>>
    %dma_start3A_20 = arith.constant 0 : i32
    %dma_start3A_21 = arith.constant 0 : i32
    %dma_start3A_22 = tpu.memref_slice %arg2[%dma_start3A_20, %dma_start3A_21] : memref<2048x128xf32, #tpu.memory_space<hbm>> -> memref<2048x128xf32, #tpu.memory_space<hbm>>
    tpu.enqueue_indirect_dma source(%dma_start3A_22 : memref<2048x128xf32, #tpu.memory_space<hbm>>) target(%arg11 : memref<128x128xf32, #tpu.memory_space<vmem>>) offsets(%dma_start3A_19 : memref<128xi32, #tpu.memory_space<vmem>>) semaphore(%arg15 : memref<!tpu.dma_semaphore, #tpu.memory_space<semaphore_mem>>)
    %dma_start3A_23 = arith.constant 1 : i32
    %dma_start3A_24 = arith.constant 0 : i32
    %dma_start3A_25 = tpu.memref_slice %arg9[%dma_start3A_23, %dma_start3A_24] : memref<10x128xi32, #tpu.memory_space<vmem>> -> memref<1x128xi32, #tpu.memory_space<vmem>>
    %dma_start3A_26 = tpu.memref_squeeze %dma_start3A_25 : memref<1x128xi32, #tpu.memory_space<vmem>> -> memref<128xi32, #tpu.memory_space<vmem>>
    %dma_start3A_27 = arith.constant 0 : i32
    %dma_start3A_28 = arith.constant 0 : i32
    %dma_start3A_29 = tpu.memref_slice %arg3[%dma_start3A_27, %dma_start3A_28] : memref<2048x128xf32, #tpu.memory_space<hbm>> -> memref<2048x128xf32, #tpu.memory_space<hbm>>
    tpu.enqueue_indirect_dma source(%dma_start3A_29 : memref<2048x128xf32, #tpu.memory_space<hbm>>) target(%arg13 : memref<128x128xf32, #tpu.memory_space<vmem>>) offsets(%dma_start3A_26 : memref<128xi32, #tpu.memory_space<vmem>>) semaphore(%arg15 : memref<!tpu.dma_semaphore, #tpu.memory_space<semaphore_mem>>)
    %dma_wait3A = arith.constant 0 : i32
    %dma_wait3A_30 = arith.constant 0 : i32
    %dma_wait3A_31 = tpu.memref_slice %arg8[%dma_wait3A, %dma_wait3A_30] : memref<10x128xi32, #tpu.memory_space<vmem>> -> memref<1x128xi32, #tpu.memory_space<vmem>>
    %dma_wait3A_32 = tpu.memref_squeeze %dma_wait3A_31 : memref<1x128xi32, #tpu.memory_space<vmem>> -> memref<128xi32, #tpu.memory_space<vmem>>
    %dma_wait3A_33 = arith.constant 0 : i32
    %dma_wait3A_34 = arith.constant 0 : i32
    %dma_wait3A_35 = tpu.memref_slice %arg2[%dma_wait3A_33, %dma_wait3A_34] : memref<2048x128xf32, #tpu.memory_space<hbm>> -> memref<2048x128xf32, #tpu.memory_space<hbm>>
    tpu.wait_indirect_dma semaphore(%arg14 : memref<!tpu.dma_semaphore, #tpu.memory_space<semaphore_mem>>) src(%dma_wait3A_35 : memref<2048x128xf32, #tpu.memory_space<hbm>>) dst(%arg10 : memref<128x128xf32, #tpu.memory_space<vmem>>)
    %dma_wait3A_36 = arith.constant 0 : i32
    %dma_wait3A_37 = arith.constant 0 : i32
    %dma_wait3A_38 = tpu.memref_slice %arg9[%dma_wait3A_36, %dma_wait3A_37] : memref<10x128xi32, #tpu.memory_space<vmem>> -> memref<1x128xi32, #tpu.memory_space<vmem>>
    %dma_wait3A_39 = tpu.memref_squeeze %dma_wait3A_38 : memref<1x128xi32, #tpu.memory_space<vmem>> -> memref<128xi32, #tpu.memory_space<vmem>>
    %dma_wait3A_40 = arith.constant 0 : i32
    %dma_wait3A_41 = arith.constant 0 : i32
    %dma_wait3A_42 = tpu.memref_slice %arg3[%dma_wait3A_40, %dma_wait3A_41] : memref<2048x128xf32, #tpu.memory_space<hbm>> -> memref<2048x128xf32, #tpu.memory_space<hbm>>
    tpu.wait_indirect_dma semaphore(%arg14 : memref<!tpu.dma_semaphore, #tpu.memory_space<semaphore_mem>>) src(%dma_wait3A_42 : memref<2048x128xf32, #tpu.memory_space<hbm>>) dst(%arg12 : memref<128x128xf32, #tpu.memory_space<vmem>>)
    %add3A_43 = arith.constant 0 : i32
    %add3A_44 = arith.addi %mul3A_2, %add3A_43 : i32
    "tpu.region"() ({
      %run_scoped3A = tpu.sem_alloc : memref<!tpu.dma_semaphore, #tpu.memory_space<semaphore_mem>>
      %dma_start3A_301 = arith.constant 0 : i32
      %dma_start3A_302 = tpu.memref_slice %arg6[%add3A_44, %dma_start3A_301] : memref<40960x128xf32, #tpu.memory_space<hbm>> -> memref<128x128xf32, #tpu.memory_space<hbm>>
      %dma_start3A_303 = arith.constant 0 : i32
      %dma_start3A_304 = tpu.memref_slice %arg6[%add3A_44, %dma_start3A_303] : memref<40960x128xf32, #tpu.memory_space<hbm>> -> memref<128x128xf32, #tpu.memory_space<hbm>>
      tpu.enqueue_dma source(%arg10 : memref<128x128xf32, #tpu.memory_space<vmem>>) target(%dma_start3A_304 : memref<128x128xf32, #tpu.memory_space<hbm>>) target_semaphore(%run_scoped3A : memref<!tpu.dma_semaphore, #tpu.memory_space<semaphore_mem>>)
      %dma_wait3A_305 = arith.constant 0 : i32
      %dma_wait3A_306 = tpu.memref_slice %arg6[%add3A_44, %dma_wait3A_305] : memref<40960x128xf32, #tpu.memory_space<hbm>> -> memref<128x128xf32, #tpu.memory_space<hbm>>
      %dma_wait3A_307 = arith.constant 0 : i32
      %dma_wait3A_308 = tpu.memref_slice %arg6[%add3A_44, %dma_wait3A_307] : memref<40960x128xf32, #tpu.memory_space<hbm>> -> memref<128x128xf32, #tpu.memory_space<hbm>>
      tpu.wait_dma2 semaphore(%run_scoped3A : memref<!tpu.dma_semaphore, #tpu.memory_space<semaphore_mem>>) src(%arg10 : memref<128x128xf32, #tpu.memory_space<vmem>>) dst(%dma_wait3A_308 : memref<128x128xf32, #tpu.memory_space<hbm>>)
      tpu.yield
    }) : () -> ()
    "tpu.region"() ({
      %run_scoped3A = tpu.sem_alloc : memref<!tpu.dma_semaphore, #tpu.memory_space<semaphore_mem>>
      %dma_start3A_301 = arith.constant 0 : i32
      %dma_start3A_302 = tpu.memref_slice %arg7[%add3A_44, %dma_start3A_301] : memref<40960x128xf32, #tpu.memory_space<hbm>> -> memref<128x128xf32, #tpu.memory_space<hbm>>
      %dma_start3A_303 = arith.constant 0 : i32
      %dma_start3A_304 = tpu.memref_slice %arg7[%add3A_44, %dma_start3A_303] : memref<40960x128xf32, #tpu.memory_space<hbm>> -> memref<128x128xf32, #tpu.memory_space<hbm>>
      tpu.enqueue_dma source(%arg12 : memref<128x128xf32, #tpu.memory_space<vmem>>) target(%dma_start3A_304 : memref<128x128xf32, #tpu.memory_space<hbm>>) target_semaphore(%run_scoped3A : memref<!tpu.dma_semaphore, #tpu.memory_space<semaphore_mem>>)
      %dma_wait3A_305 = arith.constant 0 : i32
      %dma_wait3A_306 = tpu.memref_slice %arg7[%add3A_44, %dma_wait3A_305] : memref<40960x128xf32, #tpu.memory_space<hbm>> -> memref<128x128xf32, #tpu.memory_space<hbm>>
      %dma_wait3A_307 = arith.constant 0 : i32
      %dma_wait3A_308 = tpu.memref_slice %arg7[%add3A_44, %dma_wait3A_307] : memref<40960x128xf32, #tpu.memory_space<hbm>> -> memref<128x128xf32, #tpu.memory_space<hbm>>
      tpu.wait_dma2 semaphore(%run_scoped3A : memref<!tpu.dma_semaphore, #tpu.memory_space<semaphore_mem>>) src(%arg12 : memref<128x128xf32, #tpu.memory_space<vmem>>) dst(%dma_wait3A_308 : memref<128x128xf32, #tpu.memory_space<hbm>>)
      tpu.yield
    }) : () -> ()
    %dma_start3A_45 = arith.constant 2 : i32
    %dma_start3A_46 = arith.constant 0 : i32
    %dma_start3A_47 = tpu.memref_slice %arg8[%dma_start3A_45, %dma_start3A_46] : memref<10x128xi32, #tpu.memory_space<vmem>> -> memref<1x128xi32, #tpu.memory_space<vmem>>
    %dma_start3A_48 = tpu.memref_squeeze %dma_start3A_47 : memref<1x128xi32, #tpu.memory_space<vmem>> -> memref<128xi32, #tpu.memory_space<vmem>>
    %dma_start3A_49 = arith.constant 0 : i32
    %dma_start3A_50 = arith.constant 0 : i32
    %dma_start3A_51 = tpu.memref_slice %arg2[%dma_start3A_49, %dma_start3A_50] : memref<2048x128xf32, #tpu.memory_space<hbm>> -> memref<2048x128xf32, #tpu.memory_space<hbm>>
    tpu.enqueue_indirect_dma source(%dma_start3A_51 : memref<2048x128xf32, #tpu.memory_space<hbm>>) target(%arg10 : memref<128x128xf32, #tpu.memory_space<vmem>>) offsets(%dma_start3A_48 : memref<128xi32, #tpu.memory_space<vmem>>) semaphore(%arg14 : memref<!tpu.dma_semaphore, #tpu.memory_space<semaphore_mem>>)
    %dma_start3A_52 = arith.constant 2 : i32
    %dma_start3A_53 = arith.constant 0 : i32
    %dma_start3A_54 = tpu.memref_slice %arg9[%dma_start3A_52, %dma_start3A_53] : memref<10x128xi32, #tpu.memory_space<vmem>> -> memref<1x128xi32, #tpu.memory_space<vmem>>
    %dma_start3A_55 = tpu.memref_squeeze %dma_start3A_54 : memref<1x128xi32, #tpu.memory_space<vmem>> -> memref<128xi32, #tpu.memory_space<vmem>>
    %dma_start3A_56 = arith.constant 0 : i32
    %dma_start3A_57 = arith.constant 0 : i32
    %dma_start3A_58 = tpu.memref_slice %arg3[%dma_start3A_56, %dma_start3A_57] : memref<2048x128xf32, #tpu.memory_space<hbm>> -> memref<2048x128xf32, #tpu.memory_space<hbm>>
    tpu.enqueue_indirect_dma source(%dma_start3A_58 : memref<2048x128xf32, #tpu.memory_space<hbm>>) target(%arg12 : memref<128x128xf32, #tpu.memory_space<vmem>>) offsets(%dma_start3A_55 : memref<128xi32, #tpu.memory_space<vmem>>) semaphore(%arg14 : memref<!tpu.dma_semaphore, #tpu.memory_space<semaphore_mem>>)
    %dma_wait3A_59 = arith.constant 1 : i32
    %dma_wait3A_60 = arith.constant 0 : i32
    %dma_wait3A_61 = tpu.memref_slice %arg8[%dma_wait3A_59, %dma_wait3A_60] : memref<10x128xi32, #tpu.memory_space<vmem>> -> memref<1x128xi32, #tpu.memory_space<vmem>>
    %dma_wait3A_62 = tpu.memref_squeeze %dma_wait3A_61 : memref<1x128xi32, #tpu.memory_space<vmem>> -> memref<128xi32, #tpu.memory_space<vmem>>
    %dma_wait3A_63 = arith.constant 0 : i32
    %dma_wait3A_64 = arith.constant 0 : i32
    %dma_wait3A_65 = tpu.memref_slice %arg2[%dma_wait3A_63, %dma_wait3A_64] : memref<2048x128xf32, #tpu.memory_space<hbm>> -> memref<2048x128xf32, #tpu.memory_space<hbm>>
    tpu.wait_indirect_dma semaphore(%arg15 : memref<!tpu.dma_semaphore, #tpu.memory_space<semaphore_mem>>) src(%dma_wait3A_65 : memref<2048x128xf32, #tpu.memory_space<hbm>>) dst(%arg11 : memref<128x128xf32, #tpu.memory_space<vmem>>)
    %dma_wait3A_66 = arith.constant 1 : i32
    %dma_wait3A_67 = arith.constant 0 : i32
    %dma_wait3A_68 = tpu.memref_slice %arg9[%dma_wait3A_66, %dma_wait3A_67] : memref<10x128xi32, #tpu.memory_space<vmem>> -> memref<1x128xi32, #tpu.memory_space<vmem>>
    %dma_wait3A_69 = tpu.memref_squeeze %dma_wait3A_68 : memref<1x128xi32, #tpu.memory_space<vmem>> -> memref<128xi32, #tpu.memory_space<vmem>>
    %dma_wait3A_70 = arith.constant 0 : i32
    %dma_wait3A_71 = arith.constant 0 : i32
    %dma_wait3A_72 = tpu.memref_slice %arg3[%dma_wait3A_70, %dma_wait3A_71] : memref<2048x128xf32, #tpu.memory_space<hbm>> -> memref<2048x128xf32, #tpu.memory_space<hbm>>
    tpu.wait_indirect_dma semaphore(%arg15 : memref<!tpu.dma_semaphore, #tpu.memory_space<semaphore_mem>>) src(%dma_wait3A_72 : memref<2048x128xf32, #tpu.memory_space<hbm>>) dst(%arg13 : memref<128x128xf32, #tpu.memory_space<vmem>>)
    %add3A_73 = arith.constant 128 : i32
    %add3A_74 = arith.addi %mul3A_2, %add3A_73 : i32
    "tpu.region"() ({
      %run_scoped3A = tpu.sem_alloc : memref<!tpu.dma_semaphore, #tpu.memory_space<semaphore_mem>>
      %dma_start3A_301 = arith.constant 0 : i32
      %dma_start3A_302 = tpu.memref_slice %arg6[%add3A_74, %dma_start3A_301] : memref<40960x128xf32, #tpu.memory_space<hbm>> -> memref<128x128xf32, #tpu.memory_space<hbm>>
      %dma_start3A_303 = arith.constant 0 : i32
      %dma_start3A_304 = tpu.memref_slice %arg6[%add3A_74, %dma_start3A_303] : memref<40960x128xf32, #tpu.memory_space<hbm>> -> memref<128x128xf32, #tpu.memory_space<hbm>>
      tpu.enqueue_dma source(%arg11 : memref<128x128xf32, #tpu.memory_space<vmem>>) target(%dma_start3A_304 : memref<128x128xf32, #tpu.memory_space<hbm>>) target_semaphore(%run_scoped3A : memref<!tpu.dma_semaphore, #tpu.memory_space<semaphore_mem>>)
      %dma_wait3A_305 = arith.constant 0 : i32
      %dma_wait3A_306 = tpu.memref_slice %arg6[%add3A_74, %dma_wait3A_305] : memref<40960x128xf32, #tpu.memory_space<hbm>> -> memref<128x128xf32, #tpu.memory_space<hbm>>
      %dma_wait3A_307 = arith.constant 0 : i32
      %dma_wait3A_308 = tpu.memref_slice %arg6[%add3A_74, %dma_wait3A_307] : memref<40960x128xf32, #tpu.memory_space<hbm>> -> memref<128x128xf32, #tpu.memory_space<hbm>>
      tpu.wait_dma2 semaphore(%run_scoped3A : memref<!tpu.dma_semaphore, #tpu.memory_space<semaphore_mem>>) src(%arg11 : memref<128x128xf32, #tpu.memory_space<vmem>>) dst(%dma_wait3A_308 : memref<128x128xf32, #tpu.memory_space<hbm>>)
      tpu.yield
    }) : () -> ()
    "tpu.region"() ({
      %run_scoped3A = tpu.sem_alloc : memref<!tpu.dma_semaphore, #tpu.memory_space<semaphore_mem>>
      %dma_start3A_301 = arith.constant 0 : i32
      %dma_start3A_302 = tpu.memref_slice %arg7[%add3A_74, %dma_start3A_301] : memref<40960x128xf32, #tpu.memory_space<hbm>> -> memref<128x128xf32, #tpu.memory_space<hbm>>
      %dma_start3A_303 = arith.constant 0 : i32
      %dma_start3A_304 = tpu.memref_slice %arg7[%add3A_74, %dma_start3A_303] : memref<40960x128xf32, #tpu.memory_space<hbm>> -> memref<128x128xf32, #tpu.memory_space<hbm>>
      tpu.enqueue_dma source(%arg13 : memref<128x128xf32, #tpu.memory_space<vmem>>) target(%dma_start3A_304 : memref<128x128xf32, #tpu.memory_space<hbm>>) target_semaphore(%run_scoped3A : memref<!tpu.dma_semaphore, #tpu.memory_space<semaphore_mem>>)
      %dma_wait3A_305 = arith.constant 0 : i32
      %dma_wait3A_306 = tpu.memref_slice %arg7[%add3A_74, %dma_wait3A_305] : memref<40960x128xf32, #tpu.memory_space<hbm>> -> memref<128x128xf32, #tpu.memory_space<hbm>>
      %dma_wait3A_307 = arith.constant 0 : i32
      %dma_wait3A_308 = tpu.memref_slice %arg7[%add3A_74, %dma_wait3A_307] : memref<40960x128xf32, #tpu.memory_space<hbm>> -> memref<128x128xf32, #tpu.memory_space<hbm>>
      tpu.wait_dma2 semaphore(%run_scoped3A : memref<!tpu.dma_semaphore, #tpu.memory_space<semaphore_mem>>) src(%arg13 : memref<128x128xf32, #tpu.memory_space<vmem>>) dst(%dma_wait3A_308 : memref<128x128xf32, #tpu.memory_space<hbm>>)
      tpu.yield
    }) : () -> ()
    %dma_start3A_75 = arith.constant 3 : i32
    %dma_start3A_76 = arith.constant 0 : i32
    %dma_start3A_77 = tpu.memref_slice %arg8[%dma_start3A_75, %dma_start3A_76] : memref<10x128xi32, #tpu.memory_space<vmem>> -> memref<1x128xi32, #tpu.memory_space<vmem>>
    %dma_start3A_78 = tpu.memref_squeeze %dma_start3A_77 : memref<1x128xi32, #tpu.memory_space<vmem>> -> memref<128xi32, #tpu.memory_space<vmem>>
    %dma_start3A_79 = arith.constant 0 : i32
    %dma_start3A_80 = arith.constant 0 : i32
    %dma_start3A_81 = tpu.memref_slice %arg2[%dma_start3A_79, %dma_start3A_80] : memref<2048x128xf32, #tpu.memory_space<hbm>> -> memref<2048x128xf32, #tpu.memory_space<hbm>>
    tpu.enqueue_indirect_dma source(%dma_start3A_81 : memref<2048x128xf32, #tpu.memory_space<hbm>>) target(%arg11 : memref<128x128xf32, #tpu.memory_space<vmem>>) offsets(%dma_start3A_78 : memref<128xi32, #tpu.memory_space<vmem>>) semaphore(%arg15 : memref<!tpu.dma_semaphore, #tpu.memory_space<semaphore_mem>>)
    %dma_start3A_82 = arith.constant 3 : i32
    %dma_start3A_83 = arith.constant 0 : i32
    %dma_start3A_84 = tpu.memref_slice %arg9[%dma_start3A_82, %dma_start3A_83] : memref<10x128xi32, #tpu.memory_space<vmem>> -> memref<1x128xi32, #tpu.memory_space<vmem>>
    %dma_start3A_85 = tpu.memref_squeeze %dma_start3A_84 : memref<1x128xi32, #tpu.memory_space<vmem>> -> memref<128xi32, #tpu.memory_space<vmem>>
    %dma_start3A_86 = arith.constant 0 : i32
    %dma_start3A_87 = arith.constant 0 : i32
    %dma_start3A_88 = tpu.memref_slice %arg3[%dma_start3A_86, %dma_start3A_87] : memref<2048x128xf32, #tpu.memory_space<hbm>> -> memref<2048x128xf32, #tpu.memory_space<hbm>>
    tpu.enqueue_indirect_dma source(%dma_start3A_88 : memref<2048x128xf32, #tpu.memory_space<hbm>>) target(%arg13 : memref<128x128xf32, #tpu.memory_space<vmem>>) offsets(%dma_start3A_85 : memref<128xi32, #tpu.memory_space<vmem>>) semaphore(%arg15 : memref<!tpu.dma_semaphore, #tpu.memory_space<semaphore_mem>>)
    %dma_wait3A_89 = arith.constant 2 : i32
    %dma_wait3A_90 = arith.constant 0 : i32
    %dma_wait3A_91 = tpu.memref_slice %arg8[%dma_wait3A_89, %dma_wait3A_90] : memref<10x128xi32, #tpu.memory_space<vmem>> -> memref<1x128xi32, #tpu.memory_space<vmem>>
    %dma_wait3A_92 = tpu.memref_squeeze %dma_wait3A_91 : memref<1x128xi32, #tpu.memory_space<vmem>> -> memref<128xi32, #tpu.memory_space<vmem>>
    %dma_wait3A_93 = arith.constant 0 : i32
    %dma_wait3A_94 = arith.constant 0 : i32
    %dma_wait3A_95 = tpu.memref_slice %arg2[%dma_wait3A_93, %dma_wait3A_94] : memref<2048x128xf32, #tpu.memory_space<hbm>> -> memref<2048x128xf32, #tpu.memory_space<hbm>>
    tpu.wait_indirect_dma semaphore(%arg14 : memref<!tpu.dma_semaphore, #tpu.memory_space<semaphore_mem>>) src(%dma_wait3A_95 : memref<2048x128xf32, #tpu.memory_space<hbm>>) dst(%arg10 : memref<128x128xf32, #tpu.memory_space<vmem>>)
    %dma_wait3A_96 = arith.constant 2 : i32
    %dma_wait3A_97 = arith.constant 0 : i32
    %dma_wait3A_98 = tpu.memref_slice %arg9[%dma_wait3A_96, %dma_wait3A_97] : memref<10x128xi32, #tpu.memory_space<vmem>> -> memref<1x128xi32, #tpu.memory_space<vmem>>
    %dma_wait3A_99 = tpu.memref_squeeze %dma_wait3A_98 : memref<1x128xi32, #tpu.memory_space<vmem>> -> memref<128xi32, #tpu.memory_space<vmem>>
    %dma_wait3A_100 = arith.constant 0 : i32
    %dma_wait3A_101 = arith.constant 0 : i32
    %dma_wait3A_102 = tpu.memref_slice %arg3[%dma_wait3A_100, %dma_wait3A_101] : memref<2048x128xf32, #tpu.memory_space<hbm>> -> memref<2048x128xf32, #tpu.memory_space<hbm>>
    tpu.wait_indirect_dma semaphore(%arg14 : memref<!tpu.dma_semaphore, #tpu.memory_space<semaphore_mem>>) src(%dma_wait3A_102 : memref<2048x128xf32, #tpu.memory_space<hbm>>) dst(%arg12 : memref<128x128xf32, #tpu.memory_space<vmem>>)
    %add3A_103 = arith.constant 256 : i32
    %add3A_104 = arith.addi %mul3A_2, %add3A_103 : i32
    "tpu.region"() ({
      %run_scoped3A = tpu.sem_alloc : memref<!tpu.dma_semaphore, #tpu.memory_space<semaphore_mem>>
      %dma_start3A_301 = arith.constant 0 : i32
      %dma_start3A_302 = tpu.memref_slice %arg6[%add3A_104, %dma_start3A_301] : memref<40960x128xf32, #tpu.memory_space<hbm>> -> memref<128x128xf32, #tpu.memory_space<hbm>>
      %dma_start3A_303 = arith.constant 0 : i32
      %dma_start3A_304 = tpu.memref_slice %arg6[%add3A_104, %dma_start3A_303] : memref<40960x128xf32, #tpu.memory_space<hbm>> -> memref<128x128xf32, #tpu.memory_space<hbm>>
      tpu.enqueue_dma source(%arg10 : memref<128x128xf32, #tpu.memory_space<vmem>>) target(%dma_start3A_304 : memref<128x128xf32, #tpu.memory_space<hbm>>) target_semaphore(%run_scoped3A : memref<!tpu.dma_semaphore, #tpu.memory_space<semaphore_mem>>)
      %dma_wait3A_305 = arith.constant 0 : i32
      %dma_wait3A_306 = tpu.memref_slice %arg6[%add3A_104, %dma_wait3A_305] : memref<40960x128xf32, #tpu.memory_space<hbm>> -> memref<128x128xf32, #tpu.memory_space<hbm>>
      %dma_wait3A_307 = arith.constant 0 : i32
      %dma_wait3A_308 = tpu.memref_slice %arg6[%add3A_104, %dma_wait3A_307] : memref<40960x128xf32, #tpu.memory_space<hbm>> -> memref<128x128xf32, #tpu.memory_space<hbm>>
      tpu.wait_dma2 semaphore(%run_scoped3A : memref<!tpu.dma_semaphore, #tpu.memory_space<semaphore_mem>>) src(%arg10 : memref<128x128xf32, #tpu.memory_space<vmem>>) dst(%dma_wait3A_308 : memref<128x128xf32, #tpu.memory_space<hbm>>)
      tpu.yield
    }) : () -> ()
    "tpu.region"() ({
      %run_scoped3A = tpu.sem_alloc : memref<!tpu.dma_semaphore, #tpu.memory_space<semaphore_mem>>
      %dma_start3A_301 = arith.constant 0 : i32
      %dma_start3A_302 = tpu.memref_slice %arg7[%add3A_104, %dma_start3A_301] : memref<40960x128xf32, #tpu.memory_space<hbm>> -> memref<128x128xf32, #tpu.memory_space<hbm>>
      %dma_start3A_303 = arith.constant 0 : i32
      %dma_start3A_304 = tpu.memref_slice %arg7[%add3A_104, %dma_start3A_303] : memref<40960x128xf32, #tpu.memory_space<hbm>> -> memref<128x128xf32, #tpu.memory_space<hbm>>
      tpu.enqueue_dma source(%arg12 : memref<128x128xf32, #tpu.memory_space<vmem>>) target(%dma_start3A_304 : memref<128x128xf32, #tpu.memory_space<hbm>>) target_semaphore(%run_scoped3A : memref<!tpu.dma_semaphore, #tpu.memory_space<semaphore_mem>>)
      %dma_wait3A_305 = arith.constant 0 : i32
      %dma_wait3A_306 = tpu.memref_slice %arg7[%add3A_104, %dma_wait3A_305] : memref<40960x128xf32, #tpu.memory_space<hbm>> -> memref<128x128xf32, #tpu.memory_space<hbm>>
      %dma_wait3A_307 = arith.constant 0 : i32
      %dma_wait3A_308 = tpu.memref_slice %arg7[%add3A_104, %dma_wait3A_307] : memref<40960x128xf32, #tpu.memory_space<hbm>> -> memref<128x128xf32, #tpu.memory_space<hbm>>
      tpu.wait_dma2 semaphore(%run_scoped3A : memref<!tpu.dma_semaphore, #tpu.memory_space<semaphore_mem>>) src(%arg12 : memref<128x128xf32, #tpu.memory_space<vmem>>) dst(%dma_wait3A_308 : memref<128x128xf32, #tpu.memory_space<hbm>>)
      tpu.yield
    }) : () -> ()
    %dma_start3A_105 = arith.constant 4 : i32
    %dma_start3A_106 = arith.constant 0 : i32
    %dma_start3A_107 = tpu.memref_slice %arg8[%dma_start3A_105, %dma_start3A_106] : memref<10x128xi32, #tpu.memory_space<vmem>> -> memref<1x128xi32, #tpu.memory_space<vmem>>
    %dma_start3A_108 = tpu.memref_squeeze %dma_start3A_107 : memref<1x128xi32, #tpu.memory_space<vmem>> -> memref<128xi32, #tpu.memory_space<vmem>>
    %dma_start3A_109 = arith.constant 0 : i32
    %dma_start3A_110 = arith.constant 0 : i32
    %dma_start3A_111 = tpu.memref_slice %arg2[%dma_start3A_109, %dma_start3A_110] : memref<2048x128xf32, #tpu.memory_space<hbm>> -> memref<2048x128xf32, #tpu.memory_space<hbm>>
    tpu.enqueue_indirect_dma source(%dma_start3A_111 : memref<2048x128xf32, #tpu.memory_space<hbm>>) target(%arg10 : memref<128x128xf32, #tpu.memory_space<vmem>>) offsets(%dma_start3A_108 : memref<128xi32, #tpu.memory_space<vmem>>) semaphore(%arg14 : memref<!tpu.dma_semaphore, #tpu.memory_space<semaphore_mem>>)
    %dma_start3A_112 = arith.constant 4 : i32
    %dma_start3A_113 = arith.constant 0 : i32
    %dma_start3A_114 = tpu.memref_slice %arg9[%dma_start3A_112, %dma_start3A_113] : memref<10x128xi32, #tpu.memory_space<vmem>> -> memref<1x128xi32, #tpu.memory_space<vmem>>
    %dma_start3A_115 = tpu.memref_squeeze %dma_start3A_114 : memref<1x128xi32, #tpu.memory_space<vmem>> -> memref<128xi32, #tpu.memory_space<vmem>>
    %dma_start3A_116 = arith.constant 0 : i32
    %dma_start3A_117 = arith.constant 0 : i32
    %dma_start3A_118 = tpu.memref_slice %arg3[%dma_start3A_116, %dma_start3A_117] : memref<2048x128xf32, #tpu.memory_space<hbm>> -> memref<2048x128xf32, #tpu.memory_space<hbm>>
    tpu.enqueue_indirect_dma source(%dma_start3A_118 : memref<2048x128xf32, #tpu.memory_space<hbm>>) target(%arg12 : memref<128x128xf32, #tpu.memory_space<vmem>>) offsets(%dma_start3A_115 : memref<128xi32, #tpu.memory_space<vmem>>) semaphore(%arg14 : memref<!tpu.dma_semaphore, #tpu.memory_space<semaphore_mem>>)
    %dma_wait3A_119 = arith.constant 3 : i32
    %dma_wait3A_120 = arith.constant 0 : i32
    %dma_wait3A_121 = tpu.memref_slice %arg8[%dma_wait3A_119, %dma_wait3A_120] : memref<10x128xi32, #tpu.memory_space<vmem>> -> memref<1x128xi32, #tpu.memory_space<vmem>>
    %dma_wait3A_122 = tpu.memref_squeeze %dma_wait3A_121 : memref<1x128xi32, #tpu.memory_space<vmem>> -> memref<128xi32, #tpu.memory_space<vmem>>
    %dma_wait3A_123 = arith.constant 0 : i32
    %dma_wait3A_124 = arith.constant 0 : i32
    %dma_wait3A_125 = tpu.memref_slice %arg2[%dma_wait3A_123, %dma_wait3A_124] : memref<2048x128xf32, #tpu.memory_space<hbm>> -> memref<2048x128xf32, #tpu.memory_space<hbm>>
    tpu.wait_indirect_dma semaphore(%arg15 : memref<!tpu.dma_semaphore, #tpu.memory_space<semaphore_mem>>) src(%dma_wait3A_125 : memref<2048x128xf32, #tpu.memory_space<hbm>>) dst(%arg11 : memref<128x128xf32, #tpu.memory_space<vmem>>)
    %dma_wait3A_126 = arith.constant 3 : i32
    %dma_wait3A_127 = arith.constant 0 : i32
    %dma_wait3A_128 = tpu.memref_slice %arg9[%dma_wait3A_126, %dma_wait3A_127] : memref<10x128xi32, #tpu.memory_space<vmem>> -> memref<1x128xi32, #tpu.memory_space<vmem>>
    %dma_wait3A_129 = tpu.memref_squeeze %dma_wait3A_128 : memref<1x128xi32, #tpu.memory_space<vmem>> -> memref<128xi32, #tpu.memory_space<vmem>>
    %dma_wait3A_130 = arith.constant 0 : i32
    %dma_wait3A_131 = arith.constant 0 : i32
    %dma_wait3A_132 = tpu.memref_slice %arg3[%dma_wait3A_130, %dma_wait3A_131] : memref<2048x128xf32, #tpu.memory_space<hbm>> -> memref<2048x128xf32, #tpu.memory_space<hbm>>
    tpu.wait_indirect_dma semaphore(%arg15 : memref<!tpu.dma_semaphore, #tpu.memory_space<semaphore_mem>>) src(%dma_wait3A_132 : memref<2048x128xf32, #tpu.memory_space<hbm>>) dst(%arg13 : memref<128x128xf32, #tpu.memory_space<vmem>>)
    %add3A_133 = arith.constant 384 : i32
    %add3A_134 = arith.addi %mul3A_2, %add3A_133 : i32
    "tpu.region"() ({
      %run_scoped3A = tpu.sem_alloc : memref<!tpu.dma_semaphore, #tpu.memory_space<semaphore_mem>>
      %dma_start3A_301 = arith.constant 0 : i32
      %dma_start3A_302 = tpu.memref_slice %arg6[%add3A_134, %dma_start3A_301] : memref<40960x128xf32, #tpu.memory_space<hbm>> -> memref<128x128xf32, #tpu.memory_space<hbm>>
      %dma_start3A_303 = arith.constant 0 : i32
      %dma_start3A_304 = tpu.memref_slice %arg6[%add3A_134, %dma_start3A_303] : memref<40960x128xf32, #tpu.memory_space<hbm>> -> memref<128x128xf32, #tpu.memory_space<hbm>>
      tpu.enqueue_dma source(%arg11 : memref<128x128xf32, #tpu.memory_space<vmem>>) target(%dma_start3A_304 : memref<128x128xf32, #tpu.memory_space<hbm>>) target_semaphore(%run_scoped3A : memref<!tpu.dma_semaphore, #tpu.memory_space<semaphore_mem>>)
      %dma_wait3A_305 = arith.constant 0 : i32
      %dma_wait3A_306 = tpu.memref_slice %arg6[%add3A_134, %dma_wait3A_305] : memref<40960x128xf32, #tpu.memory_space<hbm>> -> memref<128x128xf32, #tpu.memory_space<hbm>>
      %dma_wait3A_307 = arith.constant 0 : i32
      %dma_wait3A_308 = tpu.memref_slice %arg6[%add3A_134, %dma_wait3A_307] : memref<40960x128xf32, #tpu.memory_space<hbm>> -> memref<128x128xf32, #tpu.memory_space<hbm>>
      tpu.wait_dma2 semaphore(%run_scoped3A : memref<!tpu.dma_semaphore, #tpu.memory_space<semaphore_mem>>) src(%arg11 : memref<128x128xf32, #tpu.memory_space<vmem>>) dst(%dma_wait3A_308 : memref<128x128xf32, #tpu.memory_space<hbm>>)
      tpu.yield
    }) : () -> ()
    "tpu.region"() ({
      %run_scoped3A = tpu.sem_alloc : memref<!tpu.dma_semaphore, #tpu.memory_space<semaphore_mem>>
      %dma_start3A_301 = arith.constant 0 : i32
      %dma_start3A_302 = tpu.memref_slice %arg7[%add3A_134, %dma_start3A_301] : memref<40960x128xf32, #tpu.memory_space<hbm>> -> memref<128x128xf32, #tpu.memory_space<hbm>>
      %dma_start3A_303 = arith.constant 0 : i32
      %dma_start3A_304 = tpu.memref_slice %arg7[%add3A_134, %dma_start3A_303] : memref<40960x128xf32, #tpu.memory_space<hbm>> -> memref<128x128xf32, #tpu.memory_space<hbm>>
      tpu.enqueue_dma source(%arg13 : memref<128x128xf32, #tpu.memory_space<vmem>>) target(%dma_start3A_304 : memref<128x128xf32, #tpu.memory_space<hbm>>) target_semaphore(%run_scoped3A : memref<!tpu.dma_semaphore, #tpu.memory_space<semaphore_mem>>)
      %dma_wait3A_305 = arith.constant 0 : i32
      %dma_wait3A_306 = tpu.memref_slice %arg7[%add3A_134, %dma_wait3A_305] : memref<40960x128xf32, #tpu.memory_space<hbm>> -> memref<128x128xf32, #tpu.memory_space<hbm>>
      %dma_wait3A_307 = arith.constant 0 : i32
      %dma_wait3A_308 = tpu.memref_slice %arg7[%add3A_134, %dma_wait3A_307] : memref<40960x128xf32, #tpu.memory_space<hbm>> -> memref<128x128xf32, #tpu.memory_space<hbm>>
      tpu.wait_dma2 semaphore(%run_scoped3A : memref<!tpu.dma_semaphore, #tpu.memory_space<semaphore_mem>>) src(%arg13 : memref<128x128xf32, #tpu.memory_space<vmem>>) dst(%dma_wait3A_308 : memref<128x128xf32, #tpu.memory_space<hbm>>)
      tpu.yield
    }) : () -> ()
    %dma_start3A_135 = arith.constant 5 : i32
    %dma_start3A_136 = arith.constant 0 : i32
    %dma_start3A_137 = tpu.memref_slice %arg8[%dma_start3A_135, %dma_start3A_136] : memref<10x128xi32, #tpu.memory_space<vmem>> -> memref<1x128xi32, #tpu.memory_space<vmem>>
    %dma_start3A_138 = tpu.memref_squeeze %dma_start3A_137 : memref<1x128xi32, #tpu.memory_space<vmem>> -> memref<128xi32, #tpu.memory_space<vmem>>
    %dma_start3A_139 = arith.constant 0 : i32
    %dma_start3A_140 = arith.constant 0 : i32
    %dma_start3A_141 = tpu.memref_slice %arg2[%dma_start3A_139, %dma_start3A_140] : memref<2048x128xf32, #tpu.memory_space<hbm>> -> memref<2048x128xf32, #tpu.memory_space<hbm>>
    tpu.enqueue_indirect_dma source(%dma_start3A_141 : memref<2048x128xf32, #tpu.memory_space<hbm>>) target(%arg11 : memref<128x128xf32, #tpu.memory_space<vmem>>) offsets(%dma_start3A_138 : memref<128xi32, #tpu.memory_space<vmem>>) semaphore(%arg15 : memref<!tpu.dma_semaphore, #tpu.memory_space<semaphore_mem>>)
    %dma_start3A_142 = arith.constant 5 : i32
    %dma_start3A_143 = arith.constant 0 : i32
    %dma_start3A_144 = tpu.memref_slice %arg9[%dma_start3A_142, %dma_start3A_143] : memref<10x128xi32, #tpu.memory_space<vmem>> -> memref<1x128xi32, #tpu.memory_space<vmem>>
    %dma_start3A_145 = tpu.memref_squeeze %dma_start3A_144 : memref<1x128xi32, #tpu.memory_space<vmem>> -> memref<128xi32, #tpu.memory_space<vmem>>
    %dma_start3A_146 = arith.constant 0 : i32
    %dma_start3A_147 = arith.constant 0 : i32
    %dma_start3A_148 = tpu.memref_slice %arg3[%dma_start3A_146, %dma_start3A_147] : memref<2048x128xf32, #tpu.memory_space<hbm>> -> memref<2048x128xf32, #tpu.memory_space<hbm>>
    tpu.enqueue_indirect_dma source(%dma_start3A_148 : memref<2048x128xf32, #tpu.memory_space<hbm>>) target(%arg13 : memref<128x128xf32, #tpu.memory_space<vmem>>) offsets(%dma_start3A_145 : memref<128xi32, #tpu.memory_space<vmem>>) semaphore(%arg15 : memref<!tpu.dma_semaphore, #tpu.memory_space<semaphore_mem>>)
    %dma_wait3A_149 = arith.constant 4 : i32
    %dma_wait3A_150 = arith.constant 0 : i32
    %dma_wait3A_151 = tpu.memref_slice %arg8[%dma_wait3A_149, %dma_wait3A_150] : memref<10x128xi32, #tpu.memory_space<vmem>> -> memref<1x128xi32, #tpu.memory_space<vmem>>
    %dma_wait3A_152 = tpu.memref_squeeze %dma_wait3A_151 : memref<1x128xi32, #tpu.memory_space<vmem>> -> memref<128xi32, #tpu.memory_space<vmem>>
    %dma_wait3A_153 = arith.constant 0 : i32
    %dma_wait3A_154 = arith.constant 0 : i32
    %dma_wait3A_155 = tpu.memref_slice %arg2[%dma_wait3A_153, %dma_wait3A_154] : memref<2048x128xf32, #tpu.memory_space<hbm>> -> memref<2048x128xf32, #tpu.memory_space<hbm>>
    tpu.wait_indirect_dma semaphore(%arg14 : memref<!tpu.dma_semaphore, #tpu.memory_space<semaphore_mem>>) src(%dma_wait3A_155 : memref<2048x128xf32, #tpu.memory_space<hbm>>) dst(%arg10 : memref<128x128xf32, #tpu.memory_space<vmem>>)
    %dma_wait3A_156 = arith.constant 4 : i32
    %dma_wait3A_157 = arith.constant 0 : i32
    %dma_wait3A_158 = tpu.memref_slice %arg9[%dma_wait3A_156, %dma_wait3A_157] : memref<10x128xi32, #tpu.memory_space<vmem>> -> memref<1x128xi32, #tpu.memory_space<vmem>>
    %dma_wait3A_159 = tpu.memref_squeeze %dma_wait3A_158 : memref<1x128xi32, #tpu.memory_space<vmem>> -> memref<128xi32, #tpu.memory_space<vmem>>
    %dma_wait3A_160 = arith.constant 0 : i32
    %dma_wait3A_161 = arith.constant 0 : i32
    %dma_wait3A_162 = tpu.memref_slice %arg3[%dma_wait3A_160, %dma_wait3A_161] : memref<2048x128xf32, #tpu.memory_space<hbm>> -> memref<2048x128xf32, #tpu.memory_space<hbm>>
    tpu.wait_indirect_dma semaphore(%arg14 : memref<!tpu.dma_semaphore, #tpu.memory_space<semaphore_mem>>) src(%dma_wait3A_162 : memref<2048x128xf32, #tpu.memory_space<hbm>>) dst(%arg12 : memref<128x128xf32, #tpu.memory_space<vmem>>)
    %add3A_163 = arith.constant 512 : i32
    %add3A_164 = arith.addi %mul3A_2, %add3A_163 : i32
    "tpu.region"() ({
      %run_scoped3A = tpu.sem_alloc : memref<!tpu.dma_semaphore, #tpu.memory_space<semaphore_mem>>
      %dma_start3A_301 = arith.constant 0 : i32
      %dma_start3A_302 = tpu.memref_slice %arg6[%add3A_164, %dma_start3A_301] : memref<40960x128xf32, #tpu.memory_space<hbm>> -> memref<128x128xf32, #tpu.memory_space<hbm>>
      %dma_start3A_303 = arith.constant 0 : i32
      %dma_start3A_304 = tpu.memref_slice %arg6[%add3A_164, %dma_start3A_303] : memref<40960x128xf32, #tpu.memory_space<hbm>> -> memref<128x128xf32, #tpu.memory_space<hbm>>
      tpu.enqueue_dma source(%arg10 : memref<128x128xf32, #tpu.memory_space<vmem>>) target(%dma_start3A_304 : memref<128x128xf32, #tpu.memory_space<hbm>>) target_semaphore(%run_scoped3A : memref<!tpu.dma_semaphore, #tpu.memory_space<semaphore_mem>>)
      %dma_wait3A_305 = arith.constant 0 : i32
      %dma_wait3A_306 = tpu.memref_slice %arg6[%add3A_164, %dma_wait3A_305] : memref<40960x128xf32, #tpu.memory_space<hbm>> -> memref<128x128xf32, #tpu.memory_space<hbm>>
      %dma_wait3A_307 = arith.constant 0 : i32
      %dma_wait3A_308 = tpu.memref_slice %arg6[%add3A_164, %dma_wait3A_307] : memref<40960x128xf32, #tpu.memory_space<hbm>> -> memref<128x128xf32, #tpu.memory_space<hbm>>
      tpu.wait_dma2 semaphore(%run_scoped3A : memref<!tpu.dma_semaphore, #tpu.memory_space<semaphore_mem>>) src(%arg10 : memref<128x128xf32, #tpu.memory_space<vmem>>) dst(%dma_wait3A_308 : memref<128x128xf32, #tpu.memory_space<hbm>>)
      tpu.yield
    }) : () -> ()
    "tpu.region"() ({
      %run_scoped3A = tpu.sem_alloc : memref<!tpu.dma_semaphore, #tpu.memory_space<semaphore_mem>>
      %dma_start3A_301 = arith.constant 0 : i32
      %dma_start3A_302 = tpu.memref_slice %arg7[%add3A_164, %dma_start3A_301] : memref<40960x128xf32, #tpu.memory_space<hbm>> -> memref<128x128xf32, #tpu.memory_space<hbm>>
      %dma_start3A_303 = arith.constant 0 : i32
      %dma_start3A_304 = tpu.memref_slice %arg7[%add3A_164, %dma_start3A_303] : memref<40960x128xf32, #tpu.memory_space<hbm>> -> memref<128x128xf32, #tpu.memory_space<hbm>>
      tpu.enqueue_dma source(%arg12 : memref<128x128xf32, #tpu.memory_space<vmem>>) target(%dma_start3A_304 : memref<128x128xf32, #tpu.memory_space<hbm>>) target_semaphore(%run_scoped3A : memref<!tpu.dma_semaphore, #tpu.memory_space<semaphore_mem>>)
      %dma_wait3A_305 = arith.constant 0 : i32
      %dma_wait3A_306 = tpu.memref_slice %arg7[%add3A_164, %dma_wait3A_305] : memref<40960x128xf32, #tpu.memory_space<hbm>> -> memref<128x128xf32, #tpu.memory_space<hbm>>
      %dma_wait3A_307 = arith.constant 0 : i32
      %dma_wait3A_308 = tpu.memref_slice %arg7[%add3A_164, %dma_wait3A_307] : memref<40960x128xf32, #tpu.memory_space<hbm>> -> memref<128x128xf32, #tpu.memory_space<hbm>>
      tpu.wait_dma2 semaphore(%run_scoped3A : memref<!tpu.dma_semaphore, #tpu.memory_space<semaphore_mem>>) src(%arg12 : memref<128x128xf32, #tpu.memory_space<vmem>>) dst(%dma_wait3A_308 : memref<128x128xf32, #tpu.memory_space<hbm>>)
      tpu.yield
    }) : () -> ()
    %dma_start3A_165 = arith.constant 6 : i32
    %dma_start3A_166 = arith.constant 0 : i32
    %dma_start3A_167 = tpu.memref_slice %arg8[%dma_start3A_165, %dma_start3A_166] : memref<10x128xi32, #tpu.memory_space<vmem>> -> memref<1x128xi32, #tpu.memory_space<vmem>>
    %dma_start3A_168 = tpu.memref_squeeze %dma_start3A_167 : memref<1x128xi32, #tpu.memory_space<vmem>> -> memref<128xi32, #tpu.memory_space<vmem>>
    %dma_start3A_169 = arith.constant 0 : i32
    %dma_start3A_170 = arith.constant 0 : i32
    %dma_start3A_171 = tpu.memref_slice %arg2[%dma_start3A_169, %dma_start3A_170] : memref<2048x128xf32, #tpu.memory_space<hbm>> -> memref<2048x128xf32, #tpu.memory_space<hbm>>
    tpu.enqueue_indirect_dma source(%dma_start3A_171 : memref<2048x128xf32, #tpu.memory_space<hbm>>) target(%arg10 : memref<128x128xf32, #tpu.memory_space<vmem>>) offsets(%dma_start3A_168 : memref<128xi32, #tpu.memory_space<vmem>>) semaphore(%arg14 : memref<!tpu.dma_semaphore, #tpu.memory_space<semaphore_mem>>)
    %dma_start3A_172 = arith.constant 6 : i32
    %dma_start3A_173 = arith.constant 0 : i32
    %dma_start3A_174 = tpu.memref_slice %arg9[%dma_start3A_172, %dma_start3A_173] : memref<10x128xi32, #tpu.memory_space<vmem>> -> memref<1x128xi32, #tpu.memory_space<vmem>>
    %dma_start3A_175 = tpu.memref_squeeze %dma_start3A_174 : memref<1x128xi32, #tpu.memory_space<vmem>> -> memref<128xi32, #tpu.memory_space<vmem>>
    %dma_start3A_176 = arith.constant 0 : i32
    %dma_start3A_177 = arith.constant 0 : i32
    %dma_start3A_178 = tpu.memref_slice %arg3[%dma_start3A_176, %dma_start3A_177] : memref<2048x128xf32, #tpu.memory_space<hbm>> -> memref<2048x128xf32, #tpu.memory_space<hbm>>
    tpu.enqueue_indirect_dma source(%dma_start3A_178 : memref<2048x128xf32, #tpu.memory_space<hbm>>) target(%arg12 : memref<128x128xf32, #tpu.memory_space<vmem>>) offsets(%dma_start3A_175 : memref<128xi32, #tpu.memory_space<vmem>>) semaphore(%arg14 : memref<!tpu.dma_semaphore, #tpu.memory_space<semaphore_mem>>)
    %dma_wait3A_179 = arith.constant 5 : i32
    %dma_wait3A_180 = arith.constant 0 : i32
    %dma_wait3A_181 = tpu.memref_slice %arg8[%dma_wait3A_179, %dma_wait3A_180] : memref<10x128xi32, #tpu.memory_space<vmem>> -> memref<1x128xi32, #tpu.memory_space<vmem>>
    %dma_wait3A_182 = tpu.memref_squeeze %dma_wait3A_181 : memref<1x128xi32, #tpu.memory_space<vmem>> -> memref<128xi32, #tpu.memory_space<vmem>>
    %dma_wait3A_183 = arith.constant 0 : i32
    %dma_wait3A_184 = arith.constant 0 : i32
    %dma_wait3A_185 = tpu.memref_slice %arg2[%dma_wait3A_183, %dma_wait3A_184] : memref<2048x128xf32, #tpu.memory_space<hbm>> -> memref<2048x128xf32, #tpu.memory_space<hbm>>
    tpu.wait_indirect_dma semaphore(%arg15 : memref<!tpu.dma_semaphore, #tpu.memory_space<semaphore_mem>>) src(%dma_wait3A_185 : memref<2048x128xf32, #tpu.memory_space<hbm>>) dst(%arg11 : memref<128x128xf32, #tpu.memory_space<vmem>>)
    %dma_wait3A_186 = arith.constant 5 : i32
    %dma_wait3A_187 = arith.constant 0 : i32
    %dma_wait3A_188 = tpu.memref_slice %arg9[%dma_wait3A_186, %dma_wait3A_187] : memref<10x128xi32, #tpu.memory_space<vmem>> -> memref<1x128xi32, #tpu.memory_space<vmem>>
    %dma_wait3A_189 = tpu.memref_squeeze %dma_wait3A_188 : memref<1x128xi32, #tpu.memory_space<vmem>> -> memref<128xi32, #tpu.memory_space<vmem>>
    %dma_wait3A_190 = arith.constant 0 : i32
    %dma_wait3A_191 = arith.constant 0 : i32
    %dma_wait3A_192 = tpu.memref_slice %arg3[%dma_wait3A_190, %dma_wait3A_191] : memref<2048x128xf32, #tpu.memory_space<hbm>> -> memref<2048x128xf32, #tpu.memory_space<hbm>>
    tpu.wait_indirect_dma semaphore(%arg15 : memref<!tpu.dma_semaphore, #tpu.memory_space<semaphore_mem>>) src(%dma_wait3A_192 : memref<2048x128xf32, #tpu.memory_space<hbm>>) dst(%arg13 : memref<128x128xf32, #tpu.memory_space<vmem>>)
    %add3A_193 = arith.constant 640 : i32
    %add3A_194 = arith.addi %mul3A_2, %add3A_193 : i32
    "tpu.region"() ({
      %run_scoped3A = tpu.sem_alloc : memref<!tpu.dma_semaphore, #tpu.memory_space<semaphore_mem>>
      %dma_start3A_301 = arith.constant 0 : i32
      %dma_start3A_302 = tpu.memref_slice %arg6[%add3A_194, %dma_start3A_301] : memref<40960x128xf32, #tpu.memory_space<hbm>> -> memref<128x128xf32, #tpu.memory_space<hbm>>
      %dma_start3A_303 = arith.constant 0 : i32
      %dma_start3A_304 = tpu.memref_slice %arg6[%add3A_194, %dma_start3A_303] : memref<40960x128xf32, #tpu.memory_space<hbm>> -> memref<128x128xf32, #tpu.memory_space<hbm>>
      tpu.enqueue_dma source(%arg11 : memref<128x128xf32, #tpu.memory_space<vmem>>) target(%dma_start3A_304 : memref<128x128xf32, #tpu.memory_space<hbm>>) target_semaphore(%run_scoped3A : memref<!tpu.dma_semaphore, #tpu.memory_space<semaphore_mem>>)
      %dma_wait3A_305 = arith.constant 0 : i32
      %dma_wait3A_306 = tpu.memref_slice %arg6[%add3A_194, %dma_wait3A_305] : memref<40960x128xf32, #tpu.memory_space<hbm>> -> memref<128x128xf32, #tpu.memory_space<hbm>>
      %dma_wait3A_307 = arith.constant 0 : i32
      %dma_wait3A_308 = tpu.memref_slice %arg6[%add3A_194, %dma_wait3A_307] : memref<40960x128xf32, #tpu.memory_space<hbm>> -> memref<128x128xf32, #tpu.memory_space<hbm>>
      tpu.wait_dma2 semaphore(%run_scoped3A : memref<!tpu.dma_semaphore, #tpu.memory_space<semaphore_mem>>) src(%arg11 : memref<128x128xf32, #tpu.memory_space<vmem>>) dst(%dma_wait3A_308 : memref<128x128xf32, #tpu.memory_space<hbm>>)
      tpu.yield
    }) : () -> ()
    "tpu.region"() ({
      %run_scoped3A = tpu.sem_alloc : memref<!tpu.dma_semaphore, #tpu.memory_space<semaphore_mem>>
      %dma_start3A_301 = arith.constant 0 : i32
      %dma_start3A_302 = tpu.memref_slice %arg7[%add3A_194, %dma_start3A_301] : memref<40960x128xf32, #tpu.memory_space<hbm>> -> memref<128x128xf32, #tpu.memory_space<hbm>>
      %dma_start3A_303 = arith.constant 0 : i32
      %dma_start3A_304 = tpu.memref_slice %arg7[%add3A_194, %dma_start3A_303] : memref<40960x128xf32, #tpu.memory_space<hbm>> -> memref<128x128xf32, #tpu.memory_space<hbm>>
      tpu.enqueue_dma source(%arg13 : memref<128x128xf32, #tpu.memory_space<vmem>>) target(%dma_start3A_304 : memref<128x128xf32, #tpu.memory_space<hbm>>) target_semaphore(%run_scoped3A : memref<!tpu.dma_semaphore, #tpu.memory_space<semaphore_mem>>)
      %dma_wait3A_305 = arith.constant 0 : i32
      %dma_wait3A_306 = tpu.memref_slice %arg7[%add3A_194, %dma_wait3A_305] : memref<40960x128xf32, #tpu.memory_space<hbm>> -> memref<128x128xf32, #tpu.memory_space<hbm>>
      %dma_wait3A_307 = arith.constant 0 : i32
      %dma_wait3A_308 = tpu.memref_slice %arg7[%add3A_194, %dma_wait3A_307] : memref<40960x128xf32, #tpu.memory_space<hbm>> -> memref<128x128xf32, #tpu.memory_space<hbm>>
      tpu.wait_dma2 semaphore(%run_scoped3A : memref<!tpu.dma_semaphore, #tpu.memory_space<semaphore_mem>>) src(%arg13 : memref<128x128xf32, #tpu.memory_space<vmem>>) dst(%dma_wait3A_308 : memref<128x128xf32, #tpu.memory_space<hbm>>)
      tpu.yield
    }) : () -> ()
    %dma_start3A_195 = arith.constant 7 : i32
    %dma_start3A_196 = arith.constant 0 : i32
    %dma_start3A_197 = tpu.memref_slice %arg8[%dma_start3A_195, %dma_start3A_196] : memref<10x128xi32, #tpu.memory_space<vmem>> -> memref<1x128xi32, #tpu.memory_space<vmem>>
    %dma_start3A_198 = tpu.memref_squeeze %dma_start3A_197 : memref<1x128xi32, #tpu.memory_space<vmem>> -> memref<128xi32, #tpu.memory_space<vmem>>
    %dma_start3A_199 = arith.constant 0 : i32
    %dma_start3A_200 = arith.constant 0 : i32
    %dma_start3A_201 = tpu.memref_slice %arg2[%dma_start3A_199, %dma_start3A_200] : memref<2048x128xf32, #tpu.memory_space<hbm>> -> memref<2048x128xf32, #tpu.memory_space<hbm>>
    tpu.enqueue_indirect_dma source(%dma_start3A_201 : memref<2048x128xf32, #tpu.memory_space<hbm>>) target(%arg11 : memref<128x128xf32, #tpu.memory_space<vmem>>) offsets(%dma_start3A_198 : memref<128xi32, #tpu.memory_space<vmem>>) semaphore(%arg15 : memref<!tpu.dma_semaphore, #tpu.memory_space<semaphore_mem>>)
    %dma_start3A_202 = arith.constant 7 : i32
    %dma_start3A_203 = arith.constant 0 : i32
    %dma_start3A_204 = tpu.memref_slice %arg9[%dma_start3A_202, %dma_start3A_203] : memref<10x128xi32, #tpu.memory_space<vmem>> -> memref<1x128xi32, #tpu.memory_space<vmem>>
    %dma_start3A_205 = tpu.memref_squeeze %dma_start3A_204 : memref<1x128xi32, #tpu.memory_space<vmem>> -> memref<128xi32, #tpu.memory_space<vmem>>
    %dma_start3A_206 = arith.constant 0 : i32
    %dma_start3A_207 = arith.constant 0 : i32
    %dma_start3A_208 = tpu.memref_slice %arg3[%dma_start3A_206, %dma_start3A_207] : memref<2048x128xf32, #tpu.memory_space<hbm>> -> memref<2048x128xf32, #tpu.memory_space<hbm>>
    tpu.enqueue_indirect_dma source(%dma_start3A_208 : memref<2048x128xf32, #tpu.memory_space<hbm>>) target(%arg13 : memref<128x128xf32, #tpu.memory_space<vmem>>) offsets(%dma_start3A_205 : memref<128xi32, #tpu.memory_space<vmem>>) semaphore(%arg15 : memref<!tpu.dma_semaphore, #tpu.memory_space<semaphore_mem>>)
    %dma_wait3A_209 = arith.constant 6 : i32
    %dma_wait3A_210 = arith.constant 0 : i32
    %dma_wait3A_211 = tpu.memref_slice %arg8[%dma_wait3A_209, %dma_wait3A_210] : memref<10x128xi32, #tpu.memory_space<vmem>> -> memref<1x128xi32, #tpu.memory_space<vmem>>
    %dma_wait3A_212 = tpu.memref_squeeze %dma_wait3A_211 : memref<1x128xi32, #tpu.memory_space<vmem>> -> memref<128xi32, #tpu.memory_space<vmem>>
    %dma_wait3A_213 = arith.constant 0 : i32
    %dma_wait3A_214 = arith.constant 0 : i32
    %dma_wait3A_215 = tpu.memref_slice %arg2[%dma_wait3A_213, %dma_wait3A_214] : memref<2048x128xf32, #tpu.memory_space<hbm>> -> memref<2048x128xf32, #tpu.memory_space<hbm>>
    tpu.wait_indirect_dma semaphore(%arg14 : memref<!tpu.dma_semaphore, #tpu.memory_space<semaphore_mem>>) src(%dma_wait3A_215 : memref<2048x128xf32, #tpu.memory_space<hbm>>) dst(%arg10 : memref<128x128xf32, #tpu.memory_space<vmem>>)
    %dma_wait3A_216 = arith.constant 6 : i32
    %dma_wait3A_217 = arith.constant 0 : i32
    %dma_wait3A_218 = tpu.memref_slice %arg9[%dma_wait3A_216, %dma_wait3A_217] : memref<10x128xi32, #tpu.memory_space<vmem>> -> memref<1x128xi32, #tpu.memory_space<vmem>>
    %dma_wait3A_219 = tpu.memref_squeeze %dma_wait3A_218 : memref<1x128xi32, #tpu.memory_space<vmem>> -> memref<128xi32, #tpu.memory_space<vmem>>
    %dma_wait3A_220 = arith.constant 0 : i32
    %dma_wait3A_221 = arith.constant 0 : i32
    %dma_wait3A_222 = tpu.memref_slice %arg3[%dma_wait3A_220, %dma_wait3A_221] : memref<2048x128xf32, #tpu.memory_space<hbm>> -> memref<2048x128xf32, #tpu.memory_space<hbm>>
    tpu.wait_indirect_dma semaphore(%arg14 : memref<!tpu.dma_semaphore, #tpu.memory_space<semaphore_mem>>) src(%dma_wait3A_222 : memref<2048x128xf32, #tpu.memory_space<hbm>>) dst(%arg12 : memref<128x128xf32, #tpu.memory_space<vmem>>)
    %add3A_223 = arith.constant 768 : i32
    %add3A_224 = arith.addi %mul3A_2, %add3A_223 : i32
    "tpu.region"() ({
      %run_scoped3A = tpu.sem_alloc : memref<!tpu.dma_semaphore, #tpu.memory_space<semaphore_mem>>
      %dma_start3A_301 = arith.constant 0 : i32
      %dma_start3A_302 = tpu.memref_slice %arg6[%add3A_224, %dma_start3A_301] : memref<40960x128xf32, #tpu.memory_space<hbm>> -> memref<128x128xf32, #tpu.memory_space<hbm>>
      %dma_start3A_303 = arith.constant 0 : i32
      %dma_start3A_304 = tpu.memref_slice %arg6[%add3A_224, %dma_start3A_303] : memref<40960x128xf32, #tpu.memory_space<hbm>> -> memref<128x128xf32, #tpu.memory_space<hbm>>
      tpu.enqueue_dma source(%arg10 : memref<128x128xf32, #tpu.memory_space<vmem>>) target(%dma_start3A_304 : memref<128x128xf32, #tpu.memory_space<hbm>>) target_semaphore(%run_scoped3A : memref<!tpu.dma_semaphore, #tpu.memory_space<semaphore_mem>>)
      %dma_wait3A_305 = arith.constant 0 : i32
      %dma_wait3A_306 = tpu.memref_slice %arg6[%add3A_224, %dma_wait3A_305] : memref<40960x128xf32, #tpu.memory_space<hbm>> -> memref<128x128xf32, #tpu.memory_space<hbm>>
      %dma_wait3A_307 = arith.constant 0 : i32
      %dma_wait3A_308 = tpu.memref_slice %arg6[%add3A_224, %dma_wait3A_307] : memref<40960x128xf32, #tpu.memory_space<hbm>> -> memref<128x128xf32, #tpu.memory_space<hbm>>
      tpu.wait_dma2 semaphore(%run_scoped3A : memref<!tpu.dma_semaphore, #tpu.memory_space<semaphore_mem>>) src(%arg10 : memref<128x128xf32, #tpu.memory_space<vmem>>) dst(%dma_wait3A_308 : memref<128x128xf32, #tpu.memory_space<hbm>>)
      tpu.yield
    }) : () -> ()
    "tpu.region"() ({
      %run_scoped3A = tpu.sem_alloc : memref<!tpu.dma_semaphore, #tpu.memory_space<semaphore_mem>>
      %dma_start3A_301 = arith.constant 0 : i32
      %dma_start3A_302 = tpu.memref_slice %arg7[%add3A_224, %dma_start3A_301] : memref<40960x128xf32, #tpu.memory_space<hbm>> -> memref<128x128xf32, #tpu.memory_space<hbm>>
      %dma_start3A_303 = arith.constant 0 : i32
      %dma_start3A_304 = tpu.memref_slice %arg7[%add3A_224, %dma_start3A_303] : memref<40960x128xf32, #tpu.memory_space<hbm>> -> memref<128x128xf32, #tpu.memory_space<hbm>>
      tpu.enqueue_dma source(%arg12 : memref<128x128xf32, #tpu.memory_space<vmem>>) target(%dma_start3A_304 : memref<128x128xf32, #tpu.memory_space<hbm>>) target_semaphore(%run_scoped3A : memref<!tpu.dma_semaphore, #tpu.memory_space<semaphore_mem>>)
      %dma_wait3A_305 = arith.constant 0 : i32
      %dma_wait3A_306 = tpu.memref_slice %arg7[%add3A_224, %dma_wait3A_305] : memref<40960x128xf32, #tpu.memory_space<hbm>> -> memref<128x128xf32, #tpu.memory_space<hbm>>
      %dma_wait3A_307 = arith.constant 0 : i32
      %dma_wait3A_308 = tpu.memref_slice %arg7[%add3A_224, %dma_wait3A_307] : memref<40960x128xf32, #tpu.memory_space<hbm>> -> memref<128x128xf32, #tpu.memory_space<hbm>>
      tpu.wait_dma2 semaphore(%run_scoped3A : memref<!tpu.dma_semaphore, #tpu.memory_space<semaphore_mem>>) src(%arg12 : memref<128x128xf32, #tpu.memory_space<vmem>>) dst(%dma_wait3A_308 : memref<128x128xf32, #tpu.memory_space<hbm>>)
      tpu.yield
    }) : () -> ()
    %dma_start3A_225 = arith.constant 8 : i32
    %dma_start3A_226 = arith.constant 0 : i32
    %dma_start3A_227 = tpu.memref_slice %arg8[%dma_start3A_225, %dma_start3A_226] : memref<10x128xi32, #tpu.memory_space<vmem>> -> memref<1x128xi32, #tpu.memory_space<vmem>>
    %dma_start3A_228 = tpu.memref_squeeze %dma_start3A_227 : memref<1x128xi32, #tpu.memory_space<vmem>> -> memref<128xi32, #tpu.memory_space<vmem>>
    %dma_start3A_229 = arith.constant 0 : i32
    %dma_start3A_230 = arith.constant 0 : i32
    %dma_start3A_231 = tpu.memref_slice %arg2[%dma_start3A_229, %dma_start3A_230] : memref<2048x128xf32, #tpu.memory_space<hbm>> -> memref<2048x128xf32, #tpu.memory_space<hbm>>
    tpu.enqueue_indirect_dma source(%dma_start3A_231 : memref<2048x128xf32, #tpu.memory_space<hbm>>) target(%arg10 : memref<128x128xf32, #tpu.memory_space<vmem>>) offsets(%dma_start3A_228 : memref<128xi32, #tpu.memory_space<vmem>>) semaphore(%arg14 : memref<!tpu.dma_semaphore, #tpu.memory_space<semaphore_mem>>)
    %dma_start3A_232 = arith.constant 8 : i32
    %dma_start3A_233 = arith.constant 0 : i32
    %dma_start3A_234 = tpu.memref_slice %arg9[%dma_start3A_232, %dma_start3A_233] : memref<10x128xi32, #tpu.memory_space<vmem>> -> memref<1x128xi32, #tpu.memory_space<vmem>>
    %dma_start3A_235 = tpu.memref_squeeze %dma_start3A_234 : memref<1x128xi32, #tpu.memory_space<vmem>> -> memref<128xi32, #tpu.memory_space<vmem>>
    %dma_start3A_236 = arith.constant 0 : i32
    %dma_start3A_237 = arith.constant 0 : i32
    %dma_start3A_238 = tpu.memref_slice %arg3[%dma_start3A_236, %dma_start3A_237] : memref<2048x128xf32, #tpu.memory_space<hbm>> -> memref<2048x128xf32, #tpu.memory_space<hbm>>
    tpu.enqueue_indirect_dma source(%dma_start3A_238 : memref<2048x128xf32, #tpu.memory_space<hbm>>) target(%arg12 : memref<128x128xf32, #tpu.memory_space<vmem>>) offsets(%dma_start3A_235 : memref<128xi32, #tpu.memory_space<vmem>>) semaphore(%arg14 : memref<!tpu.dma_semaphore, #tpu.memory_space<semaphore_mem>>)
    %dma_wait3A_239 = arith.constant 7 : i32
    %dma_wait3A_240 = arith.constant 0 : i32
    %dma_wait3A_241 = tpu.memref_slice %arg8[%dma_wait3A_239, %dma_wait3A_240] : memref<10x128xi32, #tpu.memory_space<vmem>> -> memref<1x128xi32, #tpu.memory_space<vmem>>
    %dma_wait3A_242 = tpu.memref_squeeze %dma_wait3A_241 : memref<1x128xi32, #tpu.memory_space<vmem>> -> memref<128xi32, #tpu.memory_space<vmem>>
    %dma_wait3A_243 = arith.constant 0 : i32
    %dma_wait3A_244 = arith.constant 0 : i32
    %dma_wait3A_245 = tpu.memref_slice %arg2[%dma_wait3A_243, %dma_wait3A_244] : memref<2048x128xf32, #tpu.memory_space<hbm>> -> memref<2048x128xf32, #tpu.memory_space<hbm>>
    tpu.wait_indirect_dma semaphore(%arg15 : memref<!tpu.dma_semaphore, #tpu.memory_space<semaphore_mem>>) src(%dma_wait3A_245 : memref<2048x128xf32, #tpu.memory_space<hbm>>) dst(%arg11 : memref<128x128xf32, #tpu.memory_space<vmem>>)
    %dma_wait3A_246 = arith.constant 7 : i32
    %dma_wait3A_247 = arith.constant 0 : i32
    %dma_wait3A_248 = tpu.memref_slice %arg9[%dma_wait3A_246, %dma_wait3A_247] : memref<10x128xi32, #tpu.memory_space<vmem>> -> memref<1x128xi32, #tpu.memory_space<vmem>>
    %dma_wait3A_249 = tpu.memref_squeeze %dma_wait3A_248 : memref<1x128xi32, #tpu.memory_space<vmem>> -> memref<128xi32, #tpu.memory_space<vmem>>
    %dma_wait3A_250 = arith.constant 0 : i32
    %dma_wait3A_251 = arith.constant 0 : i32
    %dma_wait3A_252 = tpu.memref_slice %arg3[%dma_wait3A_250, %dma_wait3A_251] : memref<2048x128xf32, #tpu.memory_space<hbm>> -> memref<2048x128xf32, #tpu.memory_space<hbm>>
    tpu.wait_indirect_dma semaphore(%arg15 : memref<!tpu.dma_semaphore, #tpu.memory_space<semaphore_mem>>) src(%dma_wait3A_252 : memref<2048x128xf32, #tpu.memory_space<hbm>>) dst(%arg13 : memref<128x128xf32, #tpu.memory_space<vmem>>)
    %add3A_253 = arith.constant 896 : i32
    %add3A_254 = arith.addi %mul3A_2, %add3A_253 : i32
    "tpu.region"() ({
      %run_scoped3A = tpu.sem_alloc : memref<!tpu.dma_semaphore, #tpu.memory_space<semaphore_mem>>
      %dma_start3A_301 = arith.constant 0 : i32
      %dma_start3A_302 = tpu.memref_slice %arg6[%add3A_254, %dma_start3A_301] : memref<40960x128xf32, #tpu.memory_space<hbm>> -> memref<128x128xf32, #tpu.memory_space<hbm>>
      %dma_start3A_303 = arith.constant 0 : i32
      %dma_start3A_304 = tpu.memref_slice %arg6[%add3A_254, %dma_start3A_303] : memref<40960x128xf32, #tpu.memory_space<hbm>> -> memref<128x128xf32, #tpu.memory_space<hbm>>
      tpu.enqueue_dma source(%arg11 : memref<128x128xf32, #tpu.memory_space<vmem>>) target(%dma_start3A_304 : memref<128x128xf32, #tpu.memory_space<hbm>>) target_semaphore(%run_scoped3A : memref<!tpu.dma_semaphore, #tpu.memory_space<semaphore_mem>>)
      %dma_wait3A_305 = arith.constant 0 : i32
      %dma_wait3A_306 = tpu.memref_slice %arg6[%add3A_254, %dma_wait3A_305] : memref<40960x128xf32, #tpu.memory_space<hbm>> -> memref<128x128xf32, #tpu.memory_space<hbm>>
      %dma_wait3A_307 = arith.constant 0 : i32
      %dma_wait3A_308 = tpu.memref_slice %arg6[%add3A_254, %dma_wait3A_307] : memref<40960x128xf32, #tpu.memory_space<hbm>> -> memref<128x128xf32, #tpu.memory_space<hbm>>
      tpu.wait_dma2 semaphore(%run_scoped3A : memref<!tpu.dma_semaphore, #tpu.memory_space<semaphore_mem>>) src(%arg11 : memref<128x128xf32, #tpu.memory_space<vmem>>) dst(%dma_wait3A_308 : memref<128x128xf32, #tpu.memory_space<hbm>>)
      tpu.yield
    }) : () -> ()
    "tpu.region"() ({
      %run_scoped3A = tpu.sem_alloc : memref<!tpu.dma_semaphore, #tpu.memory_space<semaphore_mem>>
      %dma_start3A_301 = arith.constant 0 : i32
      %dma_start3A_302 = tpu.memref_slice %arg7[%add3A_254, %dma_start3A_301] : memref<40960x128xf32, #tpu.memory_space<hbm>> -> memref<128x128xf32, #tpu.memory_space<hbm>>
      %dma_start3A_303 = arith.constant 0 : i32
      %dma_start3A_304 = tpu.memref_slice %arg7[%add3A_254, %dma_start3A_303] : memref<40960x128xf32, #tpu.memory_space<hbm>> -> memref<128x128xf32, #tpu.memory_space<hbm>>
      tpu.enqueue_dma source(%arg13 : memref<128x128xf32, #tpu.memory_space<vmem>>) target(%dma_start3A_304 : memref<128x128xf32, #tpu.memory_space<hbm>>) target_semaphore(%run_scoped3A : memref<!tpu.dma_semaphore, #tpu.memory_space<semaphore_mem>>)
      %dma_wait3A_305 = arith.constant 0 : i32
      %dma_wait3A_306 = tpu.memref_slice %arg7[%add3A_254, %dma_wait3A_305] : memref<40960x128xf32, #tpu.memory_space<hbm>> -> memref<128x128xf32, #tpu.memory_space<hbm>>
      %dma_wait3A_307 = arith.constant 0 : i32
      %dma_wait3A_308 = tpu.memref_slice %arg7[%add3A_254, %dma_wait3A_307] : memref<40960x128xf32, #tpu.memory_space<hbm>> -> memref<128x128xf32, #tpu.memory_space<hbm>>
      tpu.wait_dma2 semaphore(%run_scoped3A : memref<!tpu.dma_semaphore, #tpu.memory_space<semaphore_mem>>) src(%arg13 : memref<128x128xf32, #tpu.memory_space<vmem>>) dst(%dma_wait3A_308 : memref<128x128xf32, #tpu.memory_space<hbm>>)
      tpu.yield
    }) : () -> ()
    %dma_start3A_255 = arith.constant 9 : i32
    %dma_start3A_256 = arith.constant 0 : i32
    %dma_start3A_257 = tpu.memref_slice %arg8[%dma_start3A_255, %dma_start3A_256] : memref<10x128xi32, #tpu.memory_space<vmem>> -> memref<1x128xi32, #tpu.memory_space<vmem>>
    %dma_start3A_258 = tpu.memref_squeeze %dma_start3A_257 : memref<1x128xi32, #tpu.memory_space<vmem>> -> memref<128xi32, #tpu.memory_space<vmem>>
    %dma_start3A_259 = arith.constant 0 : i32
    %dma_start3A_260 = arith.constant 0 : i32
    %dma_start3A_261 = tpu.memref_slice %arg2[%dma_start3A_259, %dma_start3A_260] : memref<2048x128xf32, #tpu.memory_space<hbm>> -> memref<2048x128xf32, #tpu.memory_space<hbm>>
    tpu.enqueue_indirect_dma source(%dma_start3A_261 : memref<2048x128xf32, #tpu.memory_space<hbm>>) target(%arg11 : memref<128x128xf32, #tpu.memory_space<vmem>>) offsets(%dma_start3A_258 : memref<128xi32, #tpu.memory_space<vmem>>) semaphore(%arg15 : memref<!tpu.dma_semaphore, #tpu.memory_space<semaphore_mem>>)
    %dma_start3A_262 = arith.constant 9 : i32
    %dma_start3A_263 = arith.constant 0 : i32
    %dma_start3A_264 = tpu.memref_slice %arg9[%dma_start3A_262, %dma_start3A_263] : memref<10x128xi32, #tpu.memory_space<vmem>> -> memref<1x128xi32, #tpu.memory_space<vmem>>
    %dma_start3A_265 = tpu.memref_squeeze %dma_start3A_264 : memref<1x128xi32, #tpu.memory_space<vmem>> -> memref<128xi32, #tpu.memory_space<vmem>>
    %dma_start3A_266 = arith.constant 0 : i32
    %dma_start3A_267 = arith.constant 0 : i32
    %dma_start3A_268 = tpu.memref_slice %arg3[%dma_start3A_266, %dma_start3A_267] : memref<2048x128xf32, #tpu.memory_space<hbm>> -> memref<2048x128xf32, #tpu.memory_space<hbm>>
    tpu.enqueue_indirect_dma source(%dma_start3A_268 : memref<2048x128xf32, #tpu.memory_space<hbm>>) target(%arg13 : memref<128x128xf32, #tpu.memory_space<vmem>>) offsets(%dma_start3A_265 : memref<128xi32, #tpu.memory_space<vmem>>) semaphore(%arg15 : memref<!tpu.dma_semaphore, #tpu.memory_space<semaphore_mem>>)
    %dma_wait3A_269 = arith.constant 8 : i32
    %dma_wait3A_270 = arith.constant 0 : i32
    %dma_wait3A_271 = tpu.memref_slice %arg8[%dma_wait3A_269, %dma_wait3A_270] : memref<10x128xi32, #tpu.memory_space<vmem>> -> memref<1x128xi32, #tpu.memory_space<vmem>>
    %dma_wait3A_272 = tpu.memref_squeeze %dma_wait3A_271 : memref<1x128xi32, #tpu.memory_space<vmem>> -> memref<128xi32, #tpu.memory_space<vmem>>
    %dma_wait3A_273 = arith.constant 0 : i32
    %dma_wait3A_274 = arith.constant 0 : i32
    %dma_wait3A_275 = tpu.memref_slice %arg2[%dma_wait3A_273, %dma_wait3A_274] : memref<2048x128xf32, #tpu.memory_space<hbm>> -> memref<2048x128xf32, #tpu.memory_space<hbm>>
    tpu.wait_indirect_dma semaphore(%arg14 : memref<!tpu.dma_semaphore, #tpu.memory_space<semaphore_mem>>) src(%dma_wait3A_275 : memref<2048x128xf32, #tpu.memory_space<hbm>>) dst(%arg10 : memref<128x128xf32, #tpu.memory_space<vmem>>)
    %dma_wait3A_276 = arith.constant 8 : i32
    %dma_wait3A_277 = arith.constant 0 : i32
    %dma_wait3A_278 = tpu.memref_slice %arg9[%dma_wait3A_276, %dma_wait3A_277] : memref<10x128xi32, #tpu.memory_space<vmem>> -> memref<1x128xi32, #tpu.memory_space<vmem>>
    %dma_wait3A_279 = tpu.memref_squeeze %dma_wait3A_278 : memref<1x128xi32, #tpu.memory_space<vmem>> -> memref<128xi32, #tpu.memory_space<vmem>>
    %dma_wait3A_280 = arith.constant 0 : i32
    %dma_wait3A_281 = arith.constant 0 : i32
    %dma_wait3A_282 = tpu.memref_slice %arg3[%dma_wait3A_280, %dma_wait3A_281] : memref<2048x128xf32, #tpu.memory_space<hbm>> -> memref<2048x128xf32, #tpu.memory_space<hbm>>
    tpu.wait_indirect_dma semaphore(%arg14 : memref<!tpu.dma_semaphore, #tpu.memory_space<semaphore_mem>>) src(%dma_wait3A_282 : memref<2048x128xf32, #tpu.memory_space<hbm>>) dst(%arg12 : memref<128x128xf32, #tpu.memory_space<vmem>>)
    %add3A_283 = arith.constant 1024 : i32
    %add3A_284 = arith.addi %mul3A_2, %add3A_283 : i32
    "tpu.region"() ({
      %run_scoped3A = tpu.sem_alloc : memref<!tpu.dma_semaphore, #tpu.memory_space<semaphore_mem>>
      %dma_start3A_301 = arith.constant 0 : i32
      %dma_start3A_302 = tpu.memref_slice %arg6[%add3A_284, %dma_start3A_301] : memref<40960x128xf32, #tpu.memory_space<hbm>> -> memref<128x128xf32, #tpu.memory_space<hbm>>
      %dma_start3A_303 = arith.constant 0 : i32
      %dma_start3A_304 = tpu.memref_slice %arg6[%add3A_284, %dma_start3A_303] : memref<40960x128xf32, #tpu.memory_space<hbm>> -> memref<128x128xf32, #tpu.memory_space<hbm>>
      tpu.enqueue_dma source(%arg10 : memref<128x128xf32, #tpu.memory_space<vmem>>) target(%dma_start3A_304 : memref<128x128xf32, #tpu.memory_space<hbm>>) target_semaphore(%run_scoped3A : memref<!tpu.dma_semaphore, #tpu.memory_space<semaphore_mem>>)
      %dma_wait3A_305 = arith.constant 0 : i32
      %dma_wait3A_306 = tpu.memref_slice %arg6[%add3A_284, %dma_wait3A_305] : memref<40960x128xf32, #tpu.memory_space<hbm>> -> memref<128x128xf32, #tpu.memory_space<hbm>>
      %dma_wait3A_307 = arith.constant 0 : i32
      %dma_wait3A_308 = tpu.memref_slice %arg6[%add3A_284, %dma_wait3A_307] : memref<40960x128xf32, #tpu.memory_space<hbm>> -> memref<128x128xf32, #tpu.memory_space<hbm>>
      tpu.wait_dma2 semaphore(%run_scoped3A : memref<!tpu.dma_semaphore, #tpu.memory_space<semaphore_mem>>) src(%arg10 : memref<128x128xf32, #tpu.memory_space<vmem>>) dst(%dma_wait3A_308 : memref<128x128xf32, #tpu.memory_space<hbm>>)
      tpu.yield
    }) : () -> ()
    "tpu.region"() ({
      %run_scoped3A = tpu.sem_alloc : memref<!tpu.dma_semaphore, #tpu.memory_space<semaphore_mem>>
      %dma_start3A_301 = arith.constant 0 : i32
      %dma_start3A_302 = tpu.memref_slice %arg7[%add3A_284, %dma_start3A_301] : memref<40960x128xf32, #tpu.memory_space<hbm>> -> memref<128x128xf32, #tpu.memory_space<hbm>>
      %dma_start3A_303 = arith.constant 0 : i32
      %dma_start3A_304 = tpu.memref_slice %arg7[%add3A_284, %dma_start3A_303] : memref<40960x128xf32, #tpu.memory_space<hbm>> -> memref<128x128xf32, #tpu.memory_space<hbm>>
      tpu.enqueue_dma source(%arg12 : memref<128x128xf32, #tpu.memory_space<vmem>>) target(%dma_start3A_304 : memref<128x128xf32, #tpu.memory_space<hbm>>) target_semaphore(%run_scoped3A : memref<!tpu.dma_semaphore, #tpu.memory_space<semaphore_mem>>)
      %dma_wait3A_305 = arith.constant 0 : i32
      %dma_wait3A_306 = tpu.memref_slice %arg7[%add3A_284, %dma_wait3A_305] : memref<40960x128xf32, #tpu.memory_space<hbm>> -> memref<128x128xf32, #tpu.memory_space<hbm>>
      %dma_wait3A_307 = arith.constant 0 : i32
      %dma_wait3A_308 = tpu.memref_slice %arg7[%add3A_284, %dma_wait3A_307] : memref<40960x128xf32, #tpu.memory_space<hbm>> -> memref<128x128xf32, #tpu.memory_space<hbm>>
      tpu.wait_dma2 semaphore(%run_scoped3A : memref<!tpu.dma_semaphore, #tpu.memory_space<semaphore_mem>>) src(%arg12 : memref<128x128xf32, #tpu.memory_space<vmem>>) dst(%dma_wait3A_308 : memref<128x128xf32, #tpu.memory_space<hbm>>)
      tpu.yield
    }) : () -> ()
    %dma_wait3A_285 = arith.constant 9 : i32
    %dma_wait3A_286 = arith.constant 0 : i32
    %dma_wait3A_287 = tpu.memref_slice %arg8[%dma_wait3A_285, %dma_wait3A_286] : memref<10x128xi32, #tpu.memory_space<vmem>> -> memref<1x128xi32, #tpu.memory_space<vmem>>
    %dma_wait3A_288 = tpu.memref_squeeze %dma_wait3A_287 : memref<1x128xi32, #tpu.memory_space<vmem>> -> memref<128xi32, #tpu.memory_space<vmem>>
    %dma_wait3A_289 = arith.constant 0 : i32
    %dma_wait3A_290 = arith.constant 0 : i32
    %dma_wait3A_291 = tpu.memref_slice %arg2[%dma_wait3A_289, %dma_wait3A_290] : memref<2048x128xf32, #tpu.memory_space<hbm>> -> memref<2048x128xf32, #tpu.memory_space<hbm>>
    tpu.wait_indirect_dma semaphore(%arg15 : memref<!tpu.dma_semaphore, #tpu.memory_space<semaphore_mem>>) src(%dma_wait3A_291 : memref<2048x128xf32, #tpu.memory_space<hbm>>) dst(%arg11 : memref<128x128xf32, #tpu.memory_space<vmem>>)
    %dma_wait3A_292 = arith.constant 9 : i32
    %dma_wait3A_293 = arith.constant 0 : i32
    %dma_wait3A_294 = tpu.memref_slice %arg9[%dma_wait3A_292, %dma_wait3A_293] : memref<10x128xi32, #tpu.memory_space<vmem>> -> memref<1x128xi32, #tpu.memory_space<vmem>>
    %dma_wait3A_295 = tpu.memref_squeeze %dma_wait3A_294 : memref<1x128xi32, #tpu.memory_space<vmem>> -> memref<128xi32, #tpu.memory_space<vmem>>
    %dma_wait3A_296 = arith.constant 0 : i32
    %dma_wait3A_297 = arith.constant 0 : i32
    %dma_wait3A_298 = tpu.memref_slice %arg3[%dma_wait3A_296, %dma_wait3A_297] : memref<2048x128xf32, #tpu.memory_space<hbm>> -> memref<2048x128xf32, #tpu.memory_space<hbm>>
    tpu.wait_indirect_dma semaphore(%arg15 : memref<!tpu.dma_semaphore, #tpu.memory_space<semaphore_mem>>) src(%dma_wait3A_298 : memref<2048x128xf32, #tpu.memory_space<hbm>>) dst(%arg13 : memref<128x128xf32, #tpu.memory_space<vmem>>)
    %add3A_299 = arith.constant 1152 : i32
    %add3A_300 = arith.addi %mul3A_2, %add3A_299 : i32
    "tpu.region"() ({
      %run_scoped3A = tpu.sem_alloc : memref<!tpu.dma_semaphore, #tpu.memory_space<semaphore_mem>>
      %dma_start3A_301 = arith.constant 0 : i32
      %dma_start3A_302 = tpu.memref_slice %arg6[%add3A_300, %dma_start3A_301] : memref<40960x128xf32, #tpu.memory_space<hbm>> -> memref<128x128xf32, #tpu.memory_space<hbm>>
      %dma_start3A_303 = arith.constant 0 : i32
      %dma_start3A_304 = tpu.memref_slice %arg6[%add3A_300, %dma_start3A_303] : memref<40960x128xf32, #tpu.memory_space<hbm>> -> memref<128x128xf32, #tpu.memory_space<hbm>>
      tpu.enqueue_dma source(%arg11 : memref<128x128xf32, #tpu.memory_space<vmem>>) target(%dma_start3A_304 : memref<128x128xf32, #tpu.memory_space<hbm>>) target_semaphore(%run_scoped3A : memref<!tpu.dma_semaphore, #tpu.memory_space<semaphore_mem>>)
      %dma_wait3A_305 = arith.constant 0 : i32
      %dma_wait3A_306 = tpu.memref_slice %arg6[%add3A_300, %dma_wait3A_305] : memref<40960x128xf32, #tpu.memory_space<hbm>> -> memref<128x128xf32, #tpu.memory_space<hbm>>
      %dma_wait3A_307 = arith.constant 0 : i32
      %dma_wait3A_308 = tpu.memref_slice %arg6[%add3A_300, %dma_wait3A_307] : memref<40960x128xf32, #tpu.memory_space<hbm>> -> memref<128x128xf32, #tpu.memory_space<hbm>>
      tpu.wait_dma2 semaphore(%run_scoped3A : memref<!tpu.dma_semaphore, #tpu.memory_space<semaphore_mem>>) src(%arg11 : memref<128x128xf32, #tpu.memory_space<vmem>>) dst(%dma_wait3A_308 : memref<128x128xf32, #tpu.memory_space<hbm>>)
      tpu.yield
    }) : () -> ()
    "tpu.region"() ({
      %run_scoped3A = tpu.sem_alloc : memref<!tpu.dma_semaphore, #tpu.memory_space<semaphore_mem>>
      %dma_start3A_301 = arith.constant 0 : i32
      %dma_start3A_302 = tpu.memref_slice %arg7[%add3A_300, %dma_start3A_301] : memref<40960x128xf32, #tpu.memory_space<hbm>> -> memref<128x128xf32, #tpu.memory_space<hbm>>
      %dma_start3A_303 = arith.constant 0 : i32
      %dma_start3A_304 = tpu.memref_slice %arg7[%add3A_300, %dma_start3A_303] : memref<40960x128xf32, #tpu.memory_space<hbm>> -> memref<128x128xf32, #tpu.memory_space<hbm>>
      tpu.enqueue_dma source(%arg13 : memref<128x128xf32, #tpu.memory_space<vmem>>) target(%dma_start3A_304 : memref<128x128xf32, #tpu.memory_space<hbm>>) target_semaphore(%run_scoped3A : memref<!tpu.dma_semaphore, #tpu.memory_space<semaphore_mem>>)
      %dma_wait3A_305 = arith.constant 0 : i32
      %dma_wait3A_306 = tpu.memref_slice %arg7[%add3A_300, %dma_wait3A_305] : memref<40960x128xf32, #tpu.memory_space<hbm>> -> memref<128x128xf32, #tpu.memory_space<hbm>>
      %dma_wait3A_307 = arith.constant 0 : i32
      %dma_wait3A_308 = tpu.memref_slice %arg7[%add3A_300, %dma_wait3A_307] : memref<40960x128xf32, #tpu.memory_space<hbm>> -> memref<128x128xf32, #tpu.memory_space<hbm>>
      tpu.wait_dma2 semaphore(%run_scoped3A : memref<!tpu.dma_semaphore, #tpu.memory_space<semaphore_mem>>) src(%arg13 : memref<128x128xf32, #tpu.memory_space<vmem>>) dst(%dma_wait3A_308 : memref<128x128xf32, #tpu.memory_space<hbm>>)
      tpu.yield
    }) : () -> ()
    return
  }
}

#map = affine_map<(d0, d1) -> (0, 0)>
#map1 = affine_map<(d0, d1) -> (0, 0, 0)>
module attributes {stable_mosaic.version = 14 : i64} {
  func.func @_sc_pgather_body(%arg0: i32, %arg1: i32, %arg2: memref<40960x128xf32, #tpu.memory_space<hbm>>, %arg3: memref<32x32x128xi32, #tpu.memory_space<hbm>>, %arg4: memref<131072x128xf32, #tpu.memory_space<hbm>>, %arg5: memref<32x128xi32, #tpu.memory_space<vmem>>, %arg6: memref<128x128xf32, #tpu.memory_space<vmem>>, %arg7: memref<128x128xf32, #tpu.memory_space<vmem>>, %arg8: memref<128x128xf32, #tpu.memory_space<vmem>>, %arg9: memref<128x128xf32, #tpu.memory_space<vmem>>, %arg10: memref<!tpu.dma_semaphore, #tpu.memory_space<semaphore_mem>>, %arg11: memref<!tpu.dma_semaphore, #tpu.memory_space<semaphore_mem>>, %arg12: memref<!tpu.dma_semaphore, #tpu.memory_space<semaphore_mem>>, %arg13: memref<!tpu.dma_semaphore, #tpu.memory_space<semaphore_mem>>) attributes {dimension_semantics = [#tpu.dimension_semantics<core_parallel>, #tpu.dimension_semantics<subcore_parallel>], iteration_bounds = array<i64: 2, 16>, scalar_prefetch = 0 : i64, scratch_operands = 9 : i64, tpu.core_type = #tpu.core_type<sc_vector_subcore>, window_params = [{transform_indices = #map}, {transform_indices = #map1}, {transform_indices = #map}]} {
    %mul3A = arith.constant 2 : i32
    %mul3A_0 = arith.muli %arg1, %mul3A : i32
    %add3A = arith.addi %mul3A_0, %arg0 : i32
    %mul3A_1 = arith.constant 4096 : i32
    %mul3A_2 = arith.muli %add3A, %mul3A_1 : i32
    "tpu.region"() ({
      %run_scoped3A = tpu.sem_alloc : memref<!tpu.dma_semaphore, #tpu.memory_space<semaphore_mem>>
      %dma_start3A = arith.constant 0 : i32
      %dma_start3A_8 = arith.constant 0 : i32
      %dma_start3A_9 = tpu.memref_slice %arg3[%add3A, %dma_start3A, %dma_start3A_8] : memref<32x32x128xi32, #tpu.memory_space<hbm>> -> memref<1x32x128xi32, #tpu.memory_space<hbm>>
      %dma_start3A_10 = tpu.memref_squeeze %dma_start3A_9 : memref<1x32x128xi32, #tpu.memory_space<hbm>> -> memref<32x128xi32, #tpu.memory_space<hbm>>
      %dma_start3A_11 = arith.constant 0 : i32
      %dma_start3A_12 = arith.constant 0 : i32
      %dma_start3A_13 = tpu.memref_slice %arg3[%add3A, %dma_start3A_11, %dma_start3A_12] : memref<32x32x128xi32, #tpu.memory_space<hbm>> -> memref<1x32x128xi32, #tpu.memory_space<hbm>>
      %dma_start3A_14 = tpu.memref_squeeze %dma_start3A_13 : memref<1x32x128xi32, #tpu.memory_space<hbm>> -> memref<32x128xi32, #tpu.memory_space<hbm>>
      tpu.enqueue_dma source(%dma_start3A_14 : memref<32x128xi32, #tpu.memory_space<hbm>>) target(%arg5 : memref<32x128xi32, #tpu.memory_space<vmem>>) target_semaphore(%run_scoped3A : memref<!tpu.dma_semaphore, #tpu.memory_space<semaphore_mem>>)
      %dma_wait3A = arith.constant 0 : i32
      %dma_wait3A_15 = arith.constant 0 : i32
      %dma_wait3A_16 = tpu.memref_slice %arg3[%add3A, %dma_wait3A, %dma_wait3A_15] : memref<32x32x128xi32, #tpu.memory_space<hbm>> -> memref<1x32x128xi32, #tpu.memory_space<hbm>>
      %dma_wait3A_17 = tpu.memref_squeeze %dma_wait3A_16 : memref<1x32x128xi32, #tpu.memory_space<hbm>> -> memref<32x128xi32, #tpu.memory_space<hbm>>
      %dma_wait3A_18 = arith.constant 0 : i32
      %dma_wait3A_19 = arith.constant 0 : i32
      %dma_wait3A_20 = tpu.memref_slice %arg3[%add3A, %dma_wait3A_18, %dma_wait3A_19] : memref<32x32x128xi32, #tpu.memory_space<hbm>> -> memref<1x32x128xi32, #tpu.memory_space<hbm>>
      %dma_wait3A_21 = tpu.memref_squeeze %dma_wait3A_20 : memref<1x32x128xi32, #tpu.memory_space<hbm>> -> memref<32x128xi32, #tpu.memory_space<hbm>>
      tpu.wait_dma2 semaphore(%run_scoped3A : memref<!tpu.dma_semaphore, #tpu.memory_space<semaphore_mem>>) src(%dma_wait3A_21 : memref<32x128xi32, #tpu.memory_space<hbm>>) dst(%arg5 : memref<32x128xi32, #tpu.memory_space<vmem>>)
      tpu.yield
    }) : () -> ()
    %scan3A = arith.constant 0 : i32
    %scan3A_3 = arith.constant 0 : i32
    %scan3A_4 = arith.constant 8 : i32
    %scan3A_5 = arith.addi %scan3A_3, %scan3A_4 : i32
    %scan3A_6 = arith.constant 1 : i32
    scf.for %scan3A_8 = %scan3A_3 to %scan3A_5 step %scan3A_6  : i32 {
      %mul3A_9 = arith.constant 4 : i32
      %mul3A_10 = arith.muli %mul3A_9, %scan3A_8 : i32
      %add3A_11 = arith.constant 0 : i32
      %add3A_12 = arith.addi %mul3A_10, %add3A_11 : i32
      %dma_start3A = arith.constant 0 : i32
      %dma_start3A_13 = tpu.memref_slice %arg5[%add3A_12, %dma_start3A] : memref<32x128xi32, #tpu.memory_space<vmem>> -> memref<1x128xi32, #tpu.memory_space<vmem>>
      %dma_start3A_14 = tpu.memref_squeeze %dma_start3A_13 : memref<1x128xi32, #tpu.memory_space<vmem>> -> memref<128xi32, #tpu.memory_space<vmem>>
      %dma_start3A_15 = arith.constant 0 : i32
      %dma_start3A_16 = arith.constant 0 : i32
      %dma_start3A_17 = tpu.memref_slice %arg2[%dma_start3A_15, %dma_start3A_16] : memref<40960x128xf32, #tpu.memory_space<hbm>> -> memref<40960x128xf32, #tpu.memory_space<hbm>>
      tpu.enqueue_indirect_dma source(%dma_start3A_17 : memref<40960x128xf32, #tpu.memory_space<hbm>>) target(%arg6 : memref<128x128xf32, #tpu.memory_space<vmem>>) offsets(%dma_start3A_14 : memref<128xi32, #tpu.memory_space<vmem>>) semaphore(%arg10 : memref<!tpu.dma_semaphore, #tpu.memory_space<semaphore_mem>>)
      %add3A_18 = arith.constant 1 : i32
      %add3A_19 = arith.addi %mul3A_10, %add3A_18 : i32
      %dma_start3A_20 = arith.constant 0 : i32
      %dma_start3A_21 = tpu.memref_slice %arg5[%add3A_19, %dma_start3A_20] : memref<32x128xi32, #tpu.memory_space<vmem>> -> memref<1x128xi32, #tpu.memory_space<vmem>>
      %dma_start3A_22 = tpu.memref_squeeze %dma_start3A_21 : memref<1x128xi32, #tpu.memory_space<vmem>> -> memref<128xi32, #tpu.memory_space<vmem>>
      %dma_start3A_23 = arith.constant 0 : i32
      %dma_start3A_24 = arith.constant 0 : i32
      %dma_start3A_25 = tpu.memref_slice %arg2[%dma_start3A_23, %dma_start3A_24] : memref<40960x128xf32, #tpu.memory_space<hbm>> -> memref<40960x128xf32, #tpu.memory_space<hbm>>
      tpu.enqueue_indirect_dma source(%dma_start3A_25 : memref<40960x128xf32, #tpu.memory_space<hbm>>) target(%arg7 : memref<128x128xf32, #tpu.memory_space<vmem>>) offsets(%dma_start3A_22 : memref<128xi32, #tpu.memory_space<vmem>>) semaphore(%arg11 : memref<!tpu.dma_semaphore, #tpu.memory_space<semaphore_mem>>)
      %add3A_26 = arith.constant 2 : i32
      %add3A_27 = arith.addi %mul3A_10, %add3A_26 : i32
      %dma_start3A_28 = arith.constant 0 : i32
      %dma_start3A_29 = tpu.memref_slice %arg5[%add3A_27, %dma_start3A_28] : memref<32x128xi32, #tpu.memory_space<vmem>> -> memref<1x128xi32, #tpu.memory_space<vmem>>
      %dma_start3A_30 = tpu.memref_squeeze %dma_start3A_29 : memref<1x128xi32, #tpu.memory_space<vmem>> -> memref<128xi32, #tpu.memory_space<vmem>>
      %dma_start3A_31 = arith.constant 0 : i32
      %dma_start3A_32 = arith.constant 0 : i32
      %dma_start3A_33 = tpu.memref_slice %arg2[%dma_start3A_31, %dma_start3A_32] : memref<40960x128xf32, #tpu.memory_space<hbm>> -> memref<40960x128xf32, #tpu.memory_space<hbm>>
      tpu.enqueue_indirect_dma source(%dma_start3A_33 : memref<40960x128xf32, #tpu.memory_space<hbm>>) target(%arg8 : memref<128x128xf32, #tpu.memory_space<vmem>>) offsets(%dma_start3A_30 : memref<128xi32, #tpu.memory_space<vmem>>) semaphore(%arg12 : memref<!tpu.dma_semaphore, #tpu.memory_space<semaphore_mem>>)
      %add3A_34 = arith.constant 3 : i32
      %add3A_35 = arith.addi %mul3A_10, %add3A_34 : i32
      %dma_start3A_36 = arith.constant 0 : i32
      %dma_start3A_37 = tpu.memref_slice %arg5[%add3A_35, %dma_start3A_36] : memref<32x128xi32, #tpu.memory_space<vmem>> -> memref<1x128xi32, #tpu.memory_space<vmem>>
      %dma_start3A_38 = tpu.memref_squeeze %dma_start3A_37 : memref<1x128xi32, #tpu.memory_space<vmem>> -> memref<128xi32, #tpu.memory_space<vmem>>
      %dma_start3A_39 = arith.constant 0 : i32
      %dma_start3A_40 = arith.constant 0 : i32
      %dma_start3A_41 = tpu.memref_slice %arg2[%dma_start3A_39, %dma_start3A_40] : memref<40960x128xf32, #tpu.memory_space<hbm>> -> memref<40960x128xf32, #tpu.memory_space<hbm>>
      tpu.enqueue_indirect_dma source(%dma_start3A_41 : memref<40960x128xf32, #tpu.memory_space<hbm>>) target(%arg9 : memref<128x128xf32, #tpu.memory_space<vmem>>) offsets(%dma_start3A_38 : memref<128xi32, #tpu.memory_space<vmem>>) semaphore(%arg13 : memref<!tpu.dma_semaphore, #tpu.memory_space<semaphore_mem>>)
      %dma_wait3A = arith.constant 0 : i32
      %dma_wait3A_42 = tpu.memref_slice %arg5[%add3A_12, %dma_wait3A] : memref<32x128xi32, #tpu.memory_space<vmem>> -> memref<1x128xi32, #tpu.memory_space<vmem>>
      %dma_wait3A_43 = tpu.memref_squeeze %dma_wait3A_42 : memref<1x128xi32, #tpu.memory_space<vmem>> -> memref<128xi32, #tpu.memory_space<vmem>>
      %dma_wait3A_44 = arith.constant 0 : i32
      %dma_wait3A_45 = arith.constant 0 : i32
      %dma_wait3A_46 = tpu.memref_slice %arg2[%dma_wait3A_44, %dma_wait3A_45] : memref<40960x128xf32, #tpu.memory_space<hbm>> -> memref<40960x128xf32, #tpu.memory_space<hbm>>
      tpu.wait_indirect_dma semaphore(%arg10 : memref<!tpu.dma_semaphore, #tpu.memory_space<semaphore_mem>>) src(%dma_wait3A_46 : memref<40960x128xf32, #tpu.memory_space<hbm>>) dst(%arg6 : memref<128x128xf32, #tpu.memory_space<vmem>>)
      %add3A_47 = arith.constant 0 : i32
      %add3A_48 = arith.addi %mul3A_10, %add3A_47 : i32
      %mul3A_49 = arith.constant 128 : i32
      %mul3A_50 = arith.muli %add3A_48, %mul3A_49 : i32
      %add3A_51 = arith.addi %mul3A_2, %mul3A_50 : i32
      "tpu.region"() ({
        %run_scoped3A = tpu.sem_alloc : memref<!tpu.dma_semaphore, #tpu.memory_space<semaphore_mem>>
        %dma_start3A_85 = arith.constant 0 : i32
        %dma_start3A_86 = tpu.memref_slice %arg4[%add3A_51, %dma_start3A_85] : memref<131072x128xf32, #tpu.memory_space<hbm>> -> memref<128x128xf32, #tpu.memory_space<hbm>>
        %dma_start3A_87 = arith.constant 0 : i32
        %dma_start3A_88 = tpu.memref_slice %arg4[%add3A_51, %dma_start3A_87] : memref<131072x128xf32, #tpu.memory_space<hbm>> -> memref<128x128xf32, #tpu.memory_space<hbm>>
        tpu.enqueue_dma source(%arg6 : memref<128x128xf32, #tpu.memory_space<vmem>>) target(%dma_start3A_88 : memref<128x128xf32, #tpu.memory_space<hbm>>) target_semaphore(%run_scoped3A : memref<!tpu.dma_semaphore, #tpu.memory_space<semaphore_mem>>)
        %dma_wait3A_89 = arith.constant 0 : i32
        %dma_wait3A_90 = tpu.memref_slice %arg4[%add3A_51, %dma_wait3A_89] : memref<131072x128xf32, #tpu.memory_space<hbm>> -> memref<128x128xf32, #tpu.memory_space<hbm>>
        %dma_wait3A_91 = arith.constant 0 : i32
        %dma_wait3A_92 = tpu.memref_slice %arg4[%add3A_51, %dma_wait3A_91] : memref<131072x128xf32, #tpu.memory_space<hbm>> -> memref<128x128xf32, #tpu.memory_space<hbm>>
        tpu.wait_dma2 semaphore(%run_scoped3A : memref<!tpu.dma_semaphore, #tpu.memory_space<semaphore_mem>>) src(%arg6 : memref<128x128xf32, #tpu.memory_space<vmem>>) dst(%dma_wait3A_92 : memref<128x128xf32, #tpu.memory_space<hbm>>)
        tpu.yield
      }) : () -> ()
      %dma_wait3A_52 = arith.constant 0 : i32
      %dma_wait3A_53 = tpu.memref_slice %arg5[%add3A_19, %dma_wait3A_52] : memref<32x128xi32, #tpu.memory_space<vmem>> -> memref<1x128xi32, #tpu.memory_space<vmem>>
      %dma_wait3A_54 = tpu.memref_squeeze %dma_wait3A_53 : memref<1x128xi32, #tpu.memory_space<vmem>> -> memref<128xi32, #tpu.memory_space<vmem>>
      %dma_wait3A_55 = arith.constant 0 : i32
      %dma_wait3A_56 = arith.constant 0 : i32
      %dma_wait3A_57 = tpu.memref_slice %arg2[%dma_wait3A_55, %dma_wait3A_56] : memref<40960x128xf32, #tpu.memory_space<hbm>> -> memref<40960x128xf32, #tpu.memory_space<hbm>>
      tpu.wait_indirect_dma semaphore(%arg11 : memref<!tpu.dma_semaphore, #tpu.memory_space<semaphore_mem>>) src(%dma_wait3A_57 : memref<40960x128xf32, #tpu.memory_space<hbm>>) dst(%arg7 : memref<128x128xf32, #tpu.memory_space<vmem>>)
      %add3A_58 = arith.constant 1 : i32
      %add3A_59 = arith.addi %mul3A_10, %add3A_58 : i32
      %mul3A_60 = arith.constant 128 : i32
      %mul3A_61 = arith.muli %add3A_59, %mul3A_60 : i32
      %add3A_62 = arith.addi %mul3A_2, %mul3A_61 : i32
      "tpu.region"() ({
        %run_scoped3A = tpu.sem_alloc : memref<!tpu.dma_semaphore, #tpu.memory_space<semaphore_mem>>
        %dma_start3A_85 = arith.constant 0 : i32
        %dma_start3A_86 = tpu.memref_slice %arg4[%add3A_62, %dma_start3A_85] : memref<131072x128xf32, #tpu.memory_space<hbm>> -> memref<128x128xf32, #tpu.memory_space<hbm>>
        %dma_start3A_87 = arith.constant 0 : i32
        %dma_start3A_88 = tpu.memref_slice %arg4[%add3A_62, %dma_start3A_87] : memref<131072x128xf32, #tpu.memory_space<hbm>> -> memref<128x128xf32, #tpu.memory_space<hbm>>
        tpu.enqueue_dma source(%arg7 : memref<128x128xf32, #tpu.memory_space<vmem>>) target(%dma_start3A_88 : memref<128x128xf32, #tpu.memory_space<hbm>>) target_semaphore(%run_scoped3A : memref<!tpu.dma_semaphore, #tpu.memory_space<semaphore_mem>>)
        %dma_wait3A_89 = arith.constant 0 : i32
        %dma_wait3A_90 = tpu.memref_slice %arg4[%add3A_62, %dma_wait3A_89] : memref<131072x128xf32, #tpu.memory_space<hbm>> -> memref<128x128xf32, #tpu.memory_space<hbm>>
        %dma_wait3A_91 = arith.constant 0 : i32
        %dma_wait3A_92 = tpu.memref_slice %arg4[%add3A_62, %dma_wait3A_91] : memref<131072x128xf32, #tpu.memory_space<hbm>> -> memref<128x128xf32, #tpu.memory_space<hbm>>
        tpu.wait_dma2 semaphore(%run_scoped3A : memref<!tpu.dma_semaphore, #tpu.memory_space<semaphore_mem>>) src(%arg7 : memref<128x128xf32, #tpu.memory_space<vmem>>) dst(%dma_wait3A_92 : memref<128x128xf32, #tpu.memory_space<hbm>>)
        tpu.yield
      }) : () -> ()
      %dma_wait3A_63 = arith.constant 0 : i32
      %dma_wait3A_64 = tpu.memref_slice %arg5[%add3A_27, %dma_wait3A_63] : memref<32x128xi32, #tpu.memory_space<vmem>> -> memref<1x128xi32, #tpu.memory_space<vmem>>
      %dma_wait3A_65 = tpu.memref_squeeze %dma_wait3A_64 : memref<1x128xi32, #tpu.memory_space<vmem>> -> memref<128xi32, #tpu.memory_space<vmem>>
      %dma_wait3A_66 = arith.constant 0 : i32
      %dma_wait3A_67 = arith.constant 0 : i32
      %dma_wait3A_68 = tpu.memref_slice %arg2[%dma_wait3A_66, %dma_wait3A_67] : memref<40960x128xf32, #tpu.memory_space<hbm>> -> memref<40960x128xf32, #tpu.memory_space<hbm>>
      tpu.wait_indirect_dma semaphore(%arg12 : memref<!tpu.dma_semaphore, #tpu.memory_space<semaphore_mem>>) src(%dma_wait3A_68 : memref<40960x128xf32, #tpu.memory_space<hbm>>) dst(%arg8 : memref<128x128xf32, #tpu.memory_space<vmem>>)
      %add3A_69 = arith.constant 2 : i32
      %add3A_70 = arith.addi %mul3A_10, %add3A_69 : i32
      %mul3A_71 = arith.constant 128 : i32
      %mul3A_72 = arith.muli %add3A_70, %mul3A_71 : i32
      %add3A_73 = arith.addi %mul3A_2, %mul3A_72 : i32
      "tpu.region"() ({
        %run_scoped3A = tpu.sem_alloc : memref<!tpu.dma_semaphore, #tpu.memory_space<semaphore_mem>>
        %dma_start3A_85 = arith.constant 0 : i32
        %dma_start3A_86 = tpu.memref_slice %arg4[%add3A_73, %dma_start3A_85] : memref<131072x128xf32, #tpu.memory_space<hbm>> -> memref<128x128xf32, #tpu.memory_space<hbm>>
        %dma_start3A_87 = arith.constant 0 : i32
        %dma_start3A_88 = tpu.memref_slice %arg4[%add3A_73, %dma_start3A_87] : memref<131072x128xf32, #tpu.memory_space<hbm>> -> memref<128x128xf32, #tpu.memory_space<hbm>>
        tpu.enqueue_dma source(%arg8 : memref<128x128xf32, #tpu.memory_space<vmem>>) target(%dma_start3A_88 : memref<128x128xf32, #tpu.memory_space<hbm>>) target_semaphore(%run_scoped3A : memref<!tpu.dma_semaphore, #tpu.memory_space<semaphore_mem>>)
        %dma_wait3A_89 = arith.constant 0 : i32
        %dma_wait3A_90 = tpu.memref_slice %arg4[%add3A_73, %dma_wait3A_89] : memref<131072x128xf32, #tpu.memory_space<hbm>> -> memref<128x128xf32, #tpu.memory_space<hbm>>
        %dma_wait3A_91 = arith.constant 0 : i32
        %dma_wait3A_92 = tpu.memref_slice %arg4[%add3A_73, %dma_wait3A_91] : memref<131072x128xf32, #tpu.memory_space<hbm>> -> memref<128x128xf32, #tpu.memory_space<hbm>>
        tpu.wait_dma2 semaphore(%run_scoped3A : memref<!tpu.dma_semaphore, #tpu.memory_space<semaphore_mem>>) src(%arg8 : memref<128x128xf32, #tpu.memory_space<vmem>>) dst(%dma_wait3A_92 : memref<128x128xf32, #tpu.memory_space<hbm>>)
        tpu.yield
      }) : () -> ()
      %dma_wait3A_74 = arith.constant 0 : i32
      %dma_wait3A_75 = tpu.memref_slice %arg5[%add3A_35, %dma_wait3A_74] : memref<32x128xi32, #tpu.memory_space<vmem>> -> memref<1x128xi32, #tpu.memory_space<vmem>>
      %dma_wait3A_76 = tpu.memref_squeeze %dma_wait3A_75 : memref<1x128xi32, #tpu.memory_space<vmem>> -> memref<128xi32, #tpu.memory_space<vmem>>
      %dma_wait3A_77 = arith.constant 0 : i32
      %dma_wait3A_78 = arith.constant 0 : i32
      %dma_wait3A_79 = tpu.memref_slice %arg2[%dma_wait3A_77, %dma_wait3A_78] : memref<40960x128xf32, #tpu.memory_space<hbm>> -> memref<40960x128xf32, #tpu.memory_space<hbm>>
      tpu.wait_indirect_dma semaphore(%arg13 : memref<!tpu.dma_semaphore, #tpu.memory_space<semaphore_mem>>) src(%dma_wait3A_79 : memref<40960x128xf32, #tpu.memory_space<hbm>>) dst(%arg9 : memref<128x128xf32, #tpu.memory_space<vmem>>)
      %add3A_80 = arith.constant 3 : i32
      %add3A_81 = arith.addi %mul3A_10, %add3A_80 : i32
      %mul3A_82 = arith.constant 128 : i32
      %mul3A_83 = arith.muli %add3A_81, %mul3A_82 : i32
      %add3A_84 = arith.addi %mul3A_2, %mul3A_83 : i32
      "tpu.region"() ({
        %run_scoped3A = tpu.sem_alloc : memref<!tpu.dma_semaphore, #tpu.memory_space<semaphore_mem>>
        %dma_start3A_85 = arith.constant 0 : i32
        %dma_start3A_86 = tpu.memref_slice %arg4[%add3A_84, %dma_start3A_85] : memref<131072x128xf32, #tpu.memory_space<hbm>> -> memref<128x128xf32, #tpu.memory_space<hbm>>
        %dma_start3A_87 = arith.constant 0 : i32
        %dma_start3A_88 = tpu.memref_slice %arg4[%add3A_84, %dma_start3A_87] : memref<131072x128xf32, #tpu.memory_space<hbm>> -> memref<128x128xf32, #tpu.memory_space<hbm>>
        tpu.enqueue_dma source(%arg9 : memref<128x128xf32, #tpu.memory_space<vmem>>) target(%dma_start3A_88 : memref<128x128xf32, #tpu.memory_space<hbm>>) target_semaphore(%run_scoped3A : memref<!tpu.dma_semaphore, #tpu.memory_space<semaphore_mem>>)
        %dma_wait3A_89 = arith.constant 0 : i32
        %dma_wait3A_90 = tpu.memref_slice %arg4[%add3A_84, %dma_wait3A_89] : memref<131072x128xf32, #tpu.memory_space<hbm>> -> memref<128x128xf32, #tpu.memory_space<hbm>>
        %dma_wait3A_91 = arith.constant 0 : i32
        %dma_wait3A_92 = tpu.memref_slice %arg4[%add3A_84, %dma_wait3A_91] : memref<131072x128xf32, #tpu.memory_space<hbm>> -> memref<128x128xf32, #tpu.memory_space<hbm>>
        tpu.wait_dma2 semaphore(%run_scoped3A : memref<!tpu.dma_semaphore, #tpu.memory_space<semaphore_mem>>) src(%arg9 : memref<128x128xf32, #tpu.memory_space<vmem>>) dst(%dma_wait3A_92 : memref<128x128xf32, #tpu.memory_space<hbm>>)
        tpu.yield
      }) : () -> ()
    }
    %scan3A_7 = arith.constant 8 : i32
    return
  }
}

module attributes {stable_mosaic.version = 14 : i64} {
  func.func @_mlp_body(%arg0: i32, %arg1: memref<2560x128xf32, #tpu.memory_space<vmem>>, %arg2: memref<2560x128xf32, #tpu.memory_space<vmem>>, %arg3: memref<2560x8xf32, #tpu.memory_space<vmem>>, %arg4: memref<136x128xf32, #tpu.memory_space<vmem>>, %arg5: memref<1x128xf32, #tpu.memory_space<vmem>>, %arg6: memref<128x128xf32, #tpu.memory_space<vmem>>, %arg7: memref<1x128xf32, #tpu.memory_space<vmem>>, %arg8: memref<128x128xf32, #tpu.memory_space<vmem>>, %arg9: memref<1x128xf32, #tpu.memory_space<vmem>>, %arg10: memref<2560x128xf32, #tpu.memory_space<vmem>>) attributes {dimension_semantics = [#tpu.dimension_semantics<arbitrary>], iteration_bounds = array<i64: 16>, scalar_prefetch = 0 : i64, scratch_operands = 0 : i64, tpu.core_type = #tpu.core_type<tc>, window_params = [{transform_indices = @transform_0, window_bounds = array<i64: 2560, 128>}, {transform_indices = @transform_1, window_bounds = array<i64: 2560, 128>}, {transform_indices = @transform_2, window_bounds = array<i64: 2560, 8>}, {pipeline_mode = #tpu.pipeline_mode<synchronous>, transform_indices = @transform_3, window_bounds = array<i64: 136, 128>}, {pipeline_mode = #tpu.pipeline_mode<synchronous>, transform_indices = @transform_4, window_bounds = array<i64: 1, 128>}, {pipeline_mode = #tpu.pipeline_mode<synchronous>, transform_indices = @transform_5, window_bounds = array<i64: 128, 128>}, {pipeline_mode = #tpu.pipeline_mode<synchronous>, transform_indices = @transform_6, window_bounds = array<i64: 1, 128>}, {pipeline_mode = #tpu.pipeline_mode<synchronous>, transform_indices = @transform_7, window_bounds = array<i64: 128, 128>}, {pipeline_mode = #tpu.pipeline_mode<synchronous>, transform_indices = @transform_8, window_bounds = array<i64: 1, 128>}, {transform_indices = @transform_9, window_bounds = array<i64: 2560, 128>}]} {
    %iota3A = tpu.iota {dimensions = array<i32: 1>} : vector<2560x128xi32>
    %lt3A = arith.constant 64 : i32
    %lt3A_0 = vector.broadcast %lt3A : i32 to vector<2560x128xi32>
    %lt3A_1 = arith.cmpi slt, %iota3A, %lt3A_0 : vector<2560x128xi32>
    %get3A = arith.constant 0 : index
    %get3A_2 = arith.constant 0 : index
    %get3A_3 = vector.load %arg1[%get3A, %get3A_2] : memref<2560x128xf32, #tpu.memory_space<vmem>>, vector<2560x128xf32>
    %get3A_4 = arith.constant 0 : index
    %get3A_5 = arith.constant 0 : index
    %get3A_6 = vector.load %arg2[%get3A_4, %get3A_5] : memref<2560x128xf32, #tpu.memory_space<vmem>>, vector<2560x128xf32>
    %select_n3A = arith.select %lt3A_1, %get3A_3, %get3A_6 : vector<2560x128xi1>, vector<2560x128xf32>
    %get3A_7 = arith.constant 0 : index
    %get3A_8 = arith.constant 0 : index
    %get3A_9 = vector.load %arg3[%get3A_7, %get3A_8] : memref<2560x8xf32, #tpu.memory_space<vmem>>, vector<2560x8xf32>
    %concatenate3A = tpu.concatenate %select_n3A, %get3A_9 in 1 : vector<2560x128xf32>, vector<2560x8xf32> -> vector<2560x136xf32>
    %get3A_10 = arith.constant 0 : index
    %get3A_11 = arith.constant 0 : index
    %get3A_12 = vector.load %arg4[%get3A_10, %get3A_11] : memref<136x128xf32, #tpu.memory_space<vmem>>, vector<136x128xf32>
    %dot_general3A = arith.constant dense<0.000000e+00> : vector<2560x128xf32>
    %dot_general3A_13 = tpu.matmul %concatenate3A, %get3A_12, %dot_general3A {dimension_numbers = #tpu.dot_dimension_numbers<[1], [0], [0], [1], [0, 0, 1, 1], [], []>, transpose_lhs_hint = false} : vector<2560x136xf32>, vector<136x128xf32>, vector<2560x128xf32> -> vector<2560x128xf32>
    %get3A_14 = arith.constant 0 : index
    %get3A_15 = arith.constant 0 : index
    %get3A_16 = vector.load %arg5[%get3A_14, %get3A_15] : memref<1x128xf32, #tpu.memory_space<vmem>>, vector<1x128xf32>
    %add3A = vector.broadcast %get3A_16 : vector<1x128xf32> to vector<2560x128xf32>
    %add3A_17 = arith.addf %dot_general3A_13, %add3A : vector<2560x128xf32>
    %max3A = arith.constant 0.000000e+00 : f32
    %max3A_18 = vector.broadcast %max3A : f32 to vector<2560x128xf32>
    %max3A_19 = arith.maximumf %add3A_17, %max3A_18 : vector<2560x128xf32>
    %get3A_20 = arith.constant 0 : index
    %get3A_21 = arith.constant 0 : index
    %get3A_22 = vector.load %arg6[%get3A_20, %get3A_21] : memref<128x128xf32, #tpu.memory_space<vmem>>, vector<128x128xf32>
    %dot_general3A_23 = arith.constant dense<0.000000e+00> : vector<2560x128xf32>
    %dot_general3A_24 = tpu.matmul %max3A_19, %get3A_22, %dot_general3A_23 {dimension_numbers = #tpu.dot_dimension_numbers<[1], [0], [0], [1], [0, 0, 1, 1], [], []>, transpose_lhs_hint = false} : vector<2560x128xf32>, vector<128x128xf32>, vector<2560x128xf32> -> vector<2560x128xf32>
    %get3A_25 = arith.constant 0 : index
    %get3A_26 = arith.constant 0 : index
    %get3A_27 = vector.load %arg7[%get3A_25, %get3A_26] : memref<1x128xf32, #tpu.memory_space<vmem>>, vector<1x128xf32>
    %add3A_28 = vector.broadcast %get3A_27 : vector<1x128xf32> to vector<2560x128xf32>
    %add3A_29 = arith.addf %dot_general3A_24, %add3A_28 : vector<2560x128xf32>
    %max3A_30 = arith.constant 0.000000e+00 : f32
    %max3A_31 = vector.broadcast %max3A_30 : f32 to vector<2560x128xf32>
    %max3A_32 = arith.maximumf %add3A_29, %max3A_31 : vector<2560x128xf32>
    %get3A_33 = arith.constant 0 : index
    %get3A_34 = arith.constant 0 : index
    %get3A_35 = vector.load %arg8[%get3A_33, %get3A_34] : memref<128x128xf32, #tpu.memory_space<vmem>>, vector<128x128xf32>
    %dot_general3A_36 = arith.constant dense<0.000000e+00> : vector<2560x128xf32>
    %dot_general3A_37 = tpu.matmul %max3A_32, %get3A_35, %dot_general3A_36 {dimension_numbers = #tpu.dot_dimension_numbers<[1], [0], [0], [1], [0, 0, 1, 1], [], []>, transpose_lhs_hint = false} : vector<2560x128xf32>, vector<128x128xf32>, vector<2560x128xf32> -> vector<2560x128xf32>
    %get3A_38 = arith.constant 0 : index
    %get3A_39 = arith.constant 0 : index
    %get3A_40 = vector.load %arg9[%get3A_38, %get3A_39] : memref<1x128xf32, #tpu.memory_space<vmem>>, vector<1x128xf32>
    %add3A_41 = vector.broadcast %get3A_40 : vector<1x128xf32> to vector<2560x128xf32>
    %add3A_42 = arith.addf %dot_general3A_37, %add3A_41 : vector<2560x128xf32>
    %get3A_43 = arith.constant 0 : index
    %get3A_44 = arith.constant 4 : index
    %get3A_45 = vector.load %arg3[%get3A_43, %get3A_44] : memref<2560x8xf32, #tpu.memory_space<vmem>>, vector<2560x1xf32>
    %mul3A = vector.broadcast %get3A_45 : vector<2560x1xf32> to vector<2560x128xf32>
    %mul3A_46 = arith.mulf %add3A_42, %mul3A : vector<2560x128xf32>
    %swap3A = arith.constant 0 : index
    %swap3A_47 = arith.constant 0 : index
    %swap3A_48 = vector.load %arg10[%swap3A, %swap3A_47] : memref<2560x128xf32, #tpu.memory_space<vmem>>, vector<2560x128xf32>
    tpu.vector_store %arg10[%swap3A, %swap3A_47], %mul3A_46 {strides = array<i32>} : memref<2560x128xf32, #tpu.memory_space<vmem>>, vector<2560x128xf32>,
    return
  }
  func.func @transform_0(%arg0: i32) -> (i32, i32) {
    %c0_i32 = arith.constant 0 : i32
    %c0_i32_0 = arith.constant 0 : i32
    return %arg0, %c0_i32 : i32, i32
  }
  func.func @transform_1(%arg0: i32) -> (i32, i32) {
    %c0_i32 = arith.constant 0 : i32
    %c0_i32_0 = arith.constant 0 : i32
    return %arg0, %c0_i32 : i32, i32
  }
  func.func @transform_2(%arg0: i32) -> (i32, i32) {
    %c0_i32 = arith.constant 0 : i32
    %c0_i32_0 = arith.constant 0 : i32
    return %arg0, %c0_i32 : i32, i32
  }
  func.func @transform_3(%arg0: i32) -> (i32, i32) {
    %c0_i32 = arith.constant 0 : i32
    %c0_i32_0 = arith.constant 0 : i32
    %c0_i32_1 = arith.constant 0 : i32
    return %c0_i32, %c0_i32_0 : i32, i32
  }
  func.func @transform_4(%arg0: i32) -> (i32, i32) {
    %c0_i32 = arith.constant 0 : i32
    %c0_i32_0 = arith.constant 0 : i32
    %c0_i32_1 = arith.constant 0 : i32
    return %c0_i32, %c0_i32_0 : i32, i32
  }
  func.func @transform_5(%arg0: i32) -> (i32, i32) {
    %c0_i32 = arith.constant 0 : i32
    %c0_i32_0 = arith.constant 0 : i32
    %c0_i32_1 = arith.constant 0 : i32
    return %c0_i32, %c0_i32_0 : i32, i32
  }
  func.func @transform_6(%arg0: i32) -> (i32, i32) {
    %c0_i32 = arith.constant 0 : i32
    %c0_i32_0 = arith.constant 0 : i32
    %c0_i32_1 = arith.constant 0 : i32
    return %c0_i32, %c0_i32_0 : i32, i32
  }
  func.func @transform_7(%arg0: i32) -> (i32, i32) {
    %c0_i32 = arith.constant 0 : i32
    %c0_i32_0 = arith.constant 0 : i32
    %c0_i32_1 = arith.constant 0 : i32
    return %c0_i32, %c0_i32_0 : i32, i32
  }
  func.func @transform_8(%arg0: i32) -> (i32, i32) {
    %c0_i32 = arith.constant 0 : i32
    %c0_i32_0 = arith.constant 0 : i32
    %c0_i32_1 = arith.constant 0 : i32
    return %c0_i32, %c0_i32_0 : i32, i32
  }
  func.func @transform_9(%arg0: i32) -> (i32, i32) {
    %c0_i32 = arith.constant 0 : i32
    %c0_i32_0 = arith.constant 0 : i32
    return %arg0, %c0_i32 : i32, i32
  }
}

module attributes {stable_mosaic.version = 14 : i64} {
  func.func @_reduce_body(%arg0: i32, %arg1: memref<256x64x128xf32, #tpu.memory_space<vmem>>, %arg2: memref<256x128xf32, #tpu.memory_space<vmem>>) attributes {dimension_semantics = [#tpu.dimension_semantics<arbitrary>], iteration_bounds = array<i64: 8>, scalar_prefetch = 0 : i64, scratch_operands = 0 : i64, tpu.core_type = #tpu.core_type<tc>, window_params = [{transform_indices = @transform_0, window_bounds = array<i64: 256, 64, 128>}, {transform_indices = @transform_1, window_bounds = array<i64: 256, 128>}]} {
    %get3A = arith.constant 0 : index
    %get3A_0 = arith.constant 0 : index
    %get3A_1 = arith.constant 0 : index
    %get3A_2 = vector.load %arg1[%get3A, %get3A_0, %get3A_1] : memref<256x64x128xf32, #tpu.memory_space<vmem>>, vector<256x1x128xf32>
    %get3A_3 = vector.shape_cast %get3A_2 : vector<256x1x128xf32> to vector<256x128xf32>
    %get3A_4 = arith.constant 0 : index
    %get3A_5 = arith.constant 1 : index
    %get3A_6 = arith.constant 0 : index
    %get3A_7 = vector.load %arg1[%get3A_4, %get3A_5, %get3A_6] : memref<256x64x128xf32, #tpu.memory_space<vmem>>, vector<256x1x128xf32>
    %get3A_8 = vector.shape_cast %get3A_7 : vector<256x1x128xf32> to vector<256x128xf32>
    %add3A = arith.addf %get3A_3, %get3A_8 : vector<256x128xf32>
    %get3A_9 = arith.constant 0 : index
    %get3A_10 = arith.constant 2 : index
    %get3A_11 = arith.constant 0 : index
    %get3A_12 = vector.load %arg1[%get3A_9, %get3A_10, %get3A_11] : memref<256x64x128xf32, #tpu.memory_space<vmem>>, vector<256x1x128xf32>
    %get3A_13 = vector.shape_cast %get3A_12 : vector<256x1x128xf32> to vector<256x128xf32>
    %add3A_14 = arith.addf %add3A, %get3A_13 : vector<256x128xf32>
    %get3A_15 = arith.constant 0 : index
    %get3A_16 = arith.constant 3 : index
    %get3A_17 = arith.constant 0 : index
    %get3A_18 = vector.load %arg1[%get3A_15, %get3A_16, %get3A_17] : memref<256x64x128xf32, #tpu.memory_space<vmem>>, vector<256x1x128xf32>
    %get3A_19 = vector.shape_cast %get3A_18 : vector<256x1x128xf32> to vector<256x128xf32>
    %add3A_20 = arith.addf %add3A_14, %get3A_19 : vector<256x128xf32>
    %get3A_21 = arith.constant 0 : index
    %get3A_22 = arith.constant 4 : index
    %get3A_23 = arith.constant 0 : index
    %get3A_24 = vector.load %arg1[%get3A_21, %get3A_22, %get3A_23] : memref<256x64x128xf32, #tpu.memory_space<vmem>>, vector<256x1x128xf32>
    %get3A_25 = vector.shape_cast %get3A_24 : vector<256x1x128xf32> to vector<256x128xf32>
    %add3A_26 = arith.addf %add3A_20, %get3A_25 : vector<256x128xf32>
    %get3A_27 = arith.constant 0 : index
    %get3A_28 = arith.constant 5 : index
    %get3A_29 = arith.constant 0 : index
    %get3A_30 = vector.load %arg1[%get3A_27, %get3A_28, %get3A_29] : memref<256x64x128xf32, #tpu.memory_space<vmem>>, vector<256x1x128xf32>
    %get3A_31 = vector.shape_cast %get3A_30 : vector<256x1x128xf32> to vector<256x128xf32>
    %add3A_32 = arith.addf %add3A_26, %get3A_31 : vector<256x128xf32>
    %get3A_33 = arith.constant 0 : index
    %get3A_34 = arith.constant 6 : index
    %get3A_35 = arith.constant 0 : index
    %get3A_36 = vector.load %arg1[%get3A_33, %get3A_34, %get3A_35] : memref<256x64x128xf32, #tpu.memory_space<vmem>>, vector<256x1x128xf32>
    %get3A_37 = vector.shape_cast %get3A_36 : vector<256x1x128xf32> to vector<256x128xf32>
    %add3A_38 = arith.addf %add3A_32, %get3A_37 : vector<256x128xf32>
    %get3A_39 = arith.constant 0 : index
    %get3A_40 = arith.constant 7 : index
    %get3A_41 = arith.constant 0 : index
    %get3A_42 = vector.load %arg1[%get3A_39, %get3A_40, %get3A_41] : memref<256x64x128xf32, #tpu.memory_space<vmem>>, vector<256x1x128xf32>
    %get3A_43 = vector.shape_cast %get3A_42 : vector<256x1x128xf32> to vector<256x128xf32>
    %add3A_44 = arith.addf %add3A_38, %get3A_43 : vector<256x128xf32>
    %get3A_45 = arith.constant 0 : index
    %get3A_46 = arith.constant 8 : index
    %get3A_47 = arith.constant 0 : index
    %get3A_48 = vector.load %arg1[%get3A_45, %get3A_46, %get3A_47] : memref<256x64x128xf32, #tpu.memory_space<vmem>>, vector<256x1x128xf32>
    %get3A_49 = vector.shape_cast %get3A_48 : vector<256x1x128xf32> to vector<256x128xf32>
    %add3A_50 = arith.addf %add3A_44, %get3A_49 : vector<256x128xf32>
    %get3A_51 = arith.constant 0 : index
    %get3A_52 = arith.constant 9 : index
    %get3A_53 = arith.constant 0 : index
    %get3A_54 = vector.load %arg1[%get3A_51, %get3A_52, %get3A_53] : memref<256x64x128xf32, #tpu.memory_space<vmem>>, vector<256x1x128xf32>
    %get3A_55 = vector.shape_cast %get3A_54 : vector<256x1x128xf32> to vector<256x128xf32>
    %add3A_56 = arith.addf %add3A_50, %get3A_55 : vector<256x128xf32>
    %get3A_57 = arith.constant 0 : index
    %get3A_58 = arith.constant 10 : index
    %get3A_59 = arith.constant 0 : index
    %get3A_60 = vector.load %arg1[%get3A_57, %get3A_58, %get3A_59] : memref<256x64x128xf32, #tpu.memory_space<vmem>>, vector<256x1x128xf32>
    %get3A_61 = vector.shape_cast %get3A_60 : vector<256x1x128xf32> to vector<256x128xf32>
    %add3A_62 = arith.addf %add3A_56, %get3A_61 : vector<256x128xf32>
    %get3A_63 = arith.constant 0 : index
    %get3A_64 = arith.constant 11 : index
    %get3A_65 = arith.constant 0 : index
    %get3A_66 = vector.load %arg1[%get3A_63, %get3A_64, %get3A_65] : memref<256x64x128xf32, #tpu.memory_space<vmem>>, vector<256x1x128xf32>
    %get3A_67 = vector.shape_cast %get3A_66 : vector<256x1x128xf32> to vector<256x128xf32>
    %add3A_68 = arith.addf %add3A_62, %get3A_67 : vector<256x128xf32>
    %get3A_69 = arith.constant 0 : index
    %get3A_70 = arith.constant 12 : index
    %get3A_71 = arith.constant 0 : index
    %get3A_72 = vector.load %arg1[%get3A_69, %get3A_70, %get3A_71] : memref<256x64x128xf32, #tpu.memory_space<vmem>>, vector<256x1x128xf32>
    %get3A_73 = vector.shape_cast %get3A_72 : vector<256x1x128xf32> to vector<256x128xf32>
    %add3A_74 = arith.addf %add3A_68, %get3A_73 : vector<256x128xf32>
    %get3A_75 = arith.constant 0 : index
    %get3A_76 = arith.constant 13 : index
    %get3A_77 = arith.constant 0 : index
    %get3A_78 = vector.load %arg1[%get3A_75, %get3A_76, %get3A_77] : memref<256x64x128xf32, #tpu.memory_space<vmem>>, vector<256x1x128xf32>
    %get3A_79 = vector.shape_cast %get3A_78 : vector<256x1x128xf32> to vector<256x128xf32>
    %add3A_80 = arith.addf %add3A_74, %get3A_79 : vector<256x128xf32>
    %get3A_81 = arith.constant 0 : index
    %get3A_82 = arith.constant 14 : index
    %get3A_83 = arith.constant 0 : index
    %get3A_84 = vector.load %arg1[%get3A_81, %get3A_82, %get3A_83] : memref<256x64x128xf32, #tpu.memory_space<vmem>>, vector<256x1x128xf32>
    %get3A_85 = vector.shape_cast %get3A_84 : vector<256x1x128xf32> to vector<256x128xf32>
    %add3A_86 = arith.addf %add3A_80, %get3A_85 : vector<256x128xf32>
    %get3A_87 = arith.constant 0 : index
    %get3A_88 = arith.constant 15 : index
    %get3A_89 = arith.constant 0 : index
    %get3A_90 = vector.load %arg1[%get3A_87, %get3A_88, %get3A_89] : memref<256x64x128xf32, #tpu.memory_space<vmem>>, vector<256x1x128xf32>
    %get3A_91 = vector.shape_cast %get3A_90 : vector<256x1x128xf32> to vector<256x128xf32>
    %add3A_92 = arith.addf %add3A_86, %get3A_91 : vector<256x128xf32>
    %get3A_93 = arith.constant 0 : index
    %get3A_94 = arith.constant 16 : index
    %get3A_95 = arith.constant 0 : index
    %get3A_96 = vector.load %arg1[%get3A_93, %get3A_94, %get3A_95] : memref<256x64x128xf32, #tpu.memory_space<vmem>>, vector<256x1x128xf32>
    %get3A_97 = vector.shape_cast %get3A_96 : vector<256x1x128xf32> to vector<256x128xf32>
    %add3A_98 = arith.addf %add3A_92, %get3A_97 : vector<256x128xf32>
    %get3A_99 = arith.constant 0 : index
    %get3A_100 = arith.constant 17 : index
    %get3A_101 = arith.constant 0 : index
    %get3A_102 = vector.load %arg1[%get3A_99, %get3A_100, %get3A_101] : memref<256x64x128xf32, #tpu.memory_space<vmem>>, vector<256x1x128xf32>
    %get3A_103 = vector.shape_cast %get3A_102 : vector<256x1x128xf32> to vector<256x128xf32>
    %add3A_104 = arith.addf %add3A_98, %get3A_103 : vector<256x128xf32>
    %get3A_105 = arith.constant 0 : index
    %get3A_106 = arith.constant 18 : index
    %get3A_107 = arith.constant 0 : index
    %get3A_108 = vector.load %arg1[%get3A_105, %get3A_106, %get3A_107] : memref<256x64x128xf32, #tpu.memory_space<vmem>>, vector<256x1x128xf32>
    %get3A_109 = vector.shape_cast %get3A_108 : vector<256x1x128xf32> to vector<256x128xf32>
    %add3A_110 = arith.addf %add3A_104, %get3A_109 : vector<256x128xf32>
    %get3A_111 = arith.constant 0 : index
    %get3A_112 = arith.constant 19 : index
    %get3A_113 = arith.constant 0 : index
    %get3A_114 = vector.load %arg1[%get3A_111, %get3A_112, %get3A_113] : memref<256x64x128xf32, #tpu.memory_space<vmem>>, vector<256x1x128xf32>
    %get3A_115 = vector.shape_cast %get3A_114 : vector<256x1x128xf32> to vector<256x128xf32>
    %add3A_116 = arith.addf %add3A_110, %get3A_115 : vector<256x128xf32>
    %get3A_117 = arith.constant 0 : index
    %get3A_118 = arith.constant 20 : index
    %get3A_119 = arith.constant 0 : index
    %get3A_120 = vector.load %arg1[%get3A_117, %get3A_118, %get3A_119] : memref<256x64x128xf32, #tpu.memory_space<vmem>>, vector<256x1x128xf32>
    %get3A_121 = vector.shape_cast %get3A_120 : vector<256x1x128xf32> to vector<256x128xf32>
    %add3A_122 = arith.addf %add3A_116, %get3A_121 : vector<256x128xf32>
    %get3A_123 = arith.constant 0 : index
    %get3A_124 = arith.constant 21 : index
    %get3A_125 = arith.constant 0 : index
    %get3A_126 = vector.load %arg1[%get3A_123, %get3A_124, %get3A_125] : memref<256x64x128xf32, #tpu.memory_space<vmem>>, vector<256x1x128xf32>
    %get3A_127 = vector.shape_cast %get3A_126 : vector<256x1x128xf32> to vector<256x128xf32>
    %add3A_128 = arith.addf %add3A_122, %get3A_127 : vector<256x128xf32>
    %get3A_129 = arith.constant 0 : index
    %get3A_130 = arith.constant 22 : index
    %get3A_131 = arith.constant 0 : index
    %get3A_132 = vector.load %arg1[%get3A_129, %get3A_130, %get3A_131] : memref<256x64x128xf32, #tpu.memory_space<vmem>>, vector<256x1x128xf32>
    %get3A_133 = vector.shape_cast %get3A_132 : vector<256x1x128xf32> to vector<256x128xf32>
    %add3A_134 = arith.addf %add3A_128, %get3A_133 : vector<256x128xf32>
    %get3A_135 = arith.constant 0 : index
    %get3A_136 = arith.constant 23 : index
    %get3A_137 = arith.constant 0 : index
    %get3A_138 = vector.load %arg1[%get3A_135, %get3A_136, %get3A_137] : memref<256x64x128xf32, #tpu.memory_space<vmem>>, vector<256x1x128xf32>
    %get3A_139 = vector.shape_cast %get3A_138 : vector<256x1x128xf32> to vector<256x128xf32>
    %add3A_140 = arith.addf %add3A_134, %get3A_139 : vector<256x128xf32>
    %get3A_141 = arith.constant 0 : index
    %get3A_142 = arith.constant 24 : index
    %get3A_143 = arith.constant 0 : index
    %get3A_144 = vector.load %arg1[%get3A_141, %get3A_142, %get3A_143] : memref<256x64x128xf32, #tpu.memory_space<vmem>>, vector<256x1x128xf32>
    %get3A_145 = vector.shape_cast %get3A_144 : vector<256x1x128xf32> to vector<256x128xf32>
    %add3A_146 = arith.addf %add3A_140, %get3A_145 : vector<256x128xf32>
    %get3A_147 = arith.constant 0 : index
    %get3A_148 = arith.constant 25 : index
    %get3A_149 = arith.constant 0 : index
    %get3A_150 = vector.load %arg1[%get3A_147, %get3A_148, %get3A_149] : memref<256x64x128xf32, #tpu.memory_space<vmem>>, vector<256x1x128xf32>
    %get3A_151 = vector.shape_cast %get3A_150 : vector<256x1x128xf32> to vector<256x128xf32>
    %add3A_152 = arith.addf %add3A_146, %get3A_151 : vector<256x128xf32>
    %get3A_153 = arith.constant 0 : index
    %get3A_154 = arith.constant 26 : index
    %get3A_155 = arith.constant 0 : index
    %get3A_156 = vector.load %arg1[%get3A_153, %get3A_154, %get3A_155] : memref<256x64x128xf32, #tpu.memory_space<vmem>>, vector<256x1x128xf32>
    %get3A_157 = vector.shape_cast %get3A_156 : vector<256x1x128xf32> to vector<256x128xf32>
    %add3A_158 = arith.addf %add3A_152, %get3A_157 : vector<256x128xf32>
    %get3A_159 = arith.constant 0 : index
    %get3A_160 = arith.constant 27 : index
    %get3A_161 = arith.constant 0 : index
    %get3A_162 = vector.load %arg1[%get3A_159, %get3A_160, %get3A_161] : memref<256x64x128xf32, #tpu.memory_space<vmem>>, vector<256x1x128xf32>
    %get3A_163 = vector.shape_cast %get3A_162 : vector<256x1x128xf32> to vector<256x128xf32>
    %add3A_164 = arith.addf %add3A_158, %get3A_163 : vector<256x128xf32>
    %get3A_165 = arith.constant 0 : index
    %get3A_166 = arith.constant 28 : index
    %get3A_167 = arith.constant 0 : index
    %get3A_168 = vector.load %arg1[%get3A_165, %get3A_166, %get3A_167] : memref<256x64x128xf32, #tpu.memory_space<vmem>>, vector<256x1x128xf32>
    %get3A_169 = vector.shape_cast %get3A_168 : vector<256x1x128xf32> to vector<256x128xf32>
    %add3A_170 = arith.addf %add3A_164, %get3A_169 : vector<256x128xf32>
    %get3A_171 = arith.constant 0 : index
    %get3A_172 = arith.constant 29 : index
    %get3A_173 = arith.constant 0 : index
    %get3A_174 = vector.load %arg1[%get3A_171, %get3A_172, %get3A_173] : memref<256x64x128xf32, #tpu.memory_space<vmem>>, vector<256x1x128xf32>
    %get3A_175 = vector.shape_cast %get3A_174 : vector<256x1x128xf32> to vector<256x128xf32>
    %add3A_176 = arith.addf %add3A_170, %get3A_175 : vector<256x128xf32>
    %get3A_177 = arith.constant 0 : index
    %get3A_178 = arith.constant 30 : index
    %get3A_179 = arith.constant 0 : index
    %get3A_180 = vector.load %arg1[%get3A_177, %get3A_178, %get3A_179] : memref<256x64x128xf32, #tpu.memory_space<vmem>>, vector<256x1x128xf32>
    %get3A_181 = vector.shape_cast %get3A_180 : vector<256x1x128xf32> to vector<256x128xf32>
    %add3A_182 = arith.addf %add3A_176, %get3A_181 : vector<256x128xf32>
    %get3A_183 = arith.constant 0 : index
    %get3A_184 = arith.constant 31 : index
    %get3A_185 = arith.constant 0 : index
    %get3A_186 = vector.load %arg1[%get3A_183, %get3A_184, %get3A_185] : memref<256x64x128xf32, #tpu.memory_space<vmem>>, vector<256x1x128xf32>
    %get3A_187 = vector.shape_cast %get3A_186 : vector<256x1x128xf32> to vector<256x128xf32>
    %add3A_188 = arith.addf %add3A_182, %get3A_187 : vector<256x128xf32>
    %get3A_189 = arith.constant 0 : index
    %get3A_190 = arith.constant 32 : index
    %get3A_191 = arith.constant 0 : index
    %get3A_192 = vector.load %arg1[%get3A_189, %get3A_190, %get3A_191] : memref<256x64x128xf32, #tpu.memory_space<vmem>>, vector<256x1x128xf32>
    %get3A_193 = vector.shape_cast %get3A_192 : vector<256x1x128xf32> to vector<256x128xf32>
    %add3A_194 = arith.addf %add3A_188, %get3A_193 : vector<256x128xf32>
    %get3A_195 = arith.constant 0 : index
    %get3A_196 = arith.constant 33 : index
    %get3A_197 = arith.constant 0 : index
    %get3A_198 = vector.load %arg1[%get3A_195, %get3A_196, %get3A_197] : memref<256x64x128xf32, #tpu.memory_space<vmem>>, vector<256x1x128xf32>
    %get3A_199 = vector.shape_cast %get3A_198 : vector<256x1x128xf32> to vector<256x128xf32>
    %add3A_200 = arith.addf %add3A_194, %get3A_199 : vector<256x128xf32>
    %get3A_201 = arith.constant 0 : index
    %get3A_202 = arith.constant 34 : index
    %get3A_203 = arith.constant 0 : index
    %get3A_204 = vector.load %arg1[%get3A_201, %get3A_202, %get3A_203] : memref<256x64x128xf32, #tpu.memory_space<vmem>>, vector<256x1x128xf32>
    %get3A_205 = vector.shape_cast %get3A_204 : vector<256x1x128xf32> to vector<256x128xf32>
    %add3A_206 = arith.addf %add3A_200, %get3A_205 : vector<256x128xf32>
    %get3A_207 = arith.constant 0 : index
    %get3A_208 = arith.constant 35 : index
    %get3A_209 = arith.constant 0 : index
    %get3A_210 = vector.load %arg1[%get3A_207, %get3A_208, %get3A_209] : memref<256x64x128xf32, #tpu.memory_space<vmem>>, vector<256x1x128xf32>
    %get3A_211 = vector.shape_cast %get3A_210 : vector<256x1x128xf32> to vector<256x128xf32>
    %add3A_212 = arith.addf %add3A_206, %get3A_211 : vector<256x128xf32>
    %get3A_213 = arith.constant 0 : index
    %get3A_214 = arith.constant 36 : index
    %get3A_215 = arith.constant 0 : index
    %get3A_216 = vector.load %arg1[%get3A_213, %get3A_214, %get3A_215] : memref<256x64x128xf32, #tpu.memory_space<vmem>>, vector<256x1x128xf32>
    %get3A_217 = vector.shape_cast %get3A_216 : vector<256x1x128xf32> to vector<256x128xf32>
    %add3A_218 = arith.addf %add3A_212, %get3A_217 : vector<256x128xf32>
    %get3A_219 = arith.constant 0 : index
    %get3A_220 = arith.constant 37 : index
    %get3A_221 = arith.constant 0 : index
    %get3A_222 = vector.load %arg1[%get3A_219, %get3A_220, %get3A_221] : memref<256x64x128xf32, #tpu.memory_space<vmem>>, vector<256x1x128xf32>
    %get3A_223 = vector.shape_cast %get3A_222 : vector<256x1x128xf32> to vector<256x128xf32>
    %add3A_224 = arith.addf %add3A_218, %get3A_223 : vector<256x128xf32>
    %get3A_225 = arith.constant 0 : index
    %get3A_226 = arith.constant 38 : index
    %get3A_227 = arith.constant 0 : index
    %get3A_228 = vector.load %arg1[%get3A_225, %get3A_226, %get3A_227] : memref<256x64x128xf32, #tpu.memory_space<vmem>>, vector<256x1x128xf32>
    %get3A_229 = vector.shape_cast %get3A_228 : vector<256x1x128xf32> to vector<256x128xf32>
    %add3A_230 = arith.addf %add3A_224, %get3A_229 : vector<256x128xf32>
    %get3A_231 = arith.constant 0 : index
    %get3A_232 = arith.constant 39 : index
    %get3A_233 = arith.constant 0 : index
    %get3A_234 = vector.load %arg1[%get3A_231, %get3A_232, %get3A_233] : memref<256x64x128xf32, #tpu.memory_space<vmem>>, vector<256x1x128xf32>
    %get3A_235 = vector.shape_cast %get3A_234 : vector<256x1x128xf32> to vector<256x128xf32>
    %add3A_236 = arith.addf %add3A_230, %get3A_235 : vector<256x128xf32>
    %get3A_237 = arith.constant 0 : index
    %get3A_238 = arith.constant 40 : index
    %get3A_239 = arith.constant 0 : index
    %get3A_240 = vector.load %arg1[%get3A_237, %get3A_238, %get3A_239] : memref<256x64x128xf32, #tpu.memory_space<vmem>>, vector<256x1x128xf32>
    %get3A_241 = vector.shape_cast %get3A_240 : vector<256x1x128xf32> to vector<256x128xf32>
    %add3A_242 = arith.addf %add3A_236, %get3A_241 : vector<256x128xf32>
    %get3A_243 = arith.constant 0 : index
    %get3A_244 = arith.constant 41 : index
    %get3A_245 = arith.constant 0 : index
    %get3A_246 = vector.load %arg1[%get3A_243, %get3A_244, %get3A_245] : memref<256x64x128xf32, #tpu.memory_space<vmem>>, vector<256x1x128xf32>
    %get3A_247 = vector.shape_cast %get3A_246 : vector<256x1x128xf32> to vector<256x128xf32>
    %add3A_248 = arith.addf %add3A_242, %get3A_247 : vector<256x128xf32>
    %get3A_249 = arith.constant 0 : index
    %get3A_250 = arith.constant 42 : index
    %get3A_251 = arith.constant 0 : index
    %get3A_252 = vector.load %arg1[%get3A_249, %get3A_250, %get3A_251] : memref<256x64x128xf32, #tpu.memory_space<vmem>>, vector<256x1x128xf32>
    %get3A_253 = vector.shape_cast %get3A_252 : vector<256x1x128xf32> to vector<256x128xf32>
    %add3A_254 = arith.addf %add3A_248, %get3A_253 : vector<256x128xf32>
    %get3A_255 = arith.constant 0 : index
    %get3A_256 = arith.constant 43 : index
    %get3A_257 = arith.constant 0 : index
    %get3A_258 = vector.load %arg1[%get3A_255, %get3A_256, %get3A_257] : memref<256x64x128xf32, #tpu.memory_space<vmem>>, vector<256x1x128xf32>
    %get3A_259 = vector.shape_cast %get3A_258 : vector<256x1x128xf32> to vector<256x128xf32>
    %add3A_260 = arith.addf %add3A_254, %get3A_259 : vector<256x128xf32>
    %get3A_261 = arith.constant 0 : index
    %get3A_262 = arith.constant 44 : index
    %get3A_263 = arith.constant 0 : index
    %get3A_264 = vector.load %arg1[%get3A_261, %get3A_262, %get3A_263] : memref<256x64x128xf32, #tpu.memory_space<vmem>>, vector<256x1x128xf32>
    %get3A_265 = vector.shape_cast %get3A_264 : vector<256x1x128xf32> to vector<256x128xf32>
    %add3A_266 = arith.addf %add3A_260, %get3A_265 : vector<256x128xf32>
    %get3A_267 = arith.constant 0 : index
    %get3A_268 = arith.constant 45 : index
    %get3A_269 = arith.constant 0 : index
    %get3A_270 = vector.load %arg1[%get3A_267, %get3A_268, %get3A_269] : memref<256x64x128xf32, #tpu.memory_space<vmem>>, vector<256x1x128xf32>
    %get3A_271 = vector.shape_cast %get3A_270 : vector<256x1x128xf32> to vector<256x128xf32>
    %add3A_272 = arith.addf %add3A_266, %get3A_271 : vector<256x128xf32>
    %get3A_273 = arith.constant 0 : index
    %get3A_274 = arith.constant 46 : index
    %get3A_275 = arith.constant 0 : index
    %get3A_276 = vector.load %arg1[%get3A_273, %get3A_274, %get3A_275] : memref<256x64x128xf32, #tpu.memory_space<vmem>>, vector<256x1x128xf32>
    %get3A_277 = vector.shape_cast %get3A_276 : vector<256x1x128xf32> to vector<256x128xf32>
    %add3A_278 = arith.addf %add3A_272, %get3A_277 : vector<256x128xf32>
    %get3A_279 = arith.constant 0 : index
    %get3A_280 = arith.constant 47 : index
    %get3A_281 = arith.constant 0 : index
    %get3A_282 = vector.load %arg1[%get3A_279, %get3A_280, %get3A_281] : memref<256x64x128xf32, #tpu.memory_space<vmem>>, vector<256x1x128xf32>
    %get3A_283 = vector.shape_cast %get3A_282 : vector<256x1x128xf32> to vector<256x128xf32>
    %add3A_284 = arith.addf %add3A_278, %get3A_283 : vector<256x128xf32>
    %get3A_285 = arith.constant 0 : index
    %get3A_286 = arith.constant 48 : index
    %get3A_287 = arith.constant 0 : index
    %get3A_288 = vector.load %arg1[%get3A_285, %get3A_286, %get3A_287] : memref<256x64x128xf32, #tpu.memory_space<vmem>>, vector<256x1x128xf32>
    %get3A_289 = vector.shape_cast %get3A_288 : vector<256x1x128xf32> to vector<256x128xf32>
    %add3A_290 = arith.addf %add3A_284, %get3A_289 : vector<256x128xf32>
    %get3A_291 = arith.constant 0 : index
    %get3A_292 = arith.constant 49 : index
    %get3A_293 = arith.constant 0 : index
    %get3A_294 = vector.load %arg1[%get3A_291, %get3A_292, %get3A_293] : memref<256x64x128xf32, #tpu.memory_space<vmem>>, vector<256x1x128xf32>
    %get3A_295 = vector.shape_cast %get3A_294 : vector<256x1x128xf32> to vector<256x128xf32>
    %add3A_296 = arith.addf %add3A_290, %get3A_295 : vector<256x128xf32>
    %get3A_297 = arith.constant 0 : index
    %get3A_298 = arith.constant 50 : index
    %get3A_299 = arith.constant 0 : index
    %get3A_300 = vector.load %arg1[%get3A_297, %get3A_298, %get3A_299] : memref<256x64x128xf32, #tpu.memory_space<vmem>>, vector<256x1x128xf32>
    %get3A_301 = vector.shape_cast %get3A_300 : vector<256x1x128xf32> to vector<256x128xf32>
    %add3A_302 = arith.addf %add3A_296, %get3A_301 : vector<256x128xf32>
    %get3A_303 = arith.constant 0 : index
    %get3A_304 = arith.constant 51 : index
    %get3A_305 = arith.constant 0 : index
    %get3A_306 = vector.load %arg1[%get3A_303, %get3A_304, %get3A_305] : memref<256x64x128xf32, #tpu.memory_space<vmem>>, vector<256x1x128xf32>
    %get3A_307 = vector.shape_cast %get3A_306 : vector<256x1x128xf32> to vector<256x128xf32>
    %add3A_308 = arith.addf %add3A_302, %get3A_307 : vector<256x128xf32>
    %get3A_309 = arith.constant 0 : index
    %get3A_310 = arith.constant 52 : index
    %get3A_311 = arith.constant 0 : index
    %get3A_312 = vector.load %arg1[%get3A_309, %get3A_310, %get3A_311] : memref<256x64x128xf32, #tpu.memory_space<vmem>>, vector<256x1x128xf32>
    %get3A_313 = vector.shape_cast %get3A_312 : vector<256x1x128xf32> to vector<256x128xf32>
    %add3A_314 = arith.addf %add3A_308, %get3A_313 : vector<256x128xf32>
    %get3A_315 = arith.constant 0 : index
    %get3A_316 = arith.constant 53 : index
    %get3A_317 = arith.constant 0 : index
    %get3A_318 = vector.load %arg1[%get3A_315, %get3A_316, %get3A_317] : memref<256x64x128xf32, #tpu.memory_space<vmem>>, vector<256x1x128xf32>
    %get3A_319 = vector.shape_cast %get3A_318 : vector<256x1x128xf32> to vector<256x128xf32>
    %add3A_320 = arith.addf %add3A_314, %get3A_319 : vector<256x128xf32>
    %get3A_321 = arith.constant 0 : index
    %get3A_322 = arith.constant 54 : index
    %get3A_323 = arith.constant 0 : index
    %get3A_324 = vector.load %arg1[%get3A_321, %get3A_322, %get3A_323] : memref<256x64x128xf32, #tpu.memory_space<vmem>>, vector<256x1x128xf32>
    %get3A_325 = vector.shape_cast %get3A_324 : vector<256x1x128xf32> to vector<256x128xf32>
    %add3A_326 = arith.addf %add3A_320, %get3A_325 : vector<256x128xf32>
    %get3A_327 = arith.constant 0 : index
    %get3A_328 = arith.constant 55 : index
    %get3A_329 = arith.constant 0 : index
    %get3A_330 = vector.load %arg1[%get3A_327, %get3A_328, %get3A_329] : memref<256x64x128xf32, #tpu.memory_space<vmem>>, vector<256x1x128xf32>
    %get3A_331 = vector.shape_cast %get3A_330 : vector<256x1x128xf32> to vector<256x128xf32>
    %add3A_332 = arith.addf %add3A_326, %get3A_331 : vector<256x128xf32>
    %get3A_333 = arith.constant 0 : index
    %get3A_334 = arith.constant 56 : index
    %get3A_335 = arith.constant 0 : index
    %get3A_336 = vector.load %arg1[%get3A_333, %get3A_334, %get3A_335] : memref<256x64x128xf32, #tpu.memory_space<vmem>>, vector<256x1x128xf32>
    %get3A_337 = vector.shape_cast %get3A_336 : vector<256x1x128xf32> to vector<256x128xf32>
    %add3A_338 = arith.addf %add3A_332, %get3A_337 : vector<256x128xf32>
    %get3A_339 = arith.constant 0 : index
    %get3A_340 = arith.constant 57 : index
    %get3A_341 = arith.constant 0 : index
    %get3A_342 = vector.load %arg1[%get3A_339, %get3A_340, %get3A_341] : memref<256x64x128xf32, #tpu.memory_space<vmem>>, vector<256x1x128xf32>
    %get3A_343 = vector.shape_cast %get3A_342 : vector<256x1x128xf32> to vector<256x128xf32>
    %add3A_344 = arith.addf %add3A_338, %get3A_343 : vector<256x128xf32>
    %get3A_345 = arith.constant 0 : index
    %get3A_346 = arith.constant 58 : index
    %get3A_347 = arith.constant 0 : index
    %get3A_348 = vector.load %arg1[%get3A_345, %get3A_346, %get3A_347] : memref<256x64x128xf32, #tpu.memory_space<vmem>>, vector<256x1x128xf32>
    %get3A_349 = vector.shape_cast %get3A_348 : vector<256x1x128xf32> to vector<256x128xf32>
    %add3A_350 = arith.addf %add3A_344, %get3A_349 : vector<256x128xf32>
    %get3A_351 = arith.constant 0 : index
    %get3A_352 = arith.constant 59 : index
    %get3A_353 = arith.constant 0 : index
    %get3A_354 = vector.load %arg1[%get3A_351, %get3A_352, %get3A_353] : memref<256x64x128xf32, #tpu.memory_space<vmem>>, vector<256x1x128xf32>
    %get3A_355 = vector.shape_cast %get3A_354 : vector<256x1x128xf32> to vector<256x128xf32>
    %add3A_356 = arith.addf %add3A_350, %get3A_355 : vector<256x128xf32>
    %get3A_357 = arith.constant 0 : index
    %get3A_358 = arith.constant 60 : index
    %get3A_359 = arith.constant 0 : index
    %get3A_360 = vector.load %arg1[%get3A_357, %get3A_358, %get3A_359] : memref<256x64x128xf32, #tpu.memory_space<vmem>>, vector<256x1x128xf32>
    %get3A_361 = vector.shape_cast %get3A_360 : vector<256x1x128xf32> to vector<256x128xf32>
    %add3A_362 = arith.addf %add3A_356, %get3A_361 : vector<256x128xf32>
    %get3A_363 = arith.constant 0 : index
    %get3A_364 = arith.constant 61 : index
    %get3A_365 = arith.constant 0 : index
    %get3A_366 = vector.load %arg1[%get3A_363, %get3A_364, %get3A_365] : memref<256x64x128xf32, #tpu.memory_space<vmem>>, vector<256x1x128xf32>
    %get3A_367 = vector.shape_cast %get3A_366 : vector<256x1x128xf32> to vector<256x128xf32>
    %add3A_368 = arith.addf %add3A_362, %get3A_367 : vector<256x128xf32>
    %get3A_369 = arith.constant 0 : index
    %get3A_370 = arith.constant 62 : index
    %get3A_371 = arith.constant 0 : index
    %get3A_372 = vector.load %arg1[%get3A_369, %get3A_370, %get3A_371] : memref<256x64x128xf32, #tpu.memory_space<vmem>>, vector<256x1x128xf32>
    %get3A_373 = vector.shape_cast %get3A_372 : vector<256x1x128xf32> to vector<256x128xf32>
    %add3A_374 = arith.addf %add3A_368, %get3A_373 : vector<256x128xf32>
    %get3A_375 = arith.constant 0 : index
    %get3A_376 = arith.constant 63 : index
    %get3A_377 = arith.constant 0 : index
    %get3A_378 = vector.load %arg1[%get3A_375, %get3A_376, %get3A_377] : memref<256x64x128xf32, #tpu.memory_space<vmem>>, vector<256x1x128xf32>
    %get3A_379 = vector.shape_cast %get3A_378 : vector<256x1x128xf32> to vector<256x128xf32>
    %add3A_380 = arith.addf %add3A_374, %get3A_379 : vector<256x128xf32>
    %swap3A = arith.constant 0 : index
    %swap3A_381 = arith.constant 0 : index
    %swap3A_382 = vector.load %arg2[%swap3A, %swap3A_381] : memref<256x128xf32, #tpu.memory_space<vmem>>, vector<256x128xf32>
    tpu.vector_store %arg2[%swap3A, %swap3A_381], %add3A_380 {strides = array<i32>} : memref<256x128xf32, #tpu.memory_space<vmem>>, vector<256x128xf32>,
    return
  }
  func.func @transform_0(%arg0: i32) -> (i32, i32, i32) {
    %c0_i32 = arith.constant 0 : i32
    %c0_i32_0 = arith.constant 0 : i32
    %c0_i32_1 = arith.constant 0 : i32
    return %arg0, %c0_i32, %c0_i32_0 : i32, i32, i32
  }
  func.func @transform_1(%arg0: i32) -> (i32, i32) {
    %c0_i32 = arith.constant 0 : i32
    %c0_i32_0 = arith.constant 0 : i32
    return %arg0, %c0_i32 : i32, i32
  }
}

module attributes {stable_mosaic.version = 14 : i64} {
  func.func @_gru_body(%arg0: memref<2048x128xf32, #tpu.memory_space<vmem>>, %arg1: memref<2048x128xf32, #tpu.memory_space<vmem>>, %arg2: memref<64x192xf32, #tpu.memory_space<vmem>>, %arg3: memref<1x192xf32, #tpu.memory_space<vmem>>, %arg4: memref<64x192xf32, #tpu.memory_space<vmem>>, %arg5: memref<1x192xf32, #tpu.memory_space<vmem>>, %arg6: memref<2048x128xf32, #tpu.memory_space<vmem>>) attributes {dimension_semantics = [], scalar_prefetch = 0 : i64, scratch_operands = 0 : i64, tpu.core_type = #tpu.core_type<tc>} {
    %get3A = arith.constant 0 : index
    %get3A_0 = arith.constant 0 : index
    %get3A_1 = vector.load %arg0[%get3A, %get3A_0] : memref<2048x128xf32, #tpu.memory_space<vmem>>, vector<2048x64xf32>
    %get3A_2 = arith.constant 0 : index
    %get3A_3 = arith.constant 0 : index
    %get3A_4 = vector.load %arg1[%get3A_2, %get3A_3] : memref<2048x128xf32, #tpu.memory_space<vmem>>, vector<2048x64xf32>
    %get3A_5 = arith.constant 0 : index
    %get3A_6 = arith.constant 0 : index
    %get3A_7 = vector.load %arg2[%get3A_5, %get3A_6] : memref<64x192xf32, #tpu.memory_space<vmem>>, vector<64x192xf32>
    %dot_general3A = arith.constant dense<0.000000e+00> : vector<2048x192xf32>
    %dot_general3A_8 = tpu.matmul %get3A_1, %get3A_7, %dot_general3A {dimension_numbers = #tpu.dot_dimension_numbers<[1], [0], [0], [1], [0, 0, 1, 1], [], []>, transpose_lhs_hint = false} : vector<2048x64xf32>, vector<64x192xf32>, vector<2048x192xf32> -> vector<2048x192xf32>
    %get3A_9 = arith.constant 0 : index
    %get3A_10 = arith.constant 0 : index
    %get3A_11 = vector.load %arg3[%get3A_9, %get3A_10] : memref<1x192xf32, #tpu.memory_space<vmem>>, vector<1x192xf32>
    %add3A = vector.broadcast %get3A_11 : vector<1x192xf32> to vector<2048x192xf32>
    %add3A_12 = arith.addf %dot_general3A_8, %add3A : vector<2048x192xf32>
    %get3A_13 = arith.constant 0 : index
    %get3A_14 = arith.constant 0 : index
    %get3A_15 = vector.load %arg4[%get3A_13, %get3A_14] : memref<64x192xf32, #tpu.memory_space<vmem>>, vector<64x192xf32>
    %dot_general3A_16 = arith.constant dense<0.000000e+00> : vector<2048x192xf32>
    %dot_general3A_17 = tpu.matmul %get3A_4, %get3A_15, %dot_general3A_16 {dimension_numbers = #tpu.dot_dimension_numbers<[1], [0], [0], [1], [0, 0, 1, 1], [], []>, transpose_lhs_hint = false} : vector<2048x64xf32>, vector<64x192xf32>, vector<2048x192xf32> -> vector<2048x192xf32>
    %get3A_18 = arith.constant 0 : index
    %get3A_19 = arith.constant 0 : index
    %get3A_20 = vector.load %arg5[%get3A_18, %get3A_19] : memref<1x192xf32, #tpu.memory_space<vmem>>, vector<1x192xf32>
    %add3A_21 = vector.broadcast %get3A_20 : vector<1x192xf32> to vector<2048x192xf32>
    %add3A_22 = arith.addf %dot_general3A_17, %add3A_21 : vector<2048x192xf32>
    %slice3A = vector.extract_strided_slice %add3A_12 {offsets = [0, 0], sizes = [2048, 64], strides = [1, 1]} : vector<2048x192xf32> to vector<2048x64xf32>
    %slice3A_23 = vector.extract_strided_slice %add3A_22 {offsets = [0, 0], sizes = [2048, 64], strides = [1, 1]} : vector<2048x192xf32> to vector<2048x64xf32>
    %add3A_24 = arith.addf %slice3A, %slice3A_23 : vector<2048x64xf32>
    %logistic3A = arith.negf %add3A_24 : vector<2048x64xf32>
    %logistic3A_25 = math.exp %logistic3A : vector<2048x64xf32>
    %logistic3A_26 = arith.constant 1.000000e+00 : f32
    %logistic3A_27 = vector.broadcast %logistic3A_26 : f32 to vector<2048x64xf32>
    %logistic3A_28 = arith.addf %logistic3A_27, %logistic3A_25 : vector<2048x64xf32>
    %logistic3A_29 = arith.divf %logistic3A_27, %logistic3A_28 : vector<2048x64xf32>
    %slice3A_30 = vector.extract_strided_slice %add3A_12 {offsets = [0, 64], sizes = [2048, 64], strides = [1, 1]} : vector<2048x192xf32> to vector<2048x64xf32>
    %slice3A_31 = vector.extract_strided_slice %add3A_22 {offsets = [0, 64], sizes = [2048, 64], strides = [1, 1]} : vector<2048x192xf32> to vector<2048x64xf32>
    %add3A_32 = arith.addf %slice3A_30, %slice3A_31 : vector<2048x64xf32>
    %logistic3A_33 = arith.negf %add3A_32 : vector<2048x64xf32>
    %logistic3A_34 = math.exp %logistic3A_33 : vector<2048x64xf32>
    %logistic3A_35 = arith.constant 1.000000e+00 : f32
    %logistic3A_36 = vector.broadcast %logistic3A_35 : f32 to vector<2048x64xf32>
    %logistic3A_37 = arith.addf %logistic3A_36, %logistic3A_34 : vector<2048x64xf32>
    %logistic3A_38 = arith.divf %logistic3A_36, %logistic3A_37 : vector<2048x64xf32>
    %slice3A_39 = vector.extract_strided_slice %add3A_12 {offsets = [0, 128], sizes = [2048, 64], strides = [1, 1]} : vector<2048x192xf32> to vector<2048x64xf32>
    %slice3A_40 = vector.extract_strided_slice %add3A_22 {offsets = [0, 128], sizes = [2048, 64], strides = [1, 1]} : vector<2048x192xf32> to vector<2048x64xf32>
    %mul3A = arith.mulf %logistic3A_29, %slice3A_40 : vector<2048x64xf32>
    %add3A_41 = arith.addf %slice3A_39, %mul3A : vector<2048x64xf32>
    %tanh3A = math.tanh %add3A_41 : vector<2048x64xf32>
    %sub3A = arith.constant 1.000000e+00 : f32
    %sub3A_42 = vector.broadcast %sub3A : f32 to vector<2048x64xf32>
    %sub3A_43 = arith.subf %sub3A_42, %logistic3A_38 : vector<2048x64xf32>
    %mul3A_44 = arith.mulf %sub3A_43, %tanh3A : vector<2048x64xf32>
    %mul3A_45 = arith.mulf %logistic3A_38, %get3A_4 : vector<2048x64xf32>
    %add3A_46 = arith.addf %mul3A_44, %mul3A_45 : vector<2048x64xf32>
    %concatenate3A = tpu.concatenate %add3A_46, %add3A_46 in 1 : vector<2048x64xf32>, vector<2048x64xf32> -> vector<2048x128xf32>
    %swap3A = arith.constant 0 : index
    %swap3A_47 = arith.constant 0 : index
    %swap3A_48 = vector.load %arg6[%swap3A, %swap3A_47] : memref<2048x128xf32, #tpu.memory_space<vmem>>, vector<2048x128xf32>
    tpu.vector_store %arg6[%swap3A, %swap3A_47], %concatenate3A {strides = array<i32>} : memref<2048x128xf32, #tpu.memory_space<vmem>>, vector<2048x128xf32>,
    return
  }
}

module attributes {stable_mosaic.version = 14 : i64} {
  func.func @_readout_body(%arg0: memref<2048x64xf32, #tpu.memory_space<vmem>>, %arg1: memref<64x128xf32, #tpu.memory_space<vmem>>, %arg2: memref<1x128xf32, #tpu.memory_space<vmem>>, %arg3: memref<128x128xf32, #tpu.memory_space<vmem>>, %arg4: memref<1x128xf32, #tpu.memory_space<vmem>>, %arg5: memref<1x128xf32, #tpu.memory_space<vmem>>, %arg6: memref<1x1xf32, #tpu.memory_space<vmem>>, %arg7: memref<2048x2xf32, #tpu.memory_space<vmem>>) attributes {dimension_semantics = [], scalar_prefetch = 0 : i64, scratch_operands = 0 : i64, tpu.core_type = #tpu.core_type<tc>} {
    %get3A = arith.constant 0 : index
    %get3A_0 = arith.constant 0 : index
    %get3A_1 = vector.load %arg0[%get3A, %get3A_0] : memref<2048x64xf32, #tpu.memory_space<vmem>>, vector<2048x64xf32>
    %get3A_2 = arith.constant 0 : index
    %get3A_3 = arith.constant 0 : index
    %get3A_4 = vector.load %arg1[%get3A_2, %get3A_3] : memref<64x128xf32, #tpu.memory_space<vmem>>, vector<64x128xf32>
    %dot_general3A = arith.constant dense<0.000000e+00> : vector<2048x128xf32>
    %dot_general3A_5 = tpu.matmul %get3A_1, %get3A_4, %dot_general3A {dimension_numbers = #tpu.dot_dimension_numbers<[1], [0], [0], [1], [0, 0, 1, 1], [], []>, transpose_lhs_hint = false} : vector<2048x64xf32>, vector<64x128xf32>, vector<2048x128xf32> -> vector<2048x128xf32>
    %get3A_6 = arith.constant 0 : index
    %get3A_7 = arith.constant 0 : index
    %get3A_8 = vector.load %arg2[%get3A_6, %get3A_7] : memref<1x128xf32, #tpu.memory_space<vmem>>, vector<1x128xf32>
    %add3A = vector.broadcast %get3A_8 : vector<1x128xf32> to vector<2048x128xf32>
    %add3A_9 = arith.addf %dot_general3A_5, %add3A : vector<2048x128xf32>
    %max3A = arith.constant 0.000000e+00 : f32
    %max3A_10 = vector.broadcast %max3A : f32 to vector<2048x128xf32>
    %max3A_11 = arith.maximumf %add3A_9, %max3A_10 : vector<2048x128xf32>
    %get3A_12 = arith.constant 0 : index
    %get3A_13 = arith.constant 0 : index
    %get3A_14 = vector.load %arg3[%get3A_12, %get3A_13] : memref<128x128xf32, #tpu.memory_space<vmem>>, vector<128x128xf32>
    %dot_general3A_15 = arith.constant dense<0.000000e+00> : vector<2048x128xf32>
    %dot_general3A_16 = tpu.matmul %max3A_11, %get3A_14, %dot_general3A_15 {dimension_numbers = #tpu.dot_dimension_numbers<[1], [0], [0], [1], [0, 0, 1, 1], [], []>, transpose_lhs_hint = false} : vector<2048x128xf32>, vector<128x128xf32>, vector<2048x128xf32> -> vector<2048x128xf32>
    %get3A_17 = arith.constant 0 : index
    %get3A_18 = arith.constant 0 : index
    %get3A_19 = vector.load %arg4[%get3A_17, %get3A_18] : memref<1x128xf32, #tpu.memory_space<vmem>>, vector<1x128xf32>
    %add3A_20 = vector.broadcast %get3A_19 : vector<1x128xf32> to vector<2048x128xf32>
    %add3A_21 = arith.addf %dot_general3A_16, %add3A_20 : vector<2048x128xf32>
    %max3A_22 = arith.constant 0.000000e+00 : f32
    %max3A_23 = vector.broadcast %max3A_22 : f32 to vector<2048x128xf32>
    %max3A_24 = arith.maximumf %add3A_21, %max3A_23 : vector<2048x128xf32>
    %get3A_25 = arith.constant 0 : index
    %get3A_26 = arith.constant 0 : index
    %get3A_27 = vector.load %arg5[%get3A_25, %get3A_26] : memref<1x128xf32, #tpu.memory_space<vmem>>, vector<1x128xf32>
    %mul3A = vector.broadcast %get3A_27 : vector<1x128xf32> to vector<2048x128xf32>
    %mul3A_28 = arith.mulf %max3A_24, %mul3A : vector<2048x128xf32>
    %reduce_sum3A = arith.constant dense<0.000000e+00> : vector<2048xf32>
    %reduce_sum3A_29 = vector.multi_reduction <add>, %mul3A_28, %reduce_sum3A [1] : vector<2048x128xf32> to vector<2048xf32>
    %broadcast_in_dim3A = vector.shape_cast %reduce_sum3A_29 : vector<2048xf32> to vector<2048x1xf32>
    %get3A_30 = arith.constant 0 : index
    %get3A_31 = arith.constant 0 : index
    %get3A_32 = vector.load %arg6[%get3A_30, %get3A_31] : memref<1x1xf32, #tpu.memory_space<vmem>>, vector<1x1xf32>
    %add3A_33 = vector.broadcast %get3A_32 : vector<1x1xf32> to vector<2048x1xf32>
    %add3A_34 = arith.addf %broadcast_in_dim3A, %add3A_33 : vector<2048x1xf32>
    %iota3A = tpu.iota {dimensions = array<i32: 1>} : vector<2048x2xi32>
    %convert_element_type3A = arith.sitofp %iota3A : vector<2048x2xi32> to vector<2048x2xf32>
    %mul3A_35 = arith.constant 2.000000e+00 : f32
    %mul3A_36 = vector.broadcast %mul3A_35 : f32 to vector<2048x2xf32>
    %mul3A_37 = arith.mulf %mul3A_36, %convert_element_type3A : vector<2048x2xf32>
    %sub3A = arith.constant 1.000000e+00 : f32
    %sub3A_38 = vector.broadcast %sub3A : f32 to vector<2048x2xf32>
    %sub3A_39 = arith.subf %sub3A_38, %mul3A_37 : vector<2048x2xf32>
    %mul3A_40 = vector.broadcast %add3A_34 : vector<2048x1xf32> to vector<2048x2xf32>
    %mul3A_41 = arith.mulf %sub3A_39, %mul3A_40 : vector<2048x2xf32>
    %logistic3A = arith.negf %mul3A_41 : vector<2048x2xf32>
    %logistic3A_42 = math.exp %logistic3A : vector<2048x2xf32>
    %logistic3A_43 = arith.constant 1.000000e+00 : f32
    %logistic3A_44 = vector.broadcast %logistic3A_43 : f32 to vector<2048x2xf32>
    %logistic3A_45 = arith.addf %logistic3A_44, %logistic3A_42 : vector<2048x2xf32>
    %logistic3A_46 = arith.divf %logistic3A_44, %logistic3A_45 : vector<2048x2xf32>
    %swap3A = arith.constant 0 : index
    %swap3A_47 = arith.constant 0 : index
    %swap3A_48 = vector.load %arg7[%swap3A, %swap3A_47] : memref<2048x2xf32, #tpu.memory_space<vmem>>, vector<2048x2xf32>
    tpu.vector_store %arg7[%swap3A, %swap3A_47], %logistic3A_46 {strides = array<i32>} : memref<2048x2xf32, #tpu.memory_space<vmem>>, vector<2048x2xf32>,
    return
  }
}

</mosaic_0001>

<sc_bundles>
// kernel: closed_call.18.cloned.1.call-start
scs
__scs_entry_jumppad:
0x0: {  	(pc) =	sbr.rel $0x88, $3  }
0x1: {  	(tag) =	ssettag $0x0;
	lr =	simm.s32 $0x1  }
0x2: {  	[smem:$0x3F8F] =	sst lr;
	_ =	strace $0xD0000000  }
0x3: {  	_ = 	snop  }
0x4: {  	_ = 	snop  }
0x5: {  	_ = 	snop  }
0x6: {  	_ = 	snop  }
0x7: {  	_ = 	snop  }
__scs_overlays_trampoline_lowered:
0x8: {  	[smem:$0x3F9E] =	sst s0  }
0x9: {  	[smem:$0x3F9F] =	sst s1  }
0xa: {  	[smem:$0x3FA0] =	sst s2  }
0xb: {  	[smem:$0x3FA1] =	sst s3  }
0xc: {  	[smem:$0x3FA2] =	sst s4  }
0xd: {  	[smem:$0x3FA3] =	sst s5  }
0xe: {  	[smem:$0x3FA4] =	sst s6  }
0xf: {  	[smem:$0x3FA5] =	sst s7  }
0x10: {  	[smem:$0x3FA6] =	sst s8  }
0x11: {  	[smem:$0x3FA7] =	sst s9;
	s0 =	simm.s32 @!p0 $0x0  }
0x12: {  	s1 =	sld [smem:$0x3F8D];
	s0 =	simm.s32 @p0 $0x1  }
0x13: {  	[smem:$0x3FA8] =	sst s0;
	s0 =	simm.s32 @!p1 $0x0  }
0x14: {  	s2 =	sld [smem:$0x3F8C];
	s0 =	simm.s32 @p1 $0x1  }
0x15: {  	[smem:$0x3FA9] =	sst s0;
	s0 =	simm.s32 @!p2 $0x0  }
0x16: {  	s3 =	sld [smem:$0x3FDB];
	s0 =	simm.s32 @p2 $0x1  }
0x17: {  	s4 =	simm.s32 $0x1BF5;
	[smem:$0x3FAB] =	sst s0  }
0x18: {  	s0 =	sld [smem:$0x3F8E];
	_ =	swait.ge [sflag:s4], $0x0  }
0x19: {  	s7 =	sld [smem:$0x3F8F]  }
0x1a: {  	s8 =	sadd.s32 $0xFFFFE003, lr  }
0x1b: {  	s9 =	sadd.s32 $0xFFFFFEF7, lr;
	s5 =	simm.s32 $0xFFFFFFFF;
	p2 =	slt.u32 s8, $0xFFFFF086  }
0x1c: {  	p1 =	slt.u32 s9, $0xF7A;
	s5 =	simm.s32 @!p2 $0x0  }
0x1d: {  	s5 =	simm.s32 @p1 $0x1;
	p0 =	seq.s32 s7, s2  }
0x1e: {  	s7 =	smul.u32 @!p0 $0xF7A, s2;
	p2 =	seq.s32 @!p0 s5, $0x0  }
0x1f: {  	s9 =	smul.u32 $0xF7A, s1;
	s8 =	simm.s32 @!p0 $0x1BF5;
	p2 =	por !p2, p0  }
0x20: {  	[sflag:s8] =	ssyncset.s32 @!p0 $0xFFFFF086;
	s6 =	sadd.s32 @!p0 s3, s7;
	s7 =	simm.s32 @!p0 $0x108  }
0x21: {  	s3 =	sadd.s32 s3, s9;
	s6 =	sadd.s32 @!p0 $0x88, s6;
	s7 =	simm.s32 @p2 $0x1082  }
0x22: {  	[simem:s7], [sflag:s8] =	dma.local @!p0 [hbm:s6], $0xF7A  }
0x23: {  	s9 =	sor.u32 $0xD0000000, s2;
	s6 =	simm.s32 $0x108;
	_ =	swait.ge @!p0 [sflag:s8], $0x0  }
0x24: {  	s3 =	sadd.s32 $0x88, s3;
	s6 =	simm.s32 @!p1 $0x1082;
	[sflag:s4] =	ssyncset.s32 $0xFFFFF086  }
0x25: {  	[simem:s6], [sflag:s4] =	dma.local [hbm:s3], $0xF7A  }
0x26: {  	[smem:$0x3F8F] =	sst s1;
	(tag) =	ssettag s2;
	_ =	strace s9  }
0x27: {  	s1 =	sld [smem:$0x3F9F]  }
0x28: {  	s2 =	sld [smem:$0x3FA0]  }
0x29: {  	s4 =	sld [smem:$0x3FA2]  }
0x2a: {  	p0 =	seq.s32 s5, $0x0;
	s5 =	sld [smem:$0x3FA3]  }
0x2b: {  	s6 =	sld [smem:$0x3FA4]  }
0x2c: {  	s7 =	sld [smem:$0x3FA5]  }
0x2d: {  	s3 =	simm.s32 $0x108;
	s8 =	sld [smem:$0x3FA6]  }
0x2e: {  	s3 =	simm.s32 @!p0 $0x1082;
	s9 =	sld [smem:$0x3FA7]  }
0x2f: {  	lr =	sadd.s32 s0, s3;
	s0 =	sld [smem:$0x3F9E]  }
0x30: {  	s3 =	sld [smem:$0x3FA1]  }
0x31: {  	[smem:$0x3FAA] =	sst s10  }
0x32: {  	s10 =	sld [smem:$0x3FA8];
	_ =	sdelay $0x3  }
0x33: {  	p0 =	seq.s32 s10, $0x1;
	s10 =	sld [smem:$0x3FAA];
	_ =	sdelay $0x3  }
0x34: {  	[smem:$0x3FAA] =	sst s10  }
0x35: {  	s10 =	sld [smem:$0x3FA9];
	_ =	sdelay $0x3  }
0x36: {  	p1 =	seq.s32 s10, $0x1;
	s10 =	sld [smem:$0x3FAA];
	_ =	sdelay $0x3  }
0x37: {  	[smem:$0x3FAA] =	sst s10  }
0x38: {  	s10 =	sld [smem:$0x3FAB]  }
0x39: {  	_ = 	snop;
	(pc) =	sbr.ind lr, $3  }
0x3a: {  	_ = 	snop  }
0x3b: {  	_ = 	snop  }
0x3c: {  	p2 =	seq.s32 s10, $0x1;
	s10 =	sld [smem:$0x3FAA]  }
0x3d: {  	_ =	shalt  }
0x3e: {  	_ =	shalt  }
0x3f: {  	_ =	shalt  }
0x40: {  	_ =	shalt  }
0x41: {  	_ =	shalt  }
0x42: {  	_ =	shalt  }
0x43: {  	_ =	shalt  }
0x44: {  	_ =	shalt  }
0x45: {  	_ =	shalt  }
0x46: {  	_ =	shalt  }
0x47: {  	_ =	shalt  }
0x48: {  	_ =	shalt  }
0x49: {  	_ =	shalt  }
0x4a: {  	_ =	shalt  }
0x4b: {  	_ =	shalt  }
0x4c: {  	_ =	shalt  }
0x4d: {  	_ =	shalt  }
0x4e: {  	_ =	shalt  }
0x4f: {  	_ =	shalt  }
0x50: {  	_ =	shalt  }
0x51: {  	_ =	shalt  }
0x52: {  	_ =	shalt  }
0x53: {  	_ =	shalt  }
0x54: {  	_ =	shalt  }
0x55: {  	_ =	shalt  }
0x56: {  	_ =	shalt  }
0x57: {  	_ =	shalt  }
0x58: {  	_ =	shalt  }
0x59: {  	_ =	shalt  }
0x5a: {  	_ =	shalt  }
0x5b: {  	_ =	shalt  }
0x5c: {  	_ =	shalt  }
0x5d: {  	_ =	shalt  }
0x5e: {  	_ =	shalt  }
0x5f: {  	_ =	shalt  }
0x60: {  	_ =	shalt  }
0x61: {  	_ =	shalt  }
0x62: {  	_ =	shalt  }
0x63: {  	_ =	shalt  }
0x64: {  	_ =	shalt  }
0x65: {  	_ =	shalt  }
0x66: {  	_ =	shalt  }
0x67: {  	_ =	shalt  }
0x68: {  	_ =	shalt  }
0x69: {  	_ =	shalt  }
0x6a: {  	_ =	shalt  }
0x6b: {  	_ =	shalt  }
0x6c: {  	_ =	shalt  }
0x6d: {  	_ =	shalt  }
0x6e: {  	_ =	shalt  }
0x6f: {  	_ =	shalt  }
0x70: {  	_ =	shalt  }
0x71: {  	_ =	shalt  }
0x72: {  	_ =	shalt  }
0x73: {  	_ =	shalt  }
0x74: {  	_ =	shalt  }
0x75: {  	_ =	shalt  }
0x76: {  	_ =	shalt  }
0x77: {  	_ =	shalt  }
0x78: {  	_ =	shalt  }
0x79: {  	_ =	shalt  }
0x7a: {  	_ =	shalt  }
0x7b: {  	_ =	shalt  }
0x7c: {  	_ =	shalt  }
0x7d: {  	_ =	shalt  }
0x7e: {  	_ =	shalt  }
0x7f: {  	_ =	shalt  }
0x80: {  	_ =	shalt  }
0x81: {  	_ =	shalt  }
0x82: {  	_ =	shalt  }
0x83: {  	_ =	shalt  }
0x84: {  	_ =	shalt  }
0x85: {  	_ =	shalt  }
0x86: {  	_ =	shalt  }
0x87: {  	_ =	shalt  }
.Lfunc_end0:
.L_simem_size_0:
called_computation.7_lowered:
.L_overlay_start_0:
0x88: {  	s2 =	sld [smem:$0x3FD9]  }
0x89: {  	s3 =	sld [smem:$0x3FFE];
	_ =	sdelay $0x1  }
0x8a: {  	s1 =	srdreg.scid  }
0x8b: {  	s0 =	sand.u32 $0x1, s1  }
0x8c: {  	s16 =	sshll.u32 s0, $0xA;
	s2 =	sadd.s32 s3, s2  }
0x8d: {  	s2 =	sadd.s32 s2, s16  }
0x8e: {  	[smem:$0x3FB6] =	sst s2  }
0x8f: {  	_ = 	snop  }
0x90: {  	(tm) =	ssettm $0x1  }
0x91: {  	s17 =	sld [smem:$0x3FFB];
	_ =	sdelay $0x3  }
0x92: {  	_ =	strace s17  }
0x93: {  	s2 =	sld [smem:$0x3FFC];
	_ =	sdelay $0x3  }
0x94: {  	_ =	strace s2  }
0x95: {  	s2 =	sld [smem:$0x3FFD];
	_ =	sdelay $0x3  }
0x96: {  	_ =	strace s2  }
0x97: {  	_ =	strace $0x8FFFFFFF  }
0x98: {  	s18 =	sld [smem:$0x3FDB];
	_ =	sdelay $0x1  }
0x99: {  	s19 =	simm.s32 $_scs_section_size  }
0x9a: {  	s4 =	simm.s32 $_size__tile_overlayer_lowered;
	s5 =	simm.s32 $_tile_overlayer_lowered  }
0x9b: {  	s22 =	simm.s32 $0x1BFF;
	s21 =	sshll.u32 s5, $0x1;
	s2 =	sadd.s32 s19, s18  }
0x9c: {  	s6 =	simm.s32 $0x0;
	s20 =	sshll.u32 s4, $0x1;
	s4 =	sadd.s32 s21, s2  }
0x9d: {  	[timem:s6], [sflag:s22] =	dma.local [hbm:s4], s20  }
0x9e: {  	_ =	swait.ge [sflag:s22], s20  }
0x9f: {  	s3 =	ssub.s32 $0x0, s20;
	[sflag:s22] =	ssyncset.done $0x0  }
0xa0: {  	[sflag:s22] =	ssyncadd.s32 s3;
	_ =	sdelay $0x1  }
0xa1: {  	s23 =	simm.s32 $0x1B8B  }
0xa2: {  	_ =	swait.ge [sflag:s23], $0x1  }
0xa3: {  	[sflag:s23] =	ssyncset.done $0x0  }
0xa4: {  	s25 =	simm.s32 $0x1B8E;
	s24 =	sld [smem:$0x3FFE];
	[sflag:s23] =	ssyncadd.s32 $0xFFFFFFFF  }
0xa5: {  	s26 =	simm.s32 $execute0_lowered;
	[smem:$0x3FD2] =	sst s25  }
0xa6: {  	s4 =	sshll.u32 s26, $0x1;
	_ =	strace $0x8000005B;
	[dreg:$0x1] =	wrdreg $0xFFFFFFFF  }
0xa7: {  	s28 =	simm.s32 $_size_execute0_lowered;
	s2 =	sadd.s32 s2, s4;
	[dreg:$0x0] =	wrdreg $0x0  }
0xa8: {  	s4 =	sshll.u32 s28, $0x1;
	[dreg:$0x2] =	wrdreg s2  }
0xa9: {  	[dreg:$0x3] =	wrdreg s4  }
0xaa: {  	[dreg:$0x4] =	wrdreg $0xC0  }
0xab: {  	_ =	task [dreg:s6], $0x5FFFF  }
0xac: {  	[dreg:$0x1] =	wrdreg $0xFFFFFFFF  }
0xad: {  	[dreg:$0x0] =	wrdreg $0x60  }
0xae: {  	[dreg:$0x2] =	wrdreg s24  }
0xaf: {  	[dreg:$0x3] =	wrdreg $0x9  }
0xb0: {  	_ =	task.clear_ibuf [dreg:s6], $0x4FFFF;
	_ =	strace $0x9000005B  }
0xb1: {  	s29 =	simm.s32 $0x9;
	_ =	strace $0x8000005D  }
0xb2: {  	_ =	swait.ge [sflag:s29], $0x1  }
0xb3: {  	[sflag:s29] =	ssyncadd.s32 $0xFFFFFFFF  }
0xb4: {  	_ =	strace $0x9000005D  }
0xb5: {  	_ =	sfence  }
0xb6: {  	s30 =	sld [smem:$0x0];
	_ =	sdelay $0x2  }
0xb7: {  	s31 =	sshll.u32 s1, $0xD;
	s1 =	sshrl.u32 s1, $0x2  }
0xb8: {  	s3 =	sand.u32 $0x4000, s31;
	s1 =	sadd.s32 s1, s30  }
0xb9: {  	s0 =	sor.u32 s3, s0;
	s1 =	sshll.u32 s1, $0x11  }
0xba: {  	s0 =	sor.u32 s1, s0  }
0xbb: {  	s0 =	sadd.s32 $0x8F2B, s0  }
0xbc: {  	[sflag:s0] =	ssyncadd.remote.s32 $0x1  }
0xbd: {  	_ =	sfence.sel $0xFFFF  }
0xbe: {  	[dreg:$0x0] =	wrdreg $0xFFFFFFFF;
	(pc) =	sbr.abs _section_cstart, $3  }
0xbf: {  	[dreg:$0x1] =	wrdreg $0xFFFFFFFF  }
0xc0: {  	_ =	task.clear_ibuf [dreg:s6], $0x2FFFF;
	_ =	strace $0x9FFFFFFF  }
0xc1: {  	(tm) =	ssettm $0x7FFFFFFF  }
tec
execute0_lowered:
.L_overlay_start_1:
0x0: {  	(tag) =	ssettag $0x1  }
0x1: {  	s0 =	srdreg.scid;
	s2 =	stileid.u32  }
0x2: {  	s1 =	rddreg [dreg:$0x0];
	s30 =	simm.s32 $0x800;
	s31 =	simm.s32 $0x880  }
0x3: {  	s28 =	simm.s32 $0x100;
	s0 =	sand.u32 $0x1, s0;
	s3 =	sshll.u32 s2, $0x1  }
0x4: {  	s29 =	simm.s32 $0x900;
	p0 =	por $0x0, $0x0;
	s3 =	sor.u32 s0, s3  }
0x5: {  	s2 =	simm.s32 $0x0;
	s6 =	sadd.s32 $0x22BA00, s1;
	s4 =	sshll.u32 s3, $0x8  }
0x6: {  	s8 =	sadd.s32 $0x2CBA00, s1;
	[smem:$0x7FF] =	sst s2;
	s4 =	sadd.s32 s4, s1  }
0x7: {  	s0 =	ssub.s32 $0x2, s0;
	s7 =	smul.u32 $0x5000, s3;
	s5 =	sadd.s32 $0xB000, s4  }
0x8: {  	_ =	strace $0x8000005C;
	s4 =	sadd.s32 $0x3800, s4;
	[dreg:$0x2] =	wrdreg s5  }
0x9: {  	s3 =	smul.u32 $0x28000, s3;
	s18 =	sadd.s32 s6, s7;
	[dreg:$0x3] =	wrdreg s4  }
0xa: {  	s19 =	sadd.s32 s8, s7;
	s20 =	sor.u32 $0x800, s7;
	[dreg:$0x4] =	wrdreg s18  }
0xb: {  	s3 =	sshrl.u32 s3, $0x3;
	[dreg:$0x5] =	wrdreg s19;
	s21 =	sadd.s32 s6, s20  }
0xc: {  	s22 =	sadd.s32 s8, s20;
	s23 =	sadd.s32 $0x1000, s3;
	[dreg:$0x6] =	wrdreg s21  }
0xd: {  	s26 =	sadd.s32 $0x1800, s3;
	[dreg:$0x7] =	wrdreg s22;
	s24 =	sadd.s32 s6, s23  }
0xe: {  	s10 =	sadd.s32 $0x2000, s3;
	s25 =	sadd.s32 s8, s23;
	[dreg:$0x8] =	wrdreg s24  }
0xf: {  	s13 =	sadd.s32 $0x2800, s3;
	s7 =	sadd.s32 s6, s26;
	[dreg:$0x9] =	wrdreg s25  }
0x10: {  	s16 =	sadd.s32 $0x3000, s3;
	s9 =	sadd.s32 s8, s26;
	[dreg:$0xa] =	wrdreg s7  }
0x11: {  	s5 =	sadd.s32 $0xD000, s1;
	s11 =	sadd.s32 s6, s10;
	[dreg:$0xb] =	wrdreg s9  }
0x12: {  	s19 =	sadd.s32 $0x3800, s3;
	s12 =	sadd.s32 s8, s10;
	[dreg:$0xc] =	wrdreg s11  }
0x13: {  	s14 =	sadd.s32 s6, s13;
	s15 =	sadd.s32 s8, s13;
	[dreg:$0xd] =	wrdreg s12  }
0x14: {  	s17 =	sadd.s32 s6, s16;
	s18 =	sadd.s32 s8, s16;
	[dreg:$0xe] =	wrdreg s14  }
0x15: {  	s20 =	sadd.s32 s6, s19;
	s21 =	sadd.s32 s8, s19;
	[dreg:$0xf] =	wrdreg s15  }
0x16: {  	s22 =	sadd.s32 $0x4000, s3;
	s23 =	sshrl.u32 s0, $0x1;
	[dreg:$0x10] =	wrdreg s17  }
0x17: {  	s3 =	sadd.s32 $0x4800, s3;
	s10 =	simm.s32 $0x1000;
	[dreg:$0x11] =	wrdreg s18  }
0x18: {  	s19 =	simm.s32 $0x300;
	s16 =	simm.s32 $0xC00;
	[dreg:$0x12] =	wrdreg s20  }
0x19: {  	s13 =	simm.s32 $0x480;
	[dreg:$0x13] =	wrdreg s21;
	s24 =	sadd.s32 s6, s22  }
0x1a: {  	s25 =	sadd.s32 s8, s22;
	s0 =	ssub.s32 s0, s23;
	s26 =	sadd.s32 s6, s3  }
0x1b: {  	s4 =	sadd.s32 s8, s3;
	s3 =	simm.s32 $0x3;
	s12 =	simm.s32 $0x80  }
0x1c: {  	s9 =	simm.s32 $0x9000;
	s7 =	simm.s32 $0x5000;
	s6 =	simm.s32 $0xD000  }
0x1d: {  	s11 =	simm.s32 $0x1;
	s8 =	simm.s32 $0x2;
	s0 =	smax.u32 s0, $0x1  }
0x1e: {  	s23 =	simm.s32 $0x200;
	s21 =	simm.s32 $0x280;
	p1 =	sne.s32 s0, $0x1  }
.Ltmp0:
0x1f: {  	s22 =	simm.s32 $0xA80;
	s20 =	simm.s32 $0xB00;
	(pc) =	sbr.rel @!p1 .LBB2_3-.Ltmp0, $4  }
0x20: {  	s17 =	simm.s32 $0x380;
	s18 =	simm.s32 $0xB80;
	[dreg:$0x14] =	wrdreg s24  }
0x21: {  	s15 =	simm.s32 $0x400;
	s14 =	simm.s32 $0xC80;
	[dreg:$0x15] =	wrdreg s25  }
0x22: {  	[dreg:$0x16] =	wrdreg s26;
	s25 =	simm.s32 $0x180;
	s26 =	simm.s32 $0x980  }
0x23: {  	s24 =	simm.s32 $0xA00;
	s1 =	sadd.s32 $0xFFFFFFFF, s0;
	s0 =	rddreg [dreg:$0x2]  }
0x24: {  	[tilespmem:s2], [sflag:$0x3] =	stream.linear.gather [hbm4b:s0+s2], $0x500, $0x38;
	[tilespmem:$0x11000] =	vst v63  }
0x25: {  	_ =	swait.ge [sflag:s3], $0x500  }
0x26: {  	[sflag:s3] =	ssyncset.done $0x0  }
0x27: {  	s0 =	rddreg [dreg:$0x3];
	[sflag:s3] =	ssyncadd.s32 $0xFFFFFB00  }
0x28: {  	[tilespmem:s30], [sflag:$0x3] =	stream.linear.gather [hbm4b:s0+s2], $0x500, $0x38;
	[tilespmem:$0x11000] =	vst v63  }
0x29: {  	_ =	swait.ge [sflag:s3], $0x500  }
0x2a: {  	[sflag:s3] =	ssyncset.done $0x0  }
0x2b: {  	[sflag:s3] =	ssyncadd.s32 $0xFFFFFB00  }
0x2c: {  	[tilespmem:s10], [sflag:$0x1] =	stream.indirect.gather [hbm4b:s5+s12], $0x80, s2, s12, $0xb8;
	[tilespmem:$0x11000] =	vst v63  }
0x2d: {  	_ = 	snop  }
0x2e: {  	[tilespmem:s9], [sflag:$0x1] =	stream.indirect.gather [hbm4b:s5+s12], $0x80, s30, s12, $0xb8;
	[tilespmem:$0x11000] =	vst v63  }
0x2f: {  	_ = 	snop  }
0x30: {  	[tilespmem:s7], [sflag:$0x2] =	stream.indirect.gather [hbm4b:s5+s12], $0x80, s12, s12, $0xb8;
	[tilespmem:$0x11000] =	vst v63  }
0x31: {  	_ = 	snop  }
0x32: {  	[tilespmem:s6], [sflag:$0x2] =	stream.indirect.gather [hbm4b:s5+s12], $0x80, s31, s12, $0xb8;
	[tilespmem:$0x11000] =	vst v63  }
0x33: {  	_ =	swait.ge [sflag:s11], $0x4000  }
0x34: {  	[sflag:s11] =	ssyncset.done $0x0  }
0x35: {  	[sflag:s11] =	ssyncadd.s32 $0xFFFFC000  }
0x36: {  	_ =	swait.ge [sflag:s11], $0x4000  }
0x37: {  	[sflag:s11] =	ssyncset.done $0x0  }
0x38: {  	s0 =	rddreg [dreg:$0x4];
	[sflag:s11] =	ssyncadd.s32 $0xFFFFC000  }
0x39: {  	[hbm4b:s0+s2] =	stream.linear.scatter [tilespmem:s10], [sflag:$0x3], $0x4000, $0x38;
	[tilespmem:$0x11000] =	vst v63  }
0x3a: {  	_ =	swait.ge [sflag:s3], $0x4000  }
0x3b: {  	[sflag:s3] =	ssyncset.done $0x0  }
0x3c: {  	s0 =	rddreg [dreg:$0x5];
	[sflag:s3] =	ssyncadd.s32 $0xFFFFC000  }
0x3d: {  	[hbm4b:s0+s2] =	stream.linear.scatter [tilespmem:s9], [sflag:$0x3], $0x4000, $0x38;
	[tilespmem:$0x11000] =	vst v63  }
0x3e: {  	_ =	swait.ge [sflag:s3], $0x4000  }
0x3f: {  	[sflag:s3] =	ssyncset.done $0x0  }
0x40: {  	[sflag:s3] =	ssyncadd.s32 $0xFFFFC000  }
0x41: {  	[tilespmem:s10], [sflag:$0x1] =	stream.indirect.gather [hbm4b:s5+s12], $0x80, s28, s12, $0xb8;
	[tilespmem:$0x11000] =	vst v63  }
0x42: {  	_ = 	snop  }
0x43: {  	[tilespmem:s9], [sflag:$0x1] =	stream.indirect.gather [hbm4b:s5+s12], $0x80, s29, s12, $0xb8;
	[tilespmem:$0x11000] =	vst v63  }
0x44: {  	_ =	swait.ge [sflag:s8], $0x4000  }
0x45: {  	[sflag:s8] =	ssyncset.done $0x0  }
0x46: {  	[sflag:s8] =	ssyncadd.s32 $0xFFFFC000  }
0x47: {  	_ =	swait.ge [sflag:s8], $0x4000  }
0x48: {  	[sflag:s8] =	ssyncset.done $0x0  }
0x49: {  	s0 =	rddreg [dreg:$0x6];
	[sflag:s8] =	ssyncadd.s32 $0xFFFFC000  }
0x4a: {  	[hbm4b:s0+s2] =	stream.linear.scatter [tilespmem:s7], [sflag:$0x3], $0x4000, $0x38;
	[tilespmem:$0x11000] =	vst v63  }
0x4b: {  	_ =	swait.ge [sflag:s3], $0x4000  }
0x4c: {  	[sflag:s3] =	ssyncset.done $0x0  }
0x4d: {  	s0 =	rddreg [dreg:$0x7];
	[sflag:s3] =	ssyncadd.s32 $0xFFFFC000  }
0x4e: {  	[hbm4b:s0+s2] =	stream.linear.scatter [tilespmem:s6], [sflag:$0x3], $0x4000, $0x38;
	[tilespmem:$0x11000] =	vst v63  }
0x4f: {  	_ =	swait.ge [sflag:s3], $0x4000  }
0x50: {  	[sflag:s3] =	ssyncset.done $0x0  }
0x51: {  	[sflag:s3] =	ssyncadd.s32 $0xFFFFC000  }
0x52: {  	[tilespmem:s7], [sflag:$0x2] =	stream.indirect.gather [hbm4b:s5+s12], $0x80, s25, s12, $0xb8;
	[tilespmem:$0x11000] =	vst v63  }
0x53: {  	_ = 	snop  }
0x54: {  	[tilespmem:s6], [sflag:$0x2] =	stream.indirect.gather [hbm4b:s5+s12], $0x80, s26, s12, $0xb8;
	[tilespmem:$0x11000] =	vst v63  }
0x55: {  	_ =	swait.ge [sflag:s11], $0x4000  }
0x56: {  	[sflag:s11] =	ssyncset.done $0x0  }
0x57: {  	[sflag:s11] =	ssyncadd.s32 $0xFFFFC000  }
0x58: {  	_ =	swait.ge [sflag:s11], $0x4000  }
0x59: {  	[sflag:s11] =	ssyncset.done $0x0  }
0x5a: {  	s0 =	rddreg [dreg:$0x8];
	[sflag:s11] =	ssyncadd.s32 $0xFFFFC000  }
0x5b: {  	[hbm4b:s0+s2] =	stream.linear.scatter [tilespmem:s10], [sflag:$0x3], $0x4000, $0x38;
	[tilespmem:$0x11000] =	vst v63  }
0x5c: {  	_ =	swait.ge [sflag:s3], $0x4000  }
0x5d: {  	[sflag:s3] =	ssyncset.done $0x0  }
0x5e: {  	s0 =	rddreg [dreg:$0x9];
	[sflag:s3] =	ssyncadd.s32 $0xFFFFC000  }
0x5f: {  	[hbm4b:s0+s2] =	stream.linear.scatter [tilespmem:s9], [sflag:$0x3], $0x4000, $0x38;
	[tilespmem:$0x11000] =	vst v63  }
0x60: {  	_ =	swait.ge [sflag:s3], $0x4000  }
0x61: {  	[sflag:s3] =	ssyncset.done $0x0  }
0x62: {  	[sflag:s3] =	ssyncadd.s32 $0xFFFFC000  }
0x63: {  	[tilespmem:s10], [sflag:$0x1] =	stream.indirect.gather [hbm4b:s5+s12], $0x80, s23, s12, $0xb8;
	[tilespmem:$0x11000] =	vst v63  }
0x64: {  	_ = 	snop  }
0x65: {  	[tilespmem:s9], [sflag:$0x1] =	stream.indirect.gather [hbm4b:s5+s12], $0x80, s24, s12, $0xb8;
	[tilespmem:$0x11000] =	vst v63  }
0x66: {  	_ =	swait.ge [sflag:s8], $0x4000  }
0x67: {  	[sflag:s8] =	ssyncset.done $0x0  }
0x68: {  	[sflag:s8] =	ssyncadd.s32 $0xFFFFC000  }
0x69: {  	_ =	swait.ge [sflag:s8], $0x4000  }
0x6a: {  	[sflag:s8] =	ssyncset.done $0x0  }
0x6b: {  	s0 =	rddreg [dreg:$0xa];
	[sflag:s8] =	ssyncadd.s32 $0xFFFFC000  }
0x6c: {  	[hbm4b:s0+s2] =	stream.linear.scatter [tilespmem:s7], [sflag:$0x3], $0x4000, $0x38;
	[tilespmem:$0x11000] =	vst v63  }
0x6d: {  	_ =	swait.ge [sflag:s3], $0x4000  }
0x6e: {  	[sflag:s3] =	ssyncset.done $0x0  }
0x6f: {  	s0 =	rddreg [dreg:$0xb];
	[sflag:s3] =	ssyncadd.s32 $0xFFFFC000  }
0x70: {  	[hbm4b:s0+s2] =	stream.linear.scatter [tilespmem:s6], [sflag:$0x3], $0x4000, $0x38;
	[tilespmem:$0x11000] =	vst v63  }
0x71: {  	_ =	swait.ge [sflag:s3], $0x4000  }
0x72: {  	[sflag:s3] =	ssyncset.done $0x0  }
0x73: {  	[sflag:s3] =	ssyncadd.s32 $0xFFFFC000  }
0x74: {  	[tilespmem:s7], [sflag:$0x2] =	stream.indirect.gather [hbm4b:s5+s12], $0x80, s21, s12, $0xb8;
	[tilespmem:$0x11000] =	vst v63  }
0x75: {  	_ = 	snop  }
0x76: {  	[tilespmem:s6], [sflag:$0x2] =	stream.indirect.gather [hbm4b:s5+s12], $0x80, s22, s12, $0xb8;
	[tilespmem:$0x11000] =	vst v63  }
0x77: {  	_ =	swait.ge [sflag:s11], $0x4000  }
0x78: {  	[sflag:s11] =	ssyncset.done $0x0  }
0x79: {  	[sflag:s11] =	ssyncadd.s32 $0xFFFFC000  }
0x7a: {  	_ =	swait.ge [sflag:s11], $0x4000  }
0x7b: {  	[sflag:s11] =	ssyncset.done $0x0  }
0x7c: {  	s0 =	rddreg [dreg:$0xc];
	[sflag:s11] =	ssyncadd.s32 $0xFFFFC000  }
0x7d: {  	[hbm4b:s0+s2] =	stream.linear.scatter [tilespmem:s10], [sflag:$0x3], $0x4000, $0x38;
	[tilespmem:$0x11000] =	vst v63  }
0x7e: {  	_ =	swait.ge [sflag:s3], $0x4000  }
0x7f: {  	[sflag:s3] =	ssyncset.done $0x0  }
0x80: {  	s0 =	rddreg [dreg:$0xd];
	[sflag:s3] =	ssyncadd.s32 $0xFFFFC000  }
0x81: {  	[hbm4b:s0+s2] =	stream.linear.scatter [tilespmem:s9], [sflag:$0x3], $0x4000, $0x38;
	[tilespmem:$0x11000] =	vst v63  }
0x82: {  	_ =	swait.ge [sflag:s3], $0x4000  }
0x83: {  	[sflag:s3] =	ssyncset.done $0x0  }
0x84: {  	[sflag:s3] =	ssyncadd.s32 $0xFFFFC000  }
0x85: {  	[tilespmem:s10], [sflag:$0x1] =	stream.indirect.gather [hbm4b:s5+s12], $0x80, s19, s12, $0xb8;
	[tilespmem:$0x11000] =	vst v63  }
0x86: {  	_ = 	snop  }
0x87: {  	[tilespmem:s9], [sflag:$0x1] =	stream.indirect.gather [hbm4b:s5+s12], $0x80, s20, s12, $0xb8;
	[tilespmem:$0x11000] =	vst v63  }
0x88: {  	_ =	swait.ge [sflag:s8], $0x4000  }
0x89: {  	[sflag:s8] =	ssyncset.done $0x0  }
0x8a: {  	[sflag:s8] =	ssyncadd.s32 $0xFFFFC000  }
0x8b: {  	_ =	swait.ge [sflag:s8], $0x4000  }
0x8c: {  	[sflag:s8] =	ssyncset.done $0x0  }
0x8d: {  	s0 =	rddreg [dreg:$0xe];
	[sflag:s8] =	ssyncadd.s32 $0xFFFFC000  }
0x8e: {  	[hbm4b:s0+s2] =	stream.linear.scatter [tilespmem:s7], [sflag:$0x3], $0x4000, $0x38;
	[tilespmem:$0x11000] =	vst v63  }
0x8f: {  	_ =	swait.ge [sflag:s3], $0x4000  }
0x90: {  	[sflag:s3] =	ssyncset.done $0x0  }
0x91: {  	s0 =	rddreg [dreg:$0xf];
	[sflag:s3] =	ssyncadd.s32 $0xFFFFC000  }
0x92: {  	[hbm4b:s0+s2] =	stream.linear.scatter [tilespmem:s6], [sflag:$0x3], $0x4000, $0x38;
	[tilespmem:$0x11000] =	vst v63  }
0x93: {  	_ =	swait.ge [sflag:s3], $0x4000  }
0x94: {  	[sflag:s3] =	ssyncset.done $0x0  }
0x95: {  	[sflag:s3] =	ssyncadd.s32 $0xFFFFC000  }
0x96: {  	[tilespmem:s7], [sflag:$0x2] =	stream.indirect.gather [hbm4b:s5+s12], $0x80, s17, s12, $0xb8;
	[tilespmem:$0x11000] =	vst v63  }
0x97: {  	_ = 	snop  }
0x98: {  	[tilespmem:s6], [sflag:$0x2] =	stream.indirect.gather [hbm4b:s5+s12], $0x80, s18, s12, $0xb8;
	[tilespmem:$0x11000] =	vst v63  }
0x99: {  	_ =	swait.ge [sflag:s11], $0x4000  }
0x9a: {  	[sflag:s11] =	ssyncset.done $0x0  }
0x9b: {  	[sflag:s11] =	ssyncadd.s32 $0xFFFFC000  }
0x9c: {  	_ =	swait.ge [sflag:s11], $0x4000  }
0x9d: {  	[sflag:s11] =	ssyncset.done $0x0  }
0x9e: {  	s0 =	rddreg [dreg:$0x10];
	[sflag:s11] =	ssyncadd.s32 $0xFFFFC000  }
0x9f: {  	[hbm4b:s0+s2] =	stream.linear.scatter [tilespmem:s10], [sflag:$0x3], $0x4000, $0x38;
	[tilespmem:$0x11000] =	vst v63  }
0xa0: {  	_ =	swait.ge [sflag:s3], $0x4000  }
0xa1: {  	[sflag:s3] =	ssyncset.done $0x0  }
0xa2: {  	s0 =	rddreg [dreg:$0x11];
	[sflag:s3] =	ssyncadd.s32 $0xFFFFC000  }
0xa3: {  	[hbm4b:s0+s2] =	stream.linear.scatter [tilespmem:s9], [sflag:$0x3], $0x4000, $0x38;
	[tilespmem:$0x11000] =	vst v63  }
0xa4: {  	_ =	swait.ge [sflag:s3], $0x4000  }
0xa5: {  	[sflag:s3] =	ssyncset.done $0x0  }
0xa6: {  	[sflag:s3] =	ssyncadd.s32 $0xFFFFC000  }
0xa7: {  	[tilespmem:s10], [sflag:$0x1] =	stream.indirect.gather [hbm4b:s5+s12], $0x80, s15, s12, $0xb8;
	[tilespmem:$0x11000] =	vst v63  }
0xa8: {  	_ = 	snop  }
0xa9: {  	[tilespmem:s9], [sflag:$0x1] =	stream.indirect.gather [hbm4b:s5+s12], $0x80, s16, s12, $0xb8;
	[tilespmem:$0x11000] =	vst v63  }
0xaa: {  	_ =	swait.ge [sflag:s8], $0x4000  }
0xab: {  	[sflag:s8] =	ssyncset.done $0x0  }
0xac: {  	[sflag:s8] =	ssyncadd.s32 $0xFFFFC000  }
0xad: {  	_ =	swait.ge [sflag:s8], $0x4000  }
0xae: {  	[sflag:s8] =	ssyncset.done $0x0  }
0xaf: {  	s0 =	rddreg [dreg:$0x12];
	[sflag:s8] =	ssyncadd.s32 $0xFFFFC000  }
0xb0: {  	[hbm4b:s0+s2] =	stream.linear.scatter [tilespmem:s7], [sflag:$0x3], $0x4000, $0x38;
	[tilespmem:$0x11000] =	vst v63  }
0xb1: {  	_ =	swait.ge [sflag:s3], $0x4000  }
0xb2: {  	[sflag:s3] =	ssyncset.done $0x0  }
0xb3: {  	s0 =	rddreg [dreg:$0x13];
	[sflag:s3] =	ssyncadd.s32 $0xFFFFC000  }
0xb4: {  	[hbm4b:s0+s2] =	stream.linear.scatter [tilespmem:s6], [sflag:$0x3], $0x4000, $0x38;
	[tilespmem:$0x11000] =	vst v63  }
0xb5: {  	_ =	swait.ge [sflag:s3], $0x4000  }
0xb6: {  	[sflag:s3] =	ssyncset.done $0x0  }
0xb7: {  	[sflag:s3] =	ssyncadd.s32 $0xFFFFC000  }
0xb8: {  	[tilespmem:s7], [sflag:$0x2] =	stream.indirect.gather [hbm4b:s5+s12], $0x80, s13, s12, $0xb8;
	[tilespmem:$0x11000] =	vst v63  }
0xb9: {  	_ = 	snop  }
0xba: {  	[tilespmem:s6], [sflag:$0x2] =	stream.indirect.gather [hbm4b:s5+s12], $0x80, s14, s12, $0xb8;
	[tilespmem:$0x11000] =	vst v63  }
0xbb: {  	_ =	swait.ge [sflag:s11], $0x4000  }
0xbc: {  	[sflag:s11] =	ssyncset.done $0x0  }
0xbd: {  	[sflag:s11] =	ssyncadd.s32 $0xFFFFC000  }
0xbe: {  	_ =	swait.ge [sflag:s11], $0x4000  }
0xbf: {  	[sflag:s11] =	ssyncset.done $0x0  }
0xc0: {  	s0 =	rddreg [dreg:$0x14];
	[sflag:s11] =	ssyncadd.s32 $0xFFFFC000  }
0xc1: {  	[hbm4b:s0+s2] =	stream.linear.scatter [tilespmem:s10], [sflag:$0x3], $0x4000, $0x38;
	[tilespmem:$0x11000] =	vst v63  }
0xc2: {  	_ =	swait.ge [sflag:s3], $0x4000  }
0xc3: {  	[sflag:s3] =	ssyncset.done $0x0  }
0xc4: {  	s0 =	rddreg [dreg:$0x15];
	[sflag:s3] =	ssyncadd.s32 $0xFFFFC000  }
0xc5: {  	[hbm4b:s0+s2] =	stream.linear.scatter [tilespmem:s9], [sflag:$0x3], $0x4000, $0x38;
	[tilespmem:$0x11000] =	vst v63  }
0xc6: {  	_ =	swait.ge [sflag:s3], $0x4000  }
0xc7: {  	[sflag:s3] =	ssyncset.done $0x0  }
0xc8: {  	[sflag:s3] =	ssyncadd.s32 $0xFFFFC000  }
0xc9: {  	_ =	swait.ge [sflag:s8], $0x4000  }
0xca: {  	[sflag:s8] =	ssyncset.done $0x0  }
0xcb: {  	[sflag:s8] =	ssyncadd.s32 $0xFFFFC000  }
0xcc: {  	_ =	swait.ge [sflag:s8], $0x4000  }
0xcd: {  	[sflag:s8] =	ssyncset.done $0x0  }
0xce: {  	s0 =	rddreg [dreg:$0x16];
	[sflag:s8] =	ssyncadd.s32 $0xFFFFC000  }
0xcf: {  	[hbm4b:s0+s2] =	stream.linear.scatter [tilespmem:s7], [sflag:$0x3], $0x4000, $0x38;
	[tilespmem:$0x11000] =	vst v63  }
0xd0: {  	p1 =	sne.s32 s1, $0x1;
	_ =	swait.ge [sflag:s3], $0x4000  }
.Ltmp1:
0xd1: {  	[sflag:s3] =	ssyncset.done $0x0;
	(pc) =	sbr.rel @!p1 .LBB2_3-.Ltmp1, $4  }
0xd2: {  	[sflag:s3] =	ssyncadd.s32 $0xFFFFC000  }
0xd3: {  	[hbm4b:s4+s2] =	stream.linear.scatter [tilespmem:s6], [sflag:$0x3], $0x4000, $0x38;
	[tilespmem:$0x11000] =	vst v63  }
0xd4: {  	s1 =	sadd.s32 $0xFFFFFFFF, s1;
	_ =	swait.ge [sflag:s3], $0x4000  }
0xd5: {  	p0 =	por $0x1, $0x1;
	s0 =	rddreg [dreg:$0x2];
	[sflag:s3] =	ssyncset.done $0x0  }
.LBB2_2:
0xd6: {  	[sflag:s3] =	ssyncadd.s32 $0xFFFFC000  }
0xd7: {  	[tilespmem:s2], [sflag:$0x3] =	stream.linear.gather [hbm4b:s0+s2], $0x500, $0x38;
	[tilespmem:$0x11000] =	vst v63  }
0xd8: {  	_ =	swait.ge [sflag:s3], $0x500  }
0xd9: {  	[sflag:s3] =	ssyncset.done $0x0  }
0xda: {  	s0 =	rddreg [dreg:$0x3];
	[sflag:s3] =	ssyncadd.s32 $0xFFFFFB00  }
0xdb: {  	[tilespmem:s30], [sflag:$0x3] =	stream.linear.gather [hbm4b:s0+s2], $0x500, $0x38;
	[tilespmem:$0x11000] =	vst v63  }
0xdc: {  	_ =	swait.ge [sflag:s3], $0x500  }
0xdd: {  	[sflag:s3] =	ssyncset.done $0x0  }
0xde: {  	[sflag:s3] =	ssyncadd.s32 $0xFFFFFB00  }
0xdf: {  	[tilespmem:s10], [sflag:$0x1] =	stream.indirect.gather [hbm4b:s5+s12], $0x80, s2, s12, $0xb8;
	[tilespmem:$0x11000] =	vst v63  }
0xe0: {  	_ = 	snop  }
0xe1: {  	[tilespmem:s9], [sflag:$0x1] =	stream.indirect.gather [hbm4b:s5+s12], $0x80, s30, s12, $0xb8;
	[tilespmem:$0x11000] =	vst v63  }
0xe2: {  	_ = 	snop  }
0xe3: {  	[tilespmem:s7], [sflag:$0x2] =	stream.indirect.gather [hbm4b:s5+s12], $0x80, s12, s12, $0xb8;
	[tilespmem:$0x11000] =	vst v63  }
0xe4: {  	_ = 	snop  }
0xe5: {  	[tilespmem:s6], [sflag:$0x2] =	stream.indirect.gather [hbm4b:s5+s12], $0x80, s31, s12, $0xb8;
	[tilespmem:$0x11000] =	vst v63  }
0xe6: {  	_ =	swait.ge [sflag:s11], $0x4000  }
0xe7: {  	[sflag:s11] =	ssyncset.done $0x0  }
0xe8: {  	[sflag:s11] =	ssyncadd.s32 $0xFFFFC000  }
0xe9: {  	_ =	swait.ge [sflag:s11], $0x4000  }
0xea: {  	[sflag:s11] =	ssyncset.done $0x0  }
0xeb: {  	s0 =	rddreg [dreg:$0x4];
	[sflag:s11] =	ssyncadd.s32 $0xFFFFC000  }
0xec: {  	[hbm4b:s0+s2] =	stream.linear.scatter [tilespmem:s10], [sflag:$0x3], $0x4000, $0x38;
	[tilespmem:$0x11000] =	vst v63  }
0xed: {  	_ =	swait.ge [sflag:s3], $0x4000  }
0xee: {  	[sflag:s3] =	ssyncset.done $0x0  }
0xef: {  	s0 =	rddreg [dreg:$0x5];
	[sflag:s3] =	ssyncadd.s32 $0xFFFFC000  }
0xf0: {  	[hbm4b:s0+s2] =	stream.linear.scatter [tilespmem:s9], [sflag:$0x3], $0x4000, $0x38;
	[tilespmem:$0x11000] =	vst v63  }
0xf1: {  	_ =	swait.ge [sflag:s3], $0x4000  }
0xf2: {  	[sflag:s3] =	ssyncset.done $0x0  }
0xf3: {  	[sflag:s3] =	ssyncadd.s32 $0xFFFFC000  }
0xf4: {  	[tilespmem:s10], [sflag:$0x1] =	stream.indirect.gather [hbm4b:s5+s12], $0x80, s28, s12, $0xb8;
	[tilespmem:$0x11000] =	vst v63  }
0xf5: {  	_ = 	snop  }
0xf6: {  	[tilespmem:s9], [sflag:$0x1] =	stream.indirect.gather [hbm4b:s5+s12], $0x80, s29, s12, $0xb8;
	[tilespmem:$0x11000] =	vst v63  }
0xf7: {  	_ =	swait.ge [sflag:s8], $0x4000  }
0xf8: {  	[sflag:s8] =	ssyncset.done $0x0  }
0xf9: {  	[sflag:s8] =	ssyncadd.s32 $0xFFFFC000  }
0xfa: {  	_ =	swait.ge [sflag:s8], $0x4000  }
0xfb: {  	[sflag:s8] =	ssyncset.done $0x0  }
0xfc: {  	s0 =	rddreg [dreg:$0x6];
	[sflag:s8] =	ssyncadd.s32 $0xFFFFC000  }
0xfd: {  	[hbm4b:s0+s2] =	stream.linear.scatter [tilespmem:s7], [sflag:$0x3], $0x4000, $0x38;
	[tilespmem:$0x11000] =	vst v63  }
0xfe: {  	_ =	swait.ge [sflag:s3], $0x4000  }
0xff: {  	[sflag:s3] =	ssyncset.done $0x0  }
0x100: {  	s0 =	rddreg [dreg:$0x7];
	[sflag:s3] =	ssyncadd.s32 $0xFFFFC000  }
0x101: {  	[hbm4b:s0+s2] =	stream.linear.scatter [tilespmem:s6], [sflag:$0x3], $0x4000, $0x38;
	[tilespmem:$0x11000] =	vst v63  }
0x102: {  	_ =	swait.ge [sflag:s3], $0x4000  }
0x103: {  	[sflag:s3] =	ssyncset.done $0x0  }
0x104: {  	[sflag:s3] =	ssyncadd.s32 $0xFFFFC000  }
0x105: {  	[tilespmem:s7], [sflag:$0x2] =	stream.indirect.gather [hbm4b:s5+s12], $0x80, s25, s12, $0xb8;
	[tilespmem:$0x11000] =	vst v63  }
0x106: {  	_ = 	snop  }
0x107: {  	[tilespmem:s6], [sflag:$0x2] =	stream.indirect.gather [hbm4b:s5+s12], $0x80, s26, s12, $0xb8;
	[tilespmem:$0x11000] =	vst v63  }
0x108: {  	_ =	swait.ge [sflag:s11], $0x4000  }
0x109: {  	[sflag:s11] =	ssyncset.done $0x0  }
0x10a: {  	[sflag:s11] =	ssyncadd.s32 $0xFFFFC000  }
0x10b: {  	_ =	swait.ge [sflag:s11], $0x4000  }
0x10c: {  	[sflag:s11] =	ssyncset.done $0x0  }
0x10d: {  	s0 =	rddreg [dreg:$0x8];
	[sflag:s11] =	ssyncadd.s32 $0xFFFFC000  }
0x10e: {  	[hbm4b:s0+s2] =	stream.linear.scatter [tilespmem:s10], [sflag:$0x3], $0x4000, $0x38;
	[tilespmem:$0x11000] =	vst v63  }
0x10f: {  	_ =	swait.ge [sflag:s3], $0x4000  }
0x110: {  	[sflag:s3] =	ssyncset.done $0x0  }
0x111: {  	s0 =	rddreg [dreg:$0x9];
	[sflag:s3] =	ssyncadd.s32 $0xFFFFC000  }
0x112: {  	[hbm4b:s0+s2] =	stream.linear.scatter [tilespmem:s9], [sflag:$0x3], $0x4000, $0x38;
	[tilespmem:$0x11000] =	vst v63  }
0x113: {  	_ =	swait.ge [sflag:s3], $0x4000  }
0x114: {  	[sflag:s3] =	ssyncset.done $0x0  }
0x115: {  	[sflag:s3] =	ssyncadd.s32 $0xFFFFC000  }
0x116: {  	[tilespmem:s10], [sflag:$0x1] =	stream.indirect.gather [hbm4b:s5+s12], $0x80, s23, s12, $0xb8;
	[tilespmem:$0x11000] =	vst v63  }
0x117: {  	_ = 	snop  }
0x118: {  	[tilespmem:s9], [sflag:$0x1] =	stream.indirect.gather [hbm4b:s5+s12], $0x80, s24, s12, $0xb8;
	[tilespmem:$0x11000] =	vst v63  }
0x119: {  	_ =	swait.ge [sflag:s8], $0x4000  }
0x11a: {  	[sflag:s8] =	ssyncset.done $0x0  }
0x11b: {  	[sflag:s8] =	ssyncadd.s32 $0xFFFFC000  }
0x11c: {  	_ =	swait.ge [sflag:s8], $0x4000  }
0x11d: {  	[sflag:s8] =	ssyncset.done $0x0  }
0x11e: {  	s0 =	rddreg [dreg:$0xa];
	[sflag:s8] =	ssyncadd.s32 $0xFFFFC000  }
0x11f: {  	[hbm4b:s0+s2] =	stream.linear.scatter [tilespmem:s7], [sflag:$0x3], $0x4000, $0x38;
	[tilespmem:$0x11000] =	vst v63  }
0x120: {  	_ =	swait.ge [sflag:s3], $0x4000  }
0x121: {  	[sflag:s3] =	ssyncset.done $0x0  }
0x122: {  	s0 =	rddreg [dreg:$0xb];
	[sflag:s3] =	ssyncadd.s32 $0xFFFFC000  }
0x123: {  	[hbm4b:s0+s2] =	stream.linear.scatter [tilespmem:s6], [sflag:$0x3], $0x4000, $0x38;
	[tilespmem:$0x11000] =	vst v63  }
0x124: {  	_ =	swait.ge [sflag:s3], $0x4000  }
0x125: {  	[sflag:s3] =	ssyncset.done $0x0  }
0x126: {  	[sflag:s3] =	ssyncadd.s32 $0xFFFFC000  }
0x127: {  	[tilespmem:s7], [sflag:$0x2] =	stream.indirect.gather [hbm4b:s5+s12], $0x80, s21, s12, $0xb8;
	[tilespmem:$0x11000] =	vst v63  }
0x128: {  	_ = 	snop  }
0x129: {  	[tilespmem:s6], [sflag:$0x2] =	stream.indirect.gather [hbm4b:s5+s12], $0x80, s22, s12, $0xb8;
	[tilespmem:$0x11000] =	vst v63  }
0x12a: {  	_ =	swait.ge [sflag:s11], $0x4000  }
0x12b: {  	[sflag:s11] =	ssyncset.done $0x0  }
0x12c: {  	[sflag:s11] =	ssyncadd.s32 $0xFFFFC000  }
0x12d: {  	_ =	swait.ge [sflag:s11], $0x4000  }
0x12e: {  	[sflag:s11] =	ssyncset.done $0x0  }
0x12f: {  	s0 =	rddreg [dreg:$0xc];
	[sflag:s11] =	ssyncadd.s32 $0xFFFFC000  }
0x130: {  	[hbm4b:s0+s2] =	stream.linear.scatter [tilespmem:s10], [sflag:$0x3], $0x4000, $0x38;
	[tilespmem:$0x11000] =	vst v63  }
0x131: {  	_ =	swait.ge [sflag:s3], $0x4000  }
0x132: {  	[sflag:s3] =	ssyncset.done $0x0  }
0x133: {  	s0 =	rddreg [dreg:$0xd];
	[sflag:s3] =	ssyncadd.s32 $0xFFFFC000  }
0x134: {  	[hbm4b:s0+s2] =	stream.linear.scatter [tilespmem:s9], [sflag:$0x3], $0x4000, $0x38;
	[tilespmem:$0x11000] =	vst v63  }
0x135: {  	_ =	swait.ge [sflag:s3], $0x4000  }
0x136: {  	[sflag:s3] =	ssyncset.done $0x0  }
0x137: {  	[sflag:s3] =	ssyncadd.s32 $0xFFFFC000  }
0x138: {  	[tilespmem:s10], [sflag:$0x1] =	stream.indirect.gather [hbm4b:s5+s12], $0x80, s19, s12, $0xb8;
	[tilespmem:$0x11000] =	vst v63  }
0x139: {  	_ = 	snop  }
0x13a: {  	[tilespmem:s9], [sflag:$0x1] =	stream.indirect.gather [hbm4b:s5+s12], $0x80, s20, s12, $0xb8;
	[tilespmem:$0x11000] =	vst v63  }
0x13b: {  	_ =	swait.ge [sflag:s8], $0x4000  }
0x13c: {  	[sflag:s8] =	ssyncset.done $0x0  }
0x13d: {  	[sflag:s8] =	ssyncadd.s32 $0xFFFFC000  }
0x13e: {  	_ =	swait.ge [sflag:s8], $0x4000  }
0x13f: {  	[sflag:s8] =	ssyncset.done $0x0  }
0x140: {  	s0 =	rddreg [dreg:$0xe];
	[sflag:s8] =	ssyncadd.s32 $0xFFFFC000  }
0x141: {  	[hbm4b:s0+s2] =	stream.linear.scatter [tilespmem:s7], [sflag:$0x3], $0x4000, $0x38;
	[tilespmem:$0x11000] =	vst v63  }
0x142: {  	_ =	swait.ge [sflag:s3], $0x4000  }
0x143: {  	[sflag:s3] =	ssyncset.done $0x0  }
0x144: {  	s0 =	rddreg [dreg:$0xf];
	[sflag:s3] =	ssyncadd.s32 $0xFFFFC000  }
0x145: {  	[hbm4b:s0+s2] =	stream.linear.scatter [tilespmem:s6], [sflag:$0x3], $0x4000, $0x38;
	[tilespmem:$0x11000] =	vst v63  }
0x146: {  	_ =	swait.ge [sflag:s3], $0x4000  }
0x147: {  	[sflag:s3] =	ssyncset.done $0x0  }
0x148: {  	[sflag:s3] =	ssyncadd.s32 $0xFFFFC000  }
0x149: {  	[tilespmem:s7], [sflag:$0x2] =	stream.indirect.gather [hbm4b:s5+s12], $0x80, s17, s12, $0xb8;
	[tilespmem:$0x11000] =	vst v63  }
0x14a: {  	_ = 	snop  }
0x14b: {  	[tilespmem:s6], [sflag:$0x2] =	stream.indirect.gather [hbm4b:s5+s12], $0x80, s18, s12, $0xb8;
	[tilespmem:$0x11000] =	vst v63  }
0x14c: {  	_ =	swait.ge [sflag:s11], $0x4000  }
0x14d: {  	[sflag:s11] =	ssyncset.done $0x0  }
0x14e: {  	[sflag:s11] =	ssyncadd.s32 $0xFFFFC000  }
0x14f: {  	_ =	swait.ge [sflag:s11], $0x4000  }
0x150: {  	[sflag:s11] =	ssyncset.done $0x0  }
0x151: {  	s0 =	rddreg [dreg:$0x10];
	[sflag:s11] =	ssyncadd.s32 $0xFFFFC000  }
0x152: {  	[hbm4b:s0+s2] =	stream.linear.scatter [tilespmem:s10], [sflag:$0x3], $0x4000, $0x38;
	[tilespmem:$0x11000] =	vst v63  }
0x153: {  	_ =	swait.ge [sflag:s3], $0x4000  }
0x154: {  	[sflag:s3] =	ssyncset.done $0x0  }
0x155: {  	s0 =	rddreg [dreg:$0x11];
	[sflag:s3] =	ssyncadd.s32 $0xFFFFC000  }
0x156: {  	[hbm4b:s0+s2] =	stream.linear.scatter [tilespmem:s9], [sflag:$0x3], $0x4000, $0x38;
	[tilespmem:$0x11000] =	vst v63  }
0x157: {  	_ =	swait.ge [sflag:s3], $0x4000  }
0x158: {  	[sflag:s3] =	ssyncset.done $0x0  }
0x159: {  	[sflag:s3] =	ssyncadd.s32 $0xFFFFC000  }
0x15a: {  	[tilespmem:s10], [sflag:$0x1] =	stream.indirect.gather [hbm4b:s5+s12], $0x80, s15, s12, $0xb8;
	[tilespmem:$0x11000] =	vst v63  }
0x15b: {  	_ = 	snop  }
0x15c: {  	[tilespmem:s9], [sflag:$0x1] =	stream.indirect.gather [hbm4b:s5+s12], $0x80, s16, s12, $0xb8;
	[tilespmem:$0x11000] =	vst v63  }
0x15d: {  	_ =	swait.ge [sflag:s8], $0x4000  }
0x15e: {  	[sflag:s8] =	ssyncset.done $0x0  }
0x15f: {  	[sflag:s8] =	ssyncadd.s32 $0xFFFFC000  }
0x160: {  	_ =	swait.ge [sflag:s8], $0x4000  }
0x161: {  	[sflag:s8] =	ssyncset.done $0x0  }
0x162: {  	s0 =	rddreg [dreg:$0x12];
	[sflag:s8] =	ssyncadd.s32 $0xFFFFC000  }
0x163: {  	[hbm4b:s0+s2] =	stream.linear.scatter [tilespmem:s7], [sflag:$0x3], $0x4000, $0x38;
	[tilespmem:$0x11000] =	vst v63  }
0x164: {  	_ =	swait.ge [sflag:s3], $0x4000  }
0x165: {  	[sflag:s3] =	ssyncset.done $0x0  }
0x166: {  	s0 =	rddreg [dreg:$0x13];
	[sflag:s3] =	ssyncadd.s32 $0xFFFFC000  }
0x167: {  	[hbm4b:s0+s2] =	stream.linear.scatter [tilespmem:s6], [sflag:$0x3], $0x4000, $0x38;
	[tilespmem:$0x11000] =	vst v63  }
0x168: {  	_ =	swait.ge [sflag:s3], $0x4000  }
0x169: {  	[sflag:s3] =	ssyncset.done $0x0  }
0x16a: {  	[sflag:s3] =	ssyncadd.s32 $0xFFFFC000  }
0x16b: {  	[tilespmem:s7], [sflag:$0x2] =	stream.indirect.gather [hbm4b:s5+s12], $0x80, s13, s12, $0xb8;
	[tilespmem:$0x11000] =	vst v63  }
0x16c: {  	_ = 	snop  }
0x16d: {  	[tilespmem:s6], [sflag:$0x2] =	stream.indirect.gather [hbm4b:s5+s12], $0x80, s14, s12, $0xb8;
	[tilespmem:$0x11000] =	vst v63  }
0x16e: {  	_ =	swait.ge [sflag:s11], $0x4000  }
0x16f: {  	[sflag:s11] =	ssyncset.done $0x0  }
0x170: {  	[sflag:s11] =	ssyncadd.s32 $0xFFFFC000  }
0x171: {  	_ =	swait.ge [sflag:s11], $0x4000  }
0x172: {  	[sflag:s11] =	ssyncset.done $0x0  }
0x173: {  	s0 =	rddreg [dreg:$0x14];
	[sflag:s11] =	ssyncadd.s32 $0xFFFFC000  }
0x174: {  	[hbm4b:s0+s2] =	stream.linear.scatter [tilespmem:s10], [sflag:$0x3], $0x4000, $0x38;
	[tilespmem:$0x11000] =	vst v63  }
0x175: {  	_ =	swait.ge [sflag:s3], $0x4000  }
0x176: {  	[sflag:s3] =	ssyncset.done $0x0  }
0x177: {  	s0 =	rddreg [dreg:$0x15];
	[sflag:s3] =	ssyncadd.s32 $0xFFFFC000  }
0x178: {  	[hbm4b:s0+s2] =	stream.linear.scatter [tilespmem:s9], [sflag:$0x3], $0x4000, $0x38;
	[tilespmem:$0x11000] =	vst v63  }
0x179: {  	_ =	swait.ge [sflag:s3], $0x4000  }
0x17a: {  	[sflag:s3] =	ssyncset.done $0x0  }
0x17b: {  	[sflag:s3] =	ssyncadd.s32 $0xFFFFC000  }
0x17c: {  	_ =	swait.ge [sflag:s8], $0x4000  }
0x17d: {  	[sflag:s8] =	ssyncset.done $0x0  }
0x17e: {  	[sflag:s8] =	ssyncadd.s32 $0xFFFFC000  }
0x17f: {  	_ =	swait.ge [sflag:s8], $0x4000  }
0x180: {  	[sflag:s8] =	ssyncset.done $0x0  }
0x181: {  	s0 =	rddreg [dreg:$0x16];
	[sflag:s8] =	ssyncadd.s32 $0xFFFFC000  }
0x182: {  	[hbm4b:s0+s2] =	stream.linear.scatter [tilespmem:s7], [sflag:$0x3], $0x4000, $0x38;
	[tilespmem:$0x11000] =	vst v63  }
0x183: {  	p1 =	sne.s32 s1, $0x1;
	_ =	swait.ge [sflag:s3], $0x4000  }
.Ltmp2:
0x184: {  	[sflag:s3] =	ssyncset.done $0x0;
	(pc) =	sbr.rel @p1 .LBB2_2-.Ltmp2, $4  }
0x185: {  	[sflag:s3] =	ssyncadd.s32 $0xFFFFC000  }
0x186: {  	[hbm4b:s4+s2] =	stream.linear.scatter [tilespmem:s6], [sflag:$0x3], $0x4000, $0x38;
	[tilespmem:$0x11000] =	vst v63  }
0x187: {  	_ =	swait.ge [sflag:s3], $0x4000  }
0x188: {  	s1 =	sadd.s32 $0xFFFFFFFF, s1;
	s0 =	rddreg [dreg:$0x2];
	[sflag:s3] =	ssyncset.done $0x0  }
.LBB2_3:
0x189: {  	[sflag:s3] =	ssyncadd.s32 @p0 $0xFFFFC000  }
0x18a: {  	[tilespmem:s2], [sflag:$0x3] =	stream.linear.gather [hbm4b:s0+s2], $0x500, $0x38;
	[tilespmem:$0x11000] =	vst v63  }
0x18b: {  	_ =	swait.ge [sflag:s3], $0x500  }
0x18c: {  	[sflag:s3] =	ssyncset.done $0x0  }
0x18d: {  	s1 =	rddreg [dreg:$0x3];
	[sflag:s3] =	ssyncadd.s32 $0xFFFFFB00  }
0x18e: {  	[tilespmem:s30], [sflag:$0x3] =	stream.linear.gather [hbm4b:s1+s2], $0x500, $0x38;
	[tilespmem:$0x11000] =	vst v63  }
0x18f: {  	_ =	swait.ge [sflag:s3], $0x500  }
0x190: {  	[sflag:s3] =	ssyncset.done $0x0  }
0x191: {  	[sflag:s3] =	ssyncadd.s32 $0xFFFFFB00  }
0x192: {  	[tilespmem:s10], [sflag:$0x1] =	stream.indirect.gather [hbm4b:s5+s12], $0x80, s2, s12, $0xb8;
	[tilespmem:$0x11000] =	vst v63  }
0x193: {  	_ = 	snop  }
0x194: {  	[tilespmem:s9], [sflag:$0x1] =	stream.indirect.gather [hbm4b:s5+s12], $0x80, s30, s12, $0xb8;
	[tilespmem:$0x11000] =	vst v63  }
0x195: {  	_ = 	snop  }
0x196: {  	[tilespmem:s7], [sflag:$0x2] =	stream.indirect.gather [hbm4b:s5+s12], $0x80, s12, s12, $0xb8;
	[tilespmem:$0x11000] =	vst v63  }
0x197: {  	_ = 	snop  }
0x198: {  	[tilespmem:s6], [sflag:$0x2] =	stream.indirect.gather [hbm4b:s5+s12], $0x80, s31, s12, $0xb8;
	[tilespmem:$0x11000] =	vst v63  }
0x199: {  	_ =	swait.ge [sflag:s11], $0x4000  }
0x19a: {  	[sflag:s11] =	ssyncset.done $0x0  }
0x19b: {  	[sflag:s11] =	ssyncadd.s32 $0xFFFFC000  }
0x19c: {  	_ =	swait.ge [sflag:s11], $0x4000  }
0x19d: {  	[sflag:s11] =	ssyncset.done $0x0  }
0x19e: {  	s1 =	rddreg [dreg:$0x4];
	[sflag:s11] =	ssyncadd.s32 $0xFFFFC000  }
0x19f: {  	[hbm4b:s1+s2] =	stream.linear.scatter [tilespmem:s10], [sflag:$0x3], $0x4000, $0x38;
	[tilespmem:$0x11000] =	vst v63  }
0x1a0: {  	_ =	swait.ge [sflag:s3], $0x4000  }
0x1a1: {  	[sflag:s3] =	ssyncset.done $0x0  }
0x1a2: {  	s30 =	rddreg [dreg:$0x5];
	[sflag:s3] =	ssyncadd.s32 $0xFFFFC000  }
0x1a3: {  	[hbm4b:s30+s2] =	stream.linear.scatter [tilespmem:s9], [sflag:$0x3], $0x4000, $0x38;
	[tilespmem:$0x11000] =	vst v63  }
0x1a4: {  	_ =	swait.ge [sflag:s3], $0x4000  }
0x1a5: {  	[sflag:s3] =	ssyncset.done $0x0  }
0x1a6: {  	[sflag:s3] =	ssyncadd.s32 $0xFFFFC000  }
0x1a7: {  	[tilespmem:s10], [sflag:$0x1] =	stream.indirect.gather [hbm4b:s5+s12], $0x80, s28, s12, $0xb8;
	[tilespmem:$0x11000] =	vst v63  }
0x1a8: {  	_ = 	snop  }
0x1a9: {  	[tilespmem:s9], [sflag:$0x1] =	stream.indirect.gather [hbm4b:s5+s12], $0x80, s29, s12, $0xb8;
	[tilespmem:$0x11000] =	vst v63  }
0x1aa: {  	_ =	swait.ge [sflag:s8], $0x4000  }
0x1ab: {  	[sflag:s8] =	ssyncset.done $0x0  }
0x1ac: {  	[sflag:s8] =	ssyncadd.s32 $0xFFFFC000  }
0x1ad: {  	_ =	swait.ge [sflag:s8], $0x4000  }
0x1ae: {  	[sflag:s8] =	ssyncset.done $0x0  }
0x1af: {  	s31 =	rddreg [dreg:$0x6];
	[sflag:s8] =	ssyncadd.s32 $0xFFFFC000  }
0x1b0: {  	[hbm4b:s31+s2] =	stream.linear.scatter [tilespmem:s7], [sflag:$0x3], $0x4000, $0x38;
	[tilespmem:$0x11000] =	vst v63  }
0x1b1: {  	_ =	swait.ge [sflag:s3], $0x4000  }
0x1b2: {  	[sflag:s3] =	ssyncset.done $0x0  }
0x1b3: {  	s1 =	rddreg [dreg:$0x7];
	[sflag:s3] =	ssyncadd.s32 $0xFFFFC000  }
0x1b4: {  	[hbm4b:s1+s2] =	stream.linear.scatter [tilespmem:s6], [sflag:$0x3], $0x4000, $0x38;
	[tilespmem:$0x11000] =	vst v63  }
0x1b5: {  	_ =	swait.ge [sflag:s3], $0x4000  }
0x1b6: {  	[sflag:s3] =	ssyncset.done $0x0  }
0x1b7: {  	[sflag:s3] =	ssyncadd.s32 $0xFFFFC000  }
0x1b8: {  	[tilespmem:s7], [sflag:$0x2] =	stream.indirect.gather [hbm4b:s5+s12], $0x80, s25, s12, $0xb8;
	[tilespmem:$0x11000] =	vst v63  }
0x1b9: {  	_ = 	snop  }
0x1ba: {  	[tilespmem:s6], [sflag:$0x2] =	stream.indirect.gather [hbm4b:s5+s12], $0x80, s26, s12, $0xb8;
	[tilespmem:$0x11000] =	vst v63  }
0x1bb: {  	_ =	swait.ge [sflag:s11], $0x4000  }
0x1bc: {  	[sflag:s11] =	ssyncset.done $0x0  }
0x1bd: {  	[sflag:s11] =	ssyncadd.s32 $0xFFFFC000  }
0x1be: {  	_ =	swait.ge [sflag:s11], $0x4000  }
0x1bf: {  	[sflag:s11] =	ssyncset.done $0x0  }
0x1c0: {  	s26 =	rddreg [dreg:$0x8];
	[sflag:s11] =	ssyncadd.s32 $0xFFFFC000  }
0x1c1: {  	[hbm4b:s26+s2] =	stream.linear.scatter [tilespmem:s10], [sflag:$0x3], $0x4000, $0x38;
	[tilespmem:$0x11000] =	vst v63  }
0x1c2: {  	_ =	swait.ge [sflag:s3], $0x4000  }
0x1c3: {  	[sflag:s3] =	ssyncset.done $0x0  }
0x1c4: {  	s28 =	rddreg [dreg:$0x9];
	[sflag:s3] =	ssyncadd.s32 $0xFFFFC000  }
0x1c5: {  	[hbm4b:s28+s2] =	stream.linear.scatter [tilespmem:s9], [sflag:$0x3], $0x4000, $0x38;
	[tilespmem:$0x11000] =	vst v63  }
0x1c6: {  	_ =	swait.ge [sflag:s3], $0x4000  }
0x1c7: {  	[sflag:s3] =	ssyncset.done $0x0  }
0x1c8: {  	[sflag:s3] =	ssyncadd.s32 $0xFFFFC000  }
0x1c9: {  	[tilespmem:s10], [sflag:$0x1] =	stream.indirect.gather [hbm4b:s5+s12], $0x80, s23, s12, $0xb8;
	[tilespmem:$0x11000] =	vst v63  }
0x1ca: {  	_ = 	snop  }
0x1cb: {  	[tilespmem:s9], [sflag:$0x1] =	stream.indirect.gather [hbm4b:s5+s12], $0x80, s24, s12, $0xb8;
	[tilespmem:$0x11000] =	vst v63  }
0x1cc: {  	_ =	swait.ge [sflag:s8], $0x4000  }
0x1cd: {  	[sflag:s8] =	ssyncset.done $0x0  }
0x1ce: {  	[sflag:s8] =	ssyncadd.s32 $0xFFFFC000  }
0x1cf: {  	_ =	swait.ge [sflag:s8], $0x4000  }
0x1d0: {  	[sflag:s8] =	ssyncset.done $0x0  }
0x1d1: {  	s29 =	rddreg [dreg:$0xa];
	[sflag:s8] =	ssyncadd.s32 $0xFFFFC000  }
0x1d2: {  	[hbm4b:s29+s2] =	stream.linear.scatter [tilespmem:s7], [sflag:$0x3], $0x4000, $0x38;
	[tilespmem:$0x11000] =	vst v63  }
0x1d3: {  	_ =	swait.ge [sflag:s3], $0x4000  }
0x1d4: {  	[sflag:s3] =	ssyncset.done $0x0  }
0x1d5: {  	s30 =	rddreg [dreg:$0xb];
	[sflag:s3] =	ssyncadd.s32 $0xFFFFC000  }
0x1d6: {  	[hbm4b:s30+s2] =	stream.linear.scatter [tilespmem:s6], [sflag:$0x3], $0x4000, $0x38;
	[tilespmem:$0x11000] =	vst v63  }
0x1d7: {  	_ =	swait.ge [sflag:s3], $0x4000  }
0x1d8: {  	[sflag:s3] =	ssyncset.done $0x0  }
0x1d9: {  	[sflag:s3] =	ssyncadd.s32 $0xFFFFC000  }
0x1da: {  	[tilespmem:s7], [sflag:$0x2] =	stream.indirect.gather [hbm4b:s5+s12], $0x80, s21, s12, $0xb8;
	[tilespmem:$0x11000] =	vst v63  }
0x1db: {  	_ = 	snop  }
0x1dc: {  	[tilespmem:s6], [sflag:$0x2] =	stream.indirect.gather [hbm4b:s5+s12], $0x80, s22, s12, $0xb8;
	[tilespmem:$0x11000] =	vst v63  }
0x1dd: {  	_ =	swait.ge [sflag:s11], $0x4000  }
0x1de: {  	[sflag:s11] =	ssyncset.done $0x0  }
0x1df: {  	[sflag:s11] =	ssyncadd.s32 $0xFFFFC000  }
0x1e0: {  	_ =	swait.ge [sflag:s11], $0x4000  }
0x1e1: {  	[sflag:s11] =	ssyncset.done $0x0  }
0x1e2: {  	s31 =	rddreg [dreg:$0xc];
	[sflag:s11] =	ssyncadd.s32 $0xFFFFC000  }
0x1e3: {  	[hbm4b:s31+s2] =	stream.linear.scatter [tilespmem:s10], [sflag:$0x3], $0x4000, $0x38;
	[tilespmem:$0x11000] =	vst v63  }
0x1e4: {  	_ =	swait.ge [sflag:s3], $0x4000  }
0x1e5: {  	[sflag:s3] =	ssyncset.done $0x0  }
0x1e6: {  	s1 =	rddreg [dreg:$0xd];
	[sflag:s3] =	ssyncadd.s32 $0xFFFFC000  }
0x1e7: {  	[hbm4b:s1+s2] =	stream.linear.scatter [tilespmem:s9], [sflag:$0x3], $0x4000, $0x38;
	[tilespmem:$0x11000] =	vst v63  }
0x1e8: {  	_ =	swait.ge [sflag:s3], $0x4000  }
0x1e9: {  	[sflag:s3] =	ssyncset.done $0x0  }
0x1ea: {  	[sflag:s3] =	ssyncadd.s32 $0xFFFFC000  }
0x1eb: {  	[tilespmem:s10], [sflag:$0x1] =	stream.indirect.gather [hbm4b:s5+s12], $0x80, s19, s12, $0xb8;
	[tilespmem:$0x11000] =	vst v63  }
0x1ec: {  	_ = 	snop  }
0x1ed: {  	[tilespmem:s9], [sflag:$0x1] =	stream.indirect.gather [hbm4b:s5+s12], $0x80, s20, s12, $0xb8;
	[tilespmem:$0x11000] =	vst v63  }
0x1ee: {  	_ =	swait.ge [sflag:s8], $0x4000  }
0x1ef: {  	[sflag:s8] =	ssyncset.done $0x0  }
0x1f0: {  	[sflag:s8] =	ssyncadd.s32 $0xFFFFC000  }
0x1f1: {  	_ =	swait.ge [sflag:s8], $0x4000  }
0x1f2: {  	[sflag:s8] =	ssyncset.done $0x0  }
0x1f3: {  	s21 =	rddreg [dreg:$0xe];
	[sflag:s8] =	ssyncadd.s32 $0xFFFFC000  }
0x1f4: {  	[hbm4b:s21+s2] =	stream.linear.scatter [tilespmem:s7], [sflag:$0x3], $0x4000, $0x38;
	[tilespmem:$0x11000] =	vst v63  }
0x1f5: {  	_ =	swait.ge [sflag:s3], $0x4000  }
0x1f6: {  	[sflag:s3] =	ssyncset.done $0x0  }
0x1f7: {  	s22 =	rddreg [dreg:$0xf];
	[sflag:s3] =	ssyncadd.s32 $0xFFFFC000  }
0x1f8: {  	[hbm4b:s22+s2] =	stream.linear.scatter [tilespmem:s6], [sflag:$0x3], $0x4000, $0x38;
	[tilespmem:$0x11000] =	vst v63  }
0x1f9: {  	_ =	swait.ge [sflag:s3], $0x4000  }
0x1fa: {  	[sflag:s3] =	ssyncset.done $0x0  }
0x1fb: {  	[sflag:s3] =	ssyncadd.s32 $0xFFFFC000  }
0x1fc: {  	[tilespmem:s7], [sflag:$0x2] =	stream.indirect.gather [hbm4b:s5+s12], $0x80, s17, s12, $0xb8;
	[tilespmem:$0x11000] =	vst v63  }
0x1fd: {  	_ = 	snop  }
0x1fe: {  	[tilespmem:s6], [sflag:$0x2] =	stream.indirect.gather [hbm4b:s5+s12], $0x80, s18, s12, $0xb8;
	[tilespmem:$0x11000] =	vst v63  }
0x1ff: {  	_ =	swait.ge [sflag:s11], $0x4000  }
0x200: {  	[sflag:s11] =	ssyncset.done $0x0  }
0x201: {  	[sflag:s11] =	ssyncadd.s32 $0xFFFFC000  }
0x202: {  	_ =	swait.ge [sflag:s11], $0x4000  }
0x203: {  	[sflag:s11] =	ssyncset.done $0x0  }
0x204: {  	s23 =	rddreg [dreg:$0x10];
	[sflag:s11] =	ssyncadd.s32 $0xFFFFC000  }
0x205: {  	[hbm4b:s23+s2] =	stream.linear.scatter [tilespmem:s10], [sflag:$0x3], $0x4000, $0x38;
	[tilespmem:$0x11000] =	vst v63  }
0x206: {  	_ =	swait.ge [sflag:s3], $0x4000  }
0x207: {  	[sflag:s3] =	ssyncset.done $0x0  }
0x208: {  	s24 =	rddreg [dreg:$0x11];
	[sflag:s3] =	ssyncadd.s32 $0xFFFFC000  }
0x209: {  	[hbm4b:s24+s2] =	stream.linear.scatter [tilespmem:s9], [sflag:$0x3], $0x4000, $0x38;
	[tilespmem:$0x11000] =	vst v63  }
0x20a: {  	_ =	swait.ge [sflag:s3], $0x4000  }
0x20b: {  	[sflag:s3] =	ssyncset.done $0x0  }
0x20c: {  	[sflag:s3] =	ssyncadd.s32 $0xFFFFC000  }
0x20d: {  	[tilespmem:s10], [sflag:$0x1] =	stream.indirect.gather [hbm4b:s5+s12], $0x80, s15, s12, $0xb8;
	[tilespmem:$0x11000] =	vst v63  }
0x20e: {  	_ = 	snop  }
0x20f: {  	[tilespmem:s9], [sflag:$0x1] =	stream.indirect.gather [hbm4b:s5+s12], $0x80, s16, s12, $0xb8;
	[tilespmem:$0x11000] =	vst v63  }
0x210: {  	_ =	swait.ge [sflag:s8], $0x4000  }
0x211: {  	[sflag:s8] =	ssyncset.done $0x0  }
0x212: {  	[sflag:s8] =	ssyncadd.s32 $0xFFFFC000  }
0x213: {  	_ =	swait.ge [sflag:s8], $0x4000  }
0x214: {  	[sflag:s8] =	ssyncset.done $0x0  }
0x215: {  	s25 =	rddreg [dreg:$0x12];
	[sflag:s8] =	ssyncadd.s32 $0xFFFFC000  }
0x216: {  	[hbm4b:s25+s2] =	stream.linear.scatter [tilespmem:s7], [sflag:$0x3], $0x4000, $0x38;
	[tilespmem:$0x11000] =	vst v63  }
0x217: {  	_ =	swait.ge [sflag:s3], $0x4000  }
0x218: {  	[sflag:s3] =	ssyncset.done $0x0  }
0x219: {  	s26 =	rddreg [dreg:$0x13];
	[sflag:s3] =	ssyncadd.s32 $0xFFFFC000  }
0x21a: {  	[hbm4b:s26+s2] =	stream.linear.scatter [tilespmem:s6], [sflag:$0x3], $0x4000, $0x38;
	[tilespmem:$0x11000] =	vst v63  }
0x21b: {  	_ =	swait.ge [sflag:s3], $0x4000  }
0x21c: {  	[sflag:s3] =	ssyncset.done $0x0  }
0x21d: {  	[sflag:s3] =	ssyncadd.s32 $0xFFFFC000  }
0x21e: {  	[tilespmem:s7], [sflag:$0x2] =	stream.indirect.gather [hbm4b:s5+s12], $0x80, s13, s12, $0xb8;
	[tilespmem:$0x11000] =	vst v63  }
0x21f: {  	_ = 	snop  }
0x220: {  	[tilespmem:s6], [sflag:$0x2] =	stream.indirect.gather [hbm4b:s5+s12], $0x80, s14, s12, $0xb8;
	[tilespmem:$0x11000] =	vst v63  }
0x221: {  	_ =	swait.ge [sflag:s11], $0x4000  }
0x222: {  	[sflag:s11] =	ssyncset.done $0x0  }
0x223: {  	[sflag:s11] =	ssyncadd.s32 $0xFFFFC000  }
0x224: {  	_ =	swait.ge [sflag:s11], $0x4000  }
0x225: {  	[sflag:s11] =	ssyncset.done $0x0  }
0x226: {  	s28 =	rddreg [dreg:$0x14];
	[sflag:s11] =	ssyncadd.s32 $0xFFFFC000  }
0x227: {  	[hbm4b:s28+s2] =	stream.linear.scatter [tilespmem:s10], [sflag:$0x3], $0x4000, $0x38;
	[tilespmem:$0x11000] =	vst v63  }
0x228: {  	_ =	swait.ge [sflag:s3], $0x4000  }
0x229: {  	[sflag:s3] =	ssyncset.done $0x0  }
0x22a: {  	s29 =	rddreg [dreg:$0x15];
	[sflag:s3] =	ssyncadd.s32 $0xFFFFC000  }
0x22b: {  	[hbm4b:s29+s2] =	stream.linear.scatter [tilespmem:s9], [sflag:$0x3], $0x4000, $0x38;
	[tilespmem:$0x11000] =	vst v63  }
0x22c: {  	_ =	swait.ge [sflag:s3], $0x4000  }
0x22d: {  	[sflag:s3] =	ssyncset.done $0x0  }
0x22e: {  	[sflag:s3] =	ssyncadd.s32 $0xFFFFC000  }
0x22f: {  	_ =	swait.ge [sflag:s8], $0x4000  }
0x230: {  	[sflag:s8] =	ssyncset.done $0x0  }
0x231: {  	[sflag:s8] =	ssyncadd.s32 $0xFFFFC000  }
0x232: {  	_ =	swait.ge [sflag:s8], $0x4000  }
0x233: {  	[sflag:s8] =	ssyncset.done $0x0  }
0x234: {  	s30 =	rddreg [dreg:$0x16];
	[sflag:s8] =	ssyncadd.s32 $0xFFFFC000  }
0x235: {  	[hbm4b:s30+s2] =	stream.linear.scatter [tilespmem:s7], [sflag:$0x3], $0x4000, $0x38;
	[tilespmem:$0x11000] =	vst v63  }
0x236: {  	_ =	swait.ge [sflag:s3], $0x4000  }
0x237: {  	[sflag:s3] =	ssyncset.done $0x0  }
0x238: {  	[sflag:s3] =	ssyncadd.s32 $0xFFFFC000  }
0x239: {  	[hbm4b:s4+s2] =	stream.linear.scatter [tilespmem:s6], [sflag:$0x3], $0x4000, $0x38;
	[tilespmem:$0x11000] =	vst v63  }
0x23a: {  	_ =	swait.ge [sflag:s3], $0x4000  }
0x23b: {  	[sflag:s3] =	ssyncset.done $0x0  }
0x23c: {  	[sflag:s3] =	ssyncadd.s32 $0xFFFFC000  }
0x23d: {  	_ =	sfence.sel $0x180000  }
0x23e: {  	[bflag:$0x0] =	sbarrier.arrive $0xFFFF  }
0x23f: {  	_ =	strace $0x9000005C  }
0x240: {  	s31 =	stileid.u32;
	[bflag:$0x2] =	sbarrier.arrive $0xFFFF  }
0x241: {  	p0 =	sne.s32 s31, $0x0;
	s0 =	rddreg [dreg:$0x1]  }
0x242: {  	s0 =	sadd.s32 @!p0 $0x100000, s0  }
0x243: {  	[sflag:s0] =	ssyncadd.tile.s32 @!p0 $0x1;
	_ =	shalt  }
.Lfunc_end2:
_tile_overlayer_lowered:
.L_overlay_start_2:
0x244: {  	(tag) =	ssettag $0x2  }
0x245: {  	s0 =	rddreg [dreg:$0x0];
	s2 =	stileid.u32  }
0x246: {  	s1 =	rddreg [dreg:$0x1];
	p0 =	sne.s32 s2, $0x0  }
0x247: {  	s3 =	rddreg [dreg:$0x2];
	[bflag:$0x3] =	sbarrier.arrive $0xFFFF;
	s2 =	simm.s32 @!p0 $0x1C03  }
0x248: {  	[timem:s3], [sflag:s2] =	dma.local @!p0 [hbm:s0], s1  }
0x249: {  	s0 =	simm.s32 @!p0 $0x3  }
0x24a: {  	_ =	swait.ge @!p0 [sflag:s0], s1  }
0x24b: {  	s1 =	ssub.s32 @!p0 $0x0, s1;
	[sflag:s0] =	ssyncset.done @!p0 $0x0  }
0x24c: {  	[sflag:s0] =	ssyncadd.s32 @!p0 s1  }
0x24d: {  	[bflag:$0x3] =	sbarrier.arrive $0xFFFF  }
0x24e: {  	_ =	shalt  }

// kernel: closed_call.21.cloned.1.call-start
scs
__scs_entry_jumppad:
0x0: {  	(pc) =	sbr.rel $0x88, $3  }
0x1: {  	(tag) =	ssettag $0x0;
	lr =	simm.s32 $0x1  }
0x2: {  	[smem:$0x3F8F] =	sst lr;
	_ =	strace $0xD0000000  }
0x3: {  	_ = 	snop  }
0x4: {  	_ = 	snop  }
0x5: {  	_ = 	snop  }
0x6: {  	_ = 	snop  }
0x7: {  	_ = 	snop  }
__scs_overlays_trampoline_lowered:
0x8: {  	[smem:$0x3F9E] =	sst s0  }
0x9: {  	[smem:$0x3F9F] =	sst s1  }
0xa: {  	[smem:$0x3FA0] =	sst s2  }
0xb: {  	[smem:$0x3FA1] =	sst s3  }
0xc: {  	[smem:$0x3FA2] =	sst s4  }
0xd: {  	[smem:$0x3FA3] =	sst s5  }
0xe: {  	[smem:$0x3FA4] =	sst s6  }
0xf: {  	[smem:$0x3FA5] =	sst s7  }
0x10: {  	[smem:$0x3FA6] =	sst s8  }
0x11: {  	[smem:$0x3FA7] =	sst s9;
	s0 =	simm.s32 @!p0 $0x0  }
0x12: {  	s1 =	sld [smem:$0x3F8D];
	s0 =	simm.s32 @p0 $0x1  }
0x13: {  	[smem:$0x3FA8] =	sst s0;
	s0 =	simm.s32 @!p1 $0x0  }
0x14: {  	s2 =	sld [smem:$0x3F8C];
	s0 =	simm.s32 @p1 $0x1  }
0x15: {  	[smem:$0x3FA9] =	sst s0;
	s0 =	simm.s32 @!p2 $0x0  }
0x16: {  	s3 =	sld [smem:$0x3FDB];
	s0 =	simm.s32 @p2 $0x1  }
0x17: {  	s4 =	simm.s32 $0x1BF5;
	[smem:$0x3FAB] =	sst s0  }
0x18: {  	s0 =	sld [smem:$0x3F8E];
	_ =	swait.ge [sflag:s4], $0x0  }
0x19: {  	s7 =	sld [smem:$0x3F8F]  }
0x1a: {  	s8 =	sadd.s32 $0xFFFFE003, lr  }
0x1b: {  	s9 =	sadd.s32 $0xFFFFFEF7, lr;
	s5 =	simm.s32 $0xFFFFFFFF;
	p2 =	slt.u32 s8, $0xFFFFF086  }
0x1c: {  	p1 =	slt.u32 s9, $0xF7A;
	s5 =	simm.s32 @!p2 $0x0  }
0x1d: {  	s5 =	simm.s32 @p1 $0x1;
	p0 =	seq.s32 s7, s2  }
0x1e: {  	s7 =	smul.u32 @!p0 $0xF7A, s2;
	p2 =	seq.s32 @!p0 s5, $0x0  }
0x1f: {  	s9 =	smul.u32 $0xF7A, s1;
	s8 =	simm.s32 @!p0 $0x1BF5;
	p2 =	por !p2, p0  }
0x20: {  	[sflag:s8] =	ssyncset.s32 @!p0 $0xFFFFF086;
	s6 =	sadd.s32 @!p0 s3, s7;
	s7 =	simm.s32 @!p0 $0x108  }
0x21: {  	s3 =	sadd.s32 s3, s9;
	s6 =	sadd.s32 @!p0 $0x88, s6;
	s7 =	simm.s32 @p2 $0x1082  }
0x22: {  	[simem:s7], [sflag:s8] =	dma.local @!p0 [hbm:s6], $0xF7A  }
0x23: {  	s9 =	sor.u32 $0xD0000000, s2;
	s6 =	simm.s32 $0x108;
	_ =	swait.ge @!p0 [sflag:s8], $0x0  }
0x24: {  	s3 =	sadd.s32 $0x88, s3;
	s6 =	simm.s32 @!p1 $0x1082;
	[sflag:s4] =	ssyncset.s32 $0xFFFFF086  }
0x25: {  	[simem:s6], [sflag:s4] =	dma.local [hbm:s3], $0xF7A  }
0x26: {  	[smem:$0x3F8F] =	sst s1;
	(tag) =	ssettag s2;
	_ =	strace s9  }
0x27: {  	s1 =	sld [smem:$0x3F9F]  }
0x28: {  	s2 =	sld [smem:$0x3FA0]  }
0x29: {  	s4 =	sld [smem:$0x3FA2]  }
0x2a: {  	p0 =	seq.s32 s5, $0x0;
	s5 =	sld [smem:$0x3FA3]  }
0x2b: {  	s6 =	sld [smem:$0x3FA4]  }
0x2c: {  	s7 =	sld [smem:$0x3FA5]  }
0x2d: {  	s3 =	simm.s32 $0x108;
	s8 =	sld [smem:$0x3FA6]  }
0x2e: {  	s3 =	simm.s32 @!p0 $0x1082;
	s9 =	sld [smem:$0x3FA7]  }
0x2f: {  	lr =	sadd.s32 s0, s3;
	s0 =	sld [smem:$0x3F9E]  }
0x30: {  	s3 =	sld [smem:$0x3FA1]  }
0x31: {  	[smem:$0x3FAA] =	sst s10  }
0x32: {  	s10 =	sld [smem:$0x3FA8];
	_ =	sdelay $0x3  }
0x33: {  	p0 =	seq.s32 s10, $0x1;
	s10 =	sld [smem:$0x3FAA];
	_ =	sdelay $0x3  }
0x34: {  	[smem:$0x3FAA] =	sst s10  }
0x35: {  	s10 =	sld [smem:$0x3FA9];
	_ =	sdelay $0x3  }
0x36: {  	p1 =	seq.s32 s10, $0x1;
	s10 =	sld [smem:$0x3FAA];
	_ =	sdelay $0x3  }
0x37: {  	[smem:$0x3FAA] =	sst s10  }
0x38: {  	s10 =	sld [smem:$0x3FAB]  }
0x39: {  	_ = 	snop;
	(pc) =	sbr.ind lr, $3  }
0x3a: {  	_ = 	snop  }
0x3b: {  	_ = 	snop  }
0x3c: {  	p2 =	seq.s32 s10, $0x1;
	s10 =	sld [smem:$0x3FAA]  }
0x3d: {  	_ =	shalt  }
0x3e: {  	_ =	shalt  }
0x3f: {  	_ =	shalt  }
0x40: {  	_ =	shalt  }
0x41: {  	_ =	shalt  }
0x42: {  	_ =	shalt  }
0x43: {  	_ =	shalt  }
0x44: {  	_ =	shalt  }
0x45: {  	_ =	shalt  }
0x46: {  	_ =	shalt  }
0x47: {  	_ =	shalt  }
0x48: {  	_ =	shalt  }
0x49: {  	_ =	shalt  }
0x4a: {  	_ =	shalt  }
0x4b: {  	_ =	shalt  }
0x4c: {  	_ =	shalt  }
0x4d: {  	_ =	shalt  }
0x4e: {  	_ =	shalt  }
0x4f: {  	_ =	shalt  }
0x50: {  	_ =	shalt  }
0x51: {  	_ =	shalt  }
0x52: {  	_ =	shalt  }
0x53: {  	_ =	shalt  }
0x54: {  	_ =	shalt  }
0x55: {  	_ =	shalt  }
0x56: {  	_ =	shalt  }
0x57: {  	_ =	shalt  }
0x58: {  	_ =	shalt  }
0x59: {  	_ =	shalt  }
0x5a: {  	_ =	shalt  }
0x5b: {  	_ =	shalt  }
0x5c: {  	_ =	shalt  }
0x5d: {  	_ =	shalt  }
0x5e: {  	_ =	shalt  }
0x5f: {  	_ =	shalt  }
0x60: {  	_ =	shalt  }
0x61: {  	_ =	shalt  }
0x62: {  	_ =	shalt  }
0x63: {  	_ =	shalt  }
0x64: {  	_ =	shalt  }
0x65: {  	_ =	shalt  }
0x66: {  	_ =	shalt  }
0x67: {  	_ =	shalt  }
0x68: {  	_ =	shalt  }
0x69: {  	_ =	shalt  }
0x6a: {  	_ =	shalt  }
0x6b: {  	_ =	shalt  }
0x6c: {  	_ =	shalt  }
0x6d: {  	_ =	shalt  }
0x6e: {  	_ =	shalt  }
0x6f: {  	_ =	shalt  }
0x70: {  	_ =	shalt  }
0x71: {  	_ =	shalt  }
0x72: {  	_ =	shalt  }
0x73: {  	_ =	shalt  }
0x74: {  	_ =	shalt  }
0x75: {  	_ =	shalt  }
0x76: {  	_ =	shalt  }
0x77: {  	_ =	shalt  }
0x78: {  	_ =	shalt  }
0x79: {  	_ =	shalt  }
0x7a: {  	_ =	shalt  }
0x7b: {  	_ =	shalt  }
0x7c: {  	_ =	shalt  }
0x7d: {  	_ =	shalt  }
0x7e: {  	_ =	shalt  }
0x7f: {  	_ =	shalt  }
0x80: {  	_ =	shalt  }
0x81: {  	_ =	shalt  }
0x82: {  	_ =	shalt  }
0x83: {  	_ =	shalt  }
0x84: {  	_ =	shalt  }
0x85: {  	_ =	shalt  }
0x86: {  	_ =	shalt  }
0x87: {  	_ =	shalt  }
.Lfunc_end0:
.L_simem_size_0:
called_computation.8_lowered:
.L_overlay_start_0:
0x88: {  	s2 =	sld [smem:$0x3FD9]  }
0x89: {  	s3 =	sld [smem:$0x3FFE];
	_ =	sdelay $0x1  }
0x8a: {  	s1 =	srdreg.scid  }
0x8b: {  	s0 =	sand.u32 $0x1, s1  }
0x8c: {  	s16 =	sshll.u32 s0, $0xA;
	s2 =	sadd.s32 s3, s2  }
0x8d: {  	s2 =	sadd.s32 s2, s16  }
0x8e: {  	[smem:$0x3FB6] =	sst s2  }
0x8f: {  	_ = 	snop  }
0x90: {  	(tm) =	ssettm $0x1  }
0x91: {  	s17 =	sld [smem:$0x3FFB];
	_ =	sdelay $0x3  }
0x92: {  	_ =	strace s17  }
0x93: {  	s2 =	sld [smem:$0x3FFC];
	_ =	sdelay $0x3  }
0x94: {  	_ =	strace s2  }
0x95: {  	s2 =	sld [smem:$0x3FFD];
	_ =	sdelay $0x3  }
0x96: {  	_ =	strace s2  }
0x97: {  	_ =	strace $0x8FFFFFFF  }
0x98: {  	s18 =	sld [smem:$0x3FDB];
	_ =	sdelay $0x1  }
0x99: {  	s19 =	simm.s32 $_scs_section_size  }
0x9a: {  	s4 =	simm.s32 $_size__tile_overlayer_lowered;
	s5 =	simm.s32 $_tile_overlayer_lowered  }
0x9b: {  	s22 =	simm.s32 $0x1BFF;
	s21 =	sshll.u32 s5, $0x1;
	s2 =	sadd.s32 s19, s18  }
0x9c: {  	s6 =	simm.s32 $0x0;
	s20 =	sshll.u32 s4, $0x1;
	s4 =	sadd.s32 s21, s2  }
0x9d: {  	[timem:s6], [sflag:s22] =	dma.local [hbm:s4], s20  }
0x9e: {  	_ =	swait.ge [sflag:s22], s20  }
0x9f: {  	s3 =	ssub.s32 $0x0, s20;
	[sflag:s22] =	ssyncset.done $0x0  }
0xa0: {  	[sflag:s22] =	ssyncadd.s32 s3;
	_ =	sdelay $0x1  }
0xa1: {  	s23 =	simm.s32 $0x1B8B  }
0xa2: {  	_ =	swait.ge [sflag:s23], $0x1  }
0xa3: {  	[sflag:s23] =	ssyncset.done $0x0  }
0xa4: {  	s25 =	simm.s32 $0x1B8E;
	s24 =	sld [smem:$0x3FFE];
	[sflag:s23] =	ssyncadd.s32 $0xFFFFFFFF  }
0xa5: {  	s26 =	simm.s32 $execute0_lowered;
	[smem:$0x3FD2] =	sst s25  }
0xa6: {  	s4 =	sshll.u32 s26, $0x1;
	_ =	strace $0x8000005E;
	[dreg:$0x1] =	wrdreg $0xFFFFFFFF  }
0xa7: {  	s28 =	simm.s32 $_size_execute0_lowered;
	s2 =	sadd.s32 s2, s4;
	[dreg:$0x0] =	wrdreg $0x0  }
0xa8: {  	s4 =	sshll.u32 s28, $0x1;
	[dreg:$0x2] =	wrdreg s2  }
0xa9: {  	[dreg:$0x3] =	wrdreg s4  }
0xaa: {  	[dreg:$0x4] =	wrdreg $0xC0  }
0xab: {  	_ =	task [dreg:s6], $0x5FFFF  }
0xac: {  	[dreg:$0x1] =	wrdreg $0xFFFFFFFF  }
0xad: {  	[dreg:$0x0] =	wrdreg $0x60  }
0xae: {  	[dreg:$0x2] =	wrdreg s24  }
0xaf: {  	[dreg:$0x3] =	wrdreg $0x9  }
0xb0: {  	_ =	task.clear_ibuf [dreg:s6], $0x4FFFF;
	_ =	strace $0x9000005E  }
0xb1: {  	s29 =	simm.s32 $0x9;
	_ =	strace $0x80000060  }
0xb2: {  	_ =	swait.ge [sflag:s29], $0x1  }
0xb3: {  	[sflag:s29] =	ssyncadd.s32 $0xFFFFFFFF  }
0xb4: {  	_ =	strace $0x90000060  }
0xb5: {  	_ =	sfence  }
0xb6: {  	s30 =	sld [smem:$0x0];
	_ =	sdelay $0x2  }
0xb7: {  	s31 =	sshll.u32 s1, $0xD;
	s1 =	sshrl.u32 s1, $0x2  }
0xb8: {  	s3 =	sand.u32 $0x4000, s31;
	s1 =	sadd.s32 s1, s30  }
0xb9: {  	s0 =	sor.u32 s3, s0;
	s1 =	sshll.u32 s1, $0x11  }
0xba: {  	s0 =	sor.u32 s1, s0  }
0xbb: {  	s0 =	sadd.s32 $0x8F2B, s0  }
0xbc: {  	[sflag:s0] =	ssyncadd.remote.s32 $0x1  }
0xbd: {  	_ =	sfence.sel $0xFFFF  }
0xbe: {  	[dreg:$0x0] =	wrdreg $0xFFFFFFFF;
	(pc) =	sbr.abs _section_cstart, $3  }
0xbf: {  	[dreg:$0x1] =	wrdreg $0xFFFFFFFF  }
0xc0: {  	_ =	task.clear_ibuf [dreg:s6], $0x2FFFF;
	_ =	strace $0x9FFFFFFF  }
0xc1: {  	(tm) =	ssettm $0x7FFFFFFF  }
tec
execute0_lowered:
.L_overlay_start_1:
0x0: {  	(tag) =	ssettag $0x1  }
0x1: {  	s4 =	rddreg [dreg:$0x0]  }
0x2: {  	s0 =	rddreg [dreg:$0x1]  }
0x3: {  	s3 =	srdreg.scid;
	s2 =	simm.s32 $0x0;
	s1 =	stileid.u32  }
0x4: {  	s10 =	simm.s32 $0x5000;
	s11 =	simm.s32 $0x9000;
	s12 =	simm.s32 $0xD000  }
0x5: {  	s13 =	simm.s32 $0x1;
	s14 =	simm.s32 $0x2;
	s15 =	simm.s32 $0x3  }
0x6: {  	s16 =	simm.s32 $0x4;
	s17 =	simm.s32 $0x0;
	s5 =	sand.u32 $0x1, s3  }
0x7: {  	[smem:$0x7FF] =	sst s2;
	s29 =	sshll.u32 s1, $0xD;
	s3 =	sadd.s32 $0x22BA00, s4  }
0x8: {  	s8 =	sshll.u32 s1, $0x11;
	s6 =	sshll.u32 s5, $0xC;
	_ =	strace $0x8000005F  }
0x9: {  	s7 =	ssub.s32 $0x2, s5;
	s8 =	sadd.s32 s8, s4;
	s30 =	sshll.u32 s5, $0x10  }
0xa: {  	s6 =	sor.u32 s6, s29;
	s9 =	sshrl.u32 s7, $0x1;
	s31 =	sadd.s32 s30, s8  }
0xb: {  	s8 =	simm.s32 $0x80;
	s6 =	sshrl.u32 s6, $0x3;
	s7 =	ssub.s32 s7, s9  }
0xc: {  	s9 =	simm.s32 $0x1000;
	s6 =	sadd.s32 s6, s4;
	s5 =	smax.u32 s7, $0x1  }
0xd: {  	s7 =	simm.s32 $0x5;
	s4 =	sadd.s32 $0x103C00, s6;
	s6 =	sadd.s32 $0x2CBA00, s31  }
.LBB2_1:
0xe: {  	[tilespmem:s2], [sflag:$0x5] =	stream.linear.gather [hbm4b:s4+s2], $0x1000, $0x38;
	[tilespmem:$0x11000] =	vst v63  }
0xf: {  	_ =	swait.ge [sflag:s7], $0x1000  }
0x10: {  	[sflag:s7] =	ssyncset.done $0x0  }
0x11: {  	[sflag:s7] =	ssyncadd.s32 $0xFFFFF000  }
0x12: {  	[tilespmem:s9], [sflag:$0x1] =	stream.indirect.gather [hbm4b:s3+s8], $0x80, s2, s8, $0xb8;
	[tilespmem:$0x11000] =	vst v63  }
0x13: {  	s18 =	simm.s32 $0x80  }
0x14: {  	[tilespmem:s10], [sflag:$0x2] =	stream.indirect.gather [hbm4b:s3+s8], $0x80, s18, s8, $0xb8;
	[tilespmem:$0x11000] =	vst v63  }
0x15: {  	s28 =	simm.s32 $0x100  }
0x16: {  	[tilespmem:s11], [sflag:$0x3] =	stream.indirect.gather [hbm4b:s3+s8], $0x80, s28, s8, $0xb8;
	[tilespmem:$0x11000] =	vst v63  }
0x17: {  	s29 =	simm.s32 $0x180  }
0x18: {  	[tilespmem:s12], [sflag:$0x4] =	stream.indirect.gather [hbm4b:s3+s8], $0x80, s29, s8, $0xb8;
	[tilespmem:$0x11000] =	vst v63  }
0x19: {  	_ =	swait.ge [sflag:s13], $0x4000  }
0x1a: {  	[sflag:s13] =	ssyncset.done $0x0  }
0x1b: {  	s30 =	sadd.s32 $0x0, s6;
	[sflag:s13] =	ssyncadd.s32 $0xFFFFC000  }
0x1c: {  	[hbm4b:s30+s2] =	stream.linear.scatter [tilespmem:s9], [sflag:$0x5], $0x4000, $0x38;
	[tilespmem:$0x11000] =	vst v63  }
0x1d: {  	_ =	swait.ge [sflag:s7], $0x4000  }
0x1e: {  	[sflag:s7] =	ssyncset.done $0x0  }
0x1f: {  	[sflag:s7] =	ssyncadd.s32 $0xFFFFC000  }
0x20: {  	_ =	swait.ge [sflag:s14], $0x4000  }
0x21: {  	[sflag:s14] =	ssyncset.done $0x0  }
0x22: {  	s19 =	sadd.s32 $0x800, s30;
	[sflag:s14] =	ssyncadd.s32 $0xFFFFC000  }
0x23: {  	[hbm4b:s19+s2] =	stream.linear.scatter [tilespmem:s10], [sflag:$0x5], $0x4000, $0x38;
	[tilespmem:$0x11000] =	vst v63  }
0x24: {  	_ =	swait.ge [sflag:s7], $0x4000  }
0x25: {  	[sflag:s7] =	ssyncset.done $0x0  }
0x26: {  	[sflag:s7] =	ssyncadd.s32 $0xFFFFC000  }
0x27: {  	_ =	swait.ge [sflag:s15], $0x4000  }
0x28: {  	[sflag:s15] =	ssyncset.done $0x0  }
0x29: {  	s31 =	sadd.s32 $0x1000, s30;
	[sflag:s15] =	ssyncadd.s32 $0xFFFFC000  }
0x2a: {  	[hbm4b:s31+s2] =	stream.linear.scatter [tilespmem:s11], [sflag:$0x5], $0x4000, $0x38;
	[tilespmem:$0x11000] =	vst v63  }
0x2b: {  	_ =	swait.ge [sflag:s7], $0x4000  }
0x2c: {  	[sflag:s7] =	ssyncset.done $0x0  }
0x2d: {  	[sflag:s7] =	ssyncadd.s32 $0xFFFFC000  }
0x2e: {  	_ =	swait.ge [sflag:s16], $0x4000  }
0x2f: {  	[sflag:s16] =	ssyncset.done $0x0  }
0x30: {  	s18 =	sadd.s32 $0x1800, s30;
	[sflag:s16] =	ssyncadd.s32 $0xFFFFC000  }
0x31: {  	[hbm4b:s18+s2] =	stream.linear.scatter [tilespmem:s12], [sflag:$0x5], $0x4000, $0x38;
	[tilespmem:$0x11000] =	vst v63  }
0x32: {  	_ =	swait.ge [sflag:s7], $0x4000  }
0x33: {  	s19 =	simm.s32 $0x0;
	s18 =	simm.s32 $0x2000;
	[sflag:s7] =	ssyncset.done $0x0  }
.LBB2_2:
0x34: {  	p0 =	sne.s32 s18, $0xE000;
	[sflag:s7] =	ssyncadd.s32 $0xFFFFC000;
	s19 =	sadd.s32 $0x200, s19  }
0x35: {  	[tilespmem:s9], [sflag:$0x1] =	stream.indirect.gather [hbm4b:s3+s8], $0x80, s19, s8, $0xb8;
	[tilespmem:$0x11000] =	vst v63  }
0x36: {  	s21 =	smov.u32 s18;
	s18 =	sadd.s32 $0x2000, s18;
	s20 =	sadd.s32 $0x80, s19  }
0x37: {  	[tilespmem:s10], [sflag:$0x2] =	stream.indirect.gather [hbm4b:s3+s8], $0x80, s20, s8, $0xb8;
	[tilespmem:$0x11000] =	vst v63  }
0x38: {  	s20 =	sadd.s32 $0x100, s19  }
0x39: {  	[tilespmem:s11], [sflag:$0x3] =	stream.indirect.gather [hbm4b:s3+s8], $0x80, s20, s8, $0xb8;
	[tilespmem:$0x11000] =	vst v63  }
0x3a: {  	s20 =	sadd.s32 $0x180, s19  }
0x3b: {  	[tilespmem:s12], [sflag:$0x4] =	stream.indirect.gather [hbm4b:s3+s8], $0x80, s20, s8, $0xb8;
	[tilespmem:$0x11000] =	vst v63  }
0x3c: {  	_ =	swait.ge [sflag:s13], $0x4000  }
0x3d: {  	[sflag:s13] =	ssyncset.done $0x0  }
0x3e: {  	s20 =	sadd.s32 s21, s6;
	[sflag:s13] =	ssyncadd.s32 $0xFFFFC000  }
0x3f: {  	[hbm4b:s20+s2] =	stream.linear.scatter [tilespmem:s9], [sflag:$0x5], $0x4000, $0x38;
	[tilespmem:$0x11000] =	vst v63  }
0x40: {  	_ =	swait.ge [sflag:s7], $0x4000  }
0x41: {  	[sflag:s7] =	ssyncset.done $0x0  }
0x42: {  	[sflag:s7] =	ssyncadd.s32 $0xFFFFC000  }
0x43: {  	_ =	swait.ge [sflag:s14], $0x4000  }
0x44: {  	[sflag:s14] =	ssyncset.done $0x0  }
0x45: {  	s21 =	sadd.s32 $0x800, s20;
	[sflag:s14] =	ssyncadd.s32 $0xFFFFC000  }
0x46: {  	[hbm4b:s21+s2] =	stream.linear.scatter [tilespmem:s10], [sflag:$0x5], $0x4000, $0x38;
	[tilespmem:$0x11000] =	vst v63  }
0x47: {  	_ =	swait.ge [sflag:s7], $0x4000  }
0x48: {  	[sflag:s7] =	ssyncset.done $0x0  }
0x49: {  	[sflag:s7] =	ssyncadd.s32 $0xFFFFC000  }
0x4a: {  	_ =	swait.ge [sflag:s15], $0x4000  }
0x4b: {  	[sflag:s15] =	ssyncset.done $0x0  }
0x4c: {  	s21 =	sadd.s32 $0x1000, s20;
	[sflag:s15] =	ssyncadd.s32 $0xFFFFC000  }
0x4d: {  	[hbm4b:s21+s2] =	stream.linear.scatter [tilespmem:s11], [sflag:$0x5], $0x4000, $0x38;
	[tilespmem:$0x11000] =	vst v63  }
0x4e: {  	_ =	swait.ge [sflag:s7], $0x4000  }
0x4f: {  	[sflag:s7] =	ssyncset.done $0x0  }
0x50: {  	[sflag:s7] =	ssyncadd.s32 $0xFFFFC000  }
0x51: {  	_ =	swait.ge [sflag:s16], $0x4000  }
.Ltmp0:
0x52: {  	[sflag:s16] =	ssyncset.done $0x0;
	(pc) =	sbr.rel @p0 .LBB2_2-.Ltmp0, $4  }
0x53: {  	s20 =	sadd.s32 $0x1800, s20;
	[sflag:s16] =	ssyncadd.s32 $0xFFFFC000  }
0x54: {  	[hbm4b:s20+s2] =	stream.linear.scatter [tilespmem:s12], [sflag:$0x5], $0x4000, $0x38;
	[tilespmem:$0x11000] =	vst v63  }
0x55: {  	_ =	swait.ge [sflag:s7], $0x4000  }
0x56: {  	[sflag:s7] =	ssyncset.done $0x0  }
0x57: {  	s17 =	sadd.s32 $0x1, s17  }
0x58: {  	p0 =	sne.s32 s17, s5  }
.Ltmp1:
0x59: {  	_ = 	snop;
	(pc) =	sbr.rel @p0 .LBB2_1-.Ltmp1, $2  }
0x5a: {  	_ =	sdelay $0x2  }
0x5b: {  	[sflag:s7] =	ssyncadd.s32 $0xFFFFC000  }
0x5c: {  	_ =	sfence.sel $0x180000  }
0x5d: {  	[bflag:$0x0] =	sbarrier.arrive $0xFFFF  }
0x5e: {  	p0 =	sne.s32 s1, $0x0;
	_ =	strace $0x9000005F  }
0x5f: {  	s0 =	sadd.s32 @!p0 $0x100000, s0;
	[bflag:$0x2] =	sbarrier.arrive $0xFFFF  }
0x60: {  	[sflag:s0] =	ssyncadd.tile.s32 @!p0 $0x1;
	_ =	shalt  }
.Lfunc_end2:
_tile_overlayer_lowered:
.L_overlay_start_2:
0x61: {  	(tag) =	ssettag $0x2  }
0x62: {  	s0 =	rddreg [dreg:$0x0];
	s2 =	stileid.u32  }
0x63: {  	s1 =	rddreg [dreg:$0x1];
	p0 =	sne.s32 s2, $0x0  }
0x64: {  	s3 =	rddreg [dreg:$0x2];
	[bflag:$0x3] =	sbarrier.arrive $0xFFFF;
	s2 =	simm.s32 @!p0 $0x1C05  }
0x65: {  	[timem:s3], [sflag:s2] =	dma.local @!p0 [hbm:s0], s1  }
0x66: {  	s0 =	simm.s32 @!p0 $0x5  }
0x67: {  	_ =	swait.ge @!p0 [sflag:s0], s1  }
0x68: {  	s1 =	ssub.s32 @!p0 $0x0, s1;
	[sflag:s0] =	ssyncset.done @!p0 $0x0  }
0x69: {  	[sflag:s0] =	ssyncadd.s32 @!p0 s1  }
0x6a: {  	[bflag:$0x3] =	sbarrier.arrive $0xFFFF  }
0x6b: {  	_ =	shalt  }

// kernel: gather_offload_async_start.1
scs
__scs_entry_jumppad:
0x0: {  	(pc) =	sbr.rel $0x88, $3  }
0x1: {  	(tag) =	ssettag $0x0;
	lr =	simm.s32 $0x1  }
0x2: {  	[smem:$0x3F8F] =	sst lr;
	_ =	strace $0xD0000000  }
0x3: {  	_ = 	snop  }
0x4: {  	_ = 	snop  }
0x5: {  	_ = 	snop  }
0x6: {  	_ = 	snop  }
0x7: {  	_ = 	snop  }
__scs_overlays_trampoline_lowered:
0x8: {  	[smem:$0x3F9E] =	sst s0  }
0x9: {  	[smem:$0x3F9F] =	sst s1  }
0xa: {  	[smem:$0x3FA0] =	sst s2  }
0xb: {  	[smem:$0x3FA1] =	sst s3  }
0xc: {  	[smem:$0x3FA2] =	sst s4  }
0xd: {  	[smem:$0x3FA3] =	sst s5  }
0xe: {  	[smem:$0x3FA4] =	sst s6  }
0xf: {  	[smem:$0x3FA5] =	sst s7  }
0x10: {  	[smem:$0x3FA6] =	sst s8  }
0x11: {  	[smem:$0x3FA7] =	sst s9;
	s0 =	simm.s32 @!p0 $0x0  }
0x12: {  	s1 =	sld [smem:$0x3F8D];
	s0 =	simm.s32 @p0 $0x1  }
0x13: {  	[smem:$0x3FA8] =	sst s0;
	s0 =	simm.s32 @!p1 $0x0  }
0x14: {  	s2 =	sld [smem:$0x3F8C];
	s0 =	simm.s32 @p1 $0x1  }
0x15: {  	[smem:$0x3FA9] =	sst s0;
	s0 =	simm.s32 @!p2 $0x0  }
0x16: {  	s3 =	sld [smem:$0x3FDB];
	s0 =	simm.s32 @p2 $0x1  }
0x17: {  	s4 =	simm.s32 $0x1BF5;
	[smem:$0x3FAB] =	sst s0  }
0x18: {  	s0 =	sld [smem:$0x3F8E];
	_ =	swait.ge [sflag:s4], $0x0  }
0x19: {  	s7 =	sld [smem:$0x3F8F]  }
0x1a: {  	s8 =	sadd.s32 $0xFFFFE003, lr  }
0x1b: {  	s9 =	sadd.s32 $0xFFFFFEF7, lr;
	s5 =	simm.s32 $0xFFFFFFFF;
	p2 =	slt.u32 s8, $0xFFFFF086  }
0x1c: {  	p1 =	slt.u32 s9, $0xF7A;
	s5 =	simm.s32 @!p2 $0x0  }
0x1d: {  	s5 =	simm.s32 @p1 $0x1;
	p0 =	seq.s32 s7, s2  }
0x1e: {  	s7 =	smul.u32 @!p0 $0xF7A, s2;
	p2 =	seq.s32 @!p0 s5, $0x0  }
0x1f: {  	s9 =	smul.u32 $0xF7A, s1;
	s8 =	simm.s32 @!p0 $0x1BF5;
	p2 =	por !p2, p0  }
0x20: {  	[sflag:s8] =	ssyncset.s32 @!p0 $0xFFFFF086;
	s6 =	sadd.s32 @!p0 s3, s7;
	s7 =	simm.s32 @!p0 $0x108  }
0x21: {  	s3 =	sadd.s32 s3, s9;
	s6 =	sadd.s32 @!p0 $0x88, s6;
	s7 =	simm.s32 @p2 $0x1082  }
0x22: {  	[simem:s7], [sflag:s8] =	dma.local @!p0 [hbm:s6], $0xF7A  }
0x23: {  	s9 =	sor.u32 $0xD0000000, s2;
	s6 =	simm.s32 $0x108;
	_ =	swait.ge @!p0 [sflag:s8], $0x0  }
0x24: {  	s3 =	sadd.s32 $0x88, s3;
	s6 =	simm.s32 @!p1 $0x1082;
	[sflag:s4] =	ssyncset.s32 $0xFFFFF086  }
0x25: {  	[simem:s6], [sflag:s4] =	dma.local [hbm:s3], $0xF7A  }
0x26: {  	[smem:$0x3F8F] =	sst s1;
	(tag) =	ssettag s2;
	_ =	strace s9  }
0x27: {  	s1 =	sld [smem:$0x3F9F]  }
0x28: {  	s2 =	sld [smem:$0x3FA0]  }
0x29: {  	s4 =	sld [smem:$0x3FA2]  }
0x2a: {  	p0 =	seq.s32 s5, $0x0;
	s5 =	sld [smem:$0x3FA3]  }
0x2b: {  	s6 =	sld [smem:$0x3FA4]  }
0x2c: {  	s7 =	sld [smem:$0x3FA5]  }
0x2d: {  	s3 =	simm.s32 $0x108;
	s8 =	sld [smem:$0x3FA6]  }
0x2e: {  	s3 =	simm.s32 @!p0 $0x1082;
	s9 =	sld [smem:$0x3FA7]  }
0x2f: {  	lr =	sadd.s32 s0, s3;
	s0 =	sld [smem:$0x3F9E]  }
0x30: {  	s3 =	sld [smem:$0x3FA1]  }
0x31: {  	[smem:$0x3FAA] =	sst s10  }
0x32: {  	s10 =	sld [smem:$0x3FA8];
	_ =	sdelay $0x3  }
0x33: {  	p0 =	seq.s32 s10, $0x1;
	s10 =	sld [smem:$0x3FAA];
	_ =	sdelay $0x3  }
0x34: {  	[smem:$0x3FAA] =	sst s10  }
0x35: {  	s10 =	sld [smem:$0x3FA9];
	_ =	sdelay $0x3  }
0x36: {  	p1 =	seq.s32 s10, $0x1;
	s10 =	sld [smem:$0x3FAA];
	_ =	sdelay $0x3  }
0x37: {  	[smem:$0x3FAA] =	sst s10  }
0x38: {  	s10 =	sld [smem:$0x3FAB]  }
0x39: {  	_ = 	snop;
	(pc) =	sbr.ind lr, $3  }
0x3a: {  	_ = 	snop  }
0x3b: {  	_ = 	snop  }
0x3c: {  	p2 =	seq.s32 s10, $0x1;
	s10 =	sld [smem:$0x3FAA]  }
0x3d: {  	_ =	shalt  }
0x3e: {  	_ =	shalt  }
0x3f: {  	_ =	shalt  }
0x40: {  	_ =	shalt  }
0x41: {  	_ =	shalt  }
0x42: {  	_ =	shalt  }
0x43: {  	_ =	shalt  }
0x44: {  	_ =	shalt  }
0x45: {  	_ =	shalt  }
0x46: {  	_ =	shalt  }
0x47: {  	_ =	shalt  }
0x48: {  	_ =	shalt  }
0x49: {  	_ =	shalt  }
0x4a: {  	_ =	shalt  }
0x4b: {  	_ =	shalt  }
0x4c: {  	_ =	shalt  }
0x4d: {  	_ =	shalt  }
0x4e: {  	_ =	shalt  }
0x4f: {  	_ =	shalt  }
0x50: {  	_ =	shalt  }
0x51: {  	_ =	shalt  }
0x52: {  	_ =	shalt  }
0x53: {  	_ =	shalt  }
0x54: {  	_ =	shalt  }
0x55: {  	_ =	shalt  }
0x56: {  	_ =	shalt  }
0x57: {  	_ =	shalt  }
0x58: {  	_ =	shalt  }
0x59: {  	_ =	shalt  }
0x5a: {  	_ =	shalt  }
0x5b: {  	_ =	shalt  }
0x5c: {  	_ =	shalt  }
0x5d: {  	_ =	shalt  }
0x5e: {  	_ =	shalt  }
0x5f: {  	_ =	shalt  }
0x60: {  	_ =	shalt  }
0x61: {  	_ =	shalt  }
0x62: {  	_ =	shalt  }
0x63: {  	_ =	shalt  }
0x64: {  	_ =	shalt  }
0x65: {  	_ =	shalt  }
0x66: {  	_ =	shalt  }
0x67: {  	_ =	shalt  }
0x68: {  	_ =	shalt  }
0x69: {  	_ =	shalt  }
0x6a: {  	_ =	shalt  }
0x6b: {  	_ =	shalt  }
0x6c: {  	_ =	shalt  }
0x6d: {  	_ =	shalt  }
0x6e: {  	_ =	shalt  }
0x6f: {  	_ =	shalt  }
0x70: {  	_ =	shalt  }
0x71: {  	_ =	shalt  }
0x72: {  	_ =	shalt  }
0x73: {  	_ =	shalt  }
0x74: {  	_ =	shalt  }
0x75: {  	_ =	shalt  }
0x76: {  	_ =	shalt  }
0x77: {  	_ =	shalt  }
0x78: {  	_ =	shalt  }
0x79: {  	_ =	shalt  }
0x7a: {  	_ =	shalt  }
0x7b: {  	_ =	shalt  }
0x7c: {  	_ =	shalt  }
0x7d: {  	_ =	shalt  }
0x7e: {  	_ =	shalt  }
0x7f: {  	_ =	shalt  }
0x80: {  	_ =	shalt  }
0x81: {  	_ =	shalt  }
0x82: {  	_ =	shalt  }
0x83: {  	_ =	shalt  }
0x84: {  	_ =	shalt  }
0x85: {  	_ =	shalt  }
0x86: {  	_ =	shalt  }
0x87: {  	_ =	shalt  }
.Lfunc_end0:
.L_simem_size_0:
called_computation.3_lowered:
.L_overlay_start_0:
0x88: {  	s2 =	sld [smem:$0x3FD9]  }
0x89: {  	s3 =	sld [smem:$0x3FFE];
	_ =	sdelay $0x1  }
0x8a: {  	s1 =	srdreg.scid  }
0x8b: {  	s0 =	sand.u32 $0x1, s1  }
0x8c: {  	s16 =	sshll.u32 s0, $0xA;
	s2 =	sadd.s32 s3, s2  }
0x8d: {  	s2 =	sadd.s32 s2, s16  }
0x8e: {  	[smem:$0x3FB6] =	sst s2  }
0x8f: {  	_ = 	snop  }
0x90: {  	(tm) =	ssettm $0x1  }
0x91: {  	s17 =	sld [smem:$0x3FFB];
	_ =	sdelay $0x3  }
0x92: {  	_ =	strace s17  }
0x93: {  	s2 =	sld [smem:$0x3FFC];
	_ =	sdelay $0x3  }
0x94: {  	_ =	strace s2  }
0x95: {  	s2 =	sld [smem:$0x3FFD];
	_ =	sdelay $0x3  }
0x96: {  	_ =	strace s2  }
0x97: {  	_ =	strace $0x8FFFFFFF  }
0x98: {  	s18 =	sld [smem:$0x3FDB];
	_ =	sdelay $0x1  }
0x99: {  	s19 =	simm.s32 $_scs_section_size  }
0x9a: {  	s4 =	simm.s32 $_size__tile_overlayer_lowered;
	s5 =	simm.s32 $_tile_overlayer_lowered  }
0x9b: {  	s22 =	simm.s32 $0x1BFF;
	s21 =	sshll.u32 s5, $0x1;
	s2 =	sadd.s32 s19, s18  }
0x9c: {  	s6 =	simm.s32 $0x0;
	s20 =	sshll.u32 s4, $0x1;
	s4 =	sadd.s32 s21, s2  }
0x9d: {  	[timem:s6], [sflag:s22] =	dma.local [hbm:s4], s20  }
0x9e: {  	_ =	swait.ge [sflag:s22], s20  }
0x9f: {  	s3 =	ssub.s32 $0x0, s20;
	[sflag:s22] =	ssyncset.done $0x0  }
0xa0: {  	[sflag:s22] =	ssyncadd.s32 s3;
	_ =	sdelay $0x1  }
0xa1: {  	s23 =	simm.s32 $0x1B8B  }
0xa2: {  	_ =	swait.ge [sflag:s23], $0x1  }
0xa3: {  	[sflag:s23] =	ssyncset.done $0x0  }
0xa4: {  	s25 =	simm.s32 $0x1B8E;
	s24 =	sld [smem:$0x3FFE];
	[sflag:s23] =	ssyncadd.s32 $0xFFFFFFFF  }
0xa5: {  	s26 =	simm.s32 $execute0_lowered;
	[smem:$0x3FD2] =	sst s25  }
0xa6: {  	s4 =	sshll.u32 s26, $0x1;
	_ =	strace $0x8000004C;
	[dreg:$0x1] =	wrdreg $0xFFFFFFFF  }
0xa7: {  	s28 =	simm.s32 $_size_execute0_lowered;
	s2 =	sadd.s32 s2, s4;
	[dreg:$0x0] =	wrdreg $0x0  }
0xa8: {  	s4 =	sshll.u32 s28, $0x1;
	[dreg:$0x2] =	wrdreg s2  }
0xa9: {  	[dreg:$0x3] =	wrdreg s4  }
0xaa: {  	[dreg:$0x4] =	wrdreg $0xC0  }
0xab: {  	_ =	task [dreg:s6], $0x5FFFF  }
0xac: {  	[dreg:$0x1] =	wrdreg $0xFFFFFFFF  }
0xad: {  	[dreg:$0x0] =	wrdreg $0x60  }
0xae: {  	[dreg:$0x2] =	wrdreg s24  }
0xaf: {  	[dreg:$0x3] =	wrdreg $0x9  }
0xb0: {  	_ =	task.clear_ibuf [dreg:s6], $0x4FFFF;
	_ =	strace $0x9000004C  }
0xb1: {  	s29 =	simm.s32 $0x9;
	_ =	strace $0x8000004E  }
0xb2: {  	_ =	swait.ge [sflag:s29], $0x1  }
0xb3: {  	[sflag:s29] =	ssyncadd.s32 $0xFFFFFFFF  }
0xb4: {  	_ =	strace $0x9000004E  }
0xb5: {  	_ =	sfence  }
0xb6: {  	s30 =	sld [smem:$0x0];
	_ =	sdelay $0x2  }
0xb7: {  	s31 =	sshll.u32 s1, $0xD;
	s1 =	sshrl.u32 s1, $0x2  }
0xb8: {  	s3 =	sand.u32 $0x4000, s31;
	s1 =	sadd.s32 s1, s30  }
0xb9: {  	s0 =	sor.u32 s3, s0;
	s1 =	sshll.u32 s1, $0x11  }
0xba: {  	s0 =	sor.u32 s1, s0  }
0xbb: {  	s0 =	sadd.s32 $0x8F2B, s0  }
0xbc: {  	[sflag:s0] =	ssyncadd.remote.s32 $0x1  }
0xbd: {  	_ =	sfence.sel $0xFFFF  }
0xbe: {  	[dreg:$0x0] =	wrdreg $0xFFFFFFFF;
	(pc) =	sbr.abs _section_cstart, $3  }
0xbf: {  	[dreg:$0x1] =	wrdreg $0xFFFFFFFF  }
0xc0: {  	_ =	task.clear_ibuf [dreg:s6], $0x2FFFF;
	_ =	strace $0x9FFFFFFF  }
0xc1: {  	(tm) =	ssettm $0x7FFFFFFF  }
tec
execute0_lowered:
.L_overlay_start_1:
0x0: {  	(tag) =	ssettag $0x1  }
0x1: {  	s0 =	srdreg.scid;
	s5 =	rddreg [dreg:$0x0]  }
0x2: {  	s1 =	stileid.u32;
	s6 =	simm.s32 $0x1;
	s9 =	simm.s32 $0x1  }
0x3: {  	s10 =	simm.s32 $0x3;
	s13 =	simm.s32 $0x0;
	s2 =	sshll.u32 s0, $0xA  }
0x4: {  	s12 =	simm.s32 $0x0;
	s3 =	sshll.u32 s1, $0xB;
	s2 =	sand.u32 $0x400, s2  }
0x5: {  	s0 =	rddreg [dreg:$0x1];
	_ =	strace $0x8000004D;
	s2 =	sor.u32 s3, s2  }
0x6: {  	s4 =	sadd.s32 $0x4C00, s5;
	[sflag:s6] =	ssyncpa.u1 $0x0;
	s8 =	ssub.s32 $0xA000, s2  }
.Ltmp0:
0x7: {  	s3 =	sadd.s32 $0x1000, s5;
	s7 =	sand.u32 $0x7C00, s8;
	(pc) =	sbr.rel .LBB2_1-.Ltmp0, $4  }
0x8: {  	s5 =	sadd.s32 $0x2400, s5;
	s11 =	smov.u32 s2;
	p0 =	sne.s32 s7, $0x0  }
0x9: {  	s8 =	sshrl.u32 s8, $0xF;
	s7 =	simm.s32 $0x2;
	s9 =	simm.s32 @!p0 $0x0  }
0xa: {  	[sflag:s7] =	ssyncpa.u1 $0x0;
	p0 =	por $0x0, $0x0;
	s8 =	sadd.s32 s9, s8  }
0xb: {  	vm0 =	vmmov $0xffff;
	[sflag:s10] =	ssyncpa.u1 $0x0;
	s10 =	simm.s32 $0x0;
	s9 =	sadd.s32 $0x1, s8  }
.LBB2_4:
0xc: {  	v2 =	vnsel vm1, $0x0, v2  }
0xd: {  	vm1 =	vgt.s32 v0, $0x0;
	v2 =	vmin.u32 v2, $0x9FFF  }
0xe: {  	v0 =	vnsel vm1, $0x0, v0  }
0xf: {  	v0 =	vmin.u32 v0, $0x9FFF  }
0x10: {  	[tilespmem:s15], [sflag:$0x1] =	stream.indirect_vreg.gather [hbm4b:s3+s10], $0x1, v1, vm0, $0x4038;
	[tilespmem:$0x1000] =	vst v63  }
0x11: {  	(ifvalue) =	ssetifvalue $0x7FFFFFFF  }
0x12: {  	[tilespmem:s16], [sflag:$0x1] =	stream.indirect_vreg.gather [hbm4b:s3+s10], $0x1, v2, vm0, $0x4038;
	[tilespmem:$0x1000] =	vst v63  }
0x13: {  	s29 =	sadd.s32 $0x10, s16;
	(ifvalue) =	ssetifvalue $0x7FFFFFFF  }
0x14: {  	[tilespmem:s29], [sflag:$0x1] =	stream.indirect_vreg.gather [hbm4b:s3+s10], $0x1, v0, vm0, $0x4038;
	[tilespmem:$0x1000] =	vst v63  }
0x15: {  	_ =	swait.ge [sflag:s6], $0x400  }
0x16: {  	s30 =	sshrl.u32 s13, $0x3;
	[sflag:s6] =	ssyncset.done $0x0  }
0x17: {  	s31 =	sand.u32 $0x7, s13;
	s15 =	sadd.s32 s5, s30;
	[sflag:s6] =	ssyncadd.s32 $0xFFFFFC00  }
0x18: {  	[hbm4b:s15+s31] =	stream.linear.scatter [tilespmem:s14], [sflag:$0x3], $0x400, $0x38;
	[tilespmem:$0x1000] =	vst v63  }
.LBB2_5:
0x19: {  	s15 =	sadd.s32 $0x8000, s11  }
0x1a: {  	p2 =	sgt.s32 s15, $0x9FFF  }
0x1b: {  	s15 =	smov.u32 @p2 s2;
	p2 =	sne.s32 s12, s9  }
.Ltmp1:
0x1c: {  	p1 =	slt.u32 s12, $0x2;
	(pc) =	sbr.rel @!p2 .LBB2_6-.Ltmp1, $4  }
0x1d: {  	s14 =	simm.s32 @!p1 $0x3  }
0x1e: {  	s16 =	sadd.s32 $0x1, s12;
	_ =	swait.ge @!p1 [sflag:s14], $0x400  }
0x1f: {  	s13 =	smov.u32 s11;
	p0 =	por !p0, !p0;
	[sflag:s14] =	ssyncset.done @!p1 $0x0  }
0x20: {  	s12 =	smov.u32 s16;
	s11 =	smov.u32 s15;
	[sflag:s14] =	ssyncadd.s32 @!p1 $0xFFFFFC00  }
.LBB2_1:
0x21: {  	p1 =	sge.u32 s12, s8  }
0x22: {  	s14 =	sxor.u32 @!p1 $0xFFFFFFFF, s12  }
0x23: {  	s31 =	sadd.s32 $0xFFFFFFFF, s12;
	s15 =	sshrl.u32 @!p1 s11, $0x3;
	s14 =	sshll.u32 @!p1 s14, $0xA  }
0x24: {  	s16 =	sand.u32 @!p1 $0x7, s11;
	s15 =	sadd.s32 @!p1 s4, s15;
	s14 =	sand.u32 @!p1 $0x400, s14  }
0x25: {  	[tilespmem:s14], [sflag:$0x2] =	stream.linear.gather @!p1 [hbm4b:s15+s16], $0x400, $0x38;
	[tilespmem:$0x1000] =	vst v63  }
0x26: {  	p1 =	sge.u32 s31, s8  }
.Ltmp2:
0x27: {  	_ = 	snop;
	(pc) =	sbr.rel @p1 .LBB2_5-.Ltmp2, $1  }
0x28: {  	_ =	sdelay $0x3  }
0x29: {  	s14 =	simm.s32 $0x1  }
0x2a: {  	_ =	swait.ge [sflag:s7], $0x400;
	s14 =	simm.s32 @!p0 $0x0  }
0x2b: {  	[sflag:s7] =	ssyncset.done $0x0;
	s14 =	sshll.u32 s14, $0xA  }
0x2c: {  	[sflag:s7] =	ssyncadd.s32 $0xFFFFFC00;
	(ifvalue) =	ssetifvalue $0x7FFFFFFF;
	v0 =	vld.msk [tilespmem:s14+$0x0 ss:$0x1], $0xffff;
	_ =	sdelay $0x4  }
0x2d: {  	s15 =	sadd.s32 $0x10, s14;
	vm1 =	vgt.s32 v0, $0x0  }
0x2e: {  	v2 =	vld.msk [tilespmem:s15+$0x0 ss:$0x1], $0xffff;
	v1 =	vnsel vm1, $0x0, v0  }
0x2f: {  	v1 =	vmin.u32 v1, $0x9FFF;
	_ =	sdelay $0x1  }
0x30: {  	s16 =	sshll.u32 s12, $0xA;
	s18 =	simm.s32 $0x20  }
0x31: {  	s16 =	sand.u32 $0x400, s16;
	s17 =	sadd.s32 $0x10, s15;
	s15 =	sor.u32 $0x800, s14  }
0x32: {  	s14 =	sor.u32 $0x800, s16;
	s16 =	sadd.s32 $0x10, s15;
	v0 =	vld.msk [tilespmem:s17+$0x0 ss:$0x1], $0xffff;
	vm1 =	vgt.s32 v2, $0x0;
	(ifvalue) =	ssetifvalue $0x7FFFFFFF  }
.LBB2_3:
0x33: {  	[tilespmem:s15], [sflag:$0x1] =	stream.indirect_vreg.gather [hbm4b:s3+s10], $0x1, v1, vm0, $0x4038;
	[tilespmem:$0x1000] =	vst v63  }
0x34: {  	s18 =	sadd.s32 $0x10, s18  }
0x35: {  	v2 =	vnsel vm1, $0x0, v2;
	p1 =	slt.u32 s18, $0x3F0  }
.Ltmp3:
0x36: {  	s15 =	smov.u32 s16;
	v1 =	vmin.u32 v2, $0x9FFF;
	(pc) =	sbr.rel @p1 .LBB2_3-.Ltmp3, $3  }
0x37: {  	_ =	sdelay $0x1  }
0x38: {  	s17 =	sadd.s32 $0x10, s17  }
0x39: {  	vm1 =	vgt.s32 v0, $0x0;
	s16 =	sadd.s32 $0x10, s16;
	v2 =	vmov v0;
	(ifvalue) =	ssetifvalue $0x7FFFFFFF;
	v0 =	vld.msk [tilespmem:s17+$0x0 ss:$0x1], $0xffff  }
.Ltmp4:
0x3a: {  	_ = 	snop;
	(pc) =	sbr.rel .LBB2_4-.Ltmp4, $1  }
0x3b: {  	_ =	sdelay $0x3  }
.LBB2_6:
0x3c: {  	_ =	sfence.sel $0x180000  }
0x3d: {  	s2 =	simm.s32 $0x2;
	[bflag:$0x0] =	sbarrier.arrive $0xFFFF  }
0x3e: {  	s30 =	simm.s32 $0x3;
	[sflag:s2] =	ssyncpa.u1 $0x1  }
0x3f: {  	s31 =	simm.s32 $0x1;
	[sflag:s30] =	ssyncpa.u1 $0x1  }
0x40: {  	[sflag:s31] =	ssyncpa.u1 $0x1  }
0x41: {  	p0 =	sne.s32 s1, $0x0;
	_ =	strace $0x9000004D  }
0x42: {  	s0 =	sadd.s32 @!p0 $0x100000, s0;
	[bflag:$0x2] =	sbarrier.arrive $0xFFFF  }
0x43: {  	[sflag:s0] =	ssyncadd.tile.s32 @!p0 $0x1;
	_ =	shalt  }
.Lfunc_end2:
_tile_overlayer_lowered:
.L_overlay_start_2:
0x44: {  	(tag) =	ssettag $0x2  }
0x45: {  	s0 =	rddreg [dreg:$0x0];
	s2 =	stileid.u32  }
0x46: {  	s1 =	rddreg [dreg:$0x1];
	p0 =	sne.s32 s2, $0x0  }
0x47: {  	s3 =	rddreg [dreg:$0x2];
	[bflag:$0x3] =	sbarrier.arrive $0xFFFF;
	s2 =	simm.s32 @!p0 $0x1C01  }
0x48: {  	[timem:s3], [sflag:s2] =	dma.local @!p0 [hbm:s0], s1  }
0x49: {  	s0 =	simm.s32 @!p0 $0x1  }
0x4a: {  	_ =	swait.ge @!p0 [sflag:s0], s1  }
0x4b: {  	s1 =	ssub.s32 @!p0 $0x0, s1;
	[sflag:s0] =	ssyncset.done @!p0 $0x0  }
0x4c: {  	[sflag:s0] =	ssyncadd.s32 @!p0 s1  }
0x4d: {  	[bflag:$0x3] =	sbarrier.arrive $0xFFFF  }
0x4e: {  	_ =	shalt  }

// kernel: gather_offload_async_start.2
scs
__scs_entry_jumppad:
0x0: {  	(pc) =	sbr.rel $0x88, $3  }
0x1: {  	(tag) =	ssettag $0x0;
	lr =	simm.s32 $0x1  }
0x2: {  	[smem:$0x3F8F] =	sst lr;
	_ =	strace $0xD0000000  }
0x3: {  	_ = 	snop  }
0x4: {  	_ = 	snop  }
0x5: {  	_ = 	snop  }
0x6: {  	_ = 	snop  }
0x7: {  	_ = 	snop  }
__scs_overlays_trampoline_lowered:
0x8: {  	[smem:$0x3F9E] =	sst s0  }
0x9: {  	[smem:$0x3F9F] =	sst s1  }
0xa: {  	[smem:$0x3FA0] =	sst s2  }
0xb: {  	[smem:$0x3FA1] =	sst s3  }
0xc: {  	[smem:$0x3FA2] =	sst s4  }
0xd: {  	[smem:$0x3FA3] =	sst s5  }
0xe: {  	[smem:$0x3FA4] =	sst s6  }
0xf: {  	[smem:$0x3FA5] =	sst s7  }
0x10: {  	[smem:$0x3FA6] =	sst s8  }
0x11: {  	[smem:$0x3FA7] =	sst s9;
	s0 =	simm.s32 @!p0 $0x0  }
0x12: {  	s1 =	sld [smem:$0x3F8D];
	s0 =	simm.s32 @p0 $0x1  }
0x13: {  	[smem:$0x3FA8] =	sst s0;
	s0 =	simm.s32 @!p1 $0x0  }
0x14: {  	s2 =	sld [smem:$0x3F8C];
	s0 =	simm.s32 @p1 $0x1  }
0x15: {  	[smem:$0x3FA9] =	sst s0;
	s0 =	simm.s32 @!p2 $0x0  }
0x16: {  	s3 =	sld [smem:$0x3FDB];
	s0 =	simm.s32 @p2 $0x1  }
0x17: {  	s4 =	simm.s32 $0x1BF5;
	[smem:$0x3FAB] =	sst s0  }
0x18: {  	s0 =	sld [smem:$0x3F8E];
	_ =	swait.ge [sflag:s4], $0x0  }
0x19: {  	s7 =	sld [smem:$0x3F8F]  }
0x1a: {  	s8 =	sadd.s32 $0xFFFFE003, lr  }
0x1b: {  	s9 =	sadd.s32 $0xFFFFFEF7, lr;
	s5 =	simm.s32 $0xFFFFFFFF;
	p2 =	slt.u32 s8, $0xFFFFF086  }
0x1c: {  	p1 =	slt.u32 s9, $0xF7A;
	s5 =	simm.s32 @!p2 $0x0  }
0x1d: {  	s5 =	simm.s32 @p1 $0x1;
	p0 =	seq.s32 s7, s2  }
0x1e: {  	s7 =	smul.u32 @!p0 $0xF7A, s2;
	p2 =	seq.s32 @!p0 s5, $0x0  }
0x1f: {  	s9 =	smul.u32 $0xF7A, s1;
	s8 =	simm.s32 @!p0 $0x1BF5;
	p2 =	por !p2, p0  }
0x20: {  	[sflag:s8] =	ssyncset.s32 @!p0 $0xFFFFF086;
	s6 =	sadd.s32 @!p0 s3, s7;
	s7 =	simm.s32 @!p0 $0x108  }
0x21: {  	s3 =	sadd.s32 s3, s9;
	s6 =	sadd.s32 @!p0 $0x88, s6;
	s7 =	simm.s32 @p2 $0x1082  }
0x22: {  	[simem:s7], [sflag:s8] =	dma.local @!p0 [hbm:s6], $0xF7A  }
0x23: {  	s9 =	sor.u32 $0xD0000000, s2;
	s6 =	simm.s32 $0x108;
	_ =	swait.ge @!p0 [sflag:s8], $0x0  }
0x24: {  	s3 =	sadd.s32 $0x88, s3;
	s6 =	simm.s32 @!p1 $0x1082;
	[sflag:s4] =	ssyncset.s32 $0xFFFFF086  }
0x25: {  	[simem:s6], [sflag:s4] =	dma.local [hbm:s3], $0xF7A  }
0x26: {  	[smem:$0x3F8F] =	sst s1;
	(tag) =	ssettag s2;
	_ =	strace s9  }
0x27: {  	s1 =	sld [smem:$0x3F9F]  }
0x28: {  	s2 =	sld [smem:$0x3FA0]  }
0x29: {  	s4 =	sld [smem:$0x3FA2]  }
0x2a: {  	p0 =	seq.s32 s5, $0x0;
	s5 =	sld [smem:$0x3FA3]  }
0x2b: {  	s6 =	sld [smem:$0x3FA4]  }
0x2c: {  	s7 =	sld [smem:$0x3FA5]  }
0x2d: {  	s3 =	simm.s32 $0x108;
	s8 =	sld [smem:$0x3FA6]  }
0x2e: {  	s3 =	simm.s32 @!p0 $0x1082;
	s9 =	sld [smem:$0x3FA7]  }
0x2f: {  	lr =	sadd.s32 s0, s3;
	s0 =	sld [smem:$0x3F9E]  }
0x30: {  	s3 =	sld [smem:$0x3FA1]  }
0x31: {  	[smem:$0x3FAA] =	sst s10  }
0x32: {  	s10 =	sld [smem:$0x3FA8];
	_ =	sdelay $0x3  }
0x33: {  	p0 =	seq.s32 s10, $0x1;
	s10 =	sld [smem:$0x3FAA];
	_ =	sdelay $0x3  }
0x34: {  	[smem:$0x3FAA] =	sst s10  }
0x35: {  	s10 =	sld [smem:$0x3FA9];
	_ =	sdelay $0x3  }
0x36: {  	p1 =	seq.s32 s10, $0x1;
	s10 =	sld [smem:$0x3FAA];
	_ =	sdelay $0x3  }
0x37: {  	[smem:$0x3FAA] =	sst s10  }
0x38: {  	s10 =	sld [smem:$0x3FAB]  }
0x39: {  	_ = 	snop;
	(pc) =	sbr.ind lr, $3  }
0x3a: {  	_ = 	snop  }
0x3b: {  	_ = 	snop  }
0x3c: {  	p2 =	seq.s32 s10, $0x1;
	s10 =	sld [smem:$0x3FAA]  }
0x3d: {  	_ =	shalt  }
0x3e: {  	_ =	shalt  }
0x3f: {  	_ =	shalt  }
0x40: {  	_ =	shalt  }
0x41: {  	_ =	shalt  }
0x42: {  	_ =	shalt  }
0x43: {  	_ =	shalt  }
0x44: {  	_ =	shalt  }
0x45: {  	_ =	shalt  }
0x46: {  	_ =	shalt  }
0x47: {  	_ =	shalt  }
0x48: {  	_ =	shalt  }
0x49: {  	_ =	shalt  }
0x4a: {  	_ =	shalt  }
0x4b: {  	_ =	shalt  }
0x4c: {  	_ =	shalt  }
0x4d: {  	_ =	shalt  }
0x4e: {  	_ =	shalt  }
0x4f: {  	_ =	shalt  }
0x50: {  	_ =	shalt  }
0x51: {  	_ =	shalt  }
0x52: {  	_ =	shalt  }
0x53: {  	_ =	shalt  }
0x54: {  	_ =	shalt  }
0x55: {  	_ =	shalt  }
0x56: {  	_ =	shalt  }
0x57: {  	_ =	shalt  }
0x58: {  	_ =	shalt  }
0x59: {  	_ =	shalt  }
0x5a: {  	_ =	shalt  }
0x5b: {  	_ =	shalt  }
0x5c: {  	_ =	shalt  }
0x5d: {  	_ =	shalt  }
0x5e: {  	_ =	shalt  }
0x5f: {  	_ =	shalt  }
0x60: {  	_ =	shalt  }
0x61: {  	_ =	shalt  }
0x62: {  	_ =	shalt  }
0x63: {  	_ =	shalt  }
0x64: {  	_ =	shalt  }
0x65: {  	_ =	shalt  }
0x66: {  	_ =	shalt  }
0x67: {  	_ =	shalt  }
0x68: {  	_ =	shalt  }
0x69: {  	_ =	shalt  }
0x6a: {  	_ =	shalt  }
0x6b: {  	_ =	shalt  }
0x6c: {  	_ =	shalt  }
0x6d: {  	_ =	shalt  }
0x6e: {  	_ =	shalt  }
0x6f: {  	_ =	shalt  }
0x70: {  	_ =	shalt  }
0x71: {  	_ =	shalt  }
0x72: {  	_ =	shalt  }
0x73: {  	_ =	shalt  }
0x74: {  	_ =	shalt  }
0x75: {  	_ =	shalt  }
0x76: {  	_ =	shalt  }
0x77: {  	_ =	shalt  }
0x78: {  	_ =	shalt  }
0x79: {  	_ =	shalt  }
0x7a: {  	_ =	shalt  }
0x7b: {  	_ =	shalt  }
0x7c: {  	_ =	shalt  }
0x7d: {  	_ =	shalt  }
0x7e: {  	_ =	shalt  }
0x7f: {  	_ =	shalt  }
0x80: {  	_ =	shalt  }
0x81: {  	_ =	shalt  }
0x82: {  	_ =	shalt  }
0x83: {  	_ =	shalt  }
0x84: {  	_ =	shalt  }
0x85: {  	_ =	shalt  }
0x86: {  	_ =	shalt  }
0x87: {  	_ =	shalt  }
.Lfunc_end0:
.L_simem_size_0:
called_computation.4_lowered:
.L_overlay_start_0:
0x88: {  	s2 =	sld [smem:$0x3FD9]  }
0x89: {  	s3 =	sld [smem:$0x3FFE];
	_ =	sdelay $0x1  }
0x8a: {  	s1 =	srdreg.scid  }
0x8b: {  	s0 =	sand.u32 $0x1, s1  }
0x8c: {  	s16 =	sshll.u32 s0, $0xA;
	s2 =	sadd.s32 s3, s2  }
0x8d: {  	s2 =	sadd.s32 s2, s16  }
0x8e: {  	[smem:$0x3FB6] =	sst s2  }
0x8f: {  	_ = 	snop  }
0x90: {  	(tm) =	ssettm $0x1  }
0x91: {  	s17 =	sld [smem:$0x3FFB];
	_ =	sdelay $0x3  }
0x92: {  	_ =	strace s17  }
0x93: {  	s2 =	sld [smem:$0x3FFC];
	_ =	sdelay $0x3  }
0x94: {  	_ =	strace s2  }
0x95: {  	s2 =	sld [smem:$0x3FFD];
	_ =	sdelay $0x3  }
0x96: {  	_ =	strace s2  }
0x97: {  	_ =	strace $0x8FFFFFFF  }
0x98: {  	s18 =	sld [smem:$0x3FDB];
	_ =	sdelay $0x1  }
0x99: {  	s19 =	simm.s32 $_scs_section_size  }
0x9a: {  	s4 =	simm.s32 $_size__tile_overlayer_lowered;
	s5 =	simm.s32 $_tile_overlayer_lowered  }
0x9b: {  	s22 =	simm.s32 $0x1BFF;
	s21 =	sshll.u32 s5, $0x1;
	s2 =	sadd.s32 s19, s18  }
0x9c: {  	s6 =	simm.s32 $0x0;
	s20 =	sshll.u32 s4, $0x1;
	s4 =	sadd.s32 s21, s2  }
0x9d: {  	[timem:s6], [sflag:s22] =	dma.local [hbm:s4], s20  }
0x9e: {  	_ =	swait.ge [sflag:s22], s20  }
0x9f: {  	s3 =	ssub.s32 $0x0, s20;
	[sflag:s22] =	ssyncset.done $0x0  }
0xa0: {  	[sflag:s22] =	ssyncadd.s32 s3;
	_ =	sdelay $0x1  }
0xa1: {  	s23 =	simm.s32 $0x1B8B  }
0xa2: {  	_ =	swait.ge [sflag:s23], $0x1  }
0xa3: {  	[sflag:s23] =	ssyncset.done $0x0  }
0xa4: {  	s25 =	simm.s32 $0x1B8E;
	s24 =	sld [smem:$0x3FFE];
	[sflag:s23] =	ssyncadd.s32 $0xFFFFFFFF  }
0xa5: {  	s26 =	simm.s32 $execute0_lowered;
	[smem:$0x3FD2] =	sst s25  }
0xa6: {  	s4 =	sshll.u32 s26, $0x1;
	_ =	strace $0x80000049;
	[dreg:$0x1] =	wrdreg $0xFFFFFFFF  }
0xa7: {  	s28 =	simm.s32 $_size_execute0_lowered;
	s2 =	sadd.s32 s2, s4;
	[dreg:$0x0] =	wrdreg $0x0  }
0xa8: {  	s4 =	sshll.u32 s28, $0x1;
	[dreg:$0x2] =	wrdreg s2  }
0xa9: {  	[dreg:$0x3] =	wrdreg s4  }
0xaa: {  	[dreg:$0x4] =	wrdreg $0xC0  }
0xab: {  	_ =	task [dreg:s6], $0x5FFFF  }
0xac: {  	[dreg:$0x1] =	wrdreg $0xFFFFFFFF  }
0xad: {  	[dreg:$0x0] =	wrdreg $0x60  }
0xae: {  	[dreg:$0x2] =	wrdreg s24  }
0xaf: {  	[dreg:$0x3] =	wrdreg $0x9  }
0xb0: {  	_ =	task.clear_ibuf [dreg:s6], $0x4FFFF;
	_ =	strace $0x90000049  }
0xb1: {  	s29 =	simm.s32 $0x9;
	_ =	strace $0x8000004B  }
0xb2: {  	_ =	swait.ge [sflag:s29], $0x1  }
0xb3: {  	[sflag:s29] =	ssyncadd.s32 $0xFFFFFFFF  }
0xb4: {  	_ =	strace $0x9000004B  }
0xb5: {  	_ =	sfence  }
0xb6: {  	s30 =	sld [smem:$0x0];
	_ =	sdelay $0x2  }
0xb7: {  	s31 =	sshll.u32 s1, $0xD;
	s1 =	sshrl.u32 s1, $0x2  }
0xb8: {  	s3 =	sand.u32 $0x4000, s31;
	s1 =	sadd.s32 s1, s30  }
0xb9: {  	s0 =	sor.u32 s3, s0;
	s1 =	sshll.u32 s1, $0x11  }
0xba: {  	s0 =	sor.u32 s1, s0  }
0xbb: {  	s0 =	sadd.s32 $0x8F2B, s0  }
0xbc: {  	[sflag:s0] =	ssyncadd.remote.s32 $0x1  }
0xbd: {  	_ =	sfence.sel $0xFFFF  }
0xbe: {  	[dreg:$0x0] =	wrdreg $0xFFFFFFFF;
	(pc) =	sbr.abs _section_cstart, $3  }
0xbf: {  	[dreg:$0x1] =	wrdreg $0xFFFFFFFF  }
0xc0: {  	_ =	task.clear_ibuf [dreg:s6], $0x2FFFF;
	_ =	strace $0x9FFFFFFF  }
0xc1: {  	(tm) =	ssettm $0x7FFFFFFF  }
tec
execute0_lowered:
.L_overlay_start_1:
0x0: {  	(tag) =	ssettag $0x1  }
0x1: {  	s0 =	srdreg.scid;
	s5 =	rddreg [dreg:$0x0]  }
0x2: {  	s1 =	stileid.u32;
	s6 =	simm.s32 $0x1;
	s9 =	simm.s32 $0x1  }
0x3: {  	s10 =	simm.s32 $0x3;
	s13 =	simm.s32 $0x0;
	s2 =	sshll.u32 s0, $0xA  }
0x4: {  	s12 =	simm.s32 $0x0;
	s3 =	sshll.u32 s1, $0xB;
	s2 =	sand.u32 $0x400, s2  }
0x5: {  	s0 =	rddreg [dreg:$0x1];
	_ =	strace $0x8000004A;
	s2 =	sor.u32 s3, s2  }
0x6: {  	s4 =	sadd.s32 $0x4C00, s5;
	[sflag:s6] =	ssyncpa.u1 $0x0;
	s8 =	ssub.s32 $0xA000, s2  }
.Ltmp0:
0x7: {  	s3 =	sadd.s32 $0x2400, s5;
	s7 =	sand.u32 $0x7C00, s8;
	(pc) =	sbr.rel .LBB2_1-.Ltmp0, $4  }
0x8: {  	s5 =	sadd.s32 $0x6000, s5;
	s11 =	smov.u32 s2;
	p0 =	sne.s32 s7, $0x0  }
0x9: {  	s8 =	sshrl.u32 s8, $0xF;
	s7 =	simm.s32 $0x2;
	s9 =	simm.s32 @!p0 $0x0  }
0xa: {  	[sflag:s7] =	ssyncpa.u1 $0x0;
	p0 =	por $0x0, $0x0;
	s8 =	sadd.s32 s9, s8  }
0xb: {  	vm0 =	vmmov $0xffff;
	[sflag:s10] =	ssyncpa.u1 $0x0;
	s10 =	simm.s32 $0x0;
	s9 =	sadd.s32 $0x1, s8  }
.LBB2_4:
0xc: {  	v2 =	vnsel vm1, $0x0, v2  }
0xd: {  	vm1 =	vgt.s32 v0, $0x0;
	v2 =	vmin.u32 v2, $0x9FFF  }
0xe: {  	v0 =	vnsel vm1, $0x0, v0  }
0xf: {  	v0 =	vmin.u32 v0, $0x9FFF  }
0x10: {  	[tilespmem:s15], [sflag:$0x1] =	stream.indirect_vreg.gather [hbm4b:s3+s10], $0x1, v1, vm0, $0x4038;
	[tilespmem:$0x1000] =	vst v63  }
0x11: {  	(ifvalue) =	ssetifvalue $0x7FFFFFFF  }
0x12: {  	[tilespmem:s16], [sflag:$0x1] =	stream.indirect_vreg.gather [hbm4b:s3+s10], $0x1, v2, vm0, $0x4038;
	[tilespmem:$0x1000] =	vst v63  }
0x13: {  	s29 =	sadd.s32 $0x10, s16;
	(ifvalue) =	ssetifvalue $0x7FFFFFFF  }
0x14: {  	[tilespmem:s29], [sflag:$0x1] =	stream.indirect_vreg.gather [hbm4b:s3+s10], $0x1, v0, vm0, $0x4038;
	[tilespmem:$0x1000] =	vst v63  }
0x15: {  	_ =	swait.ge [sflag:s6], $0x400  }
0x16: {  	s30 =	sshrl.u32 s13, $0x3;
	[sflag:s6] =	ssyncset.done $0x0  }
0x17: {  	s31 =	sand.u32 $0x7, s13;
	s15 =	sadd.s32 s5, s30;
	[sflag:s6] =	ssyncadd.s32 $0xFFFFFC00  }
0x18: {  	[hbm4b:s15+s31] =	stream.linear.scatter [tilespmem:s14], [sflag:$0x3], $0x400, $0x38;
	[tilespmem:$0x1000] =	vst v63  }
.LBB2_5:
0x19: {  	s15 =	sadd.s32 $0x8000, s11  }
0x1a: {  	p2 =	sgt.s32 s15, $0x9FFF  }
0x1b: {  	s15 =	smov.u32 @p2 s2;
	p2 =	sne.s32 s12, s9  }
.Ltmp1:
0x1c: {  	p1 =	slt.u32 s12, $0x2;
	(pc) =	sbr.rel @!p2 .LBB2_6-.Ltmp1, $4  }
0x1d: {  	s14 =	simm.s32 @!p1 $0x3  }
0x1e: {  	s16 =	sadd.s32 $0x1, s12;
	_ =	swait.ge @!p1 [sflag:s14], $0x400  }
0x1f: {  	s13 =	smov.u32 s11;
	p0 =	por !p0, !p0;
	[sflag:s14] =	ssyncset.done @!p1 $0x0  }
0x20: {  	s12 =	smov.u32 s16;
	s11 =	smov.u32 s15;
	[sflag:s14] =	ssyncadd.s32 @!p1 $0xFFFFFC00  }
.LBB2_1:
0x21: {  	p1 =	sge.u32 s12, s8  }
0x22: {  	s14 =	sxor.u32 @!p1 $0xFFFFFFFF, s12  }
0x23: {  	s31 =	sadd.s32 $0xFFFFFFFF, s12;
	s15 =	sshrl.u32 @!p1 s11, $0x3;
	s14 =	sshll.u32 @!p1 s14, $0xA  }
0x24: {  	s16 =	sand.u32 @!p1 $0x7, s11;
	s15 =	sadd.s32 @!p1 s4, s15;
	s14 =	sand.u32 @!p1 $0x400, s14  }
0x25: {  	[tilespmem:s14], [sflag:$0x2] =	stream.linear.gather @!p1 [hbm4b:s15+s16], $0x400, $0x38;
	[tilespmem:$0x1000] =	vst v63  }
0x26: {  	p1 =	sge.u32 s31, s8  }
.Ltmp2:
0x27: {  	_ = 	snop;
	(pc) =	sbr.rel @p1 .LBB2_5-.Ltmp2, $1  }
0x28: {  	_ =	sdelay $0x3  }
0x29: {  	s14 =	simm.s32 $0x1  }
0x2a: {  	_ =	swait.ge [sflag:s7], $0x400;
	s14 =	simm.s32 @!p0 $0x0  }
0x2b: {  	[sflag:s7] =	ssyncset.done $0x0;
	s14 =	sshll.u32 s14, $0xA  }
0x2c: {  	[sflag:s7] =	ssyncadd.s32 $0xFFFFFC00;
	(ifvalue) =	ssetifvalue $0x7FFFFFFF;
	v0 =	vld.msk [tilespmem:s14+$0x0 ss:$0x1], $0xffff;
	_ =	sdelay $0x4  }
0x2d: {  	s15 =	sadd.s32 $0x10, s14;
	vm1 =	vgt.s32 v0, $0x0  }
0x2e: {  	v2 =	vld.msk [tilespmem:s15+$0x0 ss:$0x1], $0xffff;
	v1 =	vnsel vm1, $0x0, v0  }
0x2f: {  	v1 =	vmin.u32 v1, $0x9FFF;
	_ =	sdelay $0x1  }
0x30: {  	s16 =	sshll.u32 s12, $0xA;
	s18 =	simm.s32 $0x20  }
0x31: {  	s16 =	sand.u32 $0x400, s16;
	s17 =	sadd.s32 $0x10, s15;
	s15 =	sor.u32 $0x800, s14  }
0x32: {  	s14 =	sor.u32 $0x800, s16;
	s16 =	sadd.s32 $0x10, s15;
	v0 =	vld.msk [tilespmem:s17+$0x0 ss:$0x1], $0xffff;
	vm1 =	vgt.s32 v2, $0x0;
	(ifvalue) =	ssetifvalue $0x7FFFFFFF  }
.LBB2_3:
0x33: {  	[tilespmem:s15], [sflag:$0x1] =	stream.indirect_vreg.gather [hbm4b:s3+s10], $0x1, v1, vm0, $0x4038;
	[tilespmem:$0x1000] =	vst v63  }
0x34: {  	s18 =	sadd.s32 $0x10, s18  }
0x35: {  	v2 =	vnsel vm1, $0x0, v2;
	p1 =	slt.u32 s18, $0x3F0  }
.Ltmp3:
0x36: {  	s15 =	smov.u32 s16;
	v1 =	vmin.u32 v2, $0x9FFF;
	(pc) =	sbr.rel @p1 .LBB2_3-.Ltmp3, $3  }
0x37: {  	_ =	sdelay $0x1  }
0x38: {  	s17 =	sadd.s32 $0x10, s17  }
0x39: {  	vm1 =	vgt.s32 v0, $0x0;
	s16 =	sadd.s32 $0x10, s16;
	v2 =	vmov v0;
	(ifvalue) =	ssetifvalue $0x7FFFFFFF;
	v0 =	vld.msk [tilespmem:s17+$0x0 ss:$0x1], $0xffff  }
.Ltmp4:
0x3a: {  	_ = 	snop;
	(pc) =	sbr.rel .LBB2_4-.Ltmp4, $1  }
0x3b: {  	_ =	sdelay $0x3  }
.LBB2_6:
0x3c: {  	_ =	sfence.sel $0x180000  }
0x3d: {  	s2 =	simm.s32 $0x2;
	[bflag:$0x0] =	sbarrier.arrive $0xFFFF  }
0x3e: {  	s30 =	simm.s32 $0x3;
	[sflag:s2] =	ssyncpa.u1 $0x1  }
0x3f: {  	s31 =	simm.s32 $0x1;
	[sflag:s30] =	ssyncpa.u1 $0x1  }
0x40: {  	[sflag:s31] =	ssyncpa.u1 $0x1  }
0x41: {  	p0 =	sne.s32 s1, $0x0;
	_ =	strace $0x9000004A  }
0x42: {  	s0 =	sadd.s32 @!p0 $0x100000, s0;
	[bflag:$0x2] =	sbarrier.arrive $0xFFFF  }
0x43: {  	[sflag:s0] =	ssyncadd.tile.s32 @!p0 $0x1;
	_ =	shalt  }
.Lfunc_end2:
_tile_overlayer_lowered:
.L_overlay_start_2:
0x44: {  	(tag) =	ssettag $0x2  }
0x45: {  	s0 =	rddreg [dreg:$0x0];
	s2 =	stileid.u32  }
0x46: {  	s1 =	rddreg [dreg:$0x1];
	p0 =	sne.s32 s2, $0x0  }
0x47: {  	s3 =	rddreg [dreg:$0x2];
	[bflag:$0x3] =	sbarrier.arrive $0xFFFF;
	s2 =	simm.s32 @!p0 $0x1C01  }
0x48: {  	[timem:s3], [sflag:s2] =	dma.local @!p0 [hbm:s0], s1  }
0x49: {  	s0 =	simm.s32 @!p0 $0x1  }
0x4a: {  	_ =	swait.ge @!p0 [sflag:s0], s1  }
0x4b: {  	s1 =	ssub.s32 @!p0 $0x0, s1;
	[sflag:s0] =	ssyncset.done @!p0 $0x0  }
0x4c: {  	[sflag:s0] =	ssyncadd.s32 @!p0 s1  }
0x4d: {  	[bflag:$0x3] =	sbarrier.arrive $0xFFFF  }
0x4e: {  	_ =	shalt  }

// kernel: gather_offload_async_start.3
scs
__scs_entry_jumppad:
0x0: {  	(pc) =	sbr.rel $0x88, $3  }
0x1: {  	(tag) =	ssettag $0x0;
	lr =	simm.s32 $0x1  }
0x2: {  	[smem:$0x3F8F] =	sst lr;
	_ =	strace $0xD0000000  }
0x3: {  	_ = 	snop  }
0x4: {  	_ = 	snop  }
0x5: {  	_ = 	snop  }
0x6: {  	_ = 	snop  }
0x7: {  	_ = 	snop  }
__scs_overlays_trampoline_lowered:
0x8: {  	[smem:$0x3F9E] =	sst s0  }
0x9: {  	[smem:$0x3F9F] =	sst s1  }
0xa: {  	[smem:$0x3FA0] =	sst s2  }
0xb: {  	[smem:$0x3FA1] =	sst s3  }
0xc: {  	[smem:$0x3FA2] =	sst s4  }
0xd: {  	[smem:$0x3FA3] =	sst s5  }
0xe: {  	[smem:$0x3FA4] =	sst s6  }
0xf: {  	[smem:$0x3FA5] =	sst s7  }
0x10: {  	[smem:$0x3FA6] =	sst s8  }
0x11: {  	[smem:$0x3FA7] =	sst s9;
	s0 =	simm.s32 @!p0 $0x0  }
0x12: {  	s1 =	sld [smem:$0x3F8D];
	s0 =	simm.s32 @p0 $0x1  }
0x13: {  	[smem:$0x3FA8] =	sst s0;
	s0 =	simm.s32 @!p1 $0x0  }
0x14: {  	s2 =	sld [smem:$0x3F8C];
	s0 =	simm.s32 @p1 $0x1  }
0x15: {  	[smem:$0x3FA9] =	sst s0;
	s0 =	simm.s32 @!p2 $0x0  }
0x16: {  	s3 =	sld [smem:$0x3FDB];
	s0 =	simm.s32 @p2 $0x1  }
0x17: {  	s4 =	simm.s32 $0x1BF5;
	[smem:$0x3FAB] =	sst s0  }
0x18: {  	s0 =	sld [smem:$0x3F8E];
	_ =	swait.ge [sflag:s4], $0x0  }
0x19: {  	s7 =	sld [smem:$0x3F8F]  }
0x1a: {  	s8 =	sadd.s32 $0xFFFFE003, lr  }
0x1b: {  	s9 =	sadd.s32 $0xFFFFFEF7, lr;
	s5 =	simm.s32 $0xFFFFFFFF;
	p2 =	slt.u32 s8, $0xFFFFF086  }
0x1c: {  	p1 =	slt.u32 s9, $0xF7A;
	s5 =	simm.s32 @!p2 $0x0  }
0x1d: {  	s5 =	simm.s32 @p1 $0x1;
	p0 =	seq.s32 s7, s2  }
0x1e: {  	s7 =	smul.u32 @!p0 $0xF7A, s2;
	p2 =	seq.s32 @!p0 s5, $0x0  }
0x1f: {  	s9 =	smul.u32 $0xF7A, s1;
	s8 =	simm.s32 @!p0 $0x1BF5;
	p2 =	por !p2, p0  }
0x20: {  	[sflag:s8] =	ssyncset.s32 @!p0 $0xFFFFF086;
	s6 =	sadd.s32 @!p0 s3, s7;
	s7 =	simm.s32 @!p0 $0x108  }
0x21: {  	s3 =	sadd.s32 s3, s9;
	s6 =	sadd.s32 @!p0 $0x88, s6;
	s7 =	simm.s32 @p2 $0x1082  }
0x22: {  	[simem:s7], [sflag:s8] =	dma.local @!p0 [hbm:s6], $0xF7A  }
0x23: {  	s9 =	sor.u32 $0xD0000000, s2;
	s6 =	simm.s32 $0x108;
	_ =	swait.ge @!p0 [sflag:s8], $0x0  }
0x24: {  	s3 =	sadd.s32 $0x88, s3;
	s6 =	simm.s32 @!p1 $0x1082;
	[sflag:s4] =	ssyncset.s32 $0xFFFFF086  }
0x25: {  	[simem:s6], [sflag:s4] =	dma.local [hbm:s3], $0xF7A  }
0x26: {  	[smem:$0x3F8F] =	sst s1;
	(tag) =	ssettag s2;
	_ =	strace s9  }
0x27: {  	s1 =	sld [smem:$0x3F9F]  }
0x28: {  	s2 =	sld [smem:$0x3FA0]  }
0x29: {  	s4 =	sld [smem:$0x3FA2]  }
0x2a: {  	p0 =	seq.s32 s5, $0x0;
	s5 =	sld [smem:$0x3FA3]  }
0x2b: {  	s6 =	sld [smem:$0x3FA4]  }
0x2c: {  	s7 =	sld [smem:$0x3FA5]  }
0x2d: {  	s3 =	simm.s32 $0x108;
	s8 =	sld [smem:$0x3FA6]  }
0x2e: {  	s3 =	simm.s32 @!p0 $0x1082;
	s9 =	sld [smem:$0x3FA7]  }
0x2f: {  	lr =	sadd.s32 s0, s3;
	s0 =	sld [smem:$0x3F9E]  }
0x30: {  	s3 =	sld [smem:$0x3FA1]  }
0x31: {  	[smem:$0x3FAA] =	sst s10  }
0x32: {  	s10 =	sld [smem:$0x3FA8];
	_ =	sdelay $0x3  }
0x33: {  	p0 =	seq.s32 s10, $0x1;
	s10 =	sld [smem:$0x3FAA];
	_ =	sdelay $0x3  }
0x34: {  	[smem:$0x3FAA] =	sst s10  }
0x35: {  	s10 =	sld [smem:$0x3FA9];
	_ =	sdelay $0x3  }
0x36: {  	p1 =	seq.s32 s10, $0x1;
	s10 =	sld [smem:$0x3FAA];
	_ =	sdelay $0x3  }
0x37: {  	[smem:$0x3FAA] =	sst s10  }
0x38: {  	s10 =	sld [smem:$0x3FAB]  }
0x39: {  	_ = 	snop;
	(pc) =	sbr.ind lr, $3  }
0x3a: {  	_ = 	snop  }
0x3b: {  	_ = 	snop  }
0x3c: {  	p2 =	seq.s32 s10, $0x1;
	s10 =	sld [smem:$0x3FAA]  }
0x3d: {  	_ =	shalt  }
0x3e: {  	_ =	shalt  }
0x3f: {  	_ =	shalt  }
0x40: {  	_ =	shalt  }
0x41: {  	_ =	shalt  }
0x42: {  	_ =	shalt  }
0x43: {  	_ =	shalt  }
0x44: {  	_ =	shalt  }
0x45: {  	_ =	shalt  }
0x46: {  	_ =	shalt  }
0x47: {  	_ =	shalt  }
0x48: {  	_ =	shalt  }
0x49: {  	_ =	shalt  }
0x4a: {  	_ =	shalt  }
0x4b: {  	_ =	shalt  }
0x4c: {  	_ =	shalt  }
0x4d: {  	_ =	shalt  }
0x4e: {  	_ =	shalt  }
0x4f: {  	_ =	shalt  }
0x50: {  	_ =	shalt  }
0x51: {  	_ =	shalt  }
0x52: {  	_ =	shalt  }
0x53: {  	_ =	shalt  }
0x54: {  	_ =	shalt  }
0x55: {  	_ =	shalt  }
0x56: {  	_ =	shalt  }
0x57: {  	_ =	shalt  }
0x58: {  	_ =	shalt  }
0x59: {  	_ =	shalt  }
0x5a: {  	_ =	shalt  }
0x5b: {  	_ =	shalt  }
0x5c: {  	_ =	shalt  }
0x5d: {  	_ =	shalt  }
0x5e: {  	_ =	shalt  }
0x5f: {  	_ =	shalt  }
0x60: {  	_ =	shalt  }
0x61: {  	_ =	shalt  }
0x62: {  	_ =	shalt  }
0x63: {  	_ =	shalt  }
0x64: {  	_ =	shalt  }
0x65: {  	_ =	shalt  }
0x66: {  	_ =	shalt  }
0x67: {  	_ =	shalt  }
0x68: {  	_ =	shalt  }
0x69: {  	_ =	shalt  }
0x6a: {  	_ =	shalt  }
0x6b: {  	_ =	shalt  }
0x6c: {  	_ =	shalt  }
0x6d: {  	_ =	shalt  }
0x6e: {  	_ =	shalt  }
0x6f: {  	_ =	shalt  }
0x70: {  	_ =	shalt  }
0x71: {  	_ =	shalt  }
0x72: {  	_ =	shalt  }
0x73: {  	_ =	shalt  }
0x74: {  	_ =	shalt  }
0x75: {  	_ =	shalt  }
0x76: {  	_ =	shalt  }
0x77: {  	_ =	shalt  }
0x78: {  	_ =	shalt  }
0x79: {  	_ =	shalt  }
0x7a: {  	_ =	shalt  }
0x7b: {  	_ =	shalt  }
0x7c: {  	_ =	shalt  }
0x7d: {  	_ =	shalt  }
0x7e: {  	_ =	shalt  }
0x7f: {  	_ =	shalt  }
0x80: {  	_ =	shalt  }
0x81: {  	_ =	shalt  }
0x82: {  	_ =	shalt  }
0x83: {  	_ =	shalt  }
0x84: {  	_ =	shalt  }
0x85: {  	_ =	shalt  }
0x86: {  	_ =	shalt  }
0x87: {  	_ =	shalt  }
.Lfunc_end0:
.L_simem_size_0:
called_computation.5_lowered:
.L_overlay_start_0:
0x88: {  	s2 =	sld [smem:$0x3FD9]  }
0x89: {  	s3 =	sld [smem:$0x3FFE];
	_ =	sdelay $0x1  }
0x8a: {  	s1 =	srdreg.scid  }
0x8b: {  	s0 =	sand.u32 $0x1, s1  }
0x8c: {  	s16 =	sshll.u32 s0, $0xA;
	s2 =	sadd.s32 s3, s2  }
0x8d: {  	s2 =	sadd.s32 s2, s16  }
0x8e: {  	[smem:$0x3FB6] =	sst s2  }
0x8f: {  	_ = 	snop  }
0x90: {  	(tm) =	ssettm $0x1  }
0x91: {  	s17 =	sld [smem:$0x3FFB];
	_ =	sdelay $0x3  }
0x92: {  	_ =	strace s17  }
0x93: {  	s2 =	sld [smem:$0x3FFC];
	_ =	sdelay $0x3  }
0x94: {  	_ =	strace s2  }
0x95: {  	s2 =	sld [smem:$0x3FFD];
	_ =	sdelay $0x3  }
0x96: {  	_ =	strace s2  }
0x97: {  	_ =	strace $0x8FFFFFFF  }
0x98: {  	s18 =	sld [smem:$0x3FDB];
	_ =	sdelay $0x1  }
0x99: {  	s19 =	simm.s32 $_scs_section_size  }
0x9a: {  	s4 =	simm.s32 $_size__tile_overlayer_lowered;
	s5 =	simm.s32 $_tile_overlayer_lowered  }
0x9b: {  	s22 =	simm.s32 $0x1BFF;
	s21 =	sshll.u32 s5, $0x1;
	s2 =	sadd.s32 s19, s18  }
0x9c: {  	s6 =	simm.s32 $0x0;
	s20 =	sshll.u32 s4, $0x1;
	s4 =	sadd.s32 s21, s2  }
0x9d: {  	[timem:s6], [sflag:s22] =	dma.local [hbm:s4], s20  }
0x9e: {  	_ =	swait.ge [sflag:s22], s20  }
0x9f: {  	s3 =	ssub.s32 $0x0, s20;
	[sflag:s22] =	ssyncset.done $0x0  }
0xa0: {  	[sflag:s22] =	ssyncadd.s32 s3;
	_ =	sdelay $0x1  }
0xa1: {  	s23 =	simm.s32 $0x1B8B  }
0xa2: {  	_ =	swait.ge [sflag:s23], $0x1  }
0xa3: {  	[sflag:s23] =	ssyncset.done $0x0  }
0xa4: {  	s25 =	simm.s32 $0x1B8E;
	s24 =	sld [smem:$0x3FFE];
	[sflag:s23] =	ssyncadd.s32 $0xFFFFFFFF  }
0xa5: {  	s26 =	simm.s32 $execute0_lowered;
	[smem:$0x3FD2] =	sst s25  }
0xa6: {  	s4 =	sshll.u32 s26, $0x1;
	_ =	strace $0x80000055;
	[dreg:$0x1] =	wrdreg $0xFFFFFFFF  }
0xa7: {  	s28 =	simm.s32 $_size_execute0_lowered;
	s2 =	sadd.s32 s2, s4;
	[dreg:$0x0] =	wrdreg $0x0  }
0xa8: {  	s4 =	sshll.u32 s28, $0x1;
	[dreg:$0x2] =	wrdreg s2  }
0xa9: {  	[dreg:$0x3] =	wrdreg s4  }
0xaa: {  	[dreg:$0x4] =	wrdreg $0xC0  }
0xab: {  	_ =	task [dreg:s6], $0x5FFFF  }
0xac: {  	[dreg:$0x1] =	wrdreg $0xFFFFFFFF  }
0xad: {  	[dreg:$0x0] =	wrdreg $0x60  }
0xae: {  	[dreg:$0x2] =	wrdreg s24  }
0xaf: {  	[dreg:$0x3] =	wrdreg $0x9  }
0xb0: {  	_ =	task.clear_ibuf [dreg:s6], $0x4FFFF;
	_ =	strace $0x90000055  }
0xb1: {  	s29 =	simm.s32 $0x9;
	_ =	strace $0x80000057  }
0xb2: {  	_ =	swait.ge [sflag:s29], $0x1  }
0xb3: {  	[sflag:s29] =	ssyncadd.s32 $0xFFFFFFFF  }
0xb4: {  	_ =	strace $0x90000057  }
0xb5: {  	_ =	sfence  }
0xb6: {  	s30 =	sld [smem:$0x0];
	_ =	sdelay $0x2  }
0xb7: {  	s31 =	sshll.u32 s1, $0xD;
	s1 =	sshrl.u32 s1, $0x2  }
0xb8: {  	s3 =	sand.u32 $0x4000, s31;
	s1 =	sadd.s32 s1, s30  }
0xb9: {  	s0 =	sor.u32 s3, s0;
	s1 =	sshll.u32 s1, $0x11  }
0xba: {  	s0 =	sor.u32 s1, s0  }
0xbb: {  	s0 =	sadd.s32 $0x8F2B, s0  }
0xbc: {  	[sflag:s0] =	ssyncadd.remote.s32 $0x1  }
0xbd: {  	_ =	sfence.sel $0xFFFF  }
0xbe: {  	[dreg:$0x0] =	wrdreg $0xFFFFFFFF;
	(pc) =	sbr.abs _section_cstart, $3  }
0xbf: {  	[dreg:$0x1] =	wrdreg $0xFFFFFFFF  }
0xc0: {  	_ =	task.clear_ibuf [dreg:s6], $0x2FFFF;
	_ =	strace $0x9FFFFFFF  }
0xc1: {  	(tm) =	ssettm $0x7FFFFFFF  }
tec
execute0_lowered:
.L_overlay_start_1:
0x0: {  	(tag) =	ssettag $0x1  }
0x1: {  	s0 =	srdreg.scid;
	s5 =	rddreg [dreg:$0x0]  }
0x2: {  	s1 =	stileid.u32;
	s6 =	simm.s32 $0x1;
	s9 =	simm.s32 $0x1  }
0x3: {  	s10 =	simm.s32 $0x3;
	s13 =	simm.s32 $0x0;
	s2 =	sshll.u32 s0, $0xA  }
0x4: {  	s12 =	simm.s32 $0x0;
	s3 =	sshll.u32 s1, $0xB;
	s2 =	sand.u32 $0x400, s2  }
0x5: {  	s0 =	rddreg [dreg:$0x1];
	_ =	strace $0x80000056;
	s2 =	sor.u32 s3, s2  }
0x6: {  	s4 =	sadd.s32 $0x6000, s5;
	[sflag:s6] =	ssyncpa.u1 $0x0;
	s8 =	ssub.s32 $0xA000, s2  }
.Ltmp0:
0x7: {  	s3 =	sadd.s32 $0x83C00, s5;
	s7 =	sand.u32 $0x7C00, s8;
	(pc) =	sbr.rel .LBB2_1-.Ltmp0, $4  }
0x8: {  	s5 =	sadd.s32 $0x1000, s5;
	s11 =	smov.u32 s2;
	p0 =	sne.s32 s7, $0x0  }
0x9: {  	s8 =	sshrl.u32 s8, $0xF;
	s7 =	simm.s32 $0x2;
	s9 =	simm.s32 @!p0 $0x0  }
0xa: {  	[sflag:s7] =	ssyncpa.u1 $0x0;
	p0 =	por $0x0, $0x0;
	s8 =	sadd.s32 s9, s8  }
0xb: {  	vm0 =	vmmov $0xffff;
	[sflag:s10] =	ssyncpa.u1 $0x0;
	s10 =	simm.s32 $0x0;
	s9 =	sadd.s32 $0x1, s8  }
.LBB2_4:
0xc: {  	v2 =	vnsel vm1, $0x0, v2  }
0xd: {  	vm1 =	vgt.s32 v0, $0x0;
	v2 =	vmin.u32 v2, $0x3FFFFF  }
0xe: {  	v0 =	vnsel vm1, $0x0, v0  }
0xf: {  	v0 =	vmin.u32 v0, $0x3FFFFF  }
0x10: {  	[tilespmem:s15], [sflag:$0x1] =	stream.indirect_vreg.gather [hbm4b:s3+s10], $0x1, v1, vm0, $0x4038;
	[tilespmem:$0x1000] =	vst v63  }
0x11: {  	(ifvalue) =	ssetifvalue $0x7FFFFFFF  }
0x12: {  	[tilespmem:s16], [sflag:$0x1] =	stream.indirect_vreg.gather [hbm4b:s3+s10], $0x1, v2, vm0, $0x4038;
	[tilespmem:$0x1000] =	vst v63  }
0x13: {  	s29 =	sadd.s32 $0x10, s16;
	(ifvalue) =	ssetifvalue $0x7FFFFFFF  }
0x14: {  	[tilespmem:s29], [sflag:$0x1] =	stream.indirect_vreg.gather [hbm4b:s3+s10], $0x1, v0, vm0, $0x4038;
	[tilespmem:$0x1000] =	vst v63  }
0x15: {  	_ =	swait.ge [sflag:s6], $0x400  }
0x16: {  	s30 =	sshrl.u32 s13, $0x3;
	[sflag:s6] =	ssyncset.done $0x0  }
0x17: {  	s31 =	sand.u32 $0x7, s13;
	s15 =	sadd.s32 s5, s30;
	[sflag:s6] =	ssyncadd.s32 $0xFFFFFC00  }
0x18: {  	[hbm4b:s15+s31] =	stream.linear.scatter [tilespmem:s14], [sflag:$0x3], $0x400, $0x38;
	[tilespmem:$0x1000] =	vst v63  }
.LBB2_5:
0x19: {  	s15 =	sadd.s32 $0x8000, s11  }
0x1a: {  	p2 =	sgt.s32 s15, $0x9FFF  }
0x1b: {  	s15 =	smov.u32 @p2 s2;
	p2 =	sne.s32 s12, s9  }
.Ltmp1:
0x1c: {  	p1 =	slt.u32 s12, $0x2;
	(pc) =	sbr.rel @!p2 .LBB2_6-.Ltmp1, $4  }
0x1d: {  	s14 =	simm.s32 @!p1 $0x3  }
0x1e: {  	s16 =	sadd.s32 $0x1, s12;
	_ =	swait.ge @!p1 [sflag:s14], $0x400  }
0x1f: {  	s13 =	smov.u32 s11;
	p0 =	por !p0, !p0;
	[sflag:s14] =	ssyncset.done @!p1 $0x0  }
0x20: {  	s12 =	smov.u32 s16;
	s11 =	smov.u32 s15;
	[sflag:s14] =	ssyncadd.s32 @!p1 $0xFFFFFC00  }
.LBB2_1:
0x21: {  	p1 =	sge.u32 s12, s8  }
0x22: {  	s14 =	sxor.u32 @!p1 $0xFFFFFFFF, s12  }
0x23: {  	s31 =	sadd.s32 $0xFFFFFFFF, s12;
	s15 =	sshrl.u32 @!p1 s11, $0x3;
	s14 =	sshll.u32 @!p1 s14, $0xA  }
0x24: {  	s16 =	sand.u32 @!p1 $0x7, s11;
	s15 =	sadd.s32 @!p1 s4, s15;
	s14 =	sand.u32 @!p1 $0x400, s14  }
0x25: {  	[tilespmem:s14], [sflag:$0x2] =	stream.linear.gather @!p1 [hbm4b:s15+s16], $0x400, $0x38;
	[tilespmem:$0x1000] =	vst v63  }
0x26: {  	p1 =	sge.u32 s31, s8  }
.Ltmp2:
0x27: {  	_ = 	snop;
	(pc) =	sbr.rel @p1 .LBB2_5-.Ltmp2, $1  }
0x28: {  	_ =	sdelay $0x3  }
0x29: {  	s14 =	simm.s32 $0x1  }
0x2a: {  	_ =	swait.ge [sflag:s7], $0x400;
	s14 =	simm.s32 @!p0 $0x0  }
0x2b: {  	[sflag:s7] =	ssyncset.done $0x0;
	s14 =	sshll.u32 s14, $0xA  }
0x2c: {  	[sflag:s7] =	ssyncadd.s32 $0xFFFFFC00;
	(ifvalue) =	ssetifvalue $0x7FFFFFFF;
	v0 =	vld.msk [tilespmem:s14+$0x0 ss:$0x1], $0xffff;
	_ =	sdelay $0x4  }
0x2d: {  	s15 =	sadd.s32 $0x10, s14;
	vm1 =	vgt.s32 v0, $0x0  }
0x2e: {  	v2 =	vld.msk [tilespmem:s15+$0x0 ss:$0x1], $0xffff;
	v1 =	vnsel vm1, $0x0, v0  }
0x2f: {  	v1 =	vmin.u32 v1, $0x3FFFFF;
	_ =	sdelay $0x1  }
0x30: {  	s16 =	sshll.u32 s12, $0xA;
	s18 =	simm.s32 $0x20  }
0x31: {  	s16 =	sand.u32 $0x400, s16;
	s17 =	sadd.s32 $0x10, s15;
	s15 =	sor.u32 $0x800, s14  }
0x32: {  	s14 =	sor.u32 $0x800, s16;
	s16 =	sadd.s32 $0x10, s15;
	v0 =	vld.msk [tilespmem:s17+$0x0 ss:$0x1], $0xffff;
	vm1 =	vgt.s32 v2, $0x0;
	(ifvalue) =	ssetifvalue $0x7FFFFFFF  }
.LBB2_3:
0x33: {  	[tilespmem:s15], [sflag:$0x1] =	stream.indirect_vreg.gather [hbm4b:s3+s10], $0x1, v1, vm0, $0x4038;
	[tilespmem:$0x1000] =	vst v63  }
0x34: {  	s18 =	sadd.s32 $0x10, s18  }
0x35: {  	v2 =	vnsel vm1, $0x0, v2;
	p1 =	slt.u32 s18, $0x3F0  }
.Ltmp3:
0x36: {  	s15 =	smov.u32 s16;
	v1 =	vmin.u32 v2, $0x3FFFFF;
	(pc) =	sbr.rel @p1 .LBB2_3-.Ltmp3, $3  }
0x37: {  	_ =	sdelay $0x1  }
0x38: {  	s17 =	sadd.s32 $0x10, s17  }
0x39: {  	vm1 =	vgt.s32 v0, $0x0;
	s16 =	sadd.s32 $0x10, s16;
	v2 =	vmov v0;
	(ifvalue) =	ssetifvalue $0x7FFFFFFF;
	v0 =	vld.msk [tilespmem:s17+$0x0 ss:$0x1], $0xffff  }
.Ltmp4:
0x3a: {  	_ = 	snop;
	(pc) =	sbr.rel .LBB2_4-.Ltmp4, $1  }
0x3b: {  	_ =	sdelay $0x3  }
.LBB2_6:
0x3c: {  	_ =	sfence.sel $0x180000  }
0x3d: {  	s2 =	simm.s32 $0x2;
	[bflag:$0x0] =	sbarrier.arrive $0xFFFF  }
0x3e: {  	s30 =	simm.s32 $0x3;
	[sflag:s2] =	ssyncpa.u1 $0x1  }
0x3f: {  	s31 =	simm.s32 $0x1;
	[sflag:s30] =	ssyncpa.u1 $0x1  }
0x40: {  	[sflag:s31] =	ssyncpa.u1 $0x1  }
0x41: {  	p0 =	sne.s32 s1, $0x0;
	_ =	strace $0x90000056  }
0x42: {  	s0 =	sadd.s32 @!p0 $0x100000, s0;
	[bflag:$0x2] =	sbarrier.arrive $0xFFFF  }
0x43: {  	[sflag:s0] =	ssyncadd.tile.s32 @!p0 $0x1;
	_ =	shalt  }
.Lfunc_end2:
_tile_overlayer_lowered:
.L_overlay_start_2:
0x44: {  	(tag) =	ssettag $0x2  }
0x45: {  	s0 =	rddreg [dreg:$0x0];
	s2 =	stileid.u32  }
0x46: {  	s1 =	rddreg [dreg:$0x1];
	p0 =	sne.s32 s2, $0x0  }
0x47: {  	s3 =	rddreg [dreg:$0x2];
	[bflag:$0x3] =	sbarrier.arrive $0xFFFF;
	s2 =	simm.s32 @!p0 $0x1C01  }
0x48: {  	[timem:s3], [sflag:s2] =	dma.local @!p0 [hbm:s0], s1  }
0x49: {  	s0 =	simm.s32 @!p0 $0x1  }
0x4a: {  	_ =	swait.ge @!p0 [sflag:s0], s1  }
0x4b: {  	s1 =	ssub.s32 @!p0 $0x0, s1;
	[sflag:s0] =	ssyncset.done @!p0 $0x0  }
0x4c: {  	[sflag:s0] =	ssyncadd.s32 @!p0 s1  }
0x4d: {  	[bflag:$0x3] =	sbarrier.arrive $0xFFFF  }
0x4e: {  	_ =	shalt  }

// kernel: gather_offload_async_start.4
scs
__scs_entry_jumppad:
0x0: {  	(pc) =	sbr.rel $0x88, $3  }
0x1: {  	(tag) =	ssettag $0x0;
	lr =	simm.s32 $0x1  }
0x2: {  	[smem:$0x3F8F] =	sst lr;
	_ =	strace $0xD0000000  }
0x3: {  	_ = 	snop  }
0x4: {  	_ = 	snop  }
0x5: {  	_ = 	snop  }
0x6: {  	_ = 	snop  }
0x7: {  	_ = 	snop  }
__scs_overlays_trampoline_lowered:
0x8: {  	[smem:$0x3F9E] =	sst s0  }
0x9: {  	[smem:$0x3F9F] =	sst s1  }
0xa: {  	[smem:$0x3FA0] =	sst s2  }
0xb: {  	[smem:$0x3FA1] =	sst s3  }
0xc: {  	[smem:$0x3FA2] =	sst s4  }
0xd: {  	[smem:$0x3FA3] =	sst s5  }
0xe: {  	[smem:$0x3FA4] =	sst s6  }
0xf: {  	[smem:$0x3FA5] =	sst s7  }
0x10: {  	[smem:$0x3FA6] =	sst s8  }
0x11: {  	[smem:$0x3FA7] =	sst s9;
	s0 =	simm.s32 @!p0 $0x0  }
0x12: {  	s1 =	sld [smem:$0x3F8D];
	s0 =	simm.s32 @p0 $0x1  }
0x13: {  	[smem:$0x3FA8] =	sst s0;
	s0 =	simm.s32 @!p1 $0x0  }
0x14: {  	s2 =	sld [smem:$0x3F8C];
	s0 =	simm.s32 @p1 $0x1  }
0x15: {  	[smem:$0x3FA9] =	sst s0;
	s0 =	simm.s32 @!p2 $0x0  }
0x16: {  	s3 =	sld [smem:$0x3FDB];
	s0 =	simm.s32 @p2 $0x1  }
0x17: {  	s4 =	simm.s32 $0x1BF5;
	[smem:$0x3FAB] =	sst s0  }
0x18: {  	s0 =	sld [smem:$0x3F8E];
	_ =	swait.ge [sflag:s4], $0x0  }
0x19: {  	s7 =	sld [smem:$0x3F8F]  }
0x1a: {  	s8 =	sadd.s32 $0xFFFFE003, lr  }
0x1b: {  	s9 =	sadd.s32 $0xFFFFFEF7, lr;
	s5 =	simm.s32 $0xFFFFFFFF;
	p2 =	slt.u32 s8, $0xFFFFF086  }
0x1c: {  	p1 =	slt.u32 s9, $0xF7A;
	s5 =	simm.s32 @!p2 $0x0  }
0x1d: {  	s5 =	simm.s32 @p1 $0x1;
	p0 =	seq.s32 s7, s2  }
0x1e: {  	s7 =	smul.u32 @!p0 $0xF7A, s2;
	p2 =	seq.s32 @!p0 s5, $0x0  }
0x1f: {  	s9 =	smul.u32 $0xF7A, s1;
	s8 =	simm.s32 @!p0 $0x1BF5;
	p2 =	por !p2, p0  }
0x20: {  	[sflag:s8] =	ssyncset.s32 @!p0 $0xFFFFF086;
	s6 =	sadd.s32 @!p0 s3, s7;
	s7 =	simm.s32 @!p0 $0x108  }
0x21: {  	s3 =	sadd.s32 s3, s9;
	s6 =	sadd.s32 @!p0 $0x88, s6;
	s7 =	simm.s32 @p2 $0x1082  }
0x22: {  	[simem:s7], [sflag:s8] =	dma.local @!p0 [hbm:s6], $0xF7A  }
0x23: {  	s9 =	sor.u32 $0xD0000000, s2;
	s6 =	simm.s32 $0x108;
	_ =	swait.ge @!p0 [sflag:s8], $0x0  }
0x24: {  	s3 =	sadd.s32 $0x88, s3;
	s6 =	simm.s32 @!p1 $0x1082;
	[sflag:s4] =	ssyncset.s32 $0xFFFFF086  }
0x25: {  	[simem:s6], [sflag:s4] =	dma.local [hbm:s3], $0xF7A  }
0x26: {  	[smem:$0x3F8F] =	sst s1;
	(tag) =	ssettag s2;
	_ =	strace s9  }
0x27: {  	s1 =	sld [smem:$0x3F9F]  }
0x28: {  	s2 =	sld [smem:$0x3FA0]  }
0x29: {  	s4 =	sld [smem:$0x3FA2]  }
0x2a: {  	p0 =	seq.s32 s5, $0x0;
	s5 =	sld [smem:$0x3FA3]  }
0x2b: {  	s6 =	sld [smem:$0x3FA4]  }
0x2c: {  	s7 =	sld [smem:$0x3FA5]  }
0x2d: {  	s3 =	simm.s32 $0x108;
	s8 =	sld [smem:$0x3FA6]  }
0x2e: {  	s3 =	simm.s32 @!p0 $0x1082;
	s9 =	sld [smem:$0x3FA7]  }
0x2f: {  	lr =	sadd.s32 s0, s3;
	s0 =	sld [smem:$0x3F9E]  }
0x30: {  	s3 =	sld [smem:$0x3FA1]  }
0x31: {  	[smem:$0x3FAA] =	sst s10  }
0x32: {  	s10 =	sld [smem:$0x3FA8];
	_ =	sdelay $0x3  }
0x33: {  	p0 =	seq.s32 s10, $0x1;
	s10 =	sld [smem:$0x3FAA];
	_ =	sdelay $0x3  }
0x34: {  	[smem:$0x3FAA] =	sst s10  }
0x35: {  	s10 =	sld [smem:$0x3FA9];
	_ =	sdelay $0x3  }
0x36: {  	p1 =	seq.s32 s10, $0x1;
	s10 =	sld [smem:$0x3FAA];
	_ =	sdelay $0x3  }
0x37: {  	[smem:$0x3FAA] =	sst s10  }
0x38: {  	s10 =	sld [smem:$0x3FAB]  }
0x39: {  	_ = 	snop;
	(pc) =	sbr.ind lr, $3  }
0x3a: {  	_ = 	snop  }
0x3b: {  	_ = 	snop  }
0x3c: {  	p2 =	seq.s32 s10, $0x1;
	s10 =	sld [smem:$0x3FAA]  }
0x3d: {  	_ =	shalt  }
0x3e: {  	_ =	shalt  }
0x3f: {  	_ =	shalt  }
0x40: {  	_ =	shalt  }
0x41: {  	_ =	shalt  }
0x42: {  	_ =	shalt  }
0x43: {  	_ =	shalt  }
0x44: {  	_ =	shalt  }
0x45: {  	_ =	shalt  }
0x46: {  	_ =	shalt  }
0x47: {  	_ =	shalt  }
0x48: {  	_ =	shalt  }
0x49: {  	_ =	shalt  }
0x4a: {  	_ =	shalt  }
0x4b: {  	_ =	shalt  }
0x4c: {  	_ =	shalt  }
0x4d: {  	_ =	shalt  }
0x4e: {  	_ =	shalt  }
0x4f: {  	_ =	shalt  }
0x50: {  	_ =	shalt  }
0x51: {  	_ =	shalt  }
0x52: {  	_ =	shalt  }
0x53: {  	_ =	shalt  }
0x54: {  	_ =	shalt  }
0x55: {  	_ =	shalt  }
0x56: {  	_ =	shalt  }
0x57: {  	_ =	shalt  }
0x58: {  	_ =	shalt  }
0x59: {  	_ =	shalt  }
0x5a: {  	_ =	shalt  }
0x5b: {  	_ =	shalt  }
0x5c: {  	_ =	shalt  }
0x5d: {  	_ =	shalt  }
0x5e: {  	_ =	shalt  }
0x5f: {  	_ =	shalt  }
0x60: {  	_ =	shalt  }
0x61: {  	_ =	shalt  }
0x62: {  	_ =	shalt  }
0x63: {  	_ =	shalt  }
0x64: {  	_ =	shalt  }
0x65: {  	_ =	shalt  }
0x66: {  	_ =	shalt  }
0x67: {  	_ =	shalt  }
0x68: {  	_ =	shalt  }
0x69: {  	_ =	shalt  }
0x6a: {  	_ =	shalt  }
0x6b: {  	_ =	shalt  }
0x6c: {  	_ =	shalt  }
0x6d: {  	_ =	shalt  }
0x6e: {  	_ =	shalt  }
0x6f: {  	_ =	shalt  }
0x70: {  	_ =	shalt  }
0x71: {  	_ =	shalt  }
0x72: {  	_ =	shalt  }
0x73: {  	_ =	shalt  }
0x74: {  	_ =	shalt  }
0x75: {  	_ =	shalt  }
0x76: {  	_ =	shalt  }
0x77: {  	_ =	shalt  }
0x78: {  	_ =	shalt  }
0x79: {  	_ =	shalt  }
0x7a: {  	_ =	shalt  }
0x7b: {  	_ =	shalt  }
0x7c: {  	_ =	shalt  }
0x7d: {  	_ =	shalt  }
0x7e: {  	_ =	shalt  }
0x7f: {  	_ =	shalt  }
0x80: {  	_ =	shalt  }
0x81: {  	_ =	shalt  }
0x82: {  	_ =	shalt  }
0x83: {  	_ =	shalt  }
0x84: {  	_ =	shalt  }
0x85: {  	_ =	shalt  }
0x86: {  	_ =	shalt  }
0x87: {  	_ =	shalt  }
.Lfunc_end0:
.L_simem_size_0:
called_computation.6_lowered:
.L_overlay_start_0:
0x88: {  	s2 =	sld [smem:$0x3FD9]  }
0x89: {  	s3 =	sld [smem:$0x3FFE];
	_ =	sdelay $0x1  }
0x8a: {  	s1 =	srdreg.scid  }
0x8b: {  	s0 =	sand.u32 $0x1, s1  }
0x8c: {  	s17 =	sshll.u32 s0, $0xA;
	s2 =	sadd.s32 s3, s2  }
0x8d: {  	s2 =	sadd.s32 s2, s17  }
0x8e: {  	[smem:$0x3FB6] =	sst s2  }
0x8f: {  	_ = 	snop  }
0x90: {  	s18 =	sld [smem:$0x3FC9];
	(tm) =	ssettm $0x1  }
0x91: {  	s19 =	sld [smem:$0x3FFB];
	_ =	sdelay $0x3  }
0x92: {  	_ =	strace s19  }
0x93: {  	s2 =	sld [smem:$0x3FFC];
	_ =	sdelay $0x3  }
0x94: {  	_ =	strace s2  }
0x95: {  	s2 =	sld [smem:$0x3FFD];
	_ =	sdelay $0x3  }
0x96: {  	_ =	strace s2  }
0x97: {  	_ =	strace $0x8FFFFFFF  }
0x98: {  	s20 =	sld [smem:$0x3FDB];
	_ =	sdelay $0x1  }
0x99: {  	s4 =	simm.s32 $_scs_section_size  }
0x9a: {  	s5 =	simm.s32 $_size__tile_overlayer_lowered;
	s6 =	simm.s32 $_tile_overlayer_lowered  }
0x9b: {  	s7 =	simm.s32 $0x1BFF;
	s21 =	sshll.u32 s6, $0x1;
	s4 =	sadd.s32 s4, s20  }
0x9c: {  	s22 =	simm.s32 $0x0;
	s5 =	sshll.u32 s5, $0x1;
	s6 =	sadd.s32 s21, s4  }
0x9d: {  	[timem:s22], [sflag:s7] =	dma.local [hbm:s6], s5  }
0x9e: {  	_ =	swait.ge [sflag:s7], s5  }
0x9f: {  	s5 =	ssub.s32 $0x0, s5;
	[sflag:s7] =	ssyncset.done $0x0  }
0xa0: {  	[sflag:s7] =	ssyncadd.s32 s5;
	_ =	sdelay $0x1  }
0xa1: {  	s23 =	simm.s32 $0x1B8B  }
0xa2: {  	_ =	swait.ge [sflag:s23], $0x1  }
0xa3: {  	[sflag:s23] =	ssyncset.done $0x0  }
0xa4: {  	[sflag:s23] =	ssyncadd.s32 $0xFFFFFFFF  }
0xa5: {  	s5 =	sld [smem:$0x0]  }
0xa6: {  	s6 =	sand.u32 $0xFFFFFFFE, s1  }
0xa7: {  	p0 =	sne.s32 s1, s6  }
0xa8: {  	s6 =	sshll.u32 @p0 s6, $0xE  }
0xa9: {  	s6 =	sadd.s32 @p0 $0x11B8D, s6;
	s7 =	sshll.u32 @p0 s5, $0x11  }
0xaa: {  	s6 =	sor.u32 @p0 s7, s6  }
0xab: {  	[sflag:s6] =	ssyncadd.remote.s32 @p0 $0x1;
	_ =	sdelay $0x1  }
0xac: {  	s6 =	simm.s32 @p0 $0x1B8D  }
0xad: {  	_ =	swait.eq @p0 [sflag:s6], $0x1  }
0xae: {  	[sflag:s6] =	ssyncadd.s32 @p0 $0xFFFFFFFF  }
0xaf: {  	s7 =	sshll.u32 @!p0 s1, $0xE  }
0xb0: {  	s7 =	sor.u32 @!p0 $0x4000, s7;
	s6 =	simm.s32 @!p0 $0x1B8D  }
0xb1: {  	s5 =	sshll.u32 @!p0 s5, $0x11;
	s7 =	sadd.s32 @!p0 $0x11B8D, s7;
	_ =	swait.eq @!p0 [sflag:s6], $0x1  }
0xb2: {  	s5 =	sor.u32 @!p0 s5, s7;
	[sflag:s6] =	ssyncadd.s32 @!p0 $0xFFFFFFFF  }
0xb3: {  	s25 =	simm.s32 $0x1B8E;
	s24 =	sld [smem:$0x3FFE];
	[sflag:s5] =	ssyncadd.remote.s32 @!p0 $0x1  }
0xb4: {  	s26 =	simm.s32 $execute0_lowered;
	[smem:$0x3FD2] =	sst s25  }
0xb5: {  	s6 =	sshll.u32 s26, $0x1;
	_ =	strace $0x80000058;
	[dreg:$0x1] =	wrdreg $0xFFFFFFFF  }
0xb6: {  	s28 =	simm.s32 $_size_execute0_lowered;
	s4 =	sadd.s32 s4, s6;
	[dreg:$0x0] =	wrdreg $0x0  }
0xb7: {  	s6 =	sshll.u32 s28, $0x1;
	[dreg:$0x2] =	wrdreg s4  }
0xb8: {  	[dreg:$0x3] =	wrdreg s6  }
0xb9: {  	[dreg:$0x4] =	wrdreg $0xC0  }
0xba: {  	_ =	task [dreg:s22], $0x5FFFF  }
0xbb: {  	[dreg:$0x1] =	wrdreg $0xFFFFFFFF  }
0xbc: {  	[dreg:$0x0] =	wrdreg $0x60  }
0xbd: {  	[dreg:$0x2] =	wrdreg s18  }
0xbe: {  	[dreg:$0x3] =	wrdreg s24  }
0xbf: {  	[dreg:$0x4] =	wrdreg $0xA  }
0xc0: {  	_ =	task.clear_ibuf [dreg:s22], $0x5FFFF;
	_ =	strace $0x90000058  }
0xc1: {  	s29 =	simm.s32 $0xA;
	_ =	strace $0x8000005A  }
0xc2: {  	_ =	swait.ge [sflag:s29], $0x1  }
0xc3: {  	[sflag:s29] =	ssyncadd.s32 $0xFFFFFFFF  }
0xc4: {  	_ =	strace $0x9000005A  }
0xc5: {  	_ =	sfence  }
0xc6: {  	s30 =	sld [smem:$0x0];
	_ =	sdelay $0x2  }
0xc7: {  	s31 =	sshll.u32 s1, $0xD;
	s1 =	sshrl.u32 s1, $0x2  }
0xc8: {  	s4 =	sand.u32 $0x4000, s31;
	s1 =	sadd.s32 s1, s30  }
0xc9: {  	s0 =	sor.u32 s4, s0;
	s1 =	sshll.u32 s1, $0x11  }
0xca: {  	s0 =	sor.u32 s1, s0  }
0xcb: {  	s0 =	sadd.s32 $0x8F2B, s0  }
0xcc: {  	[sflag:s0] =	ssyncadd.remote.s32 $0x1  }
0xcd: {  	_ =	sfence.sel $0xFFFF  }
0xce: {  	[dreg:$0x0] =	wrdreg $0xFFFFFFFF;
	(pc) =	sbr.abs _section_cstart, $3  }
0xcf: {  	[dreg:$0x1] =	wrdreg $0xFFFFFFFF  }
0xd0: {  	_ =	task.clear_ibuf [dreg:s22], $0x2FFFF;
	_ =	strace $0x9FFFFFFF  }
0xd1: {  	(tm) =	ssettm $0x7FFFFFFF  }
tec
execute0_lowered:
.L_overlay_start_1:
0x0: {  	(tag) =	ssettag $0x1  }
0x1: {  	s1 =	srdreg.scid;
	s2 =	rddreg [dreg:$0x0]  }
0x2: {  	s0 =	stileid.u32;
	s5 =	rddreg [dreg:$0x1];
	s6 =	simm.s32 $0x1  }
0x3: {  	s9 =	simm.s32 $0x1;
	s10 =	simm.s32 $0x3;
	s1 =	sshll.u32 s1, $0xA  }
0x4: {  	s13 =	simm.s32 $0x0;
	s3 =	sshll.u32 s0, $0xB;
	s4 =	sand.u32 $0x400, s1  }
0x5: {  	s12 =	simm.s32 $0x0;
	s1 =	rddreg [dreg:$0x2];
	s3 =	sor.u32 s3, s4  }
0x6: {  	_ =	strace $0x80000059;
	s4 =	sadd.s32 $0x7400, s5;
	s8 =	ssub.s32 $0xA000, s3  }
.Ltmp0:
0x7: {  	s5 =	sadd.s32 $0x2400, s5;
	s7 =	sand.u32 $0x7C00, s8;
	(pc) =	sbr.rel .LBB2_1-.Ltmp0, $4  }
0x8: {  	[sflag:s6] =	ssyncpa.u1 $0x0;
	s11 =	smov.u32 s3;
	p0 =	sne.s32 s7, $0x0  }
0x9: {  	s8 =	sshrl.u32 s8, $0xF;
	s7 =	simm.s32 $0x2;
	s9 =	simm.s32 @!p0 $0x0  }
0xa: {  	[sflag:s7] =	ssyncpa.u1 $0x0;
	p0 =	por $0x0, $0x0;
	s8 =	sadd.s32 s9, s8  }
0xb: {  	vm0 =	vmmov $0xffff;
	[sflag:s10] =	ssyncpa.u1 $0x0;
	s10 =	simm.s32 $0x0;
	s9 =	sadd.s32 $0x1, s8  }
.LBB2_4:
0xc: {  	vm1 =	veq.s32 v0, $0x80000000;
	v63 =	vand.u32 $0x7FF, v0;
	v2 =	vand.u32 $0x7FF, v2  }
0xd: {  	v0 =	vsel vm1, $0xFFFFFFFF, v63;
	v2 =	vsel vm1, $0xFFFFFFFF, v2  }
0xe: {  	v3 =	vshll.u32 v0, $0xB;
	v4 =	vshll.u32 v2, $0x3  }
0xf: {  	v0 =	vshll.u32 v0, $0x7;
	v3 =	vand.u32 $0xFFFFC000, v3;
	v4 =	vand.u32 $0xFFFFFC00, v4  }
0x10: {  	v0 =	vand.u32 $0x380, v0;
	v3 =	vadd.s32 v3, v4  }
0x11: {  	v2 =	vand.u32 $0x7F, v2;
	v0 =	vor.u32 v0, v3  }
0x12: {  	v0 =	vor.u32 v2, v0;
	_ =	sdelay $0x1  }
0x13: {  	(ifvalue) =	ssetifvalue $0x7FFFFFFF;
	s14 =	sadd.s32 $0x10, s14  }
0x14: {  	[tilespmem:s14], [sflag:$0x1] =	stream.indirect_vreg.gather [hbm4b:s2+s10], $0x1, v1, vm0, $0x4038;
	[tilespmem:$0x1000] =	vst v63  }
0x15: {  	(ifvalue) =	ssetifvalue $0x7FFFFFFF;
	s14 =	sadd.s32 $0x10, s14  }
0x16: {  	[tilespmem:s14], [sflag:$0x1] =	stream.indirect_vreg.gather [hbm4b:s2+s10], $0x1, v0, vm0, $0x4038;
	[tilespmem:$0x1000] =	vst v63  }
0x17: {  	_ =	swait.ge [sflag:s6], $0x400  }
0x18: {  	s30 =	sshrl.u32 s13, $0x3;
	[sflag:s6] =	ssyncset.done $0x0  }
0x19: {  	s31 =	sand.u32 $0x7, s13;
	s14 =	sadd.s32 s5, s30;
	[sflag:s6] =	ssyncadd.s32 $0xFFFFFC00  }
0x1a: {  	[hbm4b:s14+s31] =	stream.linear.scatter [tilespmem:s15], [sflag:$0x3], $0x400, $0x38;
	[tilespmem:$0x1000] =	vst v63  }
.LBB2_5:
0x1b: {  	s15 =	sadd.s32 $0x8000, s11  }
0x1c: {  	p2 =	sgt.s32 s15, $0x9FFF  }
0x1d: {  	s15 =	smov.u32 @p2 s3;
	p2 =	sne.s32 s12, s9  }
.Ltmp1:
0x1e: {  	p1 =	slt.u32 s12, $0x2;
	(pc) =	sbr.rel @!p2 .LBB2_6-.Ltmp1, $4  }
0x1f: {  	s14 =	simm.s32 @!p1 $0x3  }
0x20: {  	s16 =	sadd.s32 $0x1, s12;
	_ =	swait.ge @!p1 [sflag:s14], $0x400  }
0x21: {  	s13 =	smov.u32 s11;
	p0 =	por !p0, !p0;
	[sflag:s14] =	ssyncset.done @!p1 $0x0  }
0x22: {  	s12 =	smov.u32 s16;
	s11 =	smov.u32 s15;
	[sflag:s14] =	ssyncadd.s32 @!p1 $0xFFFFFC00  }
.LBB2_1:
0x23: {  	p1 =	sge.u32 s12, s8  }
0x24: {  	s14 =	sxor.u32 @!p1 $0xFFFFFFFF, s12  }
0x25: {  	s31 =	sadd.s32 $0xFFFFFFFF, s12;
	s15 =	sshrl.u32 @!p1 s11, $0x3;
	s14 =	sshll.u32 @!p1 s14, $0xA  }
0x26: {  	s16 =	sand.u32 @!p1 $0x7, s11;
	s15 =	sadd.s32 @!p1 s4, s15;
	s14 =	sand.u32 @!p1 $0x400, s14  }
0x27: {  	[tilespmem:s14], [sflag:$0x2] =	stream.linear.gather @!p1 [hbm4b:s15+s16], $0x400, $0x38;
	[tilespmem:$0x1000] =	vst v63  }
0x28: {  	p1 =	sge.u32 s31, s8  }
.Ltmp2:
0x29: {  	_ = 	snop;
	(pc) =	sbr.rel @p1 .LBB2_5-.Ltmp2, $1  }
0x2a: {  	_ =	sdelay $0x3  }
0x2b: {  	s14 =	simm.s32 $0x1  }
0x2c: {  	_ =	swait.ge [sflag:s7], $0x400;
	s14 =	simm.s32 @!p0 $0x0  }
0x2d: {  	[sflag:s7] =	ssyncset.done $0x0;
	s14 =	sshll.u32 s14, $0xA  }
0x2e: {  	[sflag:s7] =	ssyncadd.s32 $0xFFFFFC00;
	(ifvalue) =	ssetifvalue $0x7FFFFFFF;
	v0 =	vld.msk [tilespmem:s14+$0x0 ss:$0x1], $0xffff;
	_ =	sdelay $0x3  }
0x2f: {  	s15 =	sadd.s32 $0x10, s14  }
0x30: {  	v2 =	vld.msk [tilespmem:s15+$0x0 ss:$0x1], $0xffff;
	v1 =	vshrl.u32 v0, $0xB  }
0x31: {  	vm1 =	veq.s32 v0, $0x80000000;
	v0 =	vand.u32 $0x7FF, v0;
	v1 =	vand.u32 $0x7FF, v1  }
0x32: {  	v0 =	vsel vm1, $0xFFFFFFFF, v0;
	v1 =	vsel vm1, $0xFFFFFFFF, v1  }
0x33: {  	v3 =	vshll.u32 v0, $0xB;
	v4 =	vshll.u32 v1, $0x3  }
0x34: {  	v0 =	vshll.u32 v0, $0x7;
	v3 =	vand.u32 $0xFFFFC000, v3;
	v4 =	vand.u32 $0xFFFFFC00, v4  }
0x35: {  	vm1 =	veq.s32 v2, $0x80000000;
	v0 =	vand.u32 $0x380, v0;
	v3 =	vadd.s32 v3, v4  }
0x36: {  	v1 =	vand.u32 $0x7F, v1;
	v0 =	vor.u32 v0, v3;
	v3 =	vshrl.u32 v2, $0xB  }
0x37: {  	s17 =	sadd.s32 $0x10, s15;
	v2 =	vand.u32 $0x7FF, v2;
	v1 =	vor.u32 v1, v0;
	v3 =	vand.u32 $0x7FF, v3  }
0x38: {  	v0 =	vld.msk [tilespmem:s17+$0x0 ss:$0x1], $0xffff;
	v2 =	vsel vm1, $0xFFFFFFFF, v2;
	v3 =	vsel vm1, $0xFFFFFFFF, v3  }
0x39: {  	v63 =	vshll.u32 v2, $0xB;
	v5 =	vshll.u32 v3, $0x3  }
0x3a: {  	s31 =	sshll.u32 s12, $0xA;
	v2 =	vshll.u32 v2, $0x7;
	v4 =	vand.u32 $0xFFFFC000, v63;
	v5 =	vand.u32 $0xFFFFFC00, v5  }
0x3b: {  	s14 =	sor.u32 $0x800, s14;
	s15 =	sand.u32 $0x400, s31;
	(ifvalue) =	ssetifvalue $0x7FFFFFFF;
	v2 =	vand.u32 $0x380, v2;
	v4 =	vadd.s32 v4, v5  }
0x3c: {  	[tilespmem:s14], [sflag:$0x1] =	stream.indirect_vreg.gather [hbm4b:s2+s10], $0x1, v1, vm0, $0x4038;
	v1 =	vand.u32 $0x7F, v3;
	v3 =	vor.u32 v2, v4;
	[tilespmem:$0x1000] =	vst v63  }
0x3d: {  	s16 =	simm.s32 $0x20;
	s15 =	sor.u32 $0x800, s15;
	s17 =	sadd.s32 $0x10, s17;
	v2 =	vshrl.u32 v0, $0xB;
	v1 =	vor.u32 v1, v3  }
.LBB2_3:
0x3e: {  	s16 =	sadd.s32 $0x10, s16;
	vm1 =	veq.s32 v0, $0x80000000;
	v3 =	vand.u32 $0x7FF, v0;
	v0 =	vld.msk [tilespmem:s17+$0x0 ss:$0x1], $0xffff;
	v2 =	vand.u32 $0x7FF, v2  }
0x3f: {  	p1 =	slt.u32 s16, $0x3F0;
	v3 =	vsel vm1, $0xFFFFFFFF, v3;
	v2 =	vsel vm1, $0xFFFFFFFF, v2  }
.Ltmp3:
0x40: {  	v4 =	vshll.u32 v3, $0xB;
	v5 =	vshll.u32 v2, $0x3;
	(pc) =	sbr.rel @p1 .LBB2_3-.Ltmp3, $4  }
0x41: {  	s14 =	sadd.s32 $0x10, s14;
	v3 =	vshll.u32 v3, $0x7;
	v4 =	vand.u32 $0xFFFFC000, v4;
	v5 =	vand.u32 $0xFFFFFC00, v5;
	(ifvalue) =	ssetifvalue $0x7FFFFFFF  }
0x42: {  	v3 =	vand.u32 $0x380, v3;
	v4 =	vadd.s32 v4, v5;
	[tilespmem:s14], [sflag:$0x1] =	stream.indirect_vreg.gather [hbm4b:s2+s10], $0x1, v1, vm0, $0x4038;
	[tilespmem:$0x1000] =	vst v63  }
0x43: {  	v1 =	vand.u32 $0x7F, v2;
	v3 =	vor.u32 v3, v4  }
0x44: {  	s17 =	sadd.s32 $0x10, s17;
	v2 =	vshrl.u32 v0, $0xB;
	v1 =	vor.u32 v1, v3  }
.Ltmp4:
0x45: {  	_ = 	snop;
	(pc) =	sbr.rel .LBB2_4-.Ltmp4, $1  }
0x46: {  	_ =	sdelay $0x3  }
.LBB2_6:
0x47: {  	_ =	sfence.sel $0x180000  }
0x48: {  	s2 =	simm.s32 $0x2;
	[bflag:$0x0] =	sbarrier.arrive $0xFFFF  }
0x49: {  	s30 =	simm.s32 $0x3;
	[sflag:s2] =	ssyncpa.u1 $0x1  }
0x4a: {  	s31 =	simm.s32 $0x1;
	[sflag:s30] =	ssyncpa.u1 $0x1  }
0x4b: {  	[sflag:s31] =	ssyncpa.u1 $0x1  }
0x4c: {  	p0 =	sne.s32 s0, $0x0;
	_ =	strace $0x90000059  }
0x4d: {  	s0 =	sadd.s32 @!p0 $0x100000, s1;
	[bflag:$0x2] =	sbarrier.arrive $0xFFFF  }
0x4e: {  	[sflag:s0] =	ssyncadd.tile.s32 @!p0 $0x1;
	_ =	shalt  }
.Lfunc_end2:
_tile_overlayer_lowered:
.L_overlay_start_2:
0x4f: {  	(tag) =	ssettag $0x2  }
0x50: {  	s0 =	rddreg [dreg:$0x0];
	s2 =	stileid.u32  }
0x51: {  	s1 =	rddreg [dreg:$0x1];
	p0 =	sne.s32 s2, $0x0  }
0x52: {  	s3 =	rddreg [dreg:$0x2];
	[bflag:$0x3] =	sbarrier.arrive $0xFFFF;
	s2 =	simm.s32 @!p0 $0x1C01  }
0x53: {  	[timem:s3], [sflag:s2] =	dma.local @!p0 [hbm:s0], s1  }
0x54: {  	s0 =	simm.s32 @!p0 $0x1  }
0x55: {  	_ =	swait.ge @!p0 [sflag:s0], s1  }
0x56: {  	s1 =	ssub.s32 @!p0 $0x0, s1;
	[sflag:s0] =	ssyncset.done @!p0 $0x0  }
0x57: {  	[sflag:s0] =	ssyncadd.s32 @!p0 s1  }
0x58: {  	[bflag:$0x3] =	sbarrier.arrive $0xFFFF  }
0x59: {  	_ =	shalt  }

// kernel: gather_offload_async_start
scs
__scs_entry_jumppad:
0x0: {  	(pc) =	sbr.rel $0x88, $3  }
0x1: {  	(tag) =	ssettag $0x0;
	lr =	simm.s32 $0x1  }
0x2: {  	[smem:$0x3F8F] =	sst lr;
	_ =	strace $0xD0000000  }
0x3: {  	_ = 	snop  }
0x4: {  	_ = 	snop  }
0x5: {  	_ = 	snop  }
0x6: {  	_ = 	snop  }
0x7: {  	_ = 	snop  }
__scs_overlays_trampoline_lowered:
0x8: {  	[smem:$0x3F9E] =	sst s0  }
0x9: {  	[smem:$0x3F9F] =	sst s1  }
0xa: {  	[smem:$0x3FA0] =	sst s2  }
0xb: {  	[smem:$0x3FA1] =	sst s3  }
0xc: {  	[smem:$0x3FA2] =	sst s4  }
0xd: {  	[smem:$0x3FA3] =	sst s5  }
0xe: {  	[smem:$0x3FA4] =	sst s6  }
0xf: {  	[smem:$0x3FA5] =	sst s7  }
0x10: {  	[smem:$0x3FA6] =	sst s8  }
0x11: {  	[smem:$0x3FA7] =	sst s9;
	s0 =	simm.s32 @!p0 $0x0  }
0x12: {  	s1 =	sld [smem:$0x3F8D];
	s0 =	simm.s32 @p0 $0x1  }
0x13: {  	[smem:$0x3FA8] =	sst s0;
	s0 =	simm.s32 @!p1 $0x0  }
0x14: {  	s2 =	sld [smem:$0x3F8C];
	s0 =	simm.s32 @p1 $0x1  }
0x15: {  	[smem:$0x3FA9] =	sst s0;
	s0 =	simm.s32 @!p2 $0x0  }
0x16: {  	s3 =	sld [smem:$0x3FDB];
	s0 =	simm.s32 @p2 $0x1  }
0x17: {  	s4 =	simm.s32 $0x1BF5;
	[smem:$0x3FAB] =	sst s0  }
0x18: {  	s0 =	sld [smem:$0x3F8E];
	_ =	swait.ge [sflag:s4], $0x0  }
0x19: {  	s7 =	sld [smem:$0x3F8F]  }
0x1a: {  	s8 =	sadd.s32 $0xFFFFE003, lr  }
0x1b: {  	s9 =	sadd.s32 $0xFFFFFEF7, lr;
	s5 =	simm.s32 $0xFFFFFFFF;
	p2 =	slt.u32 s8, $0xFFFFF086  }
0x1c: {  	p1 =	slt.u32 s9, $0xF7A;
	s5 =	simm.s32 @!p2 $0x0  }
0x1d: {  	s5 =	simm.s32 @p1 $0x1;
	p0 =	seq.s32 s7, s2  }
0x1e: {  	s7 =	smul.u32 @!p0 $0xF7A, s2;
	p2 =	seq.s32 @!p0 s5, $0x0  }
0x1f: {  	s9 =	smul.u32 $0xF7A, s1;
	s8 =	simm.s32 @!p0 $0x1BF5;
	p2 =	por !p2, p0  }
0x20: {  	[sflag:s8] =	ssyncset.s32 @!p0 $0xFFFFF086;
	s6 =	sadd.s32 @!p0 s3, s7;
	s7 =	simm.s32 @!p0 $0x108  }
0x21: {  	s3 =	sadd.s32 s3, s9;
	s6 =	sadd.s32 @!p0 $0x88, s6;
	s7 =	simm.s32 @p2 $0x1082  }
0x22: {  	[simem:s7], [sflag:s8] =	dma.local @!p0 [hbm:s6], $0xF7A  }
0x23: {  	s9 =	sor.u32 $0xD0000000, s2;
	s6 =	simm.s32 $0x108;
	_ =	swait.ge @!p0 [sflag:s8], $0x0  }
0x24: {  	s3 =	sadd.s32 $0x88, s3;
	s6 =	simm.s32 @!p1 $0x1082;
	[sflag:s4] =	ssyncset.s32 $0xFFFFF086  }
0x25: {  	[simem:s6], [sflag:s4] =	dma.local [hbm:s3], $0xF7A  }
0x26: {  	[smem:$0x3F8F] =	sst s1;
	(tag) =	ssettag s2;
	_ =	strace s9  }
0x27: {  	s1 =	sld [smem:$0x3F9F]  }
0x28: {  	s2 =	sld [smem:$0x3FA0]  }
0x29: {  	s4 =	sld [smem:$0x3FA2]  }
0x2a: {  	p0 =	seq.s32 s5, $0x0;
	s5 =	sld [smem:$0x3FA3]  }
0x2b: {  	s6 =	sld [smem:$0x3FA4]  }
0x2c: {  	s7 =	sld [smem:$0x3FA5]  }
0x2d: {  	s3 =	simm.s32 $0x108;
	s8 =	sld [smem:$0x3FA6]  }
0x2e: {  	s3 =	simm.s32 @!p0 $0x1082;
	s9 =	sld [smem:$0x3FA7]  }
0x2f: {  	lr =	sadd.s32 s0, s3;
	s0 =	sld [smem:$0x3F9E]  }
0x30: {  	s3 =	sld [smem:$0x3FA1]  }
0x31: {  	[smem:$0x3FAA] =	sst s10  }
0x32: {  	s10 =	sld [smem:$0x3FA8];
	_ =	sdelay $0x3  }
0x33: {  	p0 =	seq.s32 s10, $0x1;
	s10 =	sld [smem:$0x3FAA];
	_ =	sdelay $0x3  }
0x34: {  	[smem:$0x3FAA] =	sst s10  }
0x35: {  	s10 =	sld [smem:$0x3FA9];
	_ =	sdelay $0x3  }
0x36: {  	p1 =	seq.s32 s10, $0x1;
	s10 =	sld [smem:$0x3FAA];
	_ =	sdelay $0x3  }
0x37: {  	[smem:$0x3FAA] =	sst s10  }
0x38: {  	s10 =	sld [smem:$0x3FAB]  }
0x39: {  	_ = 	snop;
	(pc) =	sbr.ind lr, $3  }
0x3a: {  	_ = 	snop  }
0x3b: {  	_ = 	snop  }
0x3c: {  	p2 =	seq.s32 s10, $0x1;
	s10 =	sld [smem:$0x3FAA]  }
0x3d: {  	_ =	shalt  }
0x3e: {  	_ =	shalt  }
0x3f: {  	_ =	shalt  }
0x40: {  	_ =	shalt  }
0x41: {  	_ =	shalt  }
0x42: {  	_ =	shalt  }
0x43: {  	_ =	shalt  }
0x44: {  	_ =	shalt  }
0x45: {  	_ =	shalt  }
0x46: {  	_ =	shalt  }
0x47: {  	_ =	shalt  }
0x48: {  	_ =	shalt  }
0x49: {  	_ =	shalt  }
0x4a: {  	_ =	shalt  }
0x4b: {  	_ =	shalt  }
0x4c: {  	_ =	shalt  }
0x4d: {  	_ =	shalt  }
0x4e: {  	_ =	shalt  }
0x4f: {  	_ =	shalt  }
0x50: {  	_ =	shalt  }
0x51: {  	_ =	shalt  }
0x52: {  	_ =	shalt  }
0x53: {  	_ =	shalt  }
0x54: {  	_ =	shalt  }
0x55: {  	_ =	shalt  }
0x56: {  	_ =	shalt  }
0x57: {  	_ =	shalt  }
0x58: {  	_ =	shalt  }
0x59: {  	_ =	shalt  }
0x5a: {  	_ =	shalt  }
0x5b: {  	_ =	shalt  }
0x5c: {  	_ =	shalt  }
0x5d: {  	_ =	shalt  }
0x5e: {  	_ =	shalt  }
0x5f: {  	_ =	shalt  }
0x60: {  	_ =	shalt  }
0x61: {  	_ =	shalt  }
0x62: {  	_ =	shalt  }
0x63: {  	_ =	shalt  }
0x64: {  	_ =	shalt  }
0x65: {  	_ =	shalt  }
0x66: {  	_ =	shalt  }
0x67: {  	_ =	shalt  }
0x68: {  	_ =	shalt  }
0x69: {  	_ =	shalt  }
0x6a: {  	_ =	shalt  }
0x6b: {  	_ =	shalt  }
0x6c: {  	_ =	shalt  }
0x6d: {  	_ =	shalt  }
0x6e: {  	_ =	shalt  }
0x6f: {  	_ =	shalt  }
0x70: {  	_ =	shalt  }
0x71: {  	_ =	shalt  }
0x72: {  	_ =	shalt  }
0x73: {  	_ =	shalt  }
0x74: {  	_ =	shalt  }
0x75: {  	_ =	shalt  }
0x76: {  	_ =	shalt  }
0x77: {  	_ =	shalt  }
0x78: {  	_ =	shalt  }
0x79: {  	_ =	shalt  }
0x7a: {  	_ =	shalt  }
0x7b: {  	_ =	shalt  }
0x7c: {  	_ =	shalt  }
0x7d: {  	_ =	shalt  }
0x7e: {  	_ =	shalt  }
0x7f: {  	_ =	shalt  }
0x80: {  	_ =	shalt  }
0x81: {  	_ =	shalt  }
0x82: {  	_ =	shalt  }
0x83: {  	_ =	shalt  }
0x84: {  	_ =	shalt  }
0x85: {  	_ =	shalt  }
0x86: {  	_ =	shalt  }
0x87: {  	_ =	shalt  }
.Lfunc_end0:
.L_simem_size_0:
called_computation.2_lowered:
.L_overlay_start_0:
0x88: {  	s2 =	sld [smem:$0x3FD9]  }
0x89: {  	s3 =	sld [smem:$0x3FFE];
	_ =	sdelay $0x1  }
0x8a: {  	s1 =	srdreg.scid  }
0x8b: {  	s0 =	sand.u32 $0x1, s1  }
0x8c: {  	s16 =	sshll.u32 s0, $0xA;
	s2 =	sadd.s32 s3, s2  }
0x8d: {  	s2 =	sadd.s32 s2, s16  }
0x8e: {  	[smem:$0x3FB6] =	sst s2  }
0x8f: {  	_ = 	snop  }
0x90: {  	(tm) =	ssettm $0x1  }
0x91: {  	s17 =	sld [smem:$0x3FFB];
	_ =	sdelay $0x3  }
0x92: {  	_ =	strace s17  }
0x93: {  	s2 =	sld [smem:$0x3FFC];
	_ =	sdelay $0x3  }
0x94: {  	_ =	strace s2  }
0x95: {  	s2 =	sld [smem:$0x3FFD];
	_ =	sdelay $0x3  }
0x96: {  	_ =	strace s2  }
0x97: {  	_ =	strace $0x8FFFFFFF  }
0x98: {  	s18 =	sld [smem:$0x3FDB];
	_ =	sdelay $0x1  }
0x99: {  	s19 =	simm.s32 $_scs_section_size  }
0x9a: {  	s4 =	simm.s32 $_size__tile_overlayer_lowered;
	s5 =	simm.s32 $_tile_overlayer_lowered  }
0x9b: {  	s22 =	simm.s32 $0x1BFF;
	s21 =	sshll.u32 s5, $0x1;
	s2 =	sadd.s32 s19, s18  }
0x9c: {  	s6 =	simm.s32 $0x0;
	s20 =	sshll.u32 s4, $0x1;
	s4 =	sadd.s32 s21, s2  }
0x9d: {  	[timem:s6], [sflag:s22] =	dma.local [hbm:s4], s20  }
0x9e: {  	_ =	swait.ge [sflag:s22], s20  }
0x9f: {  	s3 =	ssub.s32 $0x0, s20;
	[sflag:s22] =	ssyncset.done $0x0  }
0xa0: {  	[sflag:s22] =	ssyncadd.s32 s3;
	_ =	sdelay $0x1  }
0xa1: {  	s23 =	simm.s32 $0x1B8B  }
0xa2: {  	_ =	swait.ge [sflag:s23], $0x1  }
0xa3: {  	[sflag:s23] =	ssyncset.done $0x0  }
0xa4: {  	s25 =	simm.s32 $0x1B8E;
	s24 =	sld [smem:$0x3FFE];
	[sflag:s23] =	ssyncadd.s32 $0xFFFFFFFF  }
0xa5: {  	s26 =	simm.s32 $execute0_lowered;
	[smem:$0x3FD2] =	sst s25  }
0xa6: {  	s4 =	sshll.u32 s26, $0x1;
	_ =	strace $0x8000004F;
	[dreg:$0x1] =	wrdreg $0xFFFFFFFF  }
0xa7: {  	s28 =	simm.s32 $_size_execute0_lowered;
	s2 =	sadd.s32 s2, s4;
	[dreg:$0x0] =	wrdreg $0x0  }
0xa8: {  	s4 =	sshll.u32 s28, $0x1;
	[dreg:$0x2] =	wrdreg s2  }
0xa9: {  	[dreg:$0x3] =	wrdreg s4  }
0xaa: {  	[dreg:$0x4] =	wrdreg $0xC0  }
0xab: {  	_ =	task [dreg:s6], $0x5FFFF  }
0xac: {  	[dreg:$0x1] =	wrdreg $0xFFFFFFFF  }
0xad: {  	[dreg:$0x0] =	wrdreg $0x60  }
0xae: {  	[dreg:$0x2] =	wrdreg s24  }
0xaf: {  	[dreg:$0x3] =	wrdreg $0x9  }
0xb0: {  	_ =	task.clear_ibuf [dreg:s6], $0x4FFFF;
	_ =	strace $0x9000004F  }
0xb1: {  	s29 =	simm.s32 $0x9;
	_ =	strace $0x80000051  }
0xb2: {  	_ =	swait.ge [sflag:s29], $0x1  }
0xb3: {  	[sflag:s29] =	ssyncadd.s32 $0xFFFFFFFF  }
0xb4: {  	_ =	strace $0x90000051  }
0xb5: {  	_ =	sfence  }
0xb6: {  	s30 =	sld [smem:$0x0];
	_ =	sdelay $0x2  }
0xb7: {  	s31 =	sshll.u32 s1, $0xD;
	s1 =	sshrl.u32 s1, $0x2  }
0xb8: {  	s3 =	sand.u32 $0x4000, s31;
	s1 =	sadd.s32 s1, s30  }
0xb9: {  	s0 =	sor.u32 s3, s0;
	s1 =	sshll.u32 s1, $0x11  }
0xba: {  	s0 =	sor.u32 s1, s0  }
0xbb: {  	s0 =	sadd.s32 $0x8F2B, s0  }
0xbc: {  	[sflag:s0] =	ssyncadd.remote.s32 $0x1  }
0xbd: {  	_ =	sfence.sel $0xFFFF  }
0xbe: {  	[dreg:$0x0] =	wrdreg $0xFFFFFFFF;
	(pc) =	sbr.abs _section_cstart, $3  }
0xbf: {  	[dreg:$0x1] =	wrdreg $0xFFFFFFFF  }
0xc0: {  	_ =	task.clear_ibuf [dreg:s6], $0x2FFFF;
	_ =	strace $0x9FFFFFFF  }
0xc1: {  	(tm) =	ssettm $0x7FFFFFFF  }
tec
execute0_lowered:
.L_overlay_start_1:
0x0: {  	(tag) =	ssettag $0x1  }
0x1: {  	s0 =	srdreg.scid;
	s5 =	rddreg [dreg:$0x0]  }
0x2: {  	s1 =	stileid.u32;
	s6 =	simm.s32 $0x1;
	s9 =	simm.s32 $0x1  }
0x3: {  	s10 =	simm.s32 $0x3;
	s13 =	simm.s32 $0x0;
	s2 =	sshll.u32 s0, $0xA  }
0x4: {  	s12 =	simm.s32 $0x0;
	s3 =	sshll.u32 s1, $0xB;
	s2 =	sand.u32 $0x400, s2  }
0x5: {  	s0 =	rddreg [dreg:$0x1];
	_ =	strace $0x80000050;
	s2 =	sor.u32 s3, s2  }
0x6: {  	s4 =	sadd.s32 $0x4C00, s5;
	[sflag:s6] =	ssyncpa.u1 $0x0;
	s8 =	ssub.s32 $0xA000, s2  }
.Ltmp0:
0x7: {  	s3 =	sadd.s32 $0x3800, s5;
	s7 =	sand.u32 $0x7C00, s8;
	(pc) =	sbr.rel .LBB2_1-.Ltmp0, $4  }
0x8: {  	s5 =	sadd.s32 $0x9C00, s5;
	s11 =	smov.u32 s2;
	p0 =	sne.s32 s7, $0x0  }
0x9: {  	s8 =	sshrl.u32 s8, $0xF;
	s7 =	simm.s32 $0x2;
	s9 =	simm.s32 @!p0 $0x0  }
0xa: {  	[sflag:s7] =	ssyncpa.u1 $0x0;
	p0 =	por $0x0, $0x0;
	s8 =	sadd.s32 s9, s8  }
0xb: {  	vm0 =	vmmov $0xffff;
	[sflag:s10] =	ssyncpa.u1 $0x0;
	s10 =	simm.s32 $0x0;
	s9 =	sadd.s32 $0x1, s8  }
.LBB2_4:
0xc: {  	v2 =	vnsel vm1, $0x0, v2  }
0xd: {  	vm1 =	vgt.s32 v0, $0x0;
	v2 =	vmin.u32 v2, $0x9FFF  }
0xe: {  	v0 =	vnsel vm1, $0x0, v0  }
0xf: {  	v0 =	vmin.u32 v0, $0x9FFF  }
0x10: {  	[tilespmem:s15], [sflag:$0x1] =	stream.indirect_vreg.gather [hbm4b:s3+s10], $0x1, v1, vm0, $0x4038;
	[tilespmem:$0x1000] =	vst v63  }
0x11: {  	(ifvalue) =	ssetifvalue $0x7FFFFFFF  }
0x12: {  	[tilespmem:s16], [sflag:$0x1] =	stream.indirect_vreg.gather [hbm4b:s3+s10], $0x1, v2, vm0, $0x4038;
	[tilespmem:$0x1000] =	vst v63  }
0x13: {  	s29 =	sadd.s32 $0x10, s16;
	(ifvalue) =	ssetifvalue $0x7FFFFFFF  }
0x14: {  	[tilespmem:s29], [sflag:$0x1] =	stream.indirect_vreg.gather [hbm4b:s3+s10], $0x1, v0, vm0, $0x4038;
	[tilespmem:$0x1000] =	vst v63  }
0x15: {  	_ =	swait.ge [sflag:s6], $0x400  }
0x16: {  	s30 =	sshrl.u32 s13, $0x3;
	[sflag:s6] =	ssyncset.done $0x0  }
0x17: {  	s31 =	sand.u32 $0x7, s13;
	s15 =	sadd.s32 s5, s30;
	[sflag:s6] =	ssyncadd.s32 $0xFFFFFC00  }
0x18: {  	[hbm4b:s15+s31] =	stream.linear.scatter [tilespmem:s14], [sflag:$0x3], $0x400, $0x38;
	[tilespmem:$0x1000] =	vst v63  }
.LBB2_5:
0x19: {  	s15 =	sadd.s32 $0x8000, s11  }
0x1a: {  	p2 =	sgt.s32 s15, $0x9FFF  }
0x1b: {  	s15 =	smov.u32 @p2 s2;
	p2 =	sne.s32 s12, s9  }
.Ltmp1:
0x1c: {  	p1 =	slt.u32 s12, $0x2;
	(pc) =	sbr.rel @!p2 .LBB2_6-.Ltmp1, $4  }
0x1d: {  	s14 =	simm.s32 @!p1 $0x3  }
0x1e: {  	s16 =	sadd.s32 $0x1, s12;
	_ =	swait.ge @!p1 [sflag:s14], $0x400  }
0x1f: {  	s13 =	smov.u32 s11;
	p0 =	por !p0, !p0;
	[sflag:s14] =	ssyncset.done @!p1 $0x0  }
0x20: {  	s12 =	smov.u32 s16;
	s11 =	smov.u32 s15;
	[sflag:s14] =	ssyncadd.s32 @!p1 $0xFFFFFC00  }
.LBB2_1:
0x21: {  	p1 =	sge.u32 s12, s8  }
0x22: {  	s14 =	sxor.u32 @!p1 $0xFFFFFFFF, s12  }
0x23: {  	s31 =	sadd.s32 $0xFFFFFFFF, s12;
	s15 =	sshrl.u32 @!p1 s11, $0x3;
	s14 =	sshll.u32 @!p1 s14, $0xA  }
0x24: {  	s16 =	sand.u32 @!p1 $0x7, s11;
	s15 =	sadd.s32 @!p1 s4, s15;
	s14 =	sand.u32 @!p1 $0x400, s14  }
0x25: {  	[tilespmem:s14], [sflag:$0x2] =	stream.linear.gather @!p1 [hbm4b:s15+s16], $0x400, $0x38;
	[tilespmem:$0x1000] =	vst v63  }
0x26: {  	p1 =	sge.u32 s31, s8  }
.Ltmp2:
0x27: {  	_ = 	snop;
	(pc) =	sbr.rel @p1 .LBB2_5-.Ltmp2, $1  }
0x28: {  	_ =	sdelay $0x3  }
0x29: {  	s14 =	simm.s32 $0x1  }
0x2a: {  	_ =	swait.ge [sflag:s7], $0x400;
	s14 =	simm.s32 @!p0 $0x0  }
0x2b: {  	[sflag:s7] =	ssyncset.done $0x0;
	s14 =	sshll.u32 s14, $0xA  }
0x2c: {  	[sflag:s7] =	ssyncadd.s32 $0xFFFFFC00;
	(ifvalue) =	ssetifvalue $0x7FFFFFFF;
	v0 =	vld.msk [tilespmem:s14+$0x0 ss:$0x1], $0xffff;
	_ =	sdelay $0x4  }
0x2d: {  	s15 =	sadd.s32 $0x10, s14;
	vm1 =	vgt.s32 v0, $0x0  }
0x2e: {  	v2 =	vld.msk [tilespmem:s15+$0x0 ss:$0x1], $0xffff;
	v1 =	vnsel vm1, $0x0, v0  }
0x2f: {  	v1 =	vmin.u32 v1, $0x9FFF;
	_ =	sdelay $0x1  }
0x30: {  	s16 =	sshll.u32 s12, $0xA;
	s18 =	simm.s32 $0x20  }
0x31: {  	s16 =	sand.u32 $0x400, s16;
	s17 =	sadd.s32 $0x10, s15;
	s15 =	sor.u32 $0x800, s14  }
0x32: {  	s14 =	sor.u32 $0x800, s16;
	s16 =	sadd.s32 $0x10, s15;
	v0 =	vld.msk [tilespmem:s17+$0x0 ss:$0x1], $0xffff;
	vm1 =	vgt.s32 v2, $0x0;
	(ifvalue) =	ssetifvalue $0x7FFFFFFF  }
.LBB2_3:
0x33: {  	[tilespmem:s15], [sflag:$0x1] =	stream.indirect_vreg.gather [hbm4b:s3+s10], $0x1, v1, vm0, $0x4038;
	[tilespmem:$0x1000] =	vst v63  }
0x34: {  	s18 =	sadd.s32 $0x10, s18  }
0x35: {  	v2 =	vnsel vm1, $0x0, v2;
	p1 =	slt.u32 s18, $0x3F0  }
.Ltmp3:
0x36: {  	s15 =	smov.u32 s16;
	v1 =	vmin.u32 v2, $0x9FFF;
	(pc) =	sbr.rel @p1 .LBB2_3-.Ltmp3, $3  }
0x37: {  	_ =	sdelay $0x1  }
0x38: {  	s17 =	sadd.s32 $0x10, s17  }
0x39: {  	vm1 =	vgt.s32 v0, $0x0;
	s16 =	sadd.s32 $0x10, s16;
	v2 =	vmov v0;
	(ifvalue) =	ssetifvalue $0x7FFFFFFF;
	v0 =	vld.msk [tilespmem:s17+$0x0 ss:$0x1], $0xffff  }
.Ltmp4:
0x3a: {  	_ = 	snop;
	(pc) =	sbr.rel .LBB2_4-.Ltmp4, $1  }
0x3b: {  	_ =	sdelay $0x3  }
.LBB2_6:
0x3c: {  	_ =	sfence.sel $0x180000  }
0x3d: {  	s2 =	simm.s32 $0x2;
	[bflag:$0x0] =	sbarrier.arrive $0xFFFF  }
0x3e: {  	s30 =	simm.s32 $0x3;
	[sflag:s2] =	ssyncpa.u1 $0x1  }
0x3f: {  	s31 =	simm.s32 $0x1;
	[sflag:s30] =	ssyncpa.u1 $0x1  }
0x40: {  	[sflag:s31] =	ssyncpa.u1 $0x1  }
0x41: {  	p0 =	sne.s32 s1, $0x0;
	_ =	strace $0x90000050  }
0x42: {  	s0 =	sadd.s32 @!p0 $0x100000, s0;
	[bflag:$0x2] =	sbarrier.arrive $0xFFFF  }
0x43: {  	[sflag:s0] =	ssyncadd.tile.s32 @!p0 $0x1;
	_ =	shalt  }
.Lfunc_end2:
_tile_overlayer_lowered:
.L_overlay_start_2:
0x44: {  	(tag) =	ssettag $0x2  }
0x45: {  	s0 =	rddreg [dreg:$0x0];
	s2 =	stileid.u32  }
0x46: {  	s1 =	rddreg [dreg:$0x1];
	p0 =	sne.s32 s2, $0x0  }
0x47: {  	s3 =	rddreg [dreg:$0x2];
	[bflag:$0x3] =	sbarrier.arrive $0xFFFF;
	s2 =	simm.s32 @!p0 $0x1C01  }
0x48: {  	[timem:s3], [sflag:s2] =	dma.local @!p0 [hbm:s0], s1  }
0x49: {  	s0 =	simm.s32 @!p0 $0x1  }
0x4a: {  	_ =	swait.ge @!p0 [sflag:s0], s1  }
0x4b: {  	s1 =	ssub.s32 @!p0 $0x0, s1;
	[sflag:s0] =	ssyncset.done @!p0 $0x0  }
0x4c: {  	[sflag:s0] =	ssyncadd.s32 @!p0 s1  }
0x4d: {  	[bflag:$0x3] =	sbarrier.arrive $0xFFFF  }
0x4e: {  	_ =	shalt  }

// kernel: scatter_offload_async_start.1
scs
__scs_entry_jumppad:
0x0: {  	(pc) =	sbr.rel $0x88, $3  }
0x1: {  	(tag) =	ssettag $0x0;
	lr =	simm.s32 $0x1  }
0x2: {  	[smem:$0x3F8F] =	sst lr;
	_ =	strace $0xD0000000  }
0x3: {  	_ = 	snop  }
0x4: {  	_ = 	snop  }
0x5: {  	_ = 	snop  }
0x6: {  	_ = 	snop  }
0x7: {  	_ = 	snop  }
__scs_overlays_trampoline_lowered:
0x8: {  	[smem:$0x3F9E] =	sst s0  }
0x9: {  	[smem:$0x3F9F] =	sst s1  }
0xa: {  	[smem:$0x3FA0] =	sst s2  }
0xb: {  	[smem:$0x3FA1] =	sst s3  }
0xc: {  	[smem:$0x3FA2] =	sst s4  }
0xd: {  	[smem:$0x3FA3] =	sst s5  }
0xe: {  	[smem:$0x3FA4] =	sst s6  }
0xf: {  	[smem:$0x3FA5] =	sst s7  }
0x10: {  	[smem:$0x3FA6] =	sst s8  }
0x11: {  	[smem:$0x3FA7] =	sst s9;
	s0 =	simm.s32 @!p0 $0x0  }
0x12: {  	s1 =	sld [smem:$0x3F8D];
	s0 =	simm.s32 @p0 $0x1  }
0x13: {  	[smem:$0x3FA8] =	sst s0;
	s0 =	simm.s32 @!p1 $0x0  }
0x14: {  	s2 =	sld [smem:$0x3F8C];
	s0 =	simm.s32 @p1 $0x1  }
0x15: {  	[smem:$0x3FA9] =	sst s0;
	s0 =	simm.s32 @!p2 $0x0  }
0x16: {  	s3 =	sld [smem:$0x3FDB];
	s0 =	simm.s32 @p2 $0x1  }
0x17: {  	s4 =	simm.s32 $0x1BF5;
	[smem:$0x3FAB] =	sst s0  }
0x18: {  	s0 =	sld [smem:$0x3F8E];
	_ =	swait.ge [sflag:s4], $0x0  }
0x19: {  	s7 =	sld [smem:$0x3F8F]  }
0x1a: {  	s8 =	sadd.s32 $0xFFFFE003, lr  }
0x1b: {  	s9 =	sadd.s32 $0xFFFFFEF7, lr;
	s5 =	simm.s32 $0xFFFFFFFF;
	p2 =	slt.u32 s8, $0xFFFFF086  }
0x1c: {  	p1 =	slt.u32 s9, $0xF7A;
	s5 =	simm.s32 @!p2 $0x0  }
0x1d: {  	s5 =	simm.s32 @p1 $0x1;
	p0 =	seq.s32 s7, s2  }
0x1e: {  	s7 =	smul.u32 @!p0 $0xF7A, s2;
	p2 =	seq.s32 @!p0 s5, $0x0  }
0x1f: {  	s9 =	smul.u32 $0xF7A, s1;
	s8 =	simm.s32 @!p0 $0x1BF5;
	p2 =	por !p2, p0  }
0x20: {  	[sflag:s8] =	ssyncset.s32 @!p0 $0xFFFFF086;
	s6 =	sadd.s32 @!p0 s3, s7;
	s7 =	simm.s32 @!p0 $0x108  }
0x21: {  	s3 =	sadd.s32 s3, s9;
	s6 =	sadd.s32 @!p0 $0x88, s6;
	s7 =	simm.s32 @p2 $0x1082  }
0x22: {  	[simem:s7], [sflag:s8] =	dma.local @!p0 [hbm:s6], $0xF7A  }
0x23: {  	s9 =	sor.u32 $0xD0000000, s2;
	s6 =	simm.s32 $0x108;
	_ =	swait.ge @!p0 [sflag:s8], $0x0  }
0x24: {  	s3 =	sadd.s32 $0x88, s3;
	s6 =	simm.s32 @!p1 $0x1082;
	[sflag:s4] =	ssyncset.s32 $0xFFFFF086  }
0x25: {  	[simem:s6], [sflag:s4] =	dma.local [hbm:s3], $0xF7A  }
0x26: {  	[smem:$0x3F8F] =	sst s1;
	(tag) =	ssettag s2;
	_ =	strace s9  }
0x27: {  	s1 =	sld [smem:$0x3F9F]  }
0x28: {  	s2 =	sld [smem:$0x3FA0]  }
0x29: {  	s4 =	sld [smem:$0x3FA2]  }
0x2a: {  	p0 =	seq.s32 s5, $0x0;
	s5 =	sld [smem:$0x3FA3]  }
0x2b: {  	s6 =	sld [smem:$0x3FA4]  }
0x2c: {  	s7 =	sld [smem:$0x3FA5]  }
0x2d: {  	s3 =	simm.s32 $0x108;
	s8 =	sld [smem:$0x3FA6]  }
0x2e: {  	s3 =	simm.s32 @!p0 $0x1082;
	s9 =	sld [smem:$0x3FA7]  }
0x2f: {  	lr =	sadd.s32 s0, s3;
	s0 =	sld [smem:$0x3F9E]  }
0x30: {  	s3 =	sld [smem:$0x3FA1]  }
0x31: {  	[smem:$0x3FAA] =	sst s10  }
0x32: {  	s10 =	sld [smem:$0x3FA8];
	_ =	sdelay $0x3  }
0x33: {  	p0 =	seq.s32 s10, $0x1;
	s10 =	sld [smem:$0x3FAA];
	_ =	sdelay $0x3  }
0x34: {  	[smem:$0x3FAA] =	sst s10  }
0x35: {  	s10 =	sld [smem:$0x3FA9];
	_ =	sdelay $0x3  }
0x36: {  	p1 =	seq.s32 s10, $0x1;
	s10 =	sld [smem:$0x3FAA];
	_ =	sdelay $0x3  }
0x37: {  	[smem:$0x3FAA] =	sst s10  }
0x38: {  	s10 =	sld [smem:$0x3FAB]  }
0x39: {  	_ = 	snop;
	(pc) =	sbr.ind lr, $3  }
0x3a: {  	_ = 	snop  }
0x3b: {  	_ = 	snop  }
0x3c: {  	p2 =	seq.s32 s10, $0x1;
	s10 =	sld [smem:$0x3FAA]  }
0x3d: {  	_ =	shalt  }
0x3e: {  	_ =	shalt  }
0x3f: {  	_ =	shalt  }
0x40: {  	_ =	shalt  }
0x41: {  	_ =	shalt  }
0x42: {  	_ =	shalt  }
0x43: {  	_ =	shalt  }
0x44: {  	_ =	shalt  }
0x45: {  	_ =	shalt  }
0x46: {  	_ =	shalt  }
0x47: {  	_ =	shalt  }
0x48: {  	_ =	shalt  }
0x49: {  	_ =	shalt  }
0x4a: {  	_ =	shalt  }
0x4b: {  	_ =	shalt  }
0x4c: {  	_ =	shalt  }
0x4d: {  	_ =	shalt  }
0x4e: {  	_ =	shalt  }
0x4f: {  	_ =	shalt  }
0x50: {  	_ =	shalt  }
0x51: {  	_ =	shalt  }
0x52: {  	_ =	shalt  }
0x53: {  	_ =	shalt  }
0x54: {  	_ =	shalt  }
0x55: {  	_ =	shalt  }
0x56: {  	_ =	shalt  }
0x57: {  	_ =	shalt  }
0x58: {  	_ =	shalt  }
0x59: {  	_ =	shalt  }
0x5a: {  	_ =	shalt  }
0x5b: {  	_ =	shalt  }
0x5c: {  	_ =	shalt  }
0x5d: {  	_ =	shalt  }
0x5e: {  	_ =	shalt  }
0x5f: {  	_ =	shalt  }
0x60: {  	_ =	shalt  }
0x61: {  	_ =	shalt  }
0x62: {  	_ =	shalt  }
0x63: {  	_ =	shalt  }
0x64: {  	_ =	shalt  }
0x65: {  	_ =	shalt  }
0x66: {  	_ =	shalt  }
0x67: {  	_ =	shalt  }
0x68: {  	_ =	shalt  }
0x69: {  	_ =	shalt  }
0x6a: {  	_ =	shalt  }
0x6b: {  	_ =	shalt  }
0x6c: {  	_ =	shalt  }
0x6d: {  	_ =	shalt  }
0x6e: {  	_ =	shalt  }
0x6f: {  	_ =	shalt  }
0x70: {  	_ =	shalt  }
0x71: {  	_ =	shalt  }
0x72: {  	_ =	shalt  }
0x73: {  	_ =	shalt  }
0x74: {  	_ =	shalt  }
0x75: {  	_ =	shalt  }
0x76: {  	_ =	shalt  }
0x77: {  	_ =	shalt  }
0x78: {  	_ =	shalt  }
0x79: {  	_ =	shalt  }
0x7a: {  	_ =	shalt  }
0x7b: {  	_ =	shalt  }
0x7c: {  	_ =	shalt  }
0x7d: {  	_ =	shalt  }
0x7e: {  	_ =	shalt  }
0x7f: {  	_ =	shalt  }
0x80: {  	_ =	shalt  }
0x81: {  	_ =	shalt  }
0x82: {  	_ =	shalt  }
0x83: {  	_ =	shalt  }
0x84: {  	_ =	shalt  }
0x85: {  	_ =	shalt  }
0x86: {  	_ =	shalt  }
0x87: {  	_ =	shalt  }
.Lfunc_end0:
.L_simem_size_0:
called_computation.1_lowered:
.L_overlay_start_0:
0x88: {  	s0 =	sld [smem:$0x3FD9]  }
0x89: {  	s1 =	sld [smem:$0x3FFE];
	_ =	sdelay $0x3  }
0x8a: {  	s0 =	sadd.s32 s1, s0  }
0x8b: {  	[smem:$0x3FB6] =	sst s0  }
0x8c: {  	_ = 	snop  }
0x8d: {  	s0 =	sld [smem:$0x3FD0];
	(tm) =	ssettm $0x1  }
0x8e: {  	s16 =	sld [smem:$0x3FFB];
	_ =	sdelay $0x3  }
0x8f: {  	_ =	strace s16  }
0x90: {  	s1 =	sld [smem:$0x3FFC];
	_ =	sdelay $0x3  }
0x91: {  	_ =	strace s1  }
0x92: {  	s1 =	sld [smem:$0x3FFD];
	_ =	sdelay $0x3  }
0x93: {  	_ =	strace s1  }
0x94: {  	_ =	strace $0x8FFFFFFF  }
0x95: {  	s17 =	sld [smem:$0x3FDB];
	_ =	sdelay $0x1  }
0x96: {  	s2 =	simm.s32 $_scs_section_size  }
0x97: {  	s3 =	simm.s32 $_size__tile_overlayer_lowered;
	s4 =	simm.s32 $_tile_overlayer_lowered  }
0x98: {  	s20 =	simm.s32 $0x1BFF;
	s19 =	sshll.u32 s4, $0x1;
	s1 =	sadd.s32 s2, s17  }
0x99: {  	s5 =	simm.s32 $0x0;
	s18 =	sshll.u32 s3, $0x1;
	s3 =	sadd.s32 s19, s1  }
0x9a: {  	[timem:s5], [sflag:s20] =	dma.local [hbm:s3], s18  }
0x9b: {  	_ =	swait.ge [sflag:s20], s18  }
0x9c: {  	s2 =	ssub.s32 $0x0, s18;
	[sflag:s20] =	ssyncset.done $0x0  }
0x9d: {  	[sflag:s20] =	ssyncadd.s32 s2;
	_ =	sdelay $0x1  }
0x9e: {  	s21 =	simm.s32 $0x1B8B  }
0x9f: {  	_ =	swait.ge [sflag:s21], $0x1  }
0xa0: {  	[sflag:s21] =	ssyncset.done $0x0  }
0xa1: {  	s23 =	simm.s32 $0x1B8E;
	s22 =	sld [smem:$0x3FFE];
	[sflag:s21] =	ssyncadd.s32 $0xFFFFFFFF  }
0xa2: {  	s24 =	simm.s32 $execute0_lowered;
	[smem:$0x3FD2] =	sst s23  }
0xa3: {  	s3 =	sshll.u32 s24, $0x1;
	_ =	strace $0x80000052;
	[dreg:$0x1] =	wrdreg $0xFFFFFFFF  }
0xa4: {  	s25 =	simm.s32 $_size_execute0_lowered;
	s1 =	sadd.s32 s1, s3;
	[dreg:$0x0] =	wrdreg $0x0  }
0xa5: {  	s3 =	sshll.u32 s25, $0x1;
	[dreg:$0x2] =	wrdreg s1  }
0xa6: {  	[dreg:$0x3] =	wrdreg s3  }
0xa7: {  	[dreg:$0x4] =	wrdreg $0xC0  }
0xa8: {  	_ =	task [dreg:s5], $0x5FFFF  }
0xa9: {  	[dreg:$0x1] =	wrdreg $0xFFFFFFFF  }
0xaa: {  	[dreg:$0x0] =	wrdreg $0x60  }
0xab: {  	[dreg:$0x2] =	wrdreg s0  }
0xac: {  	[dreg:$0x3] =	wrdreg s22  }
0xad: {  	[dreg:$0x4] =	wrdreg $0x9  }
0xae: {  	_ =	task.clear_ibuf [dreg:s5], $0x5FFFF;
	_ =	strace $0x90000052  }
0xaf: {  	s26 =	simm.s32 $0x9;
	_ =	strace $0x80000054  }
0xb0: {  	_ =	swait.ge [sflag:s26], $0x1  }
0xb1: {  	[sflag:s26] =	ssyncadd.s32 $0xFFFFFFFF  }
0xb2: {  	_ =	strace $0x90000054  }
0xb3: {  	_ =	sfence  }
0xb4: {  	s28 =	sld [smem:$0x0];
	_ =	sdelay $0x1  }
0xb5: {  	s29 =	srdreg.scid  }
0xb6: {  	s30 =	sshll.u32 s29, $0xD;
	s31 =	sshrl.u32 s29, $0x2  }
0xb7: {  	s2 =	sand.u32 $0x4000, s30;
	s1 =	sand.u32 $0x1, s29;
	s0 =	sadd.s32 s31, s28  }
0xb8: {  	s1 =	sor.u32 s2, s1;
	s0 =	sshll.u32 s0, $0x11  }
0xb9: {  	s0 =	sor.u32 s0, s1  }
0xba: {  	s0 =	sadd.s32 $0x8F2B, s0  }
0xbb: {  	[sflag:s0] =	ssyncadd.remote.s32 $0x1  }
0xbc: {  	_ =	sfence.sel $0xFFFF  }
0xbd: {  	[dreg:$0x0] =	wrdreg $0xFFFFFFFF;
	(pc) =	sbr.abs _section_cstart, $3  }
0xbe: {  	[dreg:$0x1] =	wrdreg $0xFFFFFFFF  }
0xbf: {  	_ =	task.clear_ibuf [dreg:s5], $0x2FFFF;
	_ =	strace $0x9FFFFFFF  }
0xc0: {  	(tm) =	ssettm $0x7FFFFFFF  }
0xc1: {  	_ =	shalt  }
tec
execute0_lowered:
.L_overlay_start_1:
0x0: {  	(tag) =	ssettag $0x1  }
0x1: {  	s1 =	rddreg [dreg:$0x0]  }
0x2: {  	s2 =	rddreg [dreg:$0x1]  }
0x3: {  	s0 =	rddreg [dreg:$0x2];
	s3 =	stileid.u32  }
0x4: {  	_ =	strace $0x80000053;
	s4 =	simm.s32 $0x3E;
	p0 =	sne.s32 s3, $0x0  }
0x5: {  	[sflag:s4] =	ssyncpa.u1 $0x0;
	s5 =	simm.s32 @!p0 $0x1C3E;
	s6 =	simm.s32 @!p0 $0x0  }
0x6: {  	[spmem:s6], [sflag:s5] =	dma.local @!p0 [hbm:s1], $0x180  }
0x7: {  	s5 =	simm.s32 @!p0 $0x3E  }
0x8: {  	_ =	swait.ge @!p0 [sflag:s5], $0x180  }
0x9: {  	[sflag:s5] =	ssyncset.done @!p0 $0x0  }
0xa: {  	s26 =	simm.s32 $0x1;
	[sflag:s5] =	ssyncadd.s32 @!p0 $0xFFFFFE80  }
0xb: {  	s28 =	simm.s32 $0x2;
	s7 =	simm.s32 $0xAC0;
	[bflag:$0x0] =	sbarrier.arrive $0xFFFF  }
0xc: {  	s3 =	smul.u32 $0x140, s3;
	s29 =	sadd.s32 $0x1000, s2;
	[sflag:s4] =	ssyncpa.u1 $0x1  }
0xd: {  	s30 =	sadd.s32 $0xD000, s2;
	s2 =	simm.s32 $0x0;
	[sflag:s26] =	ssyncpa.u1 $0x0  }
0xe: {  	s5 =	sadd.s32 s29, s3;
	(ifvalue) =	ssetifvalue $0xC00;
	[sflag:s28] =	ssyncpa.u1 $0x0  }
0xf: {  	[tilespmem:s7], [sflag:$0x2] =	stream.linear.gather [hbm4b:s5+s2], $0xA00, $0x38;
	[tilespmem:$0x28C0] =	vst v63  }
0x10: {  	s31 =	sadd.s32 s30, s3;
	s3 =	simm.s32 $0x1EC0  }
0x11: {  	[tilespmem:s3], [sflag:$0x2] =	stream.linear.gather [hbm4b:s31+s2], $0xA00, $0x38;
	[tilespmem:$0x28C0] =	vst v63  }
0x12: {  	_ =	swait.ge [sflag:s28], $0x1400  }
0x13: {  	[sflag:s28] =	ssyncset.done $0x0  }
0x14: {  	[sflag:s28] =	ssyncadd.s32 $0xFFFFEC00  }
0x15: {  	v0 =	vld.msk [tilespmem:s7+$0x0 ss:$0x1], $0xffff;
	_ =	sdelay $0x4  }
0x16: {  	v0 =	vmin.u32 v0, $0xC00;
	_ =	sdelay $0x3  }
0x17: {  	vm0 =	vmmov $0xffff;
	s4 =	simm.s32 $0x0;
	s5 =	simm.s32 $0xAD0  }
0x18: {  	[spmem:s2] =	stream.indirect_vreg.scatter.add.s32 [tilespmem:s3], [sflag:$0x1], $0x1, v0, vm0, $0x4038;
	[tilespmem:$0x28C0] =	vst v63  }
.LBB2_1:
0x19: {  	v0 =	vld.msk [tilespmem:s5+$0x0 ss:$0x1], $0xffff;
	s4 =	sadd.s32 $0x10, s4  }
0x1a: {  	p1 =	slt.u32 s4, $0x9F0;
	_ =	sdelay $0x4  }
0x1b: {  	v0 =	vmin.u32 v0, $0xC00  }
.Ltmp0:
0x1c: {  	(pc) =	sbr.rel @p1 .LBB2_1-.Ltmp0, $3  }
0x1d: {  	_ =	sdelay $0x1  }
0x1e: {  	s5 =	sadd.s32 $0x10, s5;
	s3 =	sadd.s32 $0x10, s3  }
0x1f: {  	[spmem:s2] =	stream.indirect_vreg.scatter.add.s32 [tilespmem:s3], [sflag:$0x1], $0x1, v0, vm0, $0x4038;
	[tilespmem:$0x28C0] =	vst v63  }
0x20: {  	s2 =	simm.s32 $0x1  }
0x21: {  	_ =	swait.ge [sflag:s2], $0xA00  }
0x22: {  	[sflag:s2] =	ssyncset.done $0x0  }
0x23: {  	[sflag:s2] =	ssyncadd.s32 $0xFFFFF600  }
0x24: {  	_ =	sfence.sel $0x180000  }
0x25: {  	s3 =	simm.s32 $0x2;
	[bflag:$0x0] =	sbarrier.arrive $0xFFFF  }
0x26: {  	[sflag:s3] =	ssyncpa.u1 $0x1  }
0x27: {  	[sflag:s2] =	ssyncpa.u1 $0x1  }
0x28: {  	_ =	sfence.stream.spmem  }
0x29: {  	s31 =	simm.s32 $0x3D;
	[bflag:$0x0] =	sbarrier.arrive $0xFFFF  }
0x2a: {  	s2 =	simm.s32 @p0 $0x3D;
	[sflag:s31] =	ssyncpa.u1 $0x0  }
0x2b: {  	[sflag:s2] =	ssyncpa.u1 @p0 $0x1  }
0x2c: {  	[bflag:$0x0] =	sbarrier.arrive @p0 $0xFFFF  }
0x2d: {  	_ =	strace @p0 $0x90000053  }
0x2e: {  	s3 =	simm.s32 @!p0 $0x1C3D;
	s2 =	simm.s32 @!p0 $0x0;
	[bflag:$0x2] =	sbarrier.arrive @p0 $0xFFFF  }
0x2f: {  	[hbm:s1], [sflag:s3] =	dma.local @!p0 [spmem:s2], $0x180  }
0x30: {  	s1 =	simm.s32 @!p0 $0x3D  }
0x31: {  	_ =	swait.ge @!p0 [sflag:s1], $0x180  }
0x32: {  	[sflag:s1] =	ssyncset.done @!p0 $0x0  }
0x33: {  	[sflag:s1] =	ssyncadd.s32 @!p0 $0xFFFFFE80  }
0x34: {  	[sflag:s1] =	ssyncpa.u1 @!p0 $0x1  }
0x35: {  	[bflag:$0x0] =	sbarrier.arrive @!p0 $0xFFFF  }
0x36: {  	_ =	strace @!p0 $0x90000053  }
0x37: {  	s0 =	sadd.s32 @!p0 $0x100000, s0;
	[bflag:$0x2] =	sbarrier.arrive @!p0 $0xFFFF  }
0x38: {  	[sflag:s0] =	ssyncadd.tile.s32 @!p0 $0x1;
	_ =	shalt  }
.Lfunc_end2:
_tile_overlayer_lowered:
.L_overlay_start_2:
0x39: {  	(tag) =	ssettag $0x2  }
0x3a: {  	s0 =	rddreg [dreg:$0x0];
	s2 =	stileid.u32  }
0x3b: {  	s1 =	rddreg [dreg:$0x1];
	p0 =	sne.s32 s2, $0x0  }
0x3c: {  	s3 =	rddreg [dreg:$0x2];
	[bflag:$0x3] =	sbarrier.arrive $0xFFFF;
	s2 =	simm.s32 @!p0 $0x1C01  }
0x3d: {  	[timem:s3], [sflag:s2] =	dma.local @!p0 [hbm:s0], s1  }
0x3e: {  	s0 =	simm.s32 @!p0 $0x1  }
0x3f: {  	_ =	swait.ge @!p0 [sflag:s0], s1  }
0x40: {  	s1 =	ssub.s32 @!p0 $0x0, s1;
	[sflag:s0] =	ssyncset.done @!p0 $0x0  }
0x41: {  	[sflag:s0] =	ssyncadd.s32 @!p0 s1  }
0x42: {  	[bflag:$0x3] =	sbarrier.arrive $0xFFFF  }
0x43: {  	_ =	shalt  }

// kernel: scatter_offload_async_start
scs
__scs_entry_jumppad:
0x0: {  	(pc) =	sbr.rel $0x88, $3  }
0x1: {  	(tag) =	ssettag $0x0;
	lr =	simm.s32 $0x1  }
0x2: {  	[smem:$0x3F8F] =	sst lr;
	_ =	strace $0xD0000000  }
0x3: {  	_ = 	snop  }
0x4: {  	_ = 	snop  }
0x5: {  	_ = 	snop  }
0x6: {  	_ = 	snop  }
0x7: {  	_ = 	snop  }
__scs_overlays_trampoline_lowered:
0x8: {  	[smem:$0x3F9E] =	sst s0  }
0x9: {  	[smem:$0x3F9F] =	sst s1  }
0xa: {  	[smem:$0x3FA0] =	sst s2  }
0xb: {  	[smem:$0x3FA1] =	sst s3  }
0xc: {  	[smem:$0x3FA2] =	sst s4  }
0xd: {  	[smem:$0x3FA3] =	sst s5  }
0xe: {  	[smem:$0x3FA4] =	sst s6  }
0xf: {  	[smem:$0x3FA5] =	sst s7  }
0x10: {  	[smem:$0x3FA6] =	sst s8  }
0x11: {  	[smem:$0x3FA7] =	sst s9;
	s0 =	simm.s32 @!p0 $0x0  }
0x12: {  	s1 =	sld [smem:$0x3F8D];
	s0 =	simm.s32 @p0 $0x1  }
0x13: {  	[smem:$0x3FA8] =	sst s0;
	s0 =	simm.s32 @!p1 $0x0  }
0x14: {  	s2 =	sld [smem:$0x3F8C];
	s0 =	simm.s32 @p1 $0x1  }
0x15: {  	[smem:$0x3FA9] =	sst s0;
	s0 =	simm.s32 @!p2 $0x0  }
0x16: {  	s3 =	sld [smem:$0x3FDB];
	s0 =	simm.s32 @p2 $0x1  }
0x17: {  	s4 =	simm.s32 $0x1BF5;
	[smem:$0x3FAB] =	sst s0  }
0x18: {  	s0 =	sld [smem:$0x3F8E];
	_ =	swait.ge [sflag:s4], $0x0  }
0x19: {  	s7 =	sld [smem:$0x3F8F]  }
0x1a: {  	s8 =	sadd.s32 $0xFFFFE003, lr  }
0x1b: {  	s9 =	sadd.s32 $0xFFFFFEF7, lr;
	s5 =	simm.s32 $0xFFFFFFFF;
	p2 =	slt.u32 s8, $0xFFFFF086  }
0x1c: {  	p1 =	slt.u32 s9, $0xF7A;
	s5 =	simm.s32 @!p2 $0x0  }
0x1d: {  	s5 =	simm.s32 @p1 $0x1;
	p0 =	seq.s32 s7, s2  }
0x1e: {  	s7 =	smul.u32 @!p0 $0xF7A, s2;
	p2 =	seq.s32 @!p0 s5, $0x0  }
0x1f: {  	s9 =	smul.u32 $0xF7A, s1;
	s8 =	simm.s32 @!p0 $0x1BF5;
	p2 =	por !p2, p0  }
0x20: {  	[sflag:s8] =	ssyncset.s32 @!p0 $0xFFFFF086;
	s6 =	sadd.s32 @!p0 s3, s7;
	s7 =	simm.s32 @!p0 $0x108  }
0x21: {  	s3 =	sadd.s32 s3, s9;
	s6 =	sadd.s32 @!p0 $0x88, s6;
	s7 =	simm.s32 @p2 $0x1082  }
0x22: {  	[simem:s7], [sflag:s8] =	dma.local @!p0 [hbm:s6], $0xF7A  }
0x23: {  	s9 =	sor.u32 $0xD0000000, s2;
	s6 =	simm.s32 $0x108;
	_ =	swait.ge @!p0 [sflag:s8], $0x0  }
0x24: {  	s3 =	sadd.s32 $0x88, s3;
	s6 =	simm.s32 @!p1 $0x1082;
	[sflag:s4] =	ssyncset.s32 $0xFFFFF086  }
0x25: {  	[simem:s6], [sflag:s4] =	dma.local [hbm:s3], $0xF7A  }
0x26: {  	[smem:$0x3F8F] =	sst s1;
	(tag) =	ssettag s2;
	_ =	strace s9  }
0x27: {  	s1 =	sld [smem:$0x3F9F]  }
0x28: {  	s2 =	sld [smem:$0x3FA0]  }
0x29: {  	s4 =	sld [smem:$0x3FA2]  }
0x2a: {  	p0 =	seq.s32 s5, $0x0;
	s5 =	sld [smem:$0x3FA3]  }
0x2b: {  	s6 =	sld [smem:$0x3FA4]  }
0x2c: {  	s7 =	sld [smem:$0x3FA5]  }
0x2d: {  	s3 =	simm.s32 $0x108;
	s8 =	sld [smem:$0x3FA6]  }
0x2e: {  	s3 =	simm.s32 @!p0 $0x1082;
	s9 =	sld [smem:$0x3FA7]  }
0x2f: {  	lr =	sadd.s32 s0, s3;
	s0 =	sld [smem:$0x3F9E]  }
0x30: {  	s3 =	sld [smem:$0x3FA1]  }
0x31: {  	[smem:$0x3FAA] =	sst s10  }
0x32: {  	s10 =	sld [smem:$0x3FA8];
	_ =	sdelay $0x3  }
0x33: {  	p0 =	seq.s32 s10, $0x1;
	s10 =	sld [smem:$0x3FAA];
	_ =	sdelay $0x3  }
0x34: {  	[smem:$0x3FAA] =	sst s10  }
0x35: {  	s10 =	sld [smem:$0x3FA9];
	_ =	sdelay $0x3  }
0x36: {  	p1 =	seq.s32 s10, $0x1;
	s10 =	sld [smem:$0x3FAA];
	_ =	sdelay $0x3  }
0x37: {  	[smem:$0x3FAA] =	sst s10  }
0x38: {  	s10 =	sld [smem:$0x3FAB]  }
0x39: {  	_ = 	snop;
	(pc) =	sbr.ind lr, $3  }
0x3a: {  	_ = 	snop  }
0x3b: {  	_ = 	snop  }
0x3c: {  	p2 =	seq.s32 s10, $0x1;
	s10 =	sld [smem:$0x3FAA]  }
0x3d: {  	_ =	shalt  }
0x3e: {  	_ =	shalt  }
0x3f: {  	_ =	shalt  }
0x40: {  	_ =	shalt  }
0x41: {  	_ =	shalt  }
0x42: {  	_ =	shalt  }
0x43: {  	_ =	shalt  }
0x44: {  	_ =	shalt  }
0x45: {  	_ =	shalt  }
0x46: {  	_ =	shalt  }
0x47: {  	_ =	shalt  }
0x48: {  	_ =	shalt  }
0x49: {  	_ =	shalt  }
0x4a: {  	_ =	shalt  }
0x4b: {  	_ =	shalt  }
0x4c: {  	_ =	shalt  }
0x4d: {  	_ =	shalt  }
0x4e: {  	_ =	shalt  }
0x4f: {  	_ =	shalt  }
0x50: {  	_ =	shalt  }
0x51: {  	_ =	shalt  }
0x52: {  	_ =	shalt  }
0x53: {  	_ =	shalt  }
0x54: {  	_ =	shalt  }
0x55: {  	_ =	shalt  }
0x56: {  	_ =	shalt  }
0x57: {  	_ =	shalt  }
0x58: {  	_ =	shalt  }
0x59: {  	_ =	shalt  }
0x5a: {  	_ =	shalt  }
0x5b: {  	_ =	shalt  }
0x5c: {  	_ =	shalt  }
0x5d: {  	_ =	shalt  }
0x5e: {  	_ =	shalt  }
0x5f: {  	_ =	shalt  }
0x60: {  	_ =	shalt  }
0x61: {  	_ =	shalt  }
0x62: {  	_ =	shalt  }
0x63: {  	_ =	shalt  }
0x64: {  	_ =	shalt  }
0x65: {  	_ =	shalt  }
0x66: {  	_ =	shalt  }
0x67: {  	_ =	shalt  }
0x68: {  	_ =	shalt  }
0x69: {  	_ =	shalt  }
0x6a: {  	_ =	shalt  }
0x6b: {  	_ =	shalt  }
0x6c: {  	_ =	shalt  }
0x6d: {  	_ =	shalt  }
0x6e: {  	_ =	shalt  }
0x6f: {  	_ =	shalt  }
0x70: {  	_ =	shalt  }
0x71: {  	_ =	shalt  }
0x72: {  	_ =	shalt  }
0x73: {  	_ =	shalt  }
0x74: {  	_ =	shalt  }
0x75: {  	_ =	shalt  }
0x76: {  	_ =	shalt  }
0x77: {  	_ =	shalt  }
0x78: {  	_ =	shalt  }
0x79: {  	_ =	shalt  }
0x7a: {  	_ =	shalt  }
0x7b: {  	_ =	shalt  }
0x7c: {  	_ =	shalt  }
0x7d: {  	_ =	shalt  }
0x7e: {  	_ =	shalt  }
0x7f: {  	_ =	shalt  }
0x80: {  	_ =	shalt  }
0x81: {  	_ =	shalt  }
0x82: {  	_ =	shalt  }
0x83: {  	_ =	shalt  }
0x84: {  	_ =	shalt  }
0x85: {  	_ =	shalt  }
0x86: {  	_ =	shalt  }
0x87: {  	_ =	shalt  }
.Lfunc_end0:
.L_simem_size_0:
called_computation_lowered:
.L_overlay_start_0:
0x88: {  	s0 =	sld [smem:$0x3FD9]  }
0x89: {  	s1 =	sld [smem:$0x3FFE];
	_ =	sdelay $0x3  }
0x8a: {  	s0 =	sadd.s32 s1, s0  }
0x8b: {  	[smem:$0x3FB6] =	sst s0  }
0x8c: {  	_ = 	snop  }
0x8d: {  	(tm) =	ssettm $0x1  }
0x8e: {  	s15 =	sld [smem:$0x3FFB];
	_ =	sdelay $0x3  }
0x8f: {  	_ =	strace s15  }
0x90: {  	s0 =	sld [smem:$0x3FFC];
	_ =	sdelay $0x3  }
0x91: {  	_ =	strace s0  }
0x92: {  	s0 =	sld [smem:$0x3FFD];
	_ =	sdelay $0x3  }
0x93: {  	_ =	strace s0  }
0x94: {  	_ =	strace $0x8FFFFFFF  }
0x95: {  	s16 =	sld [smem:$0x3FDB];
	_ =	sdelay $0x1  }
0x96: {  	s17 =	simm.s32 $_scs_section_size  }
0x97: {  	s2 =	simm.s32 $_size__tile_overlayer_lowered;
	s3 =	simm.s32 $_tile_overlayer_lowered  }
0x98: {  	s20 =	simm.s32 $0x1BFF;
	s19 =	sshll.u32 s3, $0x1;
	s0 =	sadd.s32 s17, s16  }
0x99: {  	s4 =	simm.s32 $0x0;
	s18 =	sshll.u32 s2, $0x1;
	s2 =	sadd.s32 s19, s0  }
0x9a: {  	[timem:s4], [sflag:s20] =	dma.local [hbm:s2], s18  }
0x9b: {  	_ =	swait.ge [sflag:s20], s18  }
0x9c: {  	s1 =	ssub.s32 $0x0, s18;
	[sflag:s20] =	ssyncset.done $0x0  }
0x9d: {  	[sflag:s20] =	ssyncadd.s32 s1;
	_ =	sdelay $0x1  }
0x9e: {  	s21 =	simm.s32 $0x1B8B  }
0x9f: {  	_ =	swait.ge [sflag:s21], $0x1  }
0xa0: {  	[sflag:s21] =	ssyncset.done $0x0  }
0xa1: {  	s23 =	simm.s32 $0x1B8E;
	s22 =	sld [smem:$0x3FFE];
	[sflag:s21] =	ssyncadd.s32 $0xFFFFFFFF  }
0xa2: {  	s24 =	simm.s32 $execute0_lowered;
	[smem:$0x3FD2] =	sst s23  }
0xa3: {  	s2 =	sshll.u32 s24, $0x1;
	_ =	strace $0x80000046;
	[dreg:$0x1] =	wrdreg $0xFFFFFFFF  }
0xa4: {  	s25 =	simm.s32 $_size_execute0_lowered;
	s0 =	sadd.s32 s0, s2;
	[dreg:$0x0] =	wrdreg $0x0  }
0xa5: {  	s2 =	sshll.u32 s25, $0x1;
	[dreg:$0x2] =	wrdreg s0  }
0xa6: {  	[dreg:$0x3] =	wrdreg s2  }
0xa7: {  	[dreg:$0x4] =	wrdreg $0xC0  }
0xa8: {  	_ =	task [dreg:s4], $0x5FFFF  }
0xa9: {  	[dreg:$0x1] =	wrdreg $0xFFFFFFFF  }
0xaa: {  	[dreg:$0x0] =	wrdreg $0x60  }
0xab: {  	[dreg:$0x2] =	wrdreg s22  }
0xac: {  	[dreg:$0x3] =	wrdreg $0x9  }
0xad: {  	_ =	task.clear_ibuf [dreg:s4], $0x4FFFF;
	_ =	strace $0x90000046  }
0xae: {  	s26 =	simm.s32 $0x9;
	_ =	strace $0x80000048  }
0xaf: {  	_ =	swait.ge [sflag:s26], $0x1  }
0xb0: {  	[sflag:s26] =	ssyncadd.s32 $0xFFFFFFFF  }
0xb1: {  	_ =	strace $0x90000048  }
0xb2: {  	_ =	sfence  }
0xb3: {  	s28 =	sld [smem:$0x0];
	_ =	sdelay $0x1  }
0xb4: {  	s29 =	srdreg.scid  }
0xb5: {  	s30 =	sshll.u32 s29, $0xD;
	s31 =	sshrl.u32 s29, $0x2  }
0xb6: {  	s1 =	sand.u32 $0x1, s29;
	s2 =	sand.u32 $0x4000, s30;
	s0 =	sadd.s32 s31, s28  }
0xb7: {  	s1 =	sor.u32 s2, s1;
	s0 =	sshll.u32 s0, $0x11  }
0xb8: {  	s0 =	sor.u32 s0, s1  }
0xb9: {  	s0 =	sadd.s32 $0x8F2B, s0  }
0xba: {  	[sflag:s0] =	ssyncadd.remote.s32 $0x1  }
0xbb: {  	_ =	sfence.sel $0xFFFF  }
0xbc: {  	[dreg:$0x0] =	wrdreg $0xFFFFFFFF;
	(pc) =	sbr.abs _section_cstart, $3  }
0xbd: {  	[dreg:$0x1] =	wrdreg $0xFFFFFFFF  }
0xbe: {  	_ =	task.clear_ibuf [dreg:s4], $0x2FFFF;
	_ =	strace $0x9FFFFFFF  }
0xbf: {  	(tm) =	ssettm $0x7FFFFFFF  }
tec
execute0_lowered:
.L_overlay_start_1:
0x0: {  	(tag) =	ssettag $0x1  }
0x1: {  	s4 =	rddreg [dreg:$0x0]  }
0x2: {  	s0 =	rddreg [dreg:$0x1];
	_ =	strace $0x80000047;
	s5 =	stileid.u32  }
0x3: {  	s3 =	simm.s32 $0x3E;
	s1 =	sadd.s32 $0x10A400, s4;
	p0 =	sne.s32 s5, $0x0  }
0x4: {  	[sflag:s3] =	ssyncpa.u1 $0x0;
	s2 =	simm.s32 @!p0 $0x1C3E;
	s6 =	simm.s32 @!p0 $0x0  }
0x5: {  	[spmem:s6], [sflag:s2] =	dma.local @!p0 [hbm:s1], $0x1400  }
0x6: {  	s2 =	simm.s32 @!p0 $0x3E  }
0x7: {  	_ =	swait.ge @!p0 [sflag:s2], $0x1400  }
0x8: {  	s7 =	simm.s32 $0x2;
	[sflag:s2] =	ssyncset.done @!p0 $0x0  }
.Ltmp0:
0x9: {  	s8 =	simm.s32 $0x0;
	[sflag:s2] =	ssyncadd.s32 @!p0 $0xFFFFEC00;
	(pc) =	sbr.rel .LBB2_1-.Ltmp0, $4  }
0xa: {  	s9 =	simm.s32 $0x0;
	s5 =	sshll.u32 s5, $0x12;
	[bflag:$0x0] =	sbarrier.arrive $0xFFFF  }
0xb: {  	s10 =	smov.u32 s5;
	[sflag:s3] =	ssyncpa.u1 $0x1;
	s3 =	simm.s32 $0x1  }
0xc: {  	s6 =	sadd.s32 $0x40000, s5;
	s2 =	sadd.s32 $0x1000, s4;
	[sflag:s3] =	ssyncpa.u1 $0x0  }
0xd: {  	vm0 =	vmmov $0xffff;
	s4 =	sadd.s32 $0x10B800, s4;
	(ifvalue) =	ssetifvalue $0xA000;
	[sflag:s7] =	ssyncpa.u1 $0x0  }
.LBB2_5:
0xe: {  	s9 =	sadd.s32 $0x1, s9  }
0xf: {  	p2 =	sne.s32 s9, $0x21  }
.Ltmp1:
0x10: {  	_ = 	snop;
	(pc) =	sbr.rel @!p2 .LBB2_6-.Ltmp1, $4  }
0x11: {  	_ = 	snop  }
0x12: {  	s11 =	sadd.s32 $0x2000, s10  }
0x13: {  	s10 =	smov.u32 s5;
	p1 =	slt.s32 s11, s6  }
0x14: {  	s10 =	smov.u32 @p1 s11  }
.LBB2_1:
0x15: {  	p1 =	seq.s32 s9, $0x20  }
0x16: {  	s11 =	sshll.u32 @!p1 s9, $0xD;
	p2 =	seq.s32 @!p1 s9, $0x0  }
0x17: {  	s11 =	sand.u32 @!p1 $0x2000, s11;
	p2 =	por p1, !p2  }
.Ltmp2:
0x18: {  	s13 =	sshrl.u32 @!p1 s10, $0x3;
	s12 =	sxor.u32 @!p1 $0x2000, s11;
	(pc) =	sbr.rel @!p2 .LBB2_5-.Ltmp2, $4  }
0x19: {  	s16 =	sand.u32 @!p1 $0x7, s10;
	s14 =	sadd.s32 @!p1 s2, s13;
	s15 =	sor.u32 @!p1 $0xA00, s12  }
0x1a: {  	[tilespmem:s15], [sflag:$0x2] =	stream.linear.gather @!p1 [hbm4b:s14+s16], $0x2000, $0x38;
	[tilespmem:$0x8A00] =	vst v63  }
0x1b: {  	s13 =	sadd.s32 @!p1 s4, s13;
	s12 =	sor.u32 @!p1 $0x4A00, s12  }
0x1c: {  	[tilespmem:s12], [sflag:$0x2] =	stream.linear.gather @!p1 [hbm4b:s13+s16], $0x2000, $0x38;
	[tilespmem:$0x8A00] =	vst v63  }
0x1d: {  	_ =	swait.ge [sflag:s7], $0x4000  }
0x1e: {  	s11 =	simm.s32 @p1 $0x0;
	[sflag:s7] =	ssyncset.done $0x0  }
0x1f: {  	s13 =	sadd.s32 $0xA00, s11;
	[sflag:s7] =	ssyncadd.s32 $0xFFFFC000  }
0x20: {  	v0 =	vld.msk [tilespmem:s13+$0x0 ss:$0x1], $0xffff;
	_ =	sdelay $0x4  }
0x21: {  	v0 =	vmin.u32 v0, $0xA000;
	_ =	sdelay $0x3  }
0x22: {  	s12 =	simm.s32 $0x0;
	s11 =	sadd.s32 $0x4A00, s11;
	s13 =	sadd.s32 $0x10, s13  }
0x23: {  	[spmem:s8] =	stream.indirect_vreg.scatter.add.s32 [tilespmem:s11], [sflag:$0x1], $0x1, v0, vm0, $0x4038;
	[tilespmem:$0x8A00] =	vst v63  }
.LBB2_3:
0x24: {  	v0 =	vld.msk [tilespmem:s13+$0x0 ss:$0x1], $0xffff;
	s12 =	sadd.s32 $0x10, s12  }
0x25: {  	p1 =	slt.u32 s12, $0x1FF0;
	_ =	sdelay $0x4  }
0x26: {  	v0 =	vmin.u32 v0, $0xA000  }
.Ltmp3:
0x27: {  	(pc) =	sbr.rel @p1 .LBB2_3-.Ltmp3, $3  }
0x28: {  	_ =	sdelay $0x1  }
0x29: {  	s13 =	sadd.s32 $0x10, s13;
	s11 =	sadd.s32 $0x10, s11  }
0x2a: {  	[spmem:s8] =	stream.indirect_vreg.scatter.add.s32 [tilespmem:s11], [sflag:$0x1], $0x1, v0, vm0, $0x4038;
	[tilespmem:$0x8A00] =	vst v63  }
.Ltmp4:
0x2b: {  	(pc) =	sbr.rel .LBB2_5-.Ltmp4, $4  }
0x2c: {  	_ = 	snop  }
0x2d: {  	_ =	swait.ge [sflag:s3], $0x2000  }
0x2e: {  	[sflag:s3] =	ssyncset.done $0x0  }
0x2f: {  	[sflag:s3] =	ssyncadd.s32 $0xFFFFE000  }
.LBB2_6:
0x30: {  	_ =	sfence.sel $0x180000  }
0x31: {  	s2 =	simm.s32 $0x2;
	[bflag:$0x0] =	sbarrier.arrive $0xFFFF  }
0x32: {  	s30 =	simm.s32 $0x1;
	[sflag:s2] =	ssyncpa.u1 $0x1  }
0x33: {  	[sflag:s30] =	ssyncpa.u1 $0x1  }
0x34: {  	_ =	sfence.stream.spmem  }
0x35: {  	s31 =	simm.s32 $0x3D;
	[bflag:$0x0] =	sbarrier.arrive $0xFFFF  }
0x36: {  	s2 =	simm.s32 @p0 $0x3D;
	[sflag:s31] =	ssyncpa.u1 $0x0  }
0x37: {  	[sflag:s2] =	ssyncpa.u1 @p0 $0x1  }
0x38: {  	[bflag:$0x0] =	sbarrier.arrive @p0 $0xFFFF  }
0x39: {  	_ =	strace @p0 $0x90000047  }
0x3a: {  	s3 =	simm.s32 @!p0 $0x1C3D;
	s2 =	simm.s32 @!p0 $0x0;
	[bflag:$0x2] =	sbarrier.arrive @p0 $0xFFFF  }
0x3b: {  	[hbm:s1], [sflag:s3] =	dma.local @!p0 [spmem:s2], $0x1400  }
0x3c: {  	s1 =	simm.s32 @!p0 $0x3D  }
0x3d: {  	_ =	swait.ge @!p0 [sflag:s1], $0x1400  }
0x3e: {  	[sflag:s1] =	ssyncset.done @!p0 $0x0  }
0x3f: {  	[sflag:s1] =	ssyncadd.s32 @!p0 $0xFFFFEC00  }
0x40: {  	[sflag:s1] =	ssyncpa.u1 @!p0 $0x1  }
0x41: {  	[bflag:$0x0] =	sbarrier.arrive @!p0 $0xFFFF  }
0x42: {  	_ =	strace @!p0 $0x90000047  }
0x43: {  	s0 =	sadd.s32 @!p0 $0x100000, s0;
	[bflag:$0x2] =	sbarrier.arrive @!p0 $0xFFFF  }
0x44: {  	[sflag:s0] =	ssyncadd.tile.s32 @!p0 $0x1;
	_ =	shalt  }
.Lfunc_end2:
_tile_overlayer_lowered:
.L_overlay_start_2:
0x45: {  	(tag) =	ssettag $0x2  }
0x46: {  	s0 =	rddreg [dreg:$0x0];
	s2 =	stileid.u32  }
0x47: {  	s1 =	rddreg [dreg:$0x1];
	p0 =	sne.s32 s2, $0x0  }
0x48: {  	s3 =	rddreg [dreg:$0x2];
	[bflag:$0x3] =	sbarrier.arrive $0xFFFF;
	s2 =	simm.s32 @!p0 $0x1C01  }
0x49: {  	[timem:s3], [sflag:s2] =	dma.local @!p0 [hbm:s0], s1  }
0x4a: {  	s0 =	simm.s32 @!p0 $0x1  }
0x4b: {  	_ =	swait.ge @!p0 [sflag:s0], s1  }
0x4c: {  	s1 =	ssub.s32 @!p0 $0x0, s1;
	[sflag:s0] =	ssyncset.done @!p0 $0x0  }
0x4d: {  	[sflag:s0] =	ssyncadd.s32 @!p0 s1  }
0x4e: {  	[bflag:$0x3] =	sbarrier.arrive $0xFFFF  }
0x4f: {  	_ =	shalt  }

</sc_bundles>
